<compile_context>
chip_gen: v7x
topology: tpu7x:2x2x1
jax: 0.10.2.dev20260603
libtpu: 0.0.44.dev20260713+nightly
codegen_flags: <defaults>
</compile_context>

<pallas_src>
import functools

import jax
import jax.numpy as jnp
from jax import lax
from jax.experimental import pallas as pl
from jax.experimental.pallas import tpu as pltpu
from jax.experimental.pallas import tpu_sc as plsc

N = 10000
NUM_GRAPHS = 64
E = 320000
CHUNK = 128
NCH = 157
E_PAD = 16 * NCH * CHUNK
DUMMY = 10100
NPAD = 10240
ROWS_PER_TILE = NPAD // 16
BN = 400
NBLK = N // BN
FW = 128
D_HID = 256

_mesh = plsc.VectorSubcoreMesh(core_axis_name="c", subcore_axis_name="s",
                               num_cores=2, num_subcores=16)


@functools.partial(
    pl.kernel,
    out_type=jax.ShapeDtypeStruct((2, NPAD, 16), jnp.float32),
    mesh=_mesh,
    scratch_types=[
        pltpu.VMEM((NCH, CHUNK), jnp.int32),
        pltpu.VMEM((CHUNK, 16), jnp.float32),
        pltpu.VMEM((ROWS_PER_TILE, 16), jnp.float32),
        pltpu.VMEM_SHARED((NPAD, 16), jnp.float32),
    ],
    compiler_params=pltpu.CompilerParams(use_tc_tiling_on_sc=False),
)
def _sc_hist(idx_hbm, out_hbm, idx_v, ones_v, buf_v, acc_sh):
    c = lax.axis_index("c")
    s = lax.axis_index("s")
    one = jnp.full((16,), 1.0, jnp.float32)
    zero = jnp.zeros((16,), jnp.float32)

    def fill_ones(i, _):
        ones_v[i] = one
        return 0

    lax.fori_loop(0, CHUNK, fill_ones, 0)

    def fill_zero(i, _):
        buf_v[i] = zero
        return 0

    lax.fori_loop(0, ROWS_PER_TILE, fill_zero, 0)
    pltpu.sync_copy(buf_v, acc_sh.at[pl.ds(s * ROWS_PER_TILE, ROWS_PER_TILE)])
    plsc.subcore_barrier()

    pltpu.sync_copy(idx_hbm.at[c].at[s], idx_v)

    def body(j, _):
        pltpu.sync_copy(ones_v, acc_sh.at[idx_v.at[j]], add=True)
        return 0

    lax.fori_loop(0, NCH, body, 0)
    plsc.subcore_barrier()

    pltpu.sync_copy(acc_sh.at[pl.ds(s * ROWS_PER_TILE, ROWS_PER_TILE)], buf_v)
    pltpu.sync_copy(buf_v, out_hbm.at[c].at[pl.ds(s * ROWS_PER_TILE, ROWS_PER_TILE)])


@functools.partial(
    pl.kernel,
    out_type=jax.ShapeDtypeStruct((NPAD, 2, FW), jnp.bfloat16),
    mesh=_mesh,
    scratch_types=[
        pltpu.VMEM((1, NCH, CHUNK), jnp.int32),
        pltpu.VMEM((NCH, CHUNK), jnp.int32),
        pltpu.VMEM((3, CHUNK, FW), jnp.bfloat16),
        pltpu.VMEM_SHARED((NPAD, FW), jnp.bfloat16),
        pltpu.SemaphoreType.DMA,
        pltpu.SemaphoreType.DMA,
    ],
    compiler_params=pltpu.CompilerParams(use_tc_tiling_on_sc=False),
)
def _sc_agg(g4_hbm, rowidx4_hbm, colidx_hbm, zeros_hbm, out_hbm,
            ridx_v, cidx_v, bufs_v, acc_sh, semg1, sems1):
    semg = [semg1] * 3
    sems = [sems1] * 3
    c = lax.axis_index("c")
    s = lax.axis_index("s")
    base = s * ROWS_PER_TILE
    NB = 3
    NROUND = NCH // NB
    REM = NCH - NROUND * NB

    pltpu.sync_copy(colidx_hbm.at[s], cidx_v)

    for p in range(1):
        q = c
        pltpu.sync_copy(rowidx4_hbm.at[q].at[s], ridx_v.at[p])

        pltpu.sync_copy(zeros_hbm, bufs_v.at[0])
        for k in range(ROWS_PER_TILE // CHUNK):
            pltpu.async_copy(bufs_v.at[0],
                             acc_sh.at[pl.ds(base + k * CHUNK, CHUNK)], sems[0])
        for k in range(ROWS_PER_TILE // CHUNK):
            pltpu.make_async_copy(
                bufs_v.at[0],
                acc_sh.at[pl.ds(base + k * CHUNK, CHUNK)], sems[0]).wait()
        plsc.subcore_barrier()

        ridx_p = ridx_v.at[p]

        def gather(j, b):
            pltpu.async_copy(g4_hbm.at[ridx_p.at[j]], bufs_v.at[b], semg[b])

        def gather_wait(j, b):
            pltpu.make_async_copy(g4_hbm.at[ridx_p.at[j]], bufs_v.at[b],
                                  semg[b]).wait()

        def scatter(j, b):
            pltpu.async_copy(bufs_v.at[b], acc_sh.at[cidx_v.at[j]], sems[b],
                             add=True)

        def scatter_wait(j, b):
            pltpu.make_async_copy(bufs_v.at[b], acc_sh.at[cidx_v.at[j]],
                                  sems[b]).wait()

        for b in range(NB):
            gather(b, b)

        def body(jj, _):
            j = jj * NB
            for b in range(NB):
                gather_wait(j + b, b)
                scatter(j + b, b)
            for b in range(NB):
                scatter_wait(j + b, b)
                nxt = jnp.minimum(j + NB + b, NCH - 1)
                gather(nxt, b)
            return 0

        lax.fori_loop(0, NROUND, body, 0)
        for b in range(NB):
            j = NROUND * NB + b
            if b < REM:
                gather_wait(j, b)
                scatter(j, b)
                scatter_wait(j, b)
            else:
                gather_wait(NCH - 1, b)
        plsc.subcore_barrier()

        NK = ROWS_PER_TILE // CHUNK
        for k in range(NK):
            b = k % NB
            if k >= NB:
                pltpu.make_async_copy(
                    bufs_v.at[b],
                    out_hbm.at[pl.ds(base + (k - NB) * CHUNK, CHUNK), q],
                    sems[b]).wait()
            pltpu.async_copy(acc_sh.at[pl.ds(base + k * CHUNK, CHUNK)],
                             bufs_v.at[b], semg[b])
            pltpu.make_async_copy(acc_sh.at[pl.ds(base + k * CHUNK, CHUNK)],
                                  bufs_v.at[b], semg[b]).wait()
            pltpu.async_copy(bufs_v.at[b],
                             out_hbm.at[pl.ds(base + k * CHUNK, CHUNK), q],
                             sems[b])
        for k in range(max(NK - NB, 0), NK):
            b = k % NB
            pltpu.make_async_copy(
                bufs_v.at[b],
                out_hbm.at[pl.ds(base + k * CHUNK, CHUNK), q], sems[b]).wait()
        plsc.subcore_barrier()


def _tc_in_body(x_ref, w_ref, b_ref, hist_ref, g_ref, dis_ref, sdst_ref):
    deg = hist_ref[0, :, 0:1] + 1.0
    cnt = hist_ref[1, :, 0:1] + 1.0
    dis = lax.rsqrt(deg)
    lin = jnp.dot(x_ref[...], w_ref[...], preferred_element_type=jnp.float32)
    g_ref[...] = (dis * (lin + b_ref[...])).astype(jnp.bfloat16)
    dis_ref[...] = dis
    sdst_ref[...] = dis / cnt


def _tc_in(x, w, b, hist):
    return pl.pallas_call(
        _tc_in_body,
        grid=(NBLK,),
        in_specs=[
            pl.BlockSpec((BN, 128), lambda i: (i, 0)),
            pl.BlockSpec((128, D_HID), lambda i: (0, 0)),
            pl.BlockSpec((1, D_HID), lambda i: (0, 0)),
            pl.BlockSpec((2, BN, 16), lambda i: (0, i, 0)),
        ],
        out_specs=[
            pl.BlockSpec((BN, D_HID), lambda i: (i, 0)),
            pl.BlockSpec((BN, 1), lambda i: (i, 0)),
            pl.BlockSpec((BN, 1), lambda i: (i, 0)),
        ],
        out_shape=[
            jax.ShapeDtypeStruct((N, D_HID), jnp.bfloat16),
            jax.ShapeDtypeStruct((N, 1), jnp.float32),
            jax.ShapeDtypeStruct((N, 1), jnp.float32),
        ],
    )(x, w, b, hist)


def _tc_mid_body(agg_ref, gin_ref, sdst_ref, dis_ref, w_ref, b_ref, g_ref):
    a = agg_ref[...].astype(jnp.float32) + gin_ref[...].astype(jnp.float32)
    h = jnp.maximum(sdst_ref[...] * a, 0.0)
    lin = jnp.dot(h, w_ref[...], preferred_element_type=jnp.float32)
    g_ref[...] = (dis_ref[...] * (lin + b_ref[...])).astype(jnp.bfloat16)


def _tc_mid(agg2d, gin, sdst, dis, w, b):
    return pl.pallas_call(
        _tc_mid_body,
        grid=(NBLK,),
        in_specs=[
            pl.BlockSpec((BN, D_HID), lambda i: (i, 0)),
            pl.BlockSpec((BN, D_HID), lambda i: (i, 0)),
            pl.BlockSpec((BN, 1), lambda i: (i, 0)),
            pl.BlockSpec((BN, 1), lambda i: (i, 0)),
            pl.BlockSpec((D_HID, D_HID), lambda i: (0, 0)),
            pl.BlockSpec((1, D_HID), lambda i: (0, 0)),
        ],
        out_specs=pl.BlockSpec((BN, D_HID), lambda i: (i, 0)),
        out_shape=jax.ShapeDtypeStruct((N, D_HID), jnp.bfloat16),
    )(agg2d, gin, sdst, dis, w, b)


def _tc_fin_body(agg_ref, gin_ref, sdst_ref, batch_ref, wm1_ref, bm1_ref,
                 wm2_ref, bm2_ref, out_ref, pool_acc, cnt_acc):
    i = pl.program_id(0)
    a = agg_ref[...].astype(jnp.float32) + gin_ref[...].astype(jnp.float32)
    h = jnp.maximum(sdst_ref[...] * a, 0.0)
    bt = batch_ref[0]
    oh = (bt == lax.broadcasted_iota(jnp.int32, (NUM_GRAPHS, BN), 0))
    oh = oh.astype(jnp.float32)

    @pl.when(i == 0)
    def _():
        pool_acc[...] = jnp.zeros_like(pool_acc)
        cnt_acc[...] = jnp.zeros_like(cnt_acc)

    pool_acc[...] += jnp.dot(oh, h, preferred_element_type=jnp.float32)
    cnt_acc[...] += jnp.sum(oh, axis=1, keepdims=True)

    @pl.when(i == NBLK - 1)
    def _():
        pooled = pool_acc[...] / jnp.maximum(cnt_acc[...], 1.0)
        z = jnp.dot(pooled, wm1_ref[...], preferred_element_type=jnp.float32)
        z = jnp.maximum(z + bm1_ref[...], 0.0)
        out_ref[...] = (
            jnp.dot(z, wm2_ref[...], preferred_element_type=jnp.float32)
            + bm2_ref[...]
        )


def _tc_fin(agg2d, gin, sdst, batch3, wm1, bm1, wm2, bm2):
    return pl.pallas_call(
        _tc_fin_body,
        grid=(NBLK,),
        in_specs=[
            pl.BlockSpec((BN, D_HID), lambda i: (i, 0)),
            pl.BlockSpec((BN, D_HID), lambda i: (i, 0)),
            pl.BlockSpec((BN, 1), lambda i: (i, 0)),
            pl.BlockSpec((1, 1, BN), lambda i: (i, 0, 0)),
            pl.BlockSpec((D_HID, D_HID), lambda i: (0, 0)),
            pl.BlockSpec((1, D_HID), lambda i: (0, 0)),
            pl.BlockSpec((D_HID, 64), lambda i: (0, 0)),
            pl.BlockSpec((1, 64), lambda i: (0, 0)),
        ],
        out_specs=pl.BlockSpec((NUM_GRAPHS, 64), lambda i: (0, 0)),
        out_shape=jax.ShapeDtypeStruct((NUM_GRAPHS, 64), jnp.float32),
        scratch_shapes=[
            pltpu.VMEM((NUM_GRAPHS, D_HID), jnp.float32),
            pltpu.VMEM((NUM_GRAPHS, 1), jnp.float32),
        ],
    )(agg2d, gin, sdst, batch3, wm1, bm1, wm2, bm2)


def kernel(x, edge_index, batch, W0, b0, W1, b1, W2, b2, Wm1, bm1, Wm2, bm2):
    npad = E_PAD - E
    pad_dummy = jnp.full((npad,), DUMMY, jnp.int32)
    row_g = jnp.concatenate([edge_index[0], jnp.zeros((npad,), jnp.int32)])
    row_h = jnp.concatenate([edge_index[0], pad_dummy])
    col_p = jnp.concatenate([edge_index[1], pad_dummy])

    hist_idx = jnp.stack([row_h.reshape(16, NCH, CHUNK),
                          col_p.reshape(16, NCH, CHUNK)])
    hist = _sc_hist(hist_idx)

    row4 = row_g.reshape(1, 16, NCH, CHUNK) * 2
    rowidx4 = row4 + jnp.arange(2, dtype=jnp.int32).reshape(2, 1, 1, 1)
    colidx = col_p.reshape(16, NCH, CHUNK)
    zeros_blk = jnp.zeros((CHUNK, FW), jnp.bfloat16)

    def agg(g2d):
        out = _sc_agg(g2d.reshape(2 * N, FW), rowidx4, colidx, zeros_blk)
        return out.reshape(NPAD, 2 * FW)

    g1, dis, sdst = _tc_in(x, W0, b0.reshape(1, D_HID), hist)
    g2 = _tc_mid(agg(g1), g1, sdst, dis, W1, b1.reshape(1, D_HID))
    g3 = _tc_mid(agg(g2), g2, sdst, dis, W2, b2.reshape(1, D_HID))
    agg3 = agg(g3)
    batch3 = batch.reshape(NBLK, 1, BN)
    return _tc_fin(agg3, g3, sdst, batch3, Wm1, bm1.reshape(1, D_HID),
                   Wm2, bm2.reshape(1, 64))

# --- scband reference (transcript-rebuilt; emitter-appended) ---
"""Pipeline reference for scband-mpnn-16157666968019 (READ-ONLY COPY).

The authoritative reference and input builder live on the scoring server;
editing this copy changes nothing except your own understanding.
"""

import jax, jax.numpy as jnp
import numpy as np

N = 10000
E = 320000
NUM_GRAPHS = 64
D_IN = 128
D_HID = 256
D_OUT = 64


def _lin_init(k, fi, fo):
    kw, kb = jax.random.split(k)
    bound = 1.0 / np.sqrt(fi)
    W = jax.random.uniform(kw, (fi, fo), minval=-bound, maxval=bound, dtype=jnp.float32)
    b = jax.random.uniform(kb, (fo,), minval=-bound, maxval=bound, dtype=jnp.float32)
    return W, b


def setup_inputs(seed: int = 0):
    key = jax.random.key(seed)
    ks = jax.random.split(key, 8)
    x = jax.random.normal(ks[0], (N, D_IN), dtype=jnp.float32)
    edge_index = jax.random.randint(ks[1], (2, E), 0, N, dtype=jnp.int32)
    batch = jnp.sort(jax.random.randint(ks[2], (N,), 0, NUM_GRAPHS, dtype=jnp.int32))
    W0, b0 = _lin_init(ks[3], D_IN, D_HID)
    W1, b1 = _lin_init(ks[4], D_HID, D_HID)
    W2, b2 = _lin_init(ks[5], D_HID, D_HID)
    Wm1, bm1 = _lin_init(ks[6], D_HID, D_HID)
    Wm2, bm2 = _lin_init(ks[7], D_HID, D_OUT)
    return {"x": x, "edge_index": edge_index, "batch": batch,
            "W0": W0, "b0": b0, "W1": W1, "b1": b1, "W2": W2, "b2": b2,
            "Wm1": Wm1, "bm1": bm1, "Wm2": Wm2, "bm2": bm2}


def _mpnn_layer(x, row, col, W, b):
    # x = self.lin(x)
    h = x @ W + b
    # message: norm = deg(row)^-0.5 * deg(col)^-0.5 ; msg = norm * x_j (x_j = h[row])
    deg = jnp.zeros((N,), dtype=h.dtype).at[row].add(1.0)
    deg_inv_sqrt = deg ** (-0.5)
    norm = deg_inv_sqrt[row] * deg_inv_sqrt[col]
    msgs = norm[:, None] * jnp.take(h, row, axis=0)
    # aggr='mean' at target nodes (col)
    summed = jax.ops.segment_sum(msgs, col, num_segments=N)
    cnt = jax.ops.segment_sum(jnp.ones_like(norm), col, num_segments=N)
    return summed / jnp.maximum(cnt, 1.0)[:, None]


def reference(x, edge_index, batch, W0, b0, W1, b1, W2, b2, Wm1, bm1, Wm2, bm2):
    # add_self_loops (same for every layer)
    sl = jnp.arange(N, dtype=edge_index.dtype)
    row = jnp.concatenate([edge_index[0], sl])
    col = jnp.concatenate([edge_index[1], sl])
    h = x
    for (W, b) in ((W0, b0), (W1, b1), (W2, b2)):
        h = _mpnn_layer(h, row, col, W, b)
        h = jax.nn.relu(h)
        # dropout p=0.0 -> no-op
    # global_mean_pool over batch
    seg_sum = jax.ops.segment_sum(h, batch, num_segments=NUM_GRAPHS)
    seg_cnt = jax.ops.segment_sum(jnp.ones((N,), dtype=h.dtype), batch, num_segments=NUM_GRAPHS)
    pooled = seg_sum / jnp.maximum(seg_cnt, 1.0)[:, None]
    # mlp: Linear -> ReLU -> Linear
    out = jax.nn.relu(pooled @ Wm1 + bm1) @ Wm2 + bm2
    return out

if __name__ == "__main__":
    import jax
    _d = setup_inputs()
    print(jax.jit(kernel)(*tuple(_d.values())))

</pallas_src>

<mosaic_0001>
#map = affine_map<(d0, d1) -> (0, 0)>
#map1 = affine_map<(d0, d1) -> (0, 0, 0, 0)>
#map2 = affine_map<(d0, d1) -> (0, 0, 0)>
module attributes {stable_mosaic.version = 14 : i64} {
  func.func @_sc_agg(%arg0: i32, %arg1: i32, %arg2: memref<20000x128xbf16, #tpu.memory_space<hbm>>, %arg3: memref<2x16x157x128xi32, #tpu.memory_space<hbm>>, %arg4: memref<16x157x128xi32, #tpu.memory_space<hbm>>, %arg5: memref<128x128xbf16, #tpu.memory_space<hbm>>, %arg6: memref<10240x2x128xbf16, #tpu.memory_space<hbm>>, %arg7: memref<1x157x128xi32, #tpu.memory_space<vmem>>, %arg8: memref<157x128xi32, #tpu.memory_space<vmem>>, %arg9: memref<3x128x128xbf16, #tpu.memory_space<vmem>>, %arg10: memref<10240x128xbf16, #tpu.memory_space<vmem_shared>>, %arg11: memref<!tpu.dma_semaphore, #tpu.memory_space<semaphore_mem>>, %arg12: memref<!tpu.dma_semaphore, #tpu.memory_space<semaphore_mem>>) attributes {dimension_semantics = [#tpu.dimension_semantics<core_parallel>, #tpu.dimension_semantics<subcore_parallel>], iteration_bounds = array<i64: 2, 16>, scalar_prefetch = 0 : i64, scratch_operands = 6 : i64, tpu.core_type = #tpu.core_type<sc_vector_subcore>, window_params = [{transform_indices = #map}, {transform_indices = #map1}, {transform_indices = #map2}, {transform_indices = #map}, {transform_indices = #map2}]} {
    %mul3A = arith.constant 640 : i32
    %mul3A_0 = arith.muli %arg1, %mul3A : i32
    "tpu.region"() ({
      %run_scoped3A_604 = tpu.sem_alloc : memref<!tpu.dma_semaphore, #tpu.memory_space<semaphore_mem>>
      %dma_start3A_605 = arith.constant 0 : i32
      %dma_start3A_606 = arith.constant 0 : i32
      %dma_start3A_607 = tpu.memref_slice %arg4[%arg1, %dma_start3A_605, %dma_start3A_606] : memref<16x157x128xi32, #tpu.memory_space<hbm>> -> memref<1x157x128xi32, #tpu.memory_space<hbm>>
      %dma_start3A_608 = tpu.memref_squeeze %dma_start3A_607 : memref<1x157x128xi32, #tpu.memory_space<hbm>> -> memref<157x128xi32, #tpu.memory_space<hbm>>
      %dma_start3A_609 = arith.constant 0 : i32
      %dma_start3A_610 = arith.constant 0 : i32
      %dma_start3A_611 = tpu.memref_slice %arg4[%arg1, %dma_start3A_609, %dma_start3A_610] : memref<16x157x128xi32, #tpu.memory_space<hbm>> -> memref<1x157x128xi32, #tpu.memory_space<hbm>>
      %dma_start3A_612 = tpu.memref_squeeze %dma_start3A_611 : memref<1x157x128xi32, #tpu.memory_space<hbm>> -> memref<157x128xi32, #tpu.memory_space<hbm>>
      tpu.enqueue_dma source(%dma_start3A_612 : memref<157x128xi32, #tpu.memory_space<hbm>>) target(%arg8 : memref<157x128xi32, #tpu.memory_space<vmem>>) target_semaphore(%run_scoped3A_604 : memref<!tpu.dma_semaphore, #tpu.memory_space<semaphore_mem>>)
      %dma_wait3A_613 = arith.constant 0 : i32
      %dma_wait3A_614 = arith.constant 0 : i32
      %dma_wait3A_615 = tpu.memref_slice %arg4[%arg1, %dma_wait3A_613, %dma_wait3A_614] : memref<16x157x128xi32, #tpu.memory_space<hbm>> -> memref<1x157x128xi32, #tpu.memory_space<hbm>>
      %dma_wait3A_616 = tpu.memref_squeeze %dma_wait3A_615 : memref<1x157x128xi32, #tpu.memory_space<hbm>> -> memref<157x128xi32, #tpu.memory_space<hbm>>
      %dma_wait3A_617 = arith.constant 0 : i32
      %dma_wait3A_618 = arith.constant 0 : i32
      %dma_wait3A_619 = tpu.memref_slice %arg4[%arg1, %dma_wait3A_617, %dma_wait3A_618] : memref<16x157x128xi32, #tpu.memory_space<hbm>> -> memref<1x157x128xi32, #tpu.memory_space<hbm>>
      %dma_wait3A_620 = tpu.memref_squeeze %dma_wait3A_619 : memref<1x157x128xi32, #tpu.memory_space<hbm>> -> memref<157x128xi32, #tpu.memory_space<hbm>>
      tpu.wait_dma2 semaphore(%run_scoped3A_604 : memref<!tpu.dma_semaphore, #tpu.memory_space<semaphore_mem>>) src(%dma_wait3A_620 : memref<157x128xi32, #tpu.memory_space<hbm>>) dst(%arg8 : memref<157x128xi32, #tpu.memory_space<vmem>>)
      tpu.yield
    }) : () -> ()
    %run_scoped3A = arith.constant 0 : i32
    "tpu.region"() ({
      %run_scoped3A_604 = tpu.sem_alloc : memref<!tpu.dma_semaphore, #tpu.memory_space<semaphore_mem>>
      %dma_start3A_605 = arith.constant 0 : i32
      %dma_start3A_606 = arith.constant 0 : i32
      %dma_start3A_607 = tpu.memref_slice %arg7[%run_scoped3A, %dma_start3A_605, %dma_start3A_606] : memref<1x157x128xi32, #tpu.memory_space<vmem>> -> memref<1x157x128xi32, #tpu.memory_space<vmem>>
      %dma_start3A_608 = tpu.memref_squeeze %dma_start3A_607 : memref<1x157x128xi32, #tpu.memory_space<vmem>> -> memref<157x128xi32, #tpu.memory_space<vmem>>
      %dma_start3A_609 = arith.constant 0 : i32
      %dma_start3A_610 = arith.constant 0 : i32
      %dma_start3A_611 = arith.constant 0 : i32
      %dma_start3A_612 = tpu.memref_slice %arg3[%arg0, %dma_start3A_609, %dma_start3A_610, %dma_start3A_611] : memref<2x16x157x128xi32, #tpu.memory_space<hbm>> -> memref<1x16x157x128xi32, #tpu.memory_space<hbm>>
      %dma_start3A_613 = tpu.memref_squeeze %dma_start3A_612 : memref<1x16x157x128xi32, #tpu.memory_space<hbm>> -> memref<16x157x128xi32, #tpu.memory_space<hbm>>
      %dma_start3A_614 = arith.constant 0 : i32
      %dma_start3A_615 = arith.constant 0 : i32
      %dma_start3A_616 = tpu.memref_slice %dma_start3A_613[%arg1, %dma_start3A_614, %dma_start3A_615] : memref<16x157x128xi32, #tpu.memory_space<hbm>> -> memref<1x157x128xi32, #tpu.memory_space<hbm>>
      %dma_start3A_617 = tpu.memref_squeeze %dma_start3A_616 : memref<1x157x128xi32, #tpu.memory_space<hbm>> -> memref<157x128xi32, #tpu.memory_space<hbm>>
      %dma_start3A_618 = arith.constant 0 : i32
      %dma_start3A_619 = arith.constant 0 : i32
      %dma_start3A_620 = tpu.memref_slice %arg7[%run_scoped3A, %dma_start3A_618, %dma_start3A_619] : memref<1x157x128xi32, #tpu.memory_space<vmem>> -> memref<1x157x128xi32, #tpu.memory_space<vmem>>
      %dma_start3A_621 = tpu.memref_squeeze %dma_start3A_620 : memref<1x157x128xi32, #tpu.memory_space<vmem>> -> memref<157x128xi32, #tpu.memory_space<vmem>>
      %dma_start3A_622 = arith.constant 0 : i32
      %dma_start3A_623 = arith.constant 0 : i32
      %dma_start3A_624 = arith.constant 0 : i32
      %dma_start3A_625 = tpu.memref_slice %arg3[%arg0, %dma_start3A_622, %dma_start3A_623, %dma_start3A_624] : memref<2x16x157x128xi32, #tpu.memory_space<hbm>> -> memref<1x16x157x128xi32, #tpu.memory_space<hbm>>
      %dma_start3A_626 = tpu.memref_squeeze %dma_start3A_625 : memref<1x16x157x128xi32, #tpu.memory_space<hbm>> -> memref<16x157x128xi32, #tpu.memory_space<hbm>>
      %dma_start3A_627 = arith.constant 0 : i32
      %dma_start3A_628 = arith.constant 0 : i32
      %dma_start3A_629 = tpu.memref_slice %dma_start3A_626[%arg1, %dma_start3A_627, %dma_start3A_628] : memref<16x157x128xi32, #tpu.memory_space<hbm>> -> memref<1x157x128xi32, #tpu.memory_space<hbm>>
      %dma_start3A_630 = tpu.memref_squeeze %dma_start3A_629 : memref<1x157x128xi32, #tpu.memory_space<hbm>> -> memref<157x128xi32, #tpu.memory_space<hbm>>
      tpu.enqueue_dma source(%dma_start3A_630 : memref<157x128xi32, #tpu.memory_space<hbm>>) target(%dma_start3A_621 : memref<157x128xi32, #tpu.memory_space<vmem>>) target_semaphore(%run_scoped3A_604 : memref<!tpu.dma_semaphore, #tpu.memory_space<semaphore_mem>>)
      %dma_wait3A_631 = arith.constant 0 : i32
      %dma_wait3A_632 = arith.constant 0 : i32
      %dma_wait3A_633 = tpu.memref_slice %arg7[%run_scoped3A, %dma_wait3A_631, %dma_wait3A_632] : memref<1x157x128xi32, #tpu.memory_space<vmem>> -> memref<1x157x128xi32, #tpu.memory_space<vmem>>
      %dma_wait3A_634 = tpu.memref_squeeze %dma_wait3A_633 : memref<1x157x128xi32, #tpu.memory_space<vmem>> -> memref<157x128xi32, #tpu.memory_space<vmem>>
      %dma_wait3A_635 = arith.constant 0 : i32
      %dma_wait3A_636 = arith.constant 0 : i32
      %dma_wait3A_637 = arith.constant 0 : i32
      %dma_wait3A_638 = tpu.memref_slice %arg3[%arg0, %dma_wait3A_635, %dma_wait3A_636, %dma_wait3A_637] : memref<2x16x157x128xi32, #tpu.memory_space<hbm>> -> memref<1x16x157x128xi32, #tpu.memory_space<hbm>>
      %dma_wait3A_639 = tpu.memref_squeeze %dma_wait3A_638 : memref<1x16x157x128xi32, #tpu.memory_space<hbm>> -> memref<16x157x128xi32, #tpu.memory_space<hbm>>
      %dma_wait3A_640 = arith.constant 0 : i32
      %dma_wait3A_641 = arith.constant 0 : i32
      %dma_wait3A_642 = tpu.memref_slice %dma_wait3A_639[%arg1, %dma_wait3A_640, %dma_wait3A_641] : memref<16x157x128xi32, #tpu.memory_space<hbm>> -> memref<1x157x128xi32, #tpu.memory_space<hbm>>
      %dma_wait3A_643 = tpu.memref_squeeze %dma_wait3A_642 : memref<1x157x128xi32, #tpu.memory_space<hbm>> -> memref<157x128xi32, #tpu.memory_space<hbm>>
      %dma_wait3A_644 = arith.constant 0 : i32
      %dma_wait3A_645 = arith.constant 0 : i32
      %dma_wait3A_646 = tpu.memref_slice %arg7[%run_scoped3A, %dma_wait3A_644, %dma_wait3A_645] : memref<1x157x128xi32, #tpu.memory_space<vmem>> -> memref<1x157x128xi32, #tpu.memory_space<vmem>>
      %dma_wait3A_647 = tpu.memref_squeeze %dma_wait3A_646 : memref<1x157x128xi32, #tpu.memory_space<vmem>> -> memref<157x128xi32, #tpu.memory_space<vmem>>
      %dma_wait3A_648 = arith.constant 0 : i32
      %dma_wait3A_649 = arith.constant 0 : i32
      %dma_wait3A_650 = arith.constant 0 : i32
      %dma_wait3A_651 = tpu.memref_slice %arg3[%arg0, %dma_wait3A_648, %dma_wait3A_649, %dma_wait3A_650] : memref<2x16x157x128xi32, #tpu.memory_space<hbm>> -> memref<1x16x157x128xi32, #tpu.memory_space<hbm>>
      %dma_wait3A_652 = tpu.memref_squeeze %dma_wait3A_651 : memref<1x16x157x128xi32, #tpu.memory_space<hbm>> -> memref<16x157x128xi32, #tpu.memory_space<hbm>>
      %dma_wait3A_653 = arith.constant 0 : i32
      %dma_wait3A_654 = arith.constant 0 : i32
      %dma_wait3A_655 = tpu.memref_slice %dma_wait3A_652[%arg1, %dma_wait3A_653, %dma_wait3A_654] : memref<16x157x128xi32, #tpu.memory_space<hbm>> -> memref<1x157x128xi32, #tpu.memory_space<hbm>>
      %dma_wait3A_656 = tpu.memref_squeeze %dma_wait3A_655 : memref<1x157x128xi32, #tpu.memory_space<hbm>> -> memref<157x128xi32, #tpu.memory_space<hbm>>
      tpu.wait_dma2 semaphore(%run_scoped3A_604 : memref<!tpu.dma_semaphore, #tpu.memory_space<semaphore_mem>>) src(%dma_wait3A_656 : memref<157x128xi32, #tpu.memory_space<hbm>>) dst(%dma_wait3A_647 : memref<157x128xi32, #tpu.memory_space<vmem>>)
      tpu.yield
    }) : () -> ()
    %run_scoped3A_1 = arith.constant 0 : i32
    "tpu.region"() ({
      %run_scoped3A_604 = tpu.sem_alloc : memref<!tpu.dma_semaphore, #tpu.memory_space<semaphore_mem>>
      %dma_start3A_605 = arith.constant 0 : i32
      %dma_start3A_606 = arith.constant 0 : i32
      %dma_start3A_607 = tpu.memref_slice %arg9[%run_scoped3A_1, %dma_start3A_605, %dma_start3A_606] : memref<3x128x128xbf16, #tpu.memory_space<vmem>> -> memref<1x128x128xbf16, #tpu.memory_space<vmem>>
      %dma_start3A_608 = tpu.memref_squeeze %dma_start3A_607 : memref<1x128x128xbf16, #tpu.memory_space<vmem>> -> memref<128x128xbf16, #tpu.memory_space<vmem>>
      %dma_start3A_609 = arith.constant 0 : i32
      %dma_start3A_610 = arith.constant 0 : i32
      %dma_start3A_611 = tpu.memref_slice %arg9[%run_scoped3A_1, %dma_start3A_609, %dma_start3A_610] : memref<3x128x128xbf16, #tpu.memory_space<vmem>> -> memref<1x128x128xbf16, #tpu.memory_space<vmem>>
      %dma_start3A_612 = tpu.memref_squeeze %dma_start3A_611 : memref<1x128x128xbf16, #tpu.memory_space<vmem>> -> memref<128x128xbf16, #tpu.memory_space<vmem>>
      tpu.enqueue_dma source(%arg5 : memref<128x128xbf16, #tpu.memory_space<hbm>>) target(%dma_start3A_612 : memref<128x128xbf16, #tpu.memory_space<vmem>>) target_semaphore(%run_scoped3A_604 : memref<!tpu.dma_semaphore, #tpu.memory_space<semaphore_mem>>)
      %dma_wait3A_613 = arith.constant 0 : i32
      %dma_wait3A_614 = arith.constant 0 : i32
      %dma_wait3A_615 = tpu.memref_slice %arg9[%run_scoped3A_1, %dma_wait3A_613, %dma_wait3A_614] : memref<3x128x128xbf16, #tpu.memory_space<vmem>> -> memref<1x128x128xbf16, #tpu.memory_space<vmem>>
      %dma_wait3A_616 = tpu.memref_squeeze %dma_wait3A_615 : memref<1x128x128xbf16, #tpu.memory_space<vmem>> -> memref<128x128xbf16, #tpu.memory_space<vmem>>
      %dma_wait3A_617 = arith.constant 0 : i32
      %dma_wait3A_618 = arith.constant 0 : i32
      %dma_wait3A_619 = tpu.memref_slice %arg9[%run_scoped3A_1, %dma_wait3A_617, %dma_wait3A_618] : memref<3x128x128xbf16, #tpu.memory_space<vmem>> -> memref<1x128x128xbf16, #tpu.memory_space<vmem>>
      %dma_wait3A_620 = tpu.memref_squeeze %dma_wait3A_619 : memref<1x128x128xbf16, #tpu.memory_space<vmem>> -> memref<128x128xbf16, #tpu.memory_space<vmem>>
      tpu.wait_dma2 semaphore(%run_scoped3A_604 : memref<!tpu.dma_semaphore, #tpu.memory_space<semaphore_mem>>) src(%arg5 : memref<128x128xbf16, #tpu.memory_space<hbm>>) dst(%dma_wait3A_620 : memref<128x128xbf16, #tpu.memory_space<vmem>>)
      tpu.yield
    }) : () -> ()
    %add3A = arith.constant 0 : i32
    %add3A_2 = arith.addi %mul3A_0, %add3A : i32
    %dma_start3A = arith.constant 0 : i32
    %dma_start3A_3 = arith.constant 0 : i32
    %dma_start3A_4 = arith.constant 0 : i32
    %dma_start3A_5 = tpu.memref_slice %arg9[%dma_start3A, %dma_start3A_3, %dma_start3A_4] : memref<3x128x128xbf16, #tpu.memory_space<vmem>> -> memref<1x128x128xbf16, #tpu.memory_space<vmem>>
    %dma_start3A_6 = tpu.memref_squeeze %dma_start3A_5 : memref<1x128x128xbf16, #tpu.memory_space<vmem>> -> memref<128x128xbf16, #tpu.memory_space<vmem>>
    %dma_start3A_7 = arith.constant 0 : i32
    %dma_start3A_8 = tpu.memref_slice %arg10[%add3A_2, %dma_start3A_7] : memref<10240x128xbf16, #tpu.memory_space<vmem_shared>> -> memref<128x128xbf16, #tpu.memory_space<vmem_shared>>
    %dma_start3A_9 = arith.constant 0 : i32
    %dma_start3A_10 = tpu.memref_slice %arg10[%add3A_2, %dma_start3A_9] : memref<10240x128xbf16, #tpu.memory_space<vmem_shared>> -> memref<128x128xbf16, #tpu.memory_space<vmem_shared>>
    %dma_start3A_11 = arith.constant 0 : i32
    %dma_start3A_12 = arith.constant 0 : i32
    %dma_start3A_13 = tpu.memref_slice %arg9[%dma_start3A, %dma_start3A_11, %dma_start3A_12] : memref<3x128x128xbf16, #tpu.memory_space<vmem>> -> memref<1x128x128xbf16, #tpu.memory_space<vmem>>
    %dma_start3A_14 = tpu.memref_squeeze %dma_start3A_13 : memref<1x128x128xbf16, #tpu.memory_space<vmem>> -> memref<128x128xbf16, #tpu.memory_space<vmem>>
    tpu.enqueue_dma source(%dma_start3A_14 : memref<128x128xbf16, #tpu.memory_space<vmem>>) target(%dma_start3A_10 : memref<128x128xbf16, #tpu.memory_space<vmem_shared>>) target_semaphore(%arg12 : memref<!tpu.dma_semaphore, #tpu.memory_space<semaphore_mem>>)
    %add3A_15 = arith.constant 128 : i32
    %add3A_16 = arith.addi %mul3A_0, %add3A_15 : i32
    %dma_start3A_17 = arith.constant 0 : i32
    %dma_start3A_18 = arith.constant 0 : i32
    %dma_start3A_19 = arith.constant 0 : i32
    %dma_start3A_20 = tpu.memref_slice %arg9[%dma_start3A_17, %dma_start3A_18, %dma_start3A_19] : memref<3x128x128xbf16, #tpu.memory_space<vmem>> -> memref<1x128x128xbf16, #tpu.memory_space<vmem>>
    %dma_start3A_21 = tpu.memref_squeeze %dma_start3A_20 : memref<1x128x128xbf16, #tpu.memory_space<vmem>> -> memref<128x128xbf16, #tpu.memory_space<vmem>>
    %dma_start3A_22 = arith.constant 0 : i32
    %dma_start3A_23 = tpu.memref_slice %arg10[%add3A_16, %dma_start3A_22] : memref<10240x128xbf16, #tpu.memory_space<vmem_shared>> -> memref<128x128xbf16, #tpu.memory_space<vmem_shared>>
    %dma_start3A_24 = arith.constant 0 : i32
    %dma_start3A_25 = tpu.memref_slice %arg10[%add3A_16, %dma_start3A_24] : memref<10240x128xbf16, #tpu.memory_space<vmem_shared>> -> memref<128x128xbf16, #tpu.memory_space<vmem_shared>>
    %dma_start3A_26 = arith.constant 0 : i32
    %dma_start3A_27 = arith.constant 0 : i32
    %dma_start3A_28 = tpu.memref_slice %arg9[%dma_start3A_17, %dma_start3A_26, %dma_start3A_27] : memref<3x128x128xbf16, #tpu.memory_space<vmem>> -> memref<1x128x128xbf16, #tpu.memory_space<vmem>>
    %dma_start3A_29 = tpu.memref_squeeze %dma_start3A_28 : memref<1x128x128xbf16, #tpu.memory_space<vmem>> -> memref<128x128xbf16, #tpu.memory_space<vmem>>
    tpu.enqueue_dma source(%dma_start3A_29 : memref<128x128xbf16, #tpu.memory_space<vmem>>) target(%dma_start3A_25 : memref<128x128xbf16, #tpu.memory_space<vmem_shared>>) target_semaphore(%arg12 : memref<!tpu.dma_semaphore, #tpu.memory_space<semaphore_mem>>)
    %add3A_30 = arith.constant 256 : i32
    %add3A_31 = arith.addi %mul3A_0, %add3A_30 : i32
    %dma_start3A_32 = arith.constant 0 : i32
    %dma_start3A_33 = arith.constant 0 : i32
    %dma_start3A_34 = arith.constant 0 : i32
    %dma_start3A_35 = tpu.memref_slice %arg9[%dma_start3A_32, %dma_start3A_33, %dma_start3A_34] : memref<3x128x128xbf16, #tpu.memory_space<vmem>> -> memref<1x128x128xbf16, #tpu.memory_space<vmem>>
    %dma_start3A_36 = tpu.memref_squeeze %dma_start3A_35 : memref<1x128x128xbf16, #tpu.memory_space<vmem>> -> memref<128x128xbf16, #tpu.memory_space<vmem>>
    %dma_start3A_37 = arith.constant 0 : i32
    %dma_start3A_38 = tpu.memref_slice %arg10[%add3A_31, %dma_start3A_37] : memref<10240x128xbf16, #tpu.memory_space<vmem_shared>> -> memref<128x128xbf16, #tpu.memory_space<vmem_shared>>
    %dma_start3A_39 = arith.constant 0 : i32
    %dma_start3A_40 = tpu.memref_slice %arg10[%add3A_31, %dma_start3A_39] : memref<10240x128xbf16, #tpu.memory_space<vmem_shared>> -> memref<128x128xbf16, #tpu.memory_space<vmem_shared>>
    %dma_start3A_41 = arith.constant 0 : i32
    %dma_start3A_42 = arith.constant 0 : i32
    %dma_start3A_43 = tpu.memref_slice %arg9[%dma_start3A_32, %dma_start3A_41, %dma_start3A_42] : memref<3x128x128xbf16, #tpu.memory_space<vmem>> -> memref<1x128x128xbf16, #tpu.memory_space<vmem>>
    %dma_start3A_44 = tpu.memref_squeeze %dma_start3A_43 : memref<1x128x128xbf16, #tpu.memory_space<vmem>> -> memref<128x128xbf16, #tpu.memory_space<vmem>>
    tpu.enqueue_dma source(%dma_start3A_44 : memref<128x128xbf16, #tpu.memory_space<vmem>>) target(%dma_start3A_40 : memref<128x128xbf16, #tpu.memory_space<vmem_shared>>) target_semaphore(%arg12 : memref<!tpu.dma_semaphore, #tpu.memory_space<semaphore_mem>>)
    %add3A_45 = arith.constant 384 : i32
    %add3A_46 = arith.addi %mul3A_0, %add3A_45 : i32
    %dma_start3A_47 = arith.constant 0 : i32
    %dma_start3A_48 = arith.constant 0 : i32
    %dma_start3A_49 = arith.constant 0 : i32
    %dma_start3A_50 = tpu.memref_slice %arg9[%dma_start3A_47, %dma_start3A_48, %dma_start3A_49] : memref<3x128x128xbf16, #tpu.memory_space<vmem>> -> memref<1x128x128xbf16, #tpu.memory_space<vmem>>
    %dma_start3A_51 = tpu.memref_squeeze %dma_start3A_50 : memref<1x128x128xbf16, #tpu.memory_space<vmem>> -> memref<128x128xbf16, #tpu.memory_space<vmem>>
    %dma_start3A_52 = arith.constant 0 : i32
    %dma_start3A_53 = tpu.memref_slice %arg10[%add3A_46, %dma_start3A_52] : memref<10240x128xbf16, #tpu.memory_space<vmem_shared>> -> memref<128x128xbf16, #tpu.memory_space<vmem_shared>>
    %dma_start3A_54 = arith.constant 0 : i32
    %dma_start3A_55 = tpu.memref_slice %arg10[%add3A_46, %dma_start3A_54] : memref<10240x128xbf16, #tpu.memory_space<vmem_shared>> -> memref<128x128xbf16, #tpu.memory_space<vmem_shared>>
    %dma_start3A_56 = arith.constant 0 : i32
    %dma_start3A_57 = arith.constant 0 : i32
    %dma_start3A_58 = tpu.memref_slice %arg9[%dma_start3A_47, %dma_start3A_56, %dma_start3A_57] : memref<3x128x128xbf16, #tpu.memory_space<vmem>> -> memref<1x128x128xbf16, #tpu.memory_space<vmem>>
    %dma_start3A_59 = tpu.memref_squeeze %dma_start3A_58 : memref<1x128x128xbf16, #tpu.memory_space<vmem>> -> memref<128x128xbf16, #tpu.memory_space<vmem>>
    tpu.enqueue_dma source(%dma_start3A_59 : memref<128x128xbf16, #tpu.memory_space<vmem>>) target(%dma_start3A_55 : memref<128x128xbf16, #tpu.memory_space<vmem_shared>>) target_semaphore(%arg12 : memref<!tpu.dma_semaphore, #tpu.memory_space<semaphore_mem>>)
    %add3A_60 = arith.constant 512 : i32
    %add3A_61 = arith.addi %mul3A_0, %add3A_60 : i32
    %dma_start3A_62 = arith.constant 0 : i32
    %dma_start3A_63 = arith.constant 0 : i32
    %dma_start3A_64 = arith.constant 0 : i32
    %dma_start3A_65 = tpu.memref_slice %arg9[%dma_start3A_62, %dma_start3A_63, %dma_start3A_64] : memref<3x128x128xbf16, #tpu.memory_space<vmem>> -> memref<1x128x128xbf16, #tpu.memory_space<vmem>>
    %dma_start3A_66 = tpu.memref_squeeze %dma_start3A_65 : memref<1x128x128xbf16, #tpu.memory_space<vmem>> -> memref<128x128xbf16, #tpu.memory_space<vmem>>
    %dma_start3A_67 = arith.constant 0 : i32
    %dma_start3A_68 = tpu.memref_slice %arg10[%add3A_61, %dma_start3A_67] : memref<10240x128xbf16, #tpu.memory_space<vmem_shared>> -> memref<128x128xbf16, #tpu.memory_space<vmem_shared>>
    %dma_start3A_69 = arith.constant 0 : i32
    %dma_start3A_70 = tpu.memref_slice %arg10[%add3A_61, %dma_start3A_69] : memref<10240x128xbf16, #tpu.memory_space<vmem_shared>> -> memref<128x128xbf16, #tpu.memory_space<vmem_shared>>
    %dma_start3A_71 = arith.constant 0 : i32
    %dma_start3A_72 = arith.constant 0 : i32
    %dma_start3A_73 = tpu.memref_slice %arg9[%dma_start3A_62, %dma_start3A_71, %dma_start3A_72] : memref<3x128x128xbf16, #tpu.memory_space<vmem>> -> memref<1x128x128xbf16, #tpu.memory_space<vmem>>
    %dma_start3A_74 = tpu.memref_squeeze %dma_start3A_73 : memref<1x128x128xbf16, #tpu.memory_space<vmem>> -> memref<128x128xbf16, #tpu.memory_space<vmem>>
    tpu.enqueue_dma source(%dma_start3A_74 : memref<128x128xbf16, #tpu.memory_space<vmem>>) target(%dma_start3A_70 : memref<128x128xbf16, #tpu.memory_space<vmem_shared>>) target_semaphore(%arg12 : memref<!tpu.dma_semaphore, #tpu.memory_space<semaphore_mem>>)
    %add3A_75 = arith.constant 0 : i32
    %add3A_76 = arith.addi %mul3A_0, %add3A_75 : i32
    %dma_wait3A = arith.constant 0 : i32
    %dma_wait3A_77 = arith.constant 0 : i32
    %dma_wait3A_78 = arith.constant 0 : i32
    %dma_wait3A_79 = tpu.memref_slice %arg9[%dma_wait3A, %dma_wait3A_77, %dma_wait3A_78] : memref<3x128x128xbf16, #tpu.memory_space<vmem>> -> memref<1x128x128xbf16, #tpu.memory_space<vmem>>
    %dma_wait3A_80 = tpu.memref_squeeze %dma_wait3A_79 : memref<1x128x128xbf16, #tpu.memory_space<vmem>> -> memref<128x128xbf16, #tpu.memory_space<vmem>>
    %dma_wait3A_81 = arith.constant 0 : i32
    %dma_wait3A_82 = tpu.memref_slice %arg10[%add3A_76, %dma_wait3A_81] : memref<10240x128xbf16, #tpu.memory_space<vmem_shared>> -> memref<128x128xbf16, #tpu.memory_space<vmem_shared>>
    %dma_wait3A_83 = arith.constant 0 : i32
    %dma_wait3A_84 = tpu.memref_slice %arg10[%add3A_76, %dma_wait3A_83] : memref<10240x128xbf16, #tpu.memory_space<vmem_shared>> -> memref<128x128xbf16, #tpu.memory_space<vmem_shared>>
    %dma_wait3A_85 = arith.constant 0 : i32
    %dma_wait3A_86 = arith.constant 0 : i32
    %dma_wait3A_87 = tpu.memref_slice %arg9[%dma_wait3A, %dma_wait3A_85, %dma_wait3A_86] : memref<3x128x128xbf16, #tpu.memory_space<vmem>> -> memref<1x128x128xbf16, #tpu.memory_space<vmem>>
    %dma_wait3A_88 = tpu.memref_squeeze %dma_wait3A_87 : memref<1x128x128xbf16, #tpu.memory_space<vmem>> -> memref<128x128xbf16, #tpu.memory_space<vmem>>
    tpu.wait_dma2 semaphore(%arg12 : memref<!tpu.dma_semaphore, #tpu.memory_space<semaphore_mem>>) src(%dma_wait3A_88 : memref<128x128xbf16, #tpu.memory_space<vmem>>) dst(%dma_wait3A_84 : memref<128x128xbf16, #tpu.memory_space<vmem_shared>>)
    %add3A_89 = arith.constant 128 : i32
    %add3A_90 = arith.addi %mul3A_0, %add3A_89 : i32
    %dma_wait3A_91 = arith.constant 0 : i32
    %dma_wait3A_92 = arith.constant 0 : i32
    %dma_wait3A_93 = arith.constant 0 : i32
    %dma_wait3A_94 = tpu.memref_slice %arg9[%dma_wait3A_91, %dma_wait3A_92, %dma_wait3A_93] : memref<3x128x128xbf16, #tpu.memory_space<vmem>> -> memref<1x128x128xbf16, #tpu.memory_space<vmem>>
    %dma_wait3A_95 = tpu.memref_squeeze %dma_wait3A_94 : memref<1x128x128xbf16, #tpu.memory_space<vmem>> -> memref<128x128xbf16, #tpu.memory_space<vmem>>
    %dma_wait3A_96 = arith.constant 0 : i32
    %dma_wait3A_97 = tpu.memref_slice %arg10[%add3A_90, %dma_wait3A_96] : memref<10240x128xbf16, #tpu.memory_space<vmem_shared>> -> memref<128x128xbf16, #tpu.memory_space<vmem_shared>>
    %dma_wait3A_98 = arith.constant 0 : i32
    %dma_wait3A_99 = tpu.memref_slice %arg10[%add3A_90, %dma_wait3A_98] : memref<10240x128xbf16, #tpu.memory_space<vmem_shared>> -> memref<128x128xbf16, #tpu.memory_space<vmem_shared>>
    %dma_wait3A_100 = arith.constant 0 : i32
    %dma_wait3A_101 = arith.constant 0 : i32
    %dma_wait3A_102 = tpu.memref_slice %arg9[%dma_wait3A_91, %dma_wait3A_100, %dma_wait3A_101] : memref<3x128x128xbf16, #tpu.memory_space<vmem>> -> memref<1x128x128xbf16, #tpu.memory_space<vmem>>
    %dma_wait3A_103 = tpu.memref_squeeze %dma_wait3A_102 : memref<1x128x128xbf16, #tpu.memory_space<vmem>> -> memref<128x128xbf16, #tpu.memory_space<vmem>>
    tpu.wait_dma2 semaphore(%arg12 : memref<!tpu.dma_semaphore, #tpu.memory_space<semaphore_mem>>) src(%dma_wait3A_103 : memref<128x128xbf16, #tpu.memory_space<vmem>>) dst(%dma_wait3A_99 : memref<128x128xbf16, #tpu.memory_space<vmem_shared>>)
    %add3A_104 = arith.constant 256 : i32
    %add3A_105 = arith.addi %mul3A_0, %add3A_104 : i32
    %dma_wait3A_106 = arith.constant 0 : i32
    %dma_wait3A_107 = arith.constant 0 : i32
    %dma_wait3A_108 = arith.constant 0 : i32
    %dma_wait3A_109 = tpu.memref_slice %arg9[%dma_wait3A_106, %dma_wait3A_107, %dma_wait3A_108] : memref<3x128x128xbf16, #tpu.memory_space<vmem>> -> memref<1x128x128xbf16, #tpu.memory_space<vmem>>
    %dma_wait3A_110 = tpu.memref_squeeze %dma_wait3A_109 : memref<1x128x128xbf16, #tpu.memory_space<vmem>> -> memref<128x128xbf16, #tpu.memory_space<vmem>>
    %dma_wait3A_111 = arith.constant 0 : i32
    %dma_wait3A_112 = tpu.memref_slice %arg10[%add3A_105, %dma_wait3A_111] : memref<10240x128xbf16, #tpu.memory_space<vmem_shared>> -> memref<128x128xbf16, #tpu.memory_space<vmem_shared>>
    %dma_wait3A_113 = arith.constant 0 : i32
    %dma_wait3A_114 = tpu.memref_slice %arg10[%add3A_105, %dma_wait3A_113] : memref<10240x128xbf16, #tpu.memory_space<vmem_shared>> -> memref<128x128xbf16, #tpu.memory_space<vmem_shared>>
    %dma_wait3A_115 = arith.constant 0 : i32
    %dma_wait3A_116 = arith.constant 0 : i32
    %dma_wait3A_117 = tpu.memref_slice %arg9[%dma_wait3A_106, %dma_wait3A_115, %dma_wait3A_116] : memref<3x128x128xbf16, #tpu.memory_space<vmem>> -> memref<1x128x128xbf16, #tpu.memory_space<vmem>>
    %dma_wait3A_118 = tpu.memref_squeeze %dma_wait3A_117 : memref<1x128x128xbf16, #tpu.memory_space<vmem>> -> memref<128x128xbf16, #tpu.memory_space<vmem>>
    tpu.wait_dma2 semaphore(%arg12 : memref<!tpu.dma_semaphore, #tpu.memory_space<semaphore_mem>>) src(%dma_wait3A_118 : memref<128x128xbf16, #tpu.memory_space<vmem>>) dst(%dma_wait3A_114 : memref<128x128xbf16, #tpu.memory_space<vmem_shared>>)
    %add3A_119 = arith.constant 384 : i32
    %add3A_120 = arith.addi %mul3A_0, %add3A_119 : i32
    %dma_wait3A_121 = arith.constant 0 : i32
    %dma_wait3A_122 = arith.constant 0 : i32
    %dma_wait3A_123 = arith.constant 0 : i32
    %dma_wait3A_124 = tpu.memref_slice %arg9[%dma_wait3A_121, %dma_wait3A_122, %dma_wait3A_123] : memref<3x128x128xbf16, #tpu.memory_space<vmem>> -> memref<1x128x128xbf16, #tpu.memory_space<vmem>>
    %dma_wait3A_125 = tpu.memref_squeeze %dma_wait3A_124 : memref<1x128x128xbf16, #tpu.memory_space<vmem>> -> memref<128x128xbf16, #tpu.memory_space<vmem>>
    %dma_wait3A_126 = arith.constant 0 : i32
    %dma_wait3A_127 = tpu.memref_slice %arg10[%add3A_120, %dma_wait3A_126] : memref<10240x128xbf16, #tpu.memory_space<vmem_shared>> -> memref<128x128xbf16, #tpu.memory_space<vmem_shared>>
    %dma_wait3A_128 = arith.constant 0 : i32
    %dma_wait3A_129 = tpu.memref_slice %arg10[%add3A_120, %dma_wait3A_128] : memref<10240x128xbf16, #tpu.memory_space<vmem_shared>> -> memref<128x128xbf16, #tpu.memory_space<vmem_shared>>
    %dma_wait3A_130 = arith.constant 0 : i32
    %dma_wait3A_131 = arith.constant 0 : i32
    %dma_wait3A_132 = tpu.memref_slice %arg9[%dma_wait3A_121, %dma_wait3A_130, %dma_wait3A_131] : memref<3x128x128xbf16, #tpu.memory_space<vmem>> -> memref<1x128x128xbf16, #tpu.memory_space<vmem>>
    %dma_wait3A_133 = tpu.memref_squeeze %dma_wait3A_132 : memref<1x128x128xbf16, #tpu.memory_space<vmem>> -> memref<128x128xbf16, #tpu.memory_space<vmem>>
    tpu.wait_dma2 semaphore(%arg12 : memref<!tpu.dma_semaphore, #tpu.memory_space<semaphore_mem>>) src(%dma_wait3A_133 : memref<128x128xbf16, #tpu.memory_space<vmem>>) dst(%dma_wait3A_129 : memref<128x128xbf16, #tpu.memory_space<vmem_shared>>)
    %add3A_134 = arith.constant 512 : i32
    %add3A_135 = arith.addi %mul3A_0, %add3A_134 : i32
    %dma_wait3A_136 = arith.constant 0 : i32
    %dma_wait3A_137 = arith.constant 0 : i32
    %dma_wait3A_138 = arith.constant 0 : i32
    %dma_wait3A_139 = tpu.memref_slice %arg9[%dma_wait3A_136, %dma_wait3A_137, %dma_wait3A_138] : memref<3x128x128xbf16, #tpu.memory_space<vmem>> -> memref<1x128x128xbf16, #tpu.memory_space<vmem>>
    %dma_wait3A_140 = tpu.memref_squeeze %dma_wait3A_139 : memref<1x128x128xbf16, #tpu.memory_space<vmem>> -> memref<128x128xbf16, #tpu.memory_space<vmem>>
    %dma_wait3A_141 = arith.constant 0 : i32
    %dma_wait3A_142 = tpu.memref_slice %arg10[%add3A_135, %dma_wait3A_141] : memref<10240x128xbf16, #tpu.memory_space<vmem_shared>> -> memref<128x128xbf16, #tpu.memory_space<vmem_shared>>
    %dma_wait3A_143 = arith.constant 0 : i32
    %dma_wait3A_144 = tpu.memref_slice %arg10[%add3A_135, %dma_wait3A_143] : memref<10240x128xbf16, #tpu.memory_space<vmem_shared>> -> memref<128x128xbf16, #tpu.memory_space<vmem_shared>>
    %dma_wait3A_145 = arith.constant 0 : i32
    %dma_wait3A_146 = arith.constant 0 : i32
    %dma_wait3A_147 = tpu.memref_slice %arg9[%dma_wait3A_136, %dma_wait3A_145, %dma_wait3A_146] : memref<3x128x128xbf16, #tpu.memory_space<vmem>> -> memref<1x128x128xbf16, #tpu.memory_space<vmem>>
    %dma_wait3A_148 = tpu.memref_squeeze %dma_wait3A_147 : memref<1x128x128xbf16, #tpu.memory_space<vmem>> -> memref<128x128xbf16, #tpu.memory_space<vmem>>
    tpu.wait_dma2 semaphore(%arg12 : memref<!tpu.dma_semaphore, #tpu.memory_space<semaphore_mem>>) src(%dma_wait3A_148 : memref<128x128xbf16, #tpu.memory_space<vmem>>) dst(%dma_wait3A_144 : memref<128x128xbf16, #tpu.memory_space<vmem_shared>>)
    %barrier3A = arith.constant 0 : index
    tpu.barrier barrier_id(%barrier3A)
    %dma_start3A_149 = arith.constant 0 : i32
    %dma_start3A_150 = arith.constant 0 : i32
    %dma_start3A_151 = arith.constant 0 : i32
    %dma_start3A_152 = arith.constant 0 : i32
    %dma_start3A_153 = arith.constant 0 : i32
    %dma_start3A_154 = tpu.memref_slice %arg9[%dma_start3A_151, %dma_start3A_152, %dma_start3A_153] : memref<3x128x128xbf16, #tpu.memory_space<vmem>> -> memref<1x128x128xbf16, #tpu.memory_space<vmem>>
    %dma_start3A_155 = tpu.memref_squeeze %dma_start3A_154 : memref<1x128x128xbf16, #tpu.memory_space<vmem>> -> memref<128x128xbf16, #tpu.memory_space<vmem>>
    %dma_start3A_156 = arith.constant 0 : i32
    %dma_start3A_157 = arith.constant 0 : i32
    %dma_start3A_158 = tpu.memref_slice %arg7[%dma_start3A_149, %dma_start3A_156, %dma_start3A_157] : memref<1x157x128xi32, #tpu.memory_space<vmem>> -> memref<1x157x128xi32, #tpu.memory_space<vmem>>
    %dma_start3A_159 = tpu.memref_squeeze %dma_start3A_158 : memref<1x157x128xi32, #tpu.memory_space<vmem>> -> memref<157x128xi32, #tpu.memory_space<vmem>>
    %dma_start3A_160 = arith.constant 0 : i32
    %dma_start3A_161 = tpu.memref_slice %dma_start3A_159[%dma_start3A_150, %dma_start3A_160] : memref<157x128xi32, #tpu.memory_space<vmem>> -> memref<1x128xi32, #tpu.memory_space<vmem>>
    %dma_start3A_162 = tpu.memref_squeeze %dma_start3A_161 : memref<1x128xi32, #tpu.memory_space<vmem>> -> memref<128xi32, #tpu.memory_space<vmem>>
    %dma_start3A_163 = arith.constant 0 : i32
    %dma_start3A_164 = arith.constant 0 : i32
    %dma_start3A_165 = tpu.memref_slice %arg2[%dma_start3A_163, %dma_start3A_164] : memref<20000x128xbf16, #tpu.memory_space<hbm>> -> memref<20000x128xbf16, #tpu.memory_space<hbm>>
    tpu.enqueue_indirect_dma source(%dma_start3A_165 : memref<20000x128xbf16, #tpu.memory_space<hbm>>) target(%dma_start3A_155 : memref<128x128xbf16, #tpu.memory_space<vmem>>) offsets(%dma_start3A_162 : memref<128xi32, #tpu.memory_space<vmem>>) semaphore(%arg11 : memref<!tpu.dma_semaphore, #tpu.memory_space<semaphore_mem>>)
    %dma_start3A_166 = arith.constant 0 : i32
    %dma_start3A_167 = arith.constant 1 : i32
    %dma_start3A_168 = arith.constant 1 : i32
    %dma_start3A_169 = arith.constant 0 : i32
    %dma_start3A_170 = arith.constant 0 : i32
    %dma_start3A_171 = tpu.memref_slice %arg9[%dma_start3A_168, %dma_start3A_169, %dma_start3A_170] : memref<3x128x128xbf16, #tpu.memory_space<vmem>> -> memref<1x128x128xbf16, #tpu.memory_space<vmem>>
    %dma_start3A_172 = tpu.memref_squeeze %dma_start3A_171 : memref<1x128x128xbf16, #tpu.memory_space<vmem>> -> memref<128x128xbf16, #tpu.memory_space<vmem>>
    %dma_start3A_173 = arith.constant 0 : i32
    %dma_start3A_174 = arith.constant 0 : i32
    %dma_start3A_175 = tpu.memref_slice %arg7[%dma_start3A_166, %dma_start3A_173, %dma_start3A_174] : memref<1x157x128xi32, #tpu.memory_space<vmem>> -> memref<1x157x128xi32, #tpu.memory_space<vmem>>
    %dma_start3A_176 = tpu.memref_squeeze %dma_start3A_175 : memref<1x157x128xi32, #tpu.memory_space<vmem>> -> memref<157x128xi32, #tpu.memory_space<vmem>>
    %dma_start3A_177 = arith.constant 0 : i32
    %dma_start3A_178 = tpu.memref_slice %dma_start3A_176[%dma_start3A_167, %dma_start3A_177] : memref<157x128xi32, #tpu.memory_space<vmem>> -> memref<1x128xi32, #tpu.memory_space<vmem>>
    %dma_start3A_179 = tpu.memref_squeeze %dma_start3A_178 : memref<1x128xi32, #tpu.memory_space<vmem>> -> memref<128xi32, #tpu.memory_space<vmem>>
    %dma_start3A_180 = arith.constant 0 : i32
    %dma_start3A_181 = arith.constant 0 : i32
    %dma_start3A_182 = tpu.memref_slice %arg2[%dma_start3A_180, %dma_start3A_181] : memref<20000x128xbf16, #tpu.memory_space<hbm>> -> memref<20000x128xbf16, #tpu.memory_space<hbm>>
    tpu.enqueue_indirect_dma source(%dma_start3A_182 : memref<20000x128xbf16, #tpu.memory_space<hbm>>) target(%dma_start3A_172 : memref<128x128xbf16, #tpu.memory_space<vmem>>) offsets(%dma_start3A_179 : memref<128xi32, #tpu.memory_space<vmem>>) semaphore(%arg11 : memref<!tpu.dma_semaphore, #tpu.memory_space<semaphore_mem>>)
    %dma_start3A_183 = arith.constant 0 : i32
    %dma_start3A_184 = arith.constant 2 : i32
    %dma_start3A_185 = arith.constant 2 : i32
    %dma_start3A_186 = arith.constant 0 : i32
    %dma_start3A_187 = arith.constant 0 : i32
    %dma_start3A_188 = tpu.memref_slice %arg9[%dma_start3A_185, %dma_start3A_186, %dma_start3A_187] : memref<3x128x128xbf16, #tpu.memory_space<vmem>> -> memref<1x128x128xbf16, #tpu.memory_space<vmem>>
    %dma_start3A_189 = tpu.memref_squeeze %dma_start3A_188 : memref<1x128x128xbf16, #tpu.memory_space<vmem>> -> memref<128x128xbf16, #tpu.memory_space<vmem>>
    %dma_start3A_190 = arith.constant 0 : i32
    %dma_start3A_191 = arith.constant 0 : i32
    %dma_start3A_192 = tpu.memref_slice %arg7[%dma_start3A_183, %dma_start3A_190, %dma_start3A_191] : memref<1x157x128xi32, #tpu.memory_space<vmem>> -> memref<1x157x128xi32, #tpu.memory_space<vmem>>
    %dma_start3A_193 = tpu.memref_squeeze %dma_start3A_192 : memref<1x157x128xi32, #tpu.memory_space<vmem>> -> memref<157x128xi32, #tpu.memory_space<vmem>>
    %dma_start3A_194 = arith.constant 0 : i32
    %dma_start3A_195 = tpu.memref_slice %dma_start3A_193[%dma_start3A_184, %dma_start3A_194] : memref<157x128xi32, #tpu.memory_space<vmem>> -> memref<1x128xi32, #tpu.memory_space<vmem>>
    %dma_start3A_196 = tpu.memref_squeeze %dma_start3A_195 : memref<1x128xi32, #tpu.memory_space<vmem>> -> memref<128xi32, #tpu.memory_space<vmem>>
    %dma_start3A_197 = arith.constant 0 : i32
    %dma_start3A_198 = arith.constant 0 : i32
    %dma_start3A_199 = tpu.memref_slice %arg2[%dma_start3A_197, %dma_start3A_198] : memref<20000x128xbf16, #tpu.memory_space<hbm>> -> memref<20000x128xbf16, #tpu.memory_space<hbm>>
    tpu.enqueue_indirect_dma source(%dma_start3A_199 : memref<20000x128xbf16, #tpu.memory_space<hbm>>) target(%dma_start3A_189 : memref<128x128xbf16, #tpu.memory_space<vmem>>) offsets(%dma_start3A_196 : memref<128xi32, #tpu.memory_space<vmem>>) semaphore(%arg11 : memref<!tpu.dma_semaphore, #tpu.memory_space<semaphore_mem>>)
    %scan3A = arith.constant 0 : i32
    %scan3A_200 = arith.constant 0 : i32
    %scan3A_201 = arith.constant 0 : i32
    %scan3A_202 = arith.constant 52 : i32
    %scan3A_203 = arith.addi %scan3A_201, %scan3A_202 : i32
    %scan3A_204 = arith.constant 1 : i32
    %scan3A_205 = scf.for %scan3A_604 = %scan3A_201 to %scan3A_203 step %scan3A_204 iter_args(%scan3A_605 = %scan3A_200) -> (i32)  : i32 {
      %mul3A_606 = arith.constant 3 : i32
      %mul3A_607 = arith.muli %scan3A_604, %mul3A_606 : i32
      %add3A_608 = arith.constant 0 : i32
      %add3A_609 = arith.addi %mul3A_607, %add3A_608 : i32
      %dma_wait3A_610 = arith.constant 0 : i32
      %dma_wait3A_611 = arith.constant 0 : i32
      %dma_wait3A_612 = arith.constant 0 : i32
      %dma_wait3A_613 = tpu.memref_slice %arg9[%dma_wait3A_610, %dma_wait3A_611, %dma_wait3A_612] : memref<3x128x128xbf16, #tpu.memory_space<vmem>> -> memref<1x128x128xbf16, #tpu.memory_space<vmem>>
      %dma_wait3A_614 = tpu.memref_squeeze %dma_wait3A_613 : memref<1x128x128xbf16, #tpu.memory_space<vmem>> -> memref<128x128xbf16, #tpu.memory_space<vmem>>
      %dma_wait3A_615 = arith.constant 0 : i32
      %dma_wait3A_616 = arith.constant 0 : i32
      %dma_wait3A_617 = tpu.memref_slice %arg7[%scan3A, %dma_wait3A_615, %dma_wait3A_616] : memref<1x157x128xi32, #tpu.memory_space<vmem>> -> memref<1x157x128xi32, #tpu.memory_space<vmem>>
      %dma_wait3A_618 = tpu.memref_squeeze %dma_wait3A_617 : memref<1x157x128xi32, #tpu.memory_space<vmem>> -> memref<157x128xi32, #tpu.memory_space<vmem>>
      %dma_wait3A_619 = arith.constant 0 : i32
      %dma_wait3A_620 = tpu.memref_slice %dma_wait3A_618[%add3A_609, %dma_wait3A_619] : memref<157x128xi32, #tpu.memory_space<vmem>> -> memref<1x128xi32, #tpu.memory_space<vmem>>
      %dma_wait3A_621 = tpu.memref_squeeze %dma_wait3A_620 : memref<1x128xi32, #tpu.memory_space<vmem>> -> memref<128xi32, #tpu.memory_space<vmem>>
      %dma_wait3A_622 = arith.constant 0 : i32
      %dma_wait3A_623 = arith.constant 0 : i32
      %dma_wait3A_624 = tpu.memref_slice %arg2[%dma_wait3A_622, %dma_wait3A_623] : memref<20000x128xbf16, #tpu.memory_space<hbm>> -> memref<20000x128xbf16, #tpu.memory_space<hbm>>
      tpu.wait_indirect_dma semaphore(%arg11 : memref<!tpu.dma_semaphore, #tpu.memory_space<semaphore_mem>>) src(%dma_wait3A_624 : memref<20000x128xbf16, #tpu.memory_space<hbm>>) dst(%dma_wait3A_614 : memref<128x128xbf16, #tpu.memory_space<vmem>>)
      %add3A_625 = arith.constant 0 : i32
      %add3A_626 = arith.addi %mul3A_607, %add3A_625 : i32
      %dma_start3A_627 = arith.constant 0 : i32
      %dma_start3A_628 = arith.constant 0 : i32
      %dma_start3A_629 = arith.constant 0 : i32
      %dma_start3A_630 = tpu.memref_slice %arg9[%dma_start3A_627, %dma_start3A_628, %dma_start3A_629] : memref<3x128x128xbf16, #tpu.memory_space<vmem>> -> memref<1x128x128xbf16, #tpu.memory_space<vmem>>
      %dma_start3A_631 = tpu.memref_squeeze %dma_start3A_630 : memref<1x128x128xbf16, #tpu.memory_space<vmem>> -> memref<128x128xbf16, #tpu.memory_space<vmem>>
      %dma_start3A_632 = arith.constant 0 : i32
      %dma_start3A_633 = tpu.memref_slice %arg8[%add3A_626, %dma_start3A_632] : memref<157x128xi32, #tpu.memory_space<vmem>> -> memref<1x128xi32, #tpu.memory_space<vmem>>
      %dma_start3A_634 = tpu.memref_squeeze %dma_start3A_633 : memref<1x128xi32, #tpu.memory_space<vmem>> -> memref<128xi32, #tpu.memory_space<vmem>>
      %dma_start3A_635 = arith.constant 0 : i32
      %dma_start3A_636 = arith.constant 0 : i32
      %dma_start3A_637 = tpu.memref_slice %arg10[%dma_start3A_635, %dma_start3A_636] : memref<10240x128xbf16, #tpu.memory_space<vmem_shared>> -> memref<10240x128xbf16, #tpu.memory_space<vmem_shared>>
      tpu.enqueue_indirect_dma source(%dma_start3A_631 : memref<128x128xbf16, #tpu.memory_space<vmem>>) target(%dma_start3A_637 : memref<10240x128xbf16, #tpu.memory_space<vmem_shared>>) offsets(%dma_start3A_634 : memref<128xi32, #tpu.memory_space<vmem>>) semaphore(%arg12 : memref<!tpu.dma_semaphore, #tpu.memory_space<semaphore_mem>>) {add = true}
      %add3A_638 = arith.constant 1 : i32
      %add3A_639 = arith.addi %mul3A_607, %add3A_638 : i32
      %dma_wait3A_640 = arith.constant 1 : i32
      %dma_wait3A_641 = arith.constant 0 : i32
      %dma_wait3A_642 = arith.constant 0 : i32
      %dma_wait3A_643 = tpu.memref_slice %arg9[%dma_wait3A_640, %dma_wait3A_641, %dma_wait3A_642] : memref<3x128x128xbf16, #tpu.memory_space<vmem>> -> memref<1x128x128xbf16, #tpu.memory_space<vmem>>
      %dma_wait3A_644 = tpu.memref_squeeze %dma_wait3A_643 : memref<1x128x128xbf16, #tpu.memory_space<vmem>> -> memref<128x128xbf16, #tpu.memory_space<vmem>>
      %dma_wait3A_645 = arith.constant 0 : i32
      %dma_wait3A_646 = arith.constant 0 : i32
      %dma_wait3A_647 = tpu.memref_slice %arg7[%scan3A, %dma_wait3A_645, %dma_wait3A_646] : memref<1x157x128xi32, #tpu.memory_space<vmem>> -> memref<1x157x128xi32, #tpu.memory_space<vmem>>
      %dma_wait3A_648 = tpu.memref_squeeze %dma_wait3A_647 : memref<1x157x128xi32, #tpu.memory_space<vmem>> -> memref<157x128xi32, #tpu.memory_space<vmem>>
      %dma_wait3A_649 = arith.constant 0 : i32
      %dma_wait3A_650 = tpu.memref_slice %dma_wait3A_648[%add3A_639, %dma_wait3A_649] : memref<157x128xi32, #tpu.memory_space<vmem>> -> memref<1x128xi32, #tpu.memory_space<vmem>>
      %dma_wait3A_651 = tpu.memref_squeeze %dma_wait3A_650 : memref<1x128xi32, #tpu.memory_space<vmem>> -> memref<128xi32, #tpu.memory_space<vmem>>
      %dma_wait3A_652 = arith.constant 0 : i32
      %dma_wait3A_653 = arith.constant 0 : i32
      %dma_wait3A_654 = tpu.memref_slice %arg2[%dma_wait3A_652, %dma_wait3A_653] : memref<20000x128xbf16, #tpu.memory_space<hbm>> -> memref<20000x128xbf16, #tpu.memory_space<hbm>>
      tpu.wait_indirect_dma semaphore(%arg11 : memref<!tpu.dma_semaphore, #tpu.memory_space<semaphore_mem>>) src(%dma_wait3A_654 : memref<20000x128xbf16, #tpu.memory_space<hbm>>) dst(%dma_wait3A_644 : memref<128x128xbf16, #tpu.memory_space<vmem>>)
      %add3A_655 = arith.constant 1 : i32
      %add3A_656 = arith.addi %mul3A_607, %add3A_655 : i32
      %dma_start3A_657 = arith.constant 1 : i32
      %dma_start3A_658 = arith.constant 0 : i32
      %dma_start3A_659 = arith.constant 0 : i32
      %dma_start3A_660 = tpu.memref_slice %arg9[%dma_start3A_657, %dma_start3A_658, %dma_start3A_659] : memref<3x128x128xbf16, #tpu.memory_space<vmem>> -> memref<1x128x128xbf16, #tpu.memory_space<vmem>>
      %dma_start3A_661 = tpu.memref_squeeze %dma_start3A_660 : memref<1x128x128xbf16, #tpu.memory_space<vmem>> -> memref<128x128xbf16, #tpu.memory_space<vmem>>
      %dma_start3A_662 = arith.constant 0 : i32
      %dma_start3A_663 = tpu.memref_slice %arg8[%add3A_656, %dma_start3A_662] : memref<157x128xi32, #tpu.memory_space<vmem>> -> memref<1x128xi32, #tpu.memory_space<vmem>>
      %dma_start3A_664 = tpu.memref_squeeze %dma_start3A_663 : memref<1x128xi32, #tpu.memory_space<vmem>> -> memref<128xi32, #tpu.memory_space<vmem>>
      %dma_start3A_665 = arith.constant 0 : i32
      %dma_start3A_666 = arith.constant 0 : i32
      %dma_start3A_667 = tpu.memref_slice %arg10[%dma_start3A_665, %dma_start3A_666] : memref<10240x128xbf16, #tpu.memory_space<vmem_shared>> -> memref<10240x128xbf16, #tpu.memory_space<vmem_shared>>
      tpu.enqueue_indirect_dma source(%dma_start3A_661 : memref<128x128xbf16, #tpu.memory_space<vmem>>) target(%dma_start3A_667 : memref<10240x128xbf16, #tpu.memory_space<vmem_shared>>) offsets(%dma_start3A_664 : memref<128xi32, #tpu.memory_space<vmem>>) semaphore(%arg12 : memref<!tpu.dma_semaphore, #tpu.memory_space<semaphore_mem>>) {add = true}
      %add3A_668 = arith.constant 2 : i32
      %add3A_669 = arith.addi %mul3A_607, %add3A_668 : i32
      %dma_wait3A_670 = arith.constant 2 : i32
      %dma_wait3A_671 = arith.constant 0 : i32
      %dma_wait3A_672 = arith.constant 0 : i32
      %dma_wait3A_673 = tpu.memref_slice %arg9[%dma_wait3A_670, %dma_wait3A_671, %dma_wait3A_672] : memref<3x128x128xbf16, #tpu.memory_space<vmem>> -> memref<1x128x128xbf16, #tpu.memory_space<vmem>>
      %dma_wait3A_674 = tpu.memref_squeeze %dma_wait3A_673 : memref<1x128x128xbf16, #tpu.memory_space<vmem>> -> memref<128x128xbf16, #tpu.memory_space<vmem>>
      %dma_wait3A_675 = arith.constant 0 : i32
      %dma_wait3A_676 = arith.constant 0 : i32
      %dma_wait3A_677 = tpu.memref_slice %arg7[%scan3A, %dma_wait3A_675, %dma_wait3A_676] : memref<1x157x128xi32, #tpu.memory_space<vmem>> -> memref<1x157x128xi32, #tpu.memory_space<vmem>>
      %dma_wait3A_678 = tpu.memref_squeeze %dma_wait3A_677 : memref<1x157x128xi32, #tpu.memory_space<vmem>> -> memref<157x128xi32, #tpu.memory_space<vmem>>
      %dma_wait3A_679 = arith.constant 0 : i32
      %dma_wait3A_680 = tpu.memref_slice %dma_wait3A_678[%add3A_669, %dma_wait3A_679] : memref<157x128xi32, #tpu.memory_space<vmem>> -> memref<1x128xi32, #tpu.memory_space<vmem>>
      %dma_wait3A_681 = tpu.memref_squeeze %dma_wait3A_680 : memref<1x128xi32, #tpu.memory_space<vmem>> -> memref<128xi32, #tpu.memory_space<vmem>>
      %dma_wait3A_682 = arith.constant 0 : i32
      %dma_wait3A_683 = arith.constant 0 : i32
      %dma_wait3A_684 = tpu.memref_slice %arg2[%dma_wait3A_682, %dma_wait3A_683] : memref<20000x128xbf16, #tpu.memory_space<hbm>> -> memref<20000x128xbf16, #tpu.memory_space<hbm>>
      tpu.wait_indirect_dma semaphore(%arg11 : memref<!tpu.dma_semaphore, #tpu.memory_space<semaphore_mem>>) src(%dma_wait3A_684 : memref<20000x128xbf16, #tpu.memory_space<hbm>>) dst(%dma_wait3A_674 : memref<128x128xbf16, #tpu.memory_space<vmem>>)
      %add3A_685 = arith.constant 2 : i32
      %add3A_686 = arith.addi %mul3A_607, %add3A_685 : i32
      %dma_start3A_687 = arith.constant 2 : i32
      %dma_start3A_688 = arith.constant 0 : i32
      %dma_start3A_689 = arith.constant 0 : i32
      %dma_start3A_690 = tpu.memref_slice %arg9[%dma_start3A_687, %dma_start3A_688, %dma_start3A_689] : memref<3x128x128xbf16, #tpu.memory_space<vmem>> -> memref<1x128x128xbf16, #tpu.memory_space<vmem>>
      %dma_start3A_691 = tpu.memref_squeeze %dma_start3A_690 : memref<1x128x128xbf16, #tpu.memory_space<vmem>> -> memref<128x128xbf16, #tpu.memory_space<vmem>>
      %dma_start3A_692 = arith.constant 0 : i32
      %dma_start3A_693 = tpu.memref_slice %arg8[%add3A_686, %dma_start3A_692] : memref<157x128xi32, #tpu.memory_space<vmem>> -> memref<1x128xi32, #tpu.memory_space<vmem>>
      %dma_start3A_694 = tpu.memref_squeeze %dma_start3A_693 : memref<1x128xi32, #tpu.memory_space<vmem>> -> memref<128xi32, #tpu.memory_space<vmem>>
      %dma_start3A_695 = arith.constant 0 : i32
      %dma_start3A_696 = arith.constant 0 : i32
      %dma_start3A_697 = tpu.memref_slice %arg10[%dma_start3A_695, %dma_start3A_696] : memref<10240x128xbf16, #tpu.memory_space<vmem_shared>> -> memref<10240x128xbf16, #tpu.memory_space<vmem_shared>>
      tpu.enqueue_indirect_dma source(%dma_start3A_691 : memref<128x128xbf16, #tpu.memory_space<vmem>>) target(%dma_start3A_697 : memref<10240x128xbf16, #tpu.memory_space<vmem_shared>>) offsets(%dma_start3A_694 : memref<128xi32, #tpu.memory_space<vmem>>) semaphore(%arg12 : memref<!tpu.dma_semaphore, #tpu.memory_space<semaphore_mem>>) {add = true}
      %add3A_698 = arith.constant 0 : i32
      %add3A_699 = arith.addi %mul3A_607, %add3A_698 : i32
      %dma_wait3A_700 = arith.constant 0 : i32
      %dma_wait3A_701 = arith.constant 0 : i32
      %dma_wait3A_702 = arith.constant 0 : i32
      %dma_wait3A_703 = tpu.memref_slice %arg9[%dma_wait3A_700, %dma_wait3A_701, %dma_wait3A_702] : memref<3x128x128xbf16, #tpu.memory_space<vmem>> -> memref<1x128x128xbf16, #tpu.memory_space<vmem>>
      %dma_wait3A_704 = tpu.memref_squeeze %dma_wait3A_703 : memref<1x128x128xbf16, #tpu.memory_space<vmem>> -> memref<128x128xbf16, #tpu.memory_space<vmem>>
      %dma_wait3A_705 = arith.constant 0 : i32
      %dma_wait3A_706 = tpu.memref_slice %arg8[%add3A_699, %dma_wait3A_705] : memref<157x128xi32, #tpu.memory_space<vmem>> -> memref<1x128xi32, #tpu.memory_space<vmem>>
      %dma_wait3A_707 = tpu.memref_squeeze %dma_wait3A_706 : memref<1x128xi32, #tpu.memory_space<vmem>> -> memref<128xi32, #tpu.memory_space<vmem>>
      %dma_wait3A_708 = arith.constant 0 : i32
      %dma_wait3A_709 = arith.constant 0 : i32
      %dma_wait3A_710 = tpu.memref_slice %arg10[%dma_wait3A_708, %dma_wait3A_709] : memref<10240x128xbf16, #tpu.memory_space<vmem_shared>> -> memref<10240x128xbf16, #tpu.memory_space<vmem_shared>>
      tpu.wait_indirect_dma semaphore(%arg12 : memref<!tpu.dma_semaphore, #tpu.memory_space<semaphore_mem>>) src(%dma_wait3A_704 : memref<128x128xbf16, #tpu.memory_space<vmem>>) dst(%dma_wait3A_710 : memref<10240x128xbf16, #tpu.memory_space<vmem_shared>>)
      %add3A_711 = arith.constant 3 : i32
      %add3A_712 = arith.addi %mul3A_607, %add3A_711 : i32
      %add3A_713 = arith.constant 0 : i32
      %add3A_714 = arith.addi %add3A_712, %add3A_713 : i32
      %min3A = arith.constant 156 : i32
      %min3A_715 = arith.minsi %add3A_714, %min3A : i32
      %dma_start3A_716 = arith.constant 0 : i32
      %dma_start3A_717 = arith.constant 0 : i32
      %dma_start3A_718 = arith.constant 0 : i32
      %dma_start3A_719 = tpu.memref_slice %arg9[%dma_start3A_716, %dma_start3A_717, %dma_start3A_718] : memref<3x128x128xbf16, #tpu.memory_space<vmem>> -> memref<1x128x128xbf16, #tpu.memory_space<vmem>>
      %dma_start3A_720 = tpu.memref_squeeze %dma_start3A_719 : memref<1x128x128xbf16, #tpu.memory_space<vmem>> -> memref<128x128xbf16, #tpu.memory_space<vmem>>
      %dma_start3A_721 = arith.constant 0 : i32
      %dma_start3A_722 = arith.constant 0 : i32
      %dma_start3A_723 = tpu.memref_slice %arg7[%scan3A, %dma_start3A_721, %dma_start3A_722] : memref<1x157x128xi32, #tpu.memory_space<vmem>> -> memref<1x157x128xi32, #tpu.memory_space<vmem>>
      %dma_start3A_724 = tpu.memref_squeeze %dma_start3A_723 : memref<1x157x128xi32, #tpu.memory_space<vmem>> -> memref<157x128xi32, #tpu.memory_space<vmem>>
      %dma_start3A_725 = arith.constant 0 : i32
      %dma_start3A_726 = tpu.memref_slice %dma_start3A_724[%min3A_715, %dma_start3A_725] : memref<157x128xi32, #tpu.memory_space<vmem>> -> memref<1x128xi32, #tpu.memory_space<vmem>>
      %dma_start3A_727 = tpu.memref_squeeze %dma_start3A_726 : memref<1x128xi32, #tpu.memory_space<vmem>> -> memref<128xi32, #tpu.memory_space<vmem>>
      %dma_start3A_728 = arith.constant 0 : i32
      %dma_start3A_729 = arith.constant 0 : i32
      %dma_start3A_730 = tpu.memref_slice %arg2[%dma_start3A_728, %dma_start3A_729] : memref<20000x128xbf16, #tpu.memory_space<hbm>> -> memref<20000x128xbf16, #tpu.memory_space<hbm>>
      tpu.enqueue_indirect_dma source(%dma_start3A_730 : memref<20000x128xbf16, #tpu.memory_space<hbm>>) target(%dma_start3A_720 : memref<128x128xbf16, #tpu.memory_space<vmem>>) offsets(%dma_start3A_727 : memref<128xi32, #tpu.memory_space<vmem>>) semaphore(%arg11 : memref<!tpu.dma_semaphore, #tpu.memory_space<semaphore_mem>>)
      %add3A_731 = arith.constant 1 : i32
      %add3A_732 = arith.addi %mul3A_607, %add3A_731 : i32
      %dma_wait3A_733 = arith.constant 1 : i32
      %dma_wait3A_734 = arith.constant 0 : i32
      %dma_wait3A_735 = arith.constant 0 : i32
      %dma_wait3A_736 = tpu.memref_slice %arg9[%dma_wait3A_733, %dma_wait3A_734, %dma_wait3A_735] : memref<3x128x128xbf16, #tpu.memory_space<vmem>> -> memref<1x128x128xbf16, #tpu.memory_space<vmem>>
      %dma_wait3A_737 = tpu.memref_squeeze %dma_wait3A_736 : memref<1x128x128xbf16, #tpu.memory_space<vmem>> -> memref<128x128xbf16, #tpu.memory_space<vmem>>
      %dma_wait3A_738 = arith.constant 0 : i32
      %dma_wait3A_739 = tpu.memref_slice %arg8[%add3A_732, %dma_wait3A_738] : memref<157x128xi32, #tpu.memory_space<vmem>> -> memref<1x128xi32, #tpu.memory_space<vmem>>
      %dma_wait3A_740 = tpu.memref_squeeze %dma_wait3A_739 : memref<1x128xi32, #tpu.memory_space<vmem>> -> memref<128xi32, #tpu.memory_space<vmem>>
      %dma_wait3A_741 = arith.constant 0 : i32
      %dma_wait3A_742 = arith.constant 0 : i32
      %dma_wait3A_743 = tpu.memref_slice %arg10[%dma_wait3A_741, %dma_wait3A_742] : memref<10240x128xbf16, #tpu.memory_space<vmem_shared>> -> memref<10240x128xbf16, #tpu.memory_space<vmem_shared>>
      tpu.wait_indirect_dma semaphore(%arg12 : memref<!tpu.dma_semaphore, #tpu.memory_space<semaphore_mem>>) src(%dma_wait3A_737 : memref<128x128xbf16, #tpu.memory_space<vmem>>) dst(%dma_wait3A_743 : memref<10240x128xbf16, #tpu.memory_space<vmem_shared>>)
      %add3A_744 = arith.constant 3 : i32
      %add3A_745 = arith.addi %mul3A_607, %add3A_744 : i32
      %add3A_746 = arith.constant 1 : i32
      %add3A_747 = arith.addi %add3A_745, %add3A_746 : i32
      %min3A_748 = arith.constant 156 : i32
      %min3A_749 = arith.minsi %add3A_747, %min3A_748 : i32
      %dma_start3A_750 = arith.constant 1 : i32
      %dma_start3A_751 = arith.constant 0 : i32
      %dma_start3A_752 = arith.constant 0 : i32
      %dma_start3A_753 = tpu.memref_slice %arg9[%dma_start3A_750, %dma_start3A_751, %dma_start3A_752] : memref<3x128x128xbf16, #tpu.memory_space<vmem>> -> memref<1x128x128xbf16, #tpu.memory_space<vmem>>
      %dma_start3A_754 = tpu.memref_squeeze %dma_start3A_753 : memref<1x128x128xbf16, #tpu.memory_space<vmem>> -> memref<128x128xbf16, #tpu.memory_space<vmem>>
      %dma_start3A_755 = arith.constant 0 : i32
      %dma_start3A_756 = arith.constant 0 : i32
      %dma_start3A_757 = tpu.memref_slice %arg7[%scan3A, %dma_start3A_755, %dma_start3A_756] : memref<1x157x128xi32, #tpu.memory_space<vmem>> -> memref<1x157x128xi32, #tpu.memory_space<vmem>>
      %dma_start3A_758 = tpu.memref_squeeze %dma_start3A_757 : memref<1x157x128xi32, #tpu.memory_space<vmem>> -> memref<157x128xi32, #tpu.memory_space<vmem>>
      %dma_start3A_759 = arith.constant 0 : i32
      %dma_start3A_760 = tpu.memref_slice %dma_start3A_758[%min3A_749, %dma_start3A_759] : memref<157x128xi32, #tpu.memory_space<vmem>> -> memref<1x128xi32, #tpu.memory_space<vmem>>
      %dma_start3A_761 = tpu.memref_squeeze %dma_start3A_760 : memref<1x128xi32, #tpu.memory_space<vmem>> -> memref<128xi32, #tpu.memory_space<vmem>>
      %dma_start3A_762 = arith.constant 0 : i32
      %dma_start3A_763 = arith.constant 0 : i32
      %dma_start3A_764 = tpu.memref_slice %arg2[%dma_start3A_762, %dma_start3A_763] : memref<20000x128xbf16, #tpu.memory_space<hbm>> -> memref<20000x128xbf16, #tpu.memory_space<hbm>>
      tpu.enqueue_indirect_dma source(%dma_start3A_764 : memref<20000x128xbf16, #tpu.memory_space<hbm>>) target(%dma_start3A_754 : memref<128x128xbf16, #tpu.memory_space<vmem>>) offsets(%dma_start3A_761 : memref<128xi32, #tpu.memory_space<vmem>>) semaphore(%arg11 : memref<!tpu.dma_semaphore, #tpu.memory_space<semaphore_mem>>)
      %add3A_765 = arith.constant 2 : i32
      %add3A_766 = arith.addi %mul3A_607, %add3A_765 : i32
      %dma_wait3A_767 = arith.constant 2 : i32
      %dma_wait3A_768 = arith.constant 0 : i32
      %dma_wait3A_769 = arith.constant 0 : i32
      %dma_wait3A_770 = tpu.memref_slice %arg9[%dma_wait3A_767, %dma_wait3A_768, %dma_wait3A_769] : memref<3x128x128xbf16, #tpu.memory_space<vmem>> -> memref<1x128x128xbf16, #tpu.memory_space<vmem>>
      %dma_wait3A_771 = tpu.memref_squeeze %dma_wait3A_770 : memref<1x128x128xbf16, #tpu.memory_space<vmem>> -> memref<128x128xbf16, #tpu.memory_space<vmem>>
      %dma_wait3A_772 = arith.constant 0 : i32
      %dma_wait3A_773 = tpu.memref_slice %arg8[%add3A_766, %dma_wait3A_772] : memref<157x128xi32, #tpu.memory_space<vmem>> -> memref<1x128xi32, #tpu.memory_space<vmem>>
      %dma_wait3A_774 = tpu.memref_squeeze %dma_wait3A_773 : memref<1x128xi32, #tpu.memory_space<vmem>> -> memref<128xi32, #tpu.memory_space<vmem>>
      %dma_wait3A_775 = arith.constant 0 : i32
      %dma_wait3A_776 = arith.constant 0 : i32
      %dma_wait3A_777 = tpu.memref_slice %arg10[%dma_wait3A_775, %dma_wait3A_776] : memref<10240x128xbf16, #tpu.memory_space<vmem_shared>> -> memref<10240x128xbf16, #tpu.memory_space<vmem_shared>>
      tpu.wait_indirect_dma semaphore(%arg12 : memref<!tpu.dma_semaphore, #tpu.memory_space<semaphore_mem>>) src(%dma_wait3A_771 : memref<128x128xbf16, #tpu.memory_space<vmem>>) dst(%dma_wait3A_777 : memref<10240x128xbf16, #tpu.memory_space<vmem_shared>>)
      %add3A_778 = arith.constant 3 : i32
      %add3A_779 = arith.addi %mul3A_607, %add3A_778 : i32
      %add3A_780 = arith.constant 2 : i32
      %add3A_781 = arith.addi %add3A_779, %add3A_780 : i32
      %min3A_782 = arith.constant 156 : i32
      %min3A_783 = arith.minsi %add3A_781, %min3A_782 : i32
      %dma_start3A_784 = arith.constant 2 : i32
      %dma_start3A_785 = arith.constant 0 : i32
      %dma_start3A_786 = arith.constant 0 : i32
      %dma_start3A_787 = tpu.memref_slice %arg9[%dma_start3A_784, %dma_start3A_785, %dma_start3A_786] : memref<3x128x128xbf16, #tpu.memory_space<vmem>> -> memref<1x128x128xbf16, #tpu.memory_space<vmem>>
      %dma_start3A_788 = tpu.memref_squeeze %dma_start3A_787 : memref<1x128x128xbf16, #tpu.memory_space<vmem>> -> memref<128x128xbf16, #tpu.memory_space<vmem>>
      %dma_start3A_789 = arith.constant 0 : i32
      %dma_start3A_790 = arith.constant 0 : i32
      %dma_start3A_791 = tpu.memref_slice %arg7[%scan3A, %dma_start3A_789, %dma_start3A_790] : memref<1x157x128xi32, #tpu.memory_space<vmem>> -> memref<1x157x128xi32, #tpu.memory_space<vmem>>
      %dma_start3A_792 = tpu.memref_squeeze %dma_start3A_791 : memref<1x157x128xi32, #tpu.memory_space<vmem>> -> memref<157x128xi32, #tpu.memory_space<vmem>>
      %dma_start3A_793 = arith.constant 0 : i32
      %dma_start3A_794 = tpu.memref_slice %dma_start3A_792[%min3A_783, %dma_start3A_793] : memref<157x128xi32, #tpu.memory_space<vmem>> -> memref<1x128xi32, #tpu.memory_space<vmem>>
      %dma_start3A_795 = tpu.memref_squeeze %dma_start3A_794 : memref<1x128xi32, #tpu.memory_space<vmem>> -> memref<128xi32, #tpu.memory_space<vmem>>
      %dma_start3A_796 = arith.constant 0 : i32
      %dma_start3A_797 = arith.constant 0 : i32
      %dma_start3A_798 = tpu.memref_slice %arg2[%dma_start3A_796, %dma_start3A_797] : memref<20000x128xbf16, #tpu.memory_space<hbm>> -> memref<20000x128xbf16, #tpu.memory_space<hbm>>
      tpu.enqueue_indirect_dma source(%dma_start3A_798 : memref<20000x128xbf16, #tpu.memory_space<hbm>>) target(%dma_start3A_788 : memref<128x128xbf16, #tpu.memory_space<vmem>>) offsets(%dma_start3A_795 : memref<128xi32, #tpu.memory_space<vmem>>) semaphore(%arg11 : memref<!tpu.dma_semaphore, #tpu.memory_space<semaphore_mem>>)
      %scan3A_799 = arith.constant 0 : i32
      scf.yield %scan3A_799 : i32
    }
    %scan3A_206 = arith.constant 52 : i32
    %dma_wait3A_207 = arith.constant 0 : i32
    %dma_wait3A_208 = arith.constant 156 : i32
    %dma_wait3A_209 = arith.constant 0 : i32
    %dma_wait3A_210 = arith.constant 0 : i32
    %dma_wait3A_211 = arith.constant 0 : i32
    %dma_wait3A_212 = tpu.memref_slice %arg9[%dma_wait3A_209, %dma_wait3A_210, %dma_wait3A_211] : memref<3x128x128xbf16, #tpu.memory_space<vmem>> -> memref<1x128x128xbf16, #tpu.memory_space<vmem>>
    %dma_wait3A_213 = tpu.memref_squeeze %dma_wait3A_212 : memref<1x128x128xbf16, #tpu.memory_space<vmem>> -> memref<128x128xbf16, #tpu.memory_space<vmem>>
    %dma_wait3A_214 = arith.constant 0 : i32
    %dma_wait3A_215 = arith.constant 0 : i32
    %dma_wait3A_216 = tpu.memref_slice %arg7[%dma_wait3A_207, %dma_wait3A_214, %dma_wait3A_215] : memref<1x157x128xi32, #tpu.memory_space<vmem>> -> memref<1x157x128xi32, #tpu.memory_space<vmem>>
    %dma_wait3A_217 = tpu.memref_squeeze %dma_wait3A_216 : memref<1x157x128xi32, #tpu.memory_space<vmem>> -> memref<157x128xi32, #tpu.memory_space<vmem>>
    %dma_wait3A_218 = arith.constant 0 : i32
    %dma_wait3A_219 = tpu.memref_slice %dma_wait3A_217[%dma_wait3A_208, %dma_wait3A_218] : memref<157x128xi32, #tpu.memory_space<vmem>> -> memref<1x128xi32, #tpu.memory_space<vmem>>
    %dma_wait3A_220 = tpu.memref_squeeze %dma_wait3A_219 : memref<1x128xi32, #tpu.memory_space<vmem>> -> memref<128xi32, #tpu.memory_space<vmem>>
    %dma_wait3A_221 = arith.constant 0 : i32
    %dma_wait3A_222 = arith.constant 0 : i32
    %dma_wait3A_223 = tpu.memref_slice %arg2[%dma_wait3A_221, %dma_wait3A_222] : memref<20000x128xbf16, #tpu.memory_space<hbm>> -> memref<20000x128xbf16, #tpu.memory_space<hbm>>
    tpu.wait_indirect_dma semaphore(%arg11 : memref<!tpu.dma_semaphore, #tpu.memory_space<semaphore_mem>>) src(%dma_wait3A_223 : memref<20000x128xbf16, #tpu.memory_space<hbm>>) dst(%dma_wait3A_213 : memref<128x128xbf16, #tpu.memory_space<vmem>>)
    %dma_start3A_224 = arith.constant 0 : i32
    %dma_start3A_225 = arith.constant 156 : i32
    %dma_start3A_226 = arith.constant 0 : i32
    %dma_start3A_227 = arith.constant 0 : i32
    %dma_start3A_228 = tpu.memref_slice %arg9[%dma_start3A_224, %dma_start3A_226, %dma_start3A_227] : memref<3x128x128xbf16, #tpu.memory_space<vmem>> -> memref<1x128x128xbf16, #tpu.memory_space<vmem>>
    %dma_start3A_229 = tpu.memref_squeeze %dma_start3A_228 : memref<1x128x128xbf16, #tpu.memory_space<vmem>> -> memref<128x128xbf16, #tpu.memory_space<vmem>>
    %dma_start3A_230 = arith.constant 0 : i32
    %dma_start3A_231 = tpu.memref_slice %arg8[%dma_start3A_225, %dma_start3A_230] : memref<157x128xi32, #tpu.memory_space<vmem>> -> memref<1x128xi32, #tpu.memory_space<vmem>>
    %dma_start3A_232 = tpu.memref_squeeze %dma_start3A_231 : memref<1x128xi32, #tpu.memory_space<vmem>> -> memref<128xi32, #tpu.memory_space<vmem>>
    %dma_start3A_233 = arith.constant 0 : i32
    %dma_start3A_234 = arith.constant 0 : i32
    %dma_start3A_235 = tpu.memref_slice %arg10[%dma_start3A_233, %dma_start3A_234] : memref<10240x128xbf16, #tpu.memory_space<vmem_shared>> -> memref<10240x128xbf16, #tpu.memory_space<vmem_shared>>
    tpu.enqueue_indirect_dma source(%dma_start3A_229 : memref<128x128xbf16, #tpu.memory_space<vmem>>) target(%dma_start3A_235 : memref<10240x128xbf16, #tpu.memory_space<vmem_shared>>) offsets(%dma_start3A_232 : memref<128xi32, #tpu.memory_space<vmem>>) semaphore(%arg12 : memref<!tpu.dma_semaphore, #tpu.memory_space<semaphore_mem>>) {add = true}
    %dma_wait3A_236 = arith.constant 0 : i32
    %dma_wait3A_237 = arith.constant 156 : i32
    %dma_wait3A_238 = arith.constant 0 : i32
    %dma_wait3A_239 = arith.constant 0 : i32
    %dma_wait3A_240 = tpu.memref_slice %arg9[%dma_wait3A_236, %dma_wait3A_238, %dma_wait3A_239] : memref<3x128x128xbf16, #tpu.memory_space<vmem>> -> memref<1x128x128xbf16, #tpu.memory_space<vmem>>
    %dma_wait3A_241 = tpu.memref_squeeze %dma_wait3A_240 : memref<1x128x128xbf16, #tpu.memory_space<vmem>> -> memref<128x128xbf16, #tpu.memory_space<vmem>>
    %dma_wait3A_242 = arith.constant 0 : i32
    %dma_wait3A_243 = tpu.memref_slice %arg8[%dma_wait3A_237, %dma_wait3A_242] : memref<157x128xi32, #tpu.memory_space<vmem>> -> memref<1x128xi32, #tpu.memory_space<vmem>>
    %dma_wait3A_244 = tpu.memref_squeeze %dma_wait3A_243 : memref<1x128xi32, #tpu.memory_space<vmem>> -> memref<128xi32, #tpu.memory_space<vmem>>
    %dma_wait3A_245 = arith.constant 0 : i32
    %dma_wait3A_246 = arith.constant 0 : i32
    %dma_wait3A_247 = tpu.memref_slice %arg10[%dma_wait3A_245, %dma_wait3A_246] : memref<10240x128xbf16, #tpu.memory_space<vmem_shared>> -> memref<10240x128xbf16, #tpu.memory_space<vmem_shared>>
    tpu.wait_indirect_dma semaphore(%arg12 : memref<!tpu.dma_semaphore, #tpu.memory_space<semaphore_mem>>) src(%dma_wait3A_241 : memref<128x128xbf16, #tpu.memory_space<vmem>>) dst(%dma_wait3A_247 : memref<10240x128xbf16, #tpu.memory_space<vmem_shared>>)
    %dma_wait3A_248 = arith.constant 0 : i32
    %dma_wait3A_249 = arith.constant 156 : i32
    %dma_wait3A_250 = arith.constant 1 : i32
    %dma_wait3A_251 = arith.constant 0 : i32
    %dma_wait3A_252 = arith.constant 0 : i32
    %dma_wait3A_253 = tpu.memref_slice %arg9[%dma_wait3A_250, %dma_wait3A_251, %dma_wait3A_252] : memref<3x128x128xbf16, #tpu.memory_space<vmem>> -> memref<1x128x128xbf16, #tpu.memory_space<vmem>>
    %dma_wait3A_254 = tpu.memref_squeeze %dma_wait3A_253 : memref<1x128x128xbf16, #tpu.memory_space<vmem>> -> memref<128x128xbf16, #tpu.memory_space<vmem>>
    %dma_wait3A_255 = arith.constant 0 : i32
    %dma_wait3A_256 = arith.constant 0 : i32
    %dma_wait3A_257 = tpu.memref_slice %arg7[%dma_wait3A_248, %dma_wait3A_255, %dma_wait3A_256] : memref<1x157x128xi32, #tpu.memory_space<vmem>> -> memref<1x157x128xi32, #tpu.memory_space<vmem>>
    %dma_wait3A_258 = tpu.memref_squeeze %dma_wait3A_257 : memref<1x157x128xi32, #tpu.memory_space<vmem>> -> memref<157x128xi32, #tpu.memory_space<vmem>>
    %dma_wait3A_259 = arith.constant 0 : i32
    %dma_wait3A_260 = tpu.memref_slice %dma_wait3A_258[%dma_wait3A_249, %dma_wait3A_259] : memref<157x128xi32, #tpu.memory_space<vmem>> -> memref<1x128xi32, #tpu.memory_space<vmem>>
    %dma_wait3A_261 = tpu.memref_squeeze %dma_wait3A_260 : memref<1x128xi32, #tpu.memory_space<vmem>> -> memref<128xi32, #tpu.memory_space<vmem>>
    %dma_wait3A_262 = arith.constant 0 : i32
    %dma_wait3A_263 = arith.constant 0 : i32
    %dma_wait3A_264 = tpu.memref_slice %arg2[%dma_wait3A_262, %dma_wait3A_263] : memref<20000x128xbf16, #tpu.memory_space<hbm>> -> memref<20000x128xbf16, #tpu.memory_space<hbm>>
    tpu.wait_indirect_dma semaphore(%arg11 : memref<!tpu.dma_semaphore, #tpu.memory_space<semaphore_mem>>) src(%dma_wait3A_264 : memref<20000x128xbf16, #tpu.memory_space<hbm>>) dst(%dma_wait3A_254 : memref<128x128xbf16, #tpu.memory_space<vmem>>)
    %dma_wait3A_265 = arith.constant 0 : i32
    %dma_wait3A_266 = arith.constant 156 : i32
    %dma_wait3A_267 = arith.constant 2 : i32
    %dma_wait3A_268 = arith.constant 0 : i32
    %dma_wait3A_269 = arith.constant 0 : i32
    %dma_wait3A_270 = tpu.memref_slice %arg9[%dma_wait3A_267, %dma_wait3A_268, %dma_wait3A_269] : memref<3x128x128xbf16, #tpu.memory_space<vmem>> -> memref<1x128x128xbf16, #tpu.memory_space<vmem>>
    %dma_wait3A_271 = tpu.memref_squeeze %dma_wait3A_270 : memref<1x128x128xbf16, #tpu.memory_space<vmem>> -> memref<128x128xbf16, #tpu.memory_space<vmem>>
    %dma_wait3A_272 = arith.constant 0 : i32
    %dma_wait3A_273 = arith.constant 0 : i32
    %dma_wait3A_274 = tpu.memref_slice %arg7[%dma_wait3A_265, %dma_wait3A_272, %dma_wait3A_273] : memref<1x157x128xi32, #tpu.memory_space<vmem>> -> memref<1x157x128xi32, #tpu.memory_space<vmem>>
    %dma_wait3A_275 = tpu.memref_squeeze %dma_wait3A_274 : memref<1x157x128xi32, #tpu.memory_space<vmem>> -> memref<157x128xi32, #tpu.memory_space<vmem>>
    %dma_wait3A_276 = arith.constant 0 : i32
    %dma_wait3A_277 = tpu.memref_slice %dma_wait3A_275[%dma_wait3A_266, %dma_wait3A_276] : memref<157x128xi32, #tpu.memory_space<vmem>> -> memref<1x128xi32, #tpu.memory_space<vmem>>
    %dma_wait3A_278 = tpu.memref_squeeze %dma_wait3A_277 : memref<1x128xi32, #tpu.memory_space<vmem>> -> memref<128xi32, #tpu.memory_space<vmem>>
    %dma_wait3A_279 = arith.constant 0 : i32
    %dma_wait3A_280 = arith.constant 0 : i32
    %dma_wait3A_281 = tpu.memref_slice %arg2[%dma_wait3A_279, %dma_wait3A_280] : memref<20000x128xbf16, #tpu.memory_space<hbm>> -> memref<20000x128xbf16, #tpu.memory_space<hbm>>
    tpu.wait_indirect_dma semaphore(%arg11 : memref<!tpu.dma_semaphore, #tpu.memory_space<semaphore_mem>>) src(%dma_wait3A_281 : memref<20000x128xbf16, #tpu.memory_space<hbm>>) dst(%dma_wait3A_271 : memref<128x128xbf16, #tpu.memory_space<vmem>>)
    %barrier3A_282 = arith.constant 0 : index
    tpu.barrier barrier_id(%barrier3A_282)
    %add3A_283 = arith.constant 0 : i32
    %add3A_284 = arith.addi %mul3A_0, %add3A_283 : i32
    %dma_start3A_285 = arith.constant 0 : i32
    %dma_start3A_286 = arith.constant 0 : i32
    %dma_start3A_287 = arith.constant 0 : i32
    %dma_start3A_288 = tpu.memref_slice %arg9[%dma_start3A_285, %dma_start3A_286, %dma_start3A_287] : memref<3x128x128xbf16, #tpu.memory_space<vmem>> -> memref<1x128x128xbf16, #tpu.memory_space<vmem>>
    %dma_start3A_289 = tpu.memref_squeeze %dma_start3A_288 : memref<1x128x128xbf16, #tpu.memory_space<vmem>> -> memref<128x128xbf16, #tpu.memory_space<vmem>>
    %dma_start3A_290 = arith.constant 0 : i32
    %dma_start3A_291 = tpu.memref_slice %arg10[%add3A_284, %dma_start3A_290] : memref<10240x128xbf16, #tpu.memory_space<vmem_shared>> -> memref<128x128xbf16, #tpu.memory_space<vmem_shared>>
    %dma_start3A_292 = arith.constant 0 : i32
    %dma_start3A_293 = arith.constant 0 : i32
    %dma_start3A_294 = tpu.memref_slice %arg9[%dma_start3A_285, %dma_start3A_292, %dma_start3A_293] : memref<3x128x128xbf16, #tpu.memory_space<vmem>> -> memref<1x128x128xbf16, #tpu.memory_space<vmem>>
    %dma_start3A_295 = tpu.memref_squeeze %dma_start3A_294 : memref<1x128x128xbf16, #tpu.memory_space<vmem>> -> memref<128x128xbf16, #tpu.memory_space<vmem>>
    %dma_start3A_296 = arith.constant 0 : i32
    %dma_start3A_297 = tpu.memref_slice %arg10[%add3A_284, %dma_start3A_296] : memref<10240x128xbf16, #tpu.memory_space<vmem_shared>> -> memref<128x128xbf16, #tpu.memory_space<vmem_shared>>
    tpu.enqueue_dma source(%dma_start3A_297 : memref<128x128xbf16, #tpu.memory_space<vmem_shared>>) target(%dma_start3A_295 : memref<128x128xbf16, #tpu.memory_space<vmem>>) target_semaphore(%arg11 : memref<!tpu.dma_semaphore, #tpu.memory_space<semaphore_mem>>)
    %add3A_298 = arith.constant 0 : i32
    %add3A_299 = arith.addi %mul3A_0, %add3A_298 : i32
    %dma_wait3A_300 = arith.constant 0 : i32
    %dma_wait3A_301 = arith.constant 0 : i32
    %dma_wait3A_302 = arith.constant 0 : i32
    %dma_wait3A_303 = tpu.memref_slice %arg9[%dma_wait3A_300, %dma_wait3A_301, %dma_wait3A_302] : memref<3x128x128xbf16, #tpu.memory_space<vmem>> -> memref<1x128x128xbf16, #tpu.memory_space<vmem>>
    %dma_wait3A_304 = tpu.memref_squeeze %dma_wait3A_303 : memref<1x128x128xbf16, #tpu.memory_space<vmem>> -> memref<128x128xbf16, #tpu.memory_space<vmem>>
    %dma_wait3A_305 = arith.constant 0 : i32
    %dma_wait3A_306 = tpu.memref_slice %arg10[%add3A_299, %dma_wait3A_305] : memref<10240x128xbf16, #tpu.memory_space<vmem_shared>> -> memref<128x128xbf16, #tpu.memory_space<vmem_shared>>
    %dma_wait3A_307 = arith.constant 0 : i32
    %dma_wait3A_308 = arith.constant 0 : i32
    %dma_wait3A_309 = tpu.memref_slice %arg9[%dma_wait3A_300, %dma_wait3A_307, %dma_wait3A_308] : memref<3x128x128xbf16, #tpu.memory_space<vmem>> -> memref<1x128x128xbf16, #tpu.memory_space<vmem>>
    %dma_wait3A_310 = tpu.memref_squeeze %dma_wait3A_309 : memref<1x128x128xbf16, #tpu.memory_space<vmem>> -> memref<128x128xbf16, #tpu.memory_space<vmem>>
    %dma_wait3A_311 = arith.constant 0 : i32
    %dma_wait3A_312 = tpu.memref_slice %arg10[%add3A_299, %dma_wait3A_311] : memref<10240x128xbf16, #tpu.memory_space<vmem_shared>> -> memref<128x128xbf16, #tpu.memory_space<vmem_shared>>
    tpu.wait_dma2 semaphore(%arg11 : memref<!tpu.dma_semaphore, #tpu.memory_space<semaphore_mem>>) src(%dma_wait3A_312 : memref<128x128xbf16, #tpu.memory_space<vmem_shared>>) dst(%dma_wait3A_310 : memref<128x128xbf16, #tpu.memory_space<vmem>>)
    %add3A_313 = arith.constant 0 : i32
    %add3A_314 = arith.addi %mul3A_0, %add3A_313 : i32
    %dma_start3A_315 = arith.constant 0 : i32
    %dma_start3A_316 = arith.constant 0 : i32
    %dma_start3A_317 = arith.constant 0 : i32
    %dma_start3A_318 = tpu.memref_slice %arg9[%dma_start3A_315, %dma_start3A_316, %dma_start3A_317] : memref<3x128x128xbf16, #tpu.memory_space<vmem>> -> memref<1x128x128xbf16, #tpu.memory_space<vmem>>
    %dma_start3A_319 = tpu.memref_squeeze %dma_start3A_318 : memref<1x128x128xbf16, #tpu.memory_space<vmem>> -> memref<128x128xbf16, #tpu.memory_space<vmem>>
    %dma_start3A_320 = arith.constant 0 : i32
    %dma_start3A_321 = tpu.memref_slice %arg6[%add3A_314, %arg0, %dma_start3A_320] : memref<10240x2x128xbf16, #tpu.memory_space<hbm>> -> memref<128x1x128xbf16, #tpu.memory_space<hbm>>
    %dma_start3A_322 = tpu.memref_squeeze %dma_start3A_321 : memref<128x1x128xbf16, #tpu.memory_space<hbm>> -> memref<128x128xbf16, #tpu.memory_space<hbm>>
    %dma_start3A_323 = arith.constant 0 : i32
    %dma_start3A_324 = tpu.memref_slice %arg6[%add3A_314, %arg0, %dma_start3A_323] : memref<10240x2x128xbf16, #tpu.memory_space<hbm>> -> memref<128x1x128xbf16, #tpu.memory_space<hbm>>
    %dma_start3A_325 = tpu.memref_squeeze %dma_start3A_324 : memref<128x1x128xbf16, #tpu.memory_space<hbm>> -> memref<128x128xbf16, #tpu.memory_space<hbm>>
    %dma_start3A_326 = arith.constant 0 : i32
    %dma_start3A_327 = arith.constant 0 : i32
    %dma_start3A_328 = tpu.memref_slice %arg9[%dma_start3A_315, %dma_start3A_326, %dma_start3A_327] : memref<3x128x128xbf16, #tpu.memory_space<vmem>> -> memref<1x128x128xbf16, #tpu.memory_space<vmem>>
    %dma_start3A_329 = tpu.memref_squeeze %dma_start3A_328 : memref<1x128x128xbf16, #tpu.memory_space<vmem>> -> memref<128x128xbf16, #tpu.memory_space<vmem>>
    tpu.enqueue_dma source(%dma_start3A_329 : memref<128x128xbf16, #tpu.memory_space<vmem>>) target(%dma_start3A_325 : memref<128x128xbf16, #tpu.memory_space<hbm>>) target_semaphore(%arg12 : memref<!tpu.dma_semaphore, #tpu.memory_space<semaphore_mem>>)
    %add3A_330 = arith.constant 128 : i32
    %add3A_331 = arith.addi %mul3A_0, %add3A_330 : i32
    %dma_start3A_332 = arith.constant 1 : i32
    %dma_start3A_333 = arith.constant 0 : i32
    %dma_start3A_334 = arith.constant 0 : i32
    %dma_start3A_335 = tpu.memref_slice %arg9[%dma_start3A_332, %dma_start3A_333, %dma_start3A_334] : memref<3x128x128xbf16, #tpu.memory_space<vmem>> -> memref<1x128x128xbf16, #tpu.memory_space<vmem>>
    %dma_start3A_336 = tpu.memref_squeeze %dma_start3A_335 : memref<1x128x128xbf16, #tpu.memory_space<vmem>> -> memref<128x128xbf16, #tpu.memory_space<vmem>>
    %dma_start3A_337 = arith.constant 0 : i32
    %dma_start3A_338 = tpu.memref_slice %arg10[%add3A_331, %dma_start3A_337] : memref<10240x128xbf16, #tpu.memory_space<vmem_shared>> -> memref<128x128xbf16, #tpu.memory_space<vmem_shared>>
    %dma_start3A_339 = arith.constant 0 : i32
    %dma_start3A_340 = arith.constant 0 : i32
    %dma_start3A_341 = tpu.memref_slice %arg9[%dma_start3A_332, %dma_start3A_339, %dma_start3A_340] : memref<3x128x128xbf16, #tpu.memory_space<vmem>> -> memref<1x128x128xbf16, #tpu.memory_space<vmem>>
    %dma_start3A_342 = tpu.memref_squeeze %dma_start3A_341 : memref<1x128x128xbf16, #tpu.memory_space<vmem>> -> memref<128x128xbf16, #tpu.memory_space<vmem>>
    %dma_start3A_343 = arith.constant 0 : i32
    %dma_start3A_344 = tpu.memref_slice %arg10[%add3A_331, %dma_start3A_343] : memref<10240x128xbf16, #tpu.memory_space<vmem_shared>> -> memref<128x128xbf16, #tpu.memory_space<vmem_shared>>
    tpu.enqueue_dma source(%dma_start3A_344 : memref<128x128xbf16, #tpu.memory_space<vmem_shared>>) target(%dma_start3A_342 : memref<128x128xbf16, #tpu.memory_space<vmem>>) target_semaphore(%arg11 : memref<!tpu.dma_semaphore, #tpu.memory_space<semaphore_mem>>)
    %add3A_345 = arith.constant 128 : i32
    %add3A_346 = arith.addi %mul3A_0, %add3A_345 : i32
    %dma_wait3A_347 = arith.constant 1 : i32
    %dma_wait3A_348 = arith.constant 0 : i32
    %dma_wait3A_349 = arith.constant 0 : i32
    %dma_wait3A_350 = tpu.memref_slice %arg9[%dma_wait3A_347, %dma_wait3A_348, %dma_wait3A_349] : memref<3x128x128xbf16, #tpu.memory_space<vmem>> -> memref<1x128x128xbf16, #tpu.memory_space<vmem>>
    %dma_wait3A_351 = tpu.memref_squeeze %dma_wait3A_350 : memref<1x128x128xbf16, #tpu.memory_space<vmem>> -> memref<128x128xbf16, #tpu.memory_space<vmem>>
    %dma_wait3A_352 = arith.constant 0 : i32
    %dma_wait3A_353 = tpu.memref_slice %arg10[%add3A_346, %dma_wait3A_352] : memref<10240x128xbf16, #tpu.memory_space<vmem_shared>> -> memref<128x128xbf16, #tpu.memory_space<vmem_shared>>
    %dma_wait3A_354 = arith.constant 0 : i32
    %dma_wait3A_355 = arith.constant 0 : i32
    %dma_wait3A_356 = tpu.memref_slice %arg9[%dma_wait3A_347, %dma_wait3A_354, %dma_wait3A_355] : memref<3x128x128xbf16, #tpu.memory_space<vmem>> -> memref<1x128x128xbf16, #tpu.memory_space<vmem>>
    %dma_wait3A_357 = tpu.memref_squeeze %dma_wait3A_356 : memref<1x128x128xbf16, #tpu.memory_space<vmem>> -> memref<128x128xbf16, #tpu.memory_space<vmem>>
    %dma_wait3A_358 = arith.constant 0 : i32
    %dma_wait3A_359 = tpu.memref_slice %arg10[%add3A_346, %dma_wait3A_358] : memref<10240x128xbf16, #tpu.memory_space<vmem_shared>> -> memref<128x128xbf16, #tpu.memory_space<vmem_shared>>
    tpu.wait_dma2 semaphore(%arg11 : memref<!tpu.dma_semaphore, #tpu.memory_space<semaphore_mem>>) src(%dma_wait3A_359 : memref<128x128xbf16, #tpu.memory_space<vmem_shared>>) dst(%dma_wait3A_357 : memref<128x128xbf16, #tpu.memory_space<vmem>>)
    %add3A_360 = arith.constant 128 : i32
    %add3A_361 = arith.addi %mul3A_0, %add3A_360 : i32
    %dma_start3A_362 = arith.constant 1 : i32
    %dma_start3A_363 = arith.constant 0 : i32
    %dma_start3A_364 = arith.constant 0 : i32
    %dma_start3A_365 = tpu.memref_slice %arg9[%dma_start3A_362, %dma_start3A_363, %dma_start3A_364] : memref<3x128x128xbf16, #tpu.memory_space<vmem>> -> memref<1x128x128xbf16, #tpu.memory_space<vmem>>
    %dma_start3A_366 = tpu.memref_squeeze %dma_start3A_365 : memref<1x128x128xbf16, #tpu.memory_space<vmem>> -> memref<128x128xbf16, #tpu.memory_space<vmem>>
    %dma_start3A_367 = arith.constant 0 : i32
    %dma_start3A_368 = tpu.memref_slice %arg6[%add3A_361, %arg0, %dma_start3A_367] : memref<10240x2x128xbf16, #tpu.memory_space<hbm>> -> memref<128x1x128xbf16, #tpu.memory_space<hbm>>
    %dma_start3A_369 = tpu.memref_squeeze %dma_start3A_368 : memref<128x1x128xbf16, #tpu.memory_space<hbm>> -> memref<128x128xbf16, #tpu.memory_space<hbm>>
    %dma_start3A_370 = arith.constant 0 : i32
    %dma_start3A_371 = tpu.memref_slice %arg6[%add3A_361, %arg0, %dma_start3A_370] : memref<10240x2x128xbf16, #tpu.memory_space<hbm>> -> memref<128x1x128xbf16, #tpu.memory_space<hbm>>
    %dma_start3A_372 = tpu.memref_squeeze %dma_start3A_371 : memref<128x1x128xbf16, #tpu.memory_space<hbm>> -> memref<128x128xbf16, #tpu.memory_space<hbm>>
    %dma_start3A_373 = arith.constant 0 : i32
    %dma_start3A_374 = arith.constant 0 : i32
    %dma_start3A_375 = tpu.memref_slice %arg9[%dma_start3A_362, %dma_start3A_373, %dma_start3A_374] : memref<3x128x128xbf16, #tpu.memory_space<vmem>> -> memref<1x128x128xbf16, #tpu.memory_space<vmem>>
    %dma_start3A_376 = tpu.memref_squeeze %dma_start3A_375 : memref<1x128x128xbf16, #tpu.memory_space<vmem>> -> memref<128x128xbf16, #tpu.memory_space<vmem>>
    tpu.enqueue_dma source(%dma_start3A_376 : memref<128x128xbf16, #tpu.memory_space<vmem>>) target(%dma_start3A_372 : memref<128x128xbf16, #tpu.memory_space<hbm>>) target_semaphore(%arg12 : memref<!tpu.dma_semaphore, #tpu.memory_space<semaphore_mem>>)
    %add3A_377 = arith.constant 256 : i32
    %add3A_378 = arith.addi %mul3A_0, %add3A_377 : i32
    %dma_start3A_379 = arith.constant 2 : i32
    %dma_start3A_380 = arith.constant 0 : i32
    %dma_start3A_381 = arith.constant 0 : i32
    %dma_start3A_382 = tpu.memref_slice %arg9[%dma_start3A_379, %dma_start3A_380, %dma_start3A_381] : memref<3x128x128xbf16, #tpu.memory_space<vmem>> -> memref<1x128x128xbf16, #tpu.memory_space<vmem>>
    %dma_start3A_383 = tpu.memref_squeeze %dma_start3A_382 : memref<1x128x128xbf16, #tpu.memory_space<vmem>> -> memref<128x128xbf16, #tpu.memory_space<vmem>>
    %dma_start3A_384 = arith.constant 0 : i32
    %dma_start3A_385 = tpu.memref_slice %arg10[%add3A_378, %dma_start3A_384] : memref<10240x128xbf16, #tpu.memory_space<vmem_shared>> -> memref<128x128xbf16, #tpu.memory_space<vmem_shared>>
    %dma_start3A_386 = arith.constant 0 : i32
    %dma_start3A_387 = arith.constant 0 : i32
    %dma_start3A_388 = tpu.memref_slice %arg9[%dma_start3A_379, %dma_start3A_386, %dma_start3A_387] : memref<3x128x128xbf16, #tpu.memory_space<vmem>> -> memref<1x128x128xbf16, #tpu.memory_space<vmem>>
    %dma_start3A_389 = tpu.memref_squeeze %dma_start3A_388 : memref<1x128x128xbf16, #tpu.memory_space<vmem>> -> memref<128x128xbf16, #tpu.memory_space<vmem>>
    %dma_start3A_390 = arith.constant 0 : i32
    %dma_start3A_391 = tpu.memref_slice %arg10[%add3A_378, %dma_start3A_390] : memref<10240x128xbf16, #tpu.memory_space<vmem_shared>> -> memref<128x128xbf16, #tpu.memory_space<vmem_shared>>
    tpu.enqueue_dma source(%dma_start3A_391 : memref<128x128xbf16, #tpu.memory_space<vmem_shared>>) target(%dma_start3A_389 : memref<128x128xbf16, #tpu.memory_space<vmem>>) target_semaphore(%arg11 : memref<!tpu.dma_semaphore, #tpu.memory_space<semaphore_mem>>)
    %add3A_392 = arith.constant 256 : i32
    %add3A_393 = arith.addi %mul3A_0, %add3A_392 : i32
    %dma_wait3A_394 = arith.constant 2 : i32
    %dma_wait3A_395 = arith.constant 0 : i32
    %dma_wait3A_396 = arith.constant 0 : i32
    %dma_wait3A_397 = tpu.memref_slice %arg9[%dma_wait3A_394, %dma_wait3A_395, %dma_wait3A_396] : memref<3x128x128xbf16, #tpu.memory_space<vmem>> -> memref<1x128x128xbf16, #tpu.memory_space<vmem>>
    %dma_wait3A_398 = tpu.memref_squeeze %dma_wait3A_397 : memref<1x128x128xbf16, #tpu.memory_space<vmem>> -> memref<128x128xbf16, #tpu.memory_space<vmem>>
    %dma_wait3A_399 = arith.constant 0 : i32
    %dma_wait3A_400 = tpu.memref_slice %arg10[%add3A_393, %dma_wait3A_399] : memref<10240x128xbf16, #tpu.memory_space<vmem_shared>> -> memref<128x128xbf16, #tpu.memory_space<vmem_shared>>
    %dma_wait3A_401 = arith.constant 0 : i32
    %dma_wait3A_402 = arith.constant 0 : i32
    %dma_wait3A_403 = tpu.memref_slice %arg9[%dma_wait3A_394, %dma_wait3A_401, %dma_wait3A_402] : memref<3x128x128xbf16, #tpu.memory_space<vmem>> -> memref<1x128x128xbf16, #tpu.memory_space<vmem>>
    %dma_wait3A_404 = tpu.memref_squeeze %dma_wait3A_403 : memref<1x128x128xbf16, #tpu.memory_space<vmem>> -> memref<128x128xbf16, #tpu.memory_space<vmem>>
    %dma_wait3A_405 = arith.constant 0 : i32
    %dma_wait3A_406 = tpu.memref_slice %arg10[%add3A_393, %dma_wait3A_405] : memref<10240x128xbf16, #tpu.memory_space<vmem_shared>> -> memref<128x128xbf16, #tpu.memory_space<vmem_shared>>
    tpu.wait_dma2 semaphore(%arg11 : memref<!tpu.dma_semaphore, #tpu.memory_space<semaphore_mem>>) src(%dma_wait3A_406 : memref<128x128xbf16, #tpu.memory_space<vmem_shared>>) dst(%dma_wait3A_404 : memref<128x128xbf16, #tpu.memory_space<vmem>>)
    %add3A_407 = arith.constant 256 : i32
    %add3A_408 = arith.addi %mul3A_0, %add3A_407 : i32
    %dma_start3A_409 = arith.constant 2 : i32
    %dma_start3A_410 = arith.constant 0 : i32
    %dma_start3A_411 = arith.constant 0 : i32
    %dma_start3A_412 = tpu.memref_slice %arg9[%dma_start3A_409, %dma_start3A_410, %dma_start3A_411] : memref<3x128x128xbf16, #tpu.memory_space<vmem>> -> memref<1x128x128xbf16, #tpu.memory_space<vmem>>
    %dma_start3A_413 = tpu.memref_squeeze %dma_start3A_412 : memref<1x128x128xbf16, #tpu.memory_space<vmem>> -> memref<128x128xbf16, #tpu.memory_space<vmem>>
    %dma_start3A_414 = arith.constant 0 : i32
    %dma_start3A_415 = tpu.memref_slice %arg6[%add3A_408, %arg0, %dma_start3A_414] : memref<10240x2x128xbf16, #tpu.memory_space<hbm>> -> memref<128x1x128xbf16, #tpu.memory_space<hbm>>
    %dma_start3A_416 = tpu.memref_squeeze %dma_start3A_415 : memref<128x1x128xbf16, #tpu.memory_space<hbm>> -> memref<128x128xbf16, #tpu.memory_space<hbm>>
    %dma_start3A_417 = arith.constant 0 : i32
    %dma_start3A_418 = tpu.memref_slice %arg6[%add3A_408, %arg0, %dma_start3A_417] : memref<10240x2x128xbf16, #tpu.memory_space<hbm>> -> memref<128x1x128xbf16, #tpu.memory_space<hbm>>
    %dma_start3A_419 = tpu.memref_squeeze %dma_start3A_418 : memref<128x1x128xbf16, #tpu.memory_space<hbm>> -> memref<128x128xbf16, #tpu.memory_space<hbm>>
    %dma_start3A_420 = arith.constant 0 : i32
    %dma_start3A_421 = arith.constant 0 : i32
    %dma_start3A_422 = tpu.memref_slice %arg9[%dma_start3A_409, %dma_start3A_420, %dma_start3A_421] : memref<3x128x128xbf16, #tpu.memory_space<vmem>> -> memref<1x128x128xbf16, #tpu.memory_space<vmem>>
    %dma_start3A_423 = tpu.memref_squeeze %dma_start3A_422 : memref<1x128x128xbf16, #tpu.memory_space<vmem>> -> memref<128x128xbf16, #tpu.memory_space<vmem>>
    tpu.enqueue_dma source(%dma_start3A_423 : memref<128x128xbf16, #tpu.memory_space<vmem>>) target(%dma_start3A_419 : memref<128x128xbf16, #tpu.memory_space<hbm>>) target_semaphore(%arg12 : memref<!tpu.dma_semaphore, #tpu.memory_space<semaphore_mem>>)
    %add3A_424 = arith.constant 0 : i32
    %add3A_425 = arith.addi %mul3A_0, %add3A_424 : i32
    %dma_wait3A_426 = arith.constant 0 : i32
    %dma_wait3A_427 = arith.constant 0 : i32
    %dma_wait3A_428 = arith.constant 0 : i32
    %dma_wait3A_429 = tpu.memref_slice %arg9[%dma_wait3A_426, %dma_wait3A_427, %dma_wait3A_428] : memref<3x128x128xbf16, #tpu.memory_space<vmem>> -> memref<1x128x128xbf16, #tpu.memory_space<vmem>>
    %dma_wait3A_430 = tpu.memref_squeeze %dma_wait3A_429 : memref<1x128x128xbf16, #tpu.memory_space<vmem>> -> memref<128x128xbf16, #tpu.memory_space<vmem>>
    %dma_wait3A_431 = arith.constant 0 : i32
    %dma_wait3A_432 = tpu.memref_slice %arg6[%add3A_425, %arg0, %dma_wait3A_431] : memref<10240x2x128xbf16, #tpu.memory_space<hbm>> -> memref<128x1x128xbf16, #tpu.memory_space<hbm>>
    %dma_wait3A_433 = tpu.memref_squeeze %dma_wait3A_432 : memref<128x1x128xbf16, #tpu.memory_space<hbm>> -> memref<128x128xbf16, #tpu.memory_space<hbm>>
    %dma_wait3A_434 = arith.constant 0 : i32
    %dma_wait3A_435 = tpu.memref_slice %arg6[%add3A_425, %arg0, %dma_wait3A_434] : memref<10240x2x128xbf16, #tpu.memory_space<hbm>> -> memref<128x1x128xbf16, #tpu.memory_space<hbm>>
    %dma_wait3A_436 = tpu.memref_squeeze %dma_wait3A_435 : memref<128x1x128xbf16, #tpu.memory_space<hbm>> -> memref<128x128xbf16, #tpu.memory_space<hbm>>
    %dma_wait3A_437 = arith.constant 0 : i32
    %dma_wait3A_438 = arith.constant 0 : i32
    %dma_wait3A_439 = tpu.memref_slice %arg9[%dma_wait3A_426, %dma_wait3A_437, %dma_wait3A_438] : memref<3x128x128xbf16, #tpu.memory_space<vmem>> -> memref<1x128x128xbf16, #tpu.memory_space<vmem>>
    %dma_wait3A_440 = tpu.memref_squeeze %dma_wait3A_439 : memref<1x128x128xbf16, #tpu.memory_space<vmem>> -> memref<128x128xbf16, #tpu.memory_space<vmem>>
    tpu.wait_dma2 semaphore(%arg12 : memref<!tpu.dma_semaphore, #tpu.memory_space<semaphore_mem>>) src(%dma_wait3A_440 : memref<128x128xbf16, #tpu.memory_space<vmem>>) dst(%dma_wait3A_436 : memref<128x128xbf16, #tpu.memory_space<hbm>>)
    %add3A_441 = arith.constant 384 : i32
    %add3A_442 = arith.addi %mul3A_0, %add3A_441 : i32
    %dma_start3A_443 = arith.constant 0 : i32
    %dma_start3A_444 = arith.constant 0 : i32
    %dma_start3A_445 = arith.constant 0 : i32
    %dma_start3A_446 = tpu.memref_slice %arg9[%dma_start3A_443, %dma_start3A_444, %dma_start3A_445] : memref<3x128x128xbf16, #tpu.memory_space<vmem>> -> memref<1x128x128xbf16, #tpu.memory_space<vmem>>
    %dma_start3A_447 = tpu.memref_squeeze %dma_start3A_446 : memref<1x128x128xbf16, #tpu.memory_space<vmem>> -> memref<128x128xbf16, #tpu.memory_space<vmem>>
    %dma_start3A_448 = arith.constant 0 : i32
    %dma_start3A_449 = tpu.memref_slice %arg10[%add3A_442, %dma_start3A_448] : memref<10240x128xbf16, #tpu.memory_space<vmem_shared>> -> memref<128x128xbf16, #tpu.memory_space<vmem_shared>>
    %dma_start3A_450 = arith.constant 0 : i32
    %dma_start3A_451 = arith.constant 0 : i32
    %dma_start3A_452 = tpu.memref_slice %arg9[%dma_start3A_443, %dma_start3A_450, %dma_start3A_451] : memref<3x128x128xbf16, #tpu.memory_space<vmem>> -> memref<1x128x128xbf16, #tpu.memory_space<vmem>>
    %dma_start3A_453 = tpu.memref_squeeze %dma_start3A_452 : memref<1x128x128xbf16, #tpu.memory_space<vmem>> -> memref<128x128xbf16, #tpu.memory_space<vmem>>
    %dma_start3A_454 = arith.constant 0 : i32
    %dma_start3A_455 = tpu.memref_slice %arg10[%add3A_442, %dma_start3A_454] : memref<10240x128xbf16, #tpu.memory_space<vmem_shared>> -> memref<128x128xbf16, #tpu.memory_space<vmem_shared>>
    tpu.enqueue_dma source(%dma_start3A_455 : memref<128x128xbf16, #tpu.memory_space<vmem_shared>>) target(%dma_start3A_453 : memref<128x128xbf16, #tpu.memory_space<vmem>>) target_semaphore(%arg11 : memref<!tpu.dma_semaphore, #tpu.memory_space<semaphore_mem>>)
    %add3A_456 = arith.constant 384 : i32
    %add3A_457 = arith.addi %mul3A_0, %add3A_456 : i32
    %dma_wait3A_458 = arith.constant 0 : i32
    %dma_wait3A_459 = arith.constant 0 : i32
    %dma_wait3A_460 = arith.constant 0 : i32
    %dma_wait3A_461 = tpu.memref_slice %arg9[%dma_wait3A_458, %dma_wait3A_459, %dma_wait3A_460] : memref<3x128x128xbf16, #tpu.memory_space<vmem>> -> memref<1x128x128xbf16, #tpu.memory_space<vmem>>
    %dma_wait3A_462 = tpu.memref_squeeze %dma_wait3A_461 : memref<1x128x128xbf16, #tpu.memory_space<vmem>> -> memref<128x128xbf16, #tpu.memory_space<vmem>>
    %dma_wait3A_463 = arith.constant 0 : i32
    %dma_wait3A_464 = tpu.memref_slice %arg10[%add3A_457, %dma_wait3A_463] : memref<10240x128xbf16, #tpu.memory_space<vmem_shared>> -> memref<128x128xbf16, #tpu.memory_space<vmem_shared>>
    %dma_wait3A_465 = arith.constant 0 : i32
    %dma_wait3A_466 = arith.constant 0 : i32
    %dma_wait3A_467 = tpu.memref_slice %arg9[%dma_wait3A_458, %dma_wait3A_465, %dma_wait3A_466] : memref<3x128x128xbf16, #tpu.memory_space<vmem>> -> memref<1x128x128xbf16, #tpu.memory_space<vmem>>
    %dma_wait3A_468 = tpu.memref_squeeze %dma_wait3A_467 : memref<1x128x128xbf16, #tpu.memory_space<vmem>> -> memref<128x128xbf16, #tpu.memory_space<vmem>>
    %dma_wait3A_469 = arith.constant 0 : i32
    %dma_wait3A_470 = tpu.memref_slice %arg10[%add3A_457, %dma_wait3A_469] : memref<10240x128xbf16, #tpu.memory_space<vmem_shared>> -> memref<128x128xbf16, #tpu.memory_space<vmem_shared>>
    tpu.wait_dma2 semaphore(%arg11 : memref<!tpu.dma_semaphore, #tpu.memory_space<semaphore_mem>>) src(%dma_wait3A_470 : memref<128x128xbf16, #tpu.memory_space<vmem_shared>>) dst(%dma_wait3A_468 : memref<128x128xbf16, #tpu.memory_space<vmem>>)
    %add3A_471 = arith.constant 384 : i32
    %add3A_472 = arith.addi %mul3A_0, %add3A_471 : i32
    %dma_start3A_473 = arith.constant 0 : i32
    %dma_start3A_474 = arith.constant 0 : i32
    %dma_start3A_475 = arith.constant 0 : i32
    %dma_start3A_476 = tpu.memref_slice %arg9[%dma_start3A_473, %dma_start3A_474, %dma_start3A_475] : memref<3x128x128xbf16, #tpu.memory_space<vmem>> -> memref<1x128x128xbf16, #tpu.memory_space<vmem>>
    %dma_start3A_477 = tpu.memref_squeeze %dma_start3A_476 : memref<1x128x128xbf16, #tpu.memory_space<vmem>> -> memref<128x128xbf16, #tpu.memory_space<vmem>>
    %dma_start3A_478 = arith.constant 0 : i32
    %dma_start3A_479 = tpu.memref_slice %arg6[%add3A_472, %arg0, %dma_start3A_478] : memref<10240x2x128xbf16, #tpu.memory_space<hbm>> -> memref<128x1x128xbf16, #tpu.memory_space<hbm>>
    %dma_start3A_480 = tpu.memref_squeeze %dma_start3A_479 : memref<128x1x128xbf16, #tpu.memory_space<hbm>> -> memref<128x128xbf16, #tpu.memory_space<hbm>>
    %dma_start3A_481 = arith.constant 0 : i32
    %dma_start3A_482 = tpu.memref_slice %arg6[%add3A_472, %arg0, %dma_start3A_481] : memref<10240x2x128xbf16, #tpu.memory_space<hbm>> -> memref<128x1x128xbf16, #tpu.memory_space<hbm>>
    %dma_start3A_483 = tpu.memref_squeeze %dma_start3A_482 : memref<128x1x128xbf16, #tpu.memory_space<hbm>> -> memref<128x128xbf16, #tpu.memory_space<hbm>>
    %dma_start3A_484 = arith.constant 0 : i32
    %dma_start3A_485 = arith.constant 0 : i32
    %dma_start3A_486 = tpu.memref_slice %arg9[%dma_start3A_473, %dma_start3A_484, %dma_start3A_485] : memref<3x128x128xbf16, #tpu.memory_space<vmem>> -> memref<1x128x128xbf16, #tpu.memory_space<vmem>>
    %dma_start3A_487 = tpu.memref_squeeze %dma_start3A_486 : memref<1x128x128xbf16, #tpu.memory_space<vmem>> -> memref<128x128xbf16, #tpu.memory_space<vmem>>
    tpu.enqueue_dma source(%dma_start3A_487 : memref<128x128xbf16, #tpu.memory_space<vmem>>) target(%dma_start3A_483 : memref<128x128xbf16, #tpu.memory_space<hbm>>) target_semaphore(%arg12 : memref<!tpu.dma_semaphore, #tpu.memory_space<semaphore_mem>>)
    %add3A_488 = arith.constant 128 : i32
    %add3A_489 = arith.addi %mul3A_0, %add3A_488 : i32
    %dma_wait3A_490 = arith.constant 1 : i32
    %dma_wait3A_491 = arith.constant 0 : i32
    %dma_wait3A_492 = arith.constant 0 : i32
    %dma_wait3A_493 = tpu.memref_slice %arg9[%dma_wait3A_490, %dma_wait3A_491, %dma_wait3A_492] : memref<3x128x128xbf16, #tpu.memory_space<vmem>> -> memref<1x128x128xbf16, #tpu.memory_space<vmem>>
    %dma_wait3A_494 = tpu.memref_squeeze %dma_wait3A_493 : memref<1x128x128xbf16, #tpu.memory_space<vmem>> -> memref<128x128xbf16, #tpu.memory_space<vmem>>
    %dma_wait3A_495 = arith.constant 0 : i32
    %dma_wait3A_496 = tpu.memref_slice %arg6[%add3A_489, %arg0, %dma_wait3A_495] : memref<10240x2x128xbf16, #tpu.memory_space<hbm>> -> memref<128x1x128xbf16, #tpu.memory_space<hbm>>
    %dma_wait3A_497 = tpu.memref_squeeze %dma_wait3A_496 : memref<128x1x128xbf16, #tpu.memory_space<hbm>> -> memref<128x128xbf16, #tpu.memory_space<hbm>>
    %dma_wait3A_498 = arith.constant 0 : i32
    %dma_wait3A_499 = tpu.memref_slice %arg6[%add3A_489, %arg0, %dma_wait3A_498] : memref<10240x2x128xbf16, #tpu.memory_space<hbm>> -> memref<128x1x128xbf16, #tpu.memory_space<hbm>>
    %dma_wait3A_500 = tpu.memref_squeeze %dma_wait3A_499 : memref<128x1x128xbf16, #tpu.memory_space<hbm>> -> memref<128x128xbf16, #tpu.memory_space<hbm>>
    %dma_wait3A_501 = arith.constant 0 : i32
    %dma_wait3A_502 = arith.constant 0 : i32
    %dma_wait3A_503 = tpu.memref_slice %arg9[%dma_wait3A_490, %dma_wait3A_501, %dma_wait3A_502] : memref<3x128x128xbf16, #tpu.memory_space<vmem>> -> memref<1x128x128xbf16, #tpu.memory_space<vmem>>
    %dma_wait3A_504 = tpu.memref_squeeze %dma_wait3A_503 : memref<1x128x128xbf16, #tpu.memory_space<vmem>> -> memref<128x128xbf16, #tpu.memory_space<vmem>>
    tpu.wait_dma2 semaphore(%arg12 : memref<!tpu.dma_semaphore, #tpu.memory_space<semaphore_mem>>) src(%dma_wait3A_504 : memref<128x128xbf16, #tpu.memory_space<vmem>>) dst(%dma_wait3A_500 : memref<128x128xbf16, #tpu.memory_space<hbm>>)
    %add3A_505 = arith.constant 512 : i32
    %add3A_506 = arith.addi %mul3A_0, %add3A_505 : i32
    %dma_start3A_507 = arith.constant 1 : i32
    %dma_start3A_508 = arith.constant 0 : i32
    %dma_start3A_509 = arith.constant 0 : i32
    %dma_start3A_510 = tpu.memref_slice %arg9[%dma_start3A_507, %dma_start3A_508, %dma_start3A_509] : memref<3x128x128xbf16, #tpu.memory_space<vmem>> -> memref<1x128x128xbf16, #tpu.memory_space<vmem>>
    %dma_start3A_511 = tpu.memref_squeeze %dma_start3A_510 : memref<1x128x128xbf16, #tpu.memory_space<vmem>> -> memref<128x128xbf16, #tpu.memory_space<vmem>>
    %dma_start3A_512 = arith.constant 0 : i32
    %dma_start3A_513 = tpu.memref_slice %arg10[%add3A_506, %dma_start3A_512] : memref<10240x128xbf16, #tpu.memory_space<vmem_shared>> -> memref<128x128xbf16, #tpu.memory_space<vmem_shared>>
    %dma_start3A_514 = arith.constant 0 : i32
    %dma_start3A_515 = arith.constant 0 : i32
    %dma_start3A_516 = tpu.memref_slice %arg9[%dma_start3A_507, %dma_start3A_514, %dma_start3A_515] : memref<3x128x128xbf16, #tpu.memory_space<vmem>> -> memref<1x128x128xbf16, #tpu.memory_space<vmem>>
    %dma_start3A_517 = tpu.memref_squeeze %dma_start3A_516 : memref<1x128x128xbf16, #tpu.memory_space<vmem>> -> memref<128x128xbf16, #tpu.memory_space<vmem>>
    %dma_start3A_518 = arith.constant 0 : i32
    %dma_start3A_519 = tpu.memref_slice %arg10[%add3A_506, %dma_start3A_518] : memref<10240x128xbf16, #tpu.memory_space<vmem_shared>> -> memref<128x128xbf16, #tpu.memory_space<vmem_shared>>
    tpu.enqueue_dma source(%dma_start3A_519 : memref<128x128xbf16, #tpu.memory_space<vmem_shared>>) target(%dma_start3A_517 : memref<128x128xbf16, #tpu.memory_space<vmem>>) target_semaphore(%arg11 : memref<!tpu.dma_semaphore, #tpu.memory_space<semaphore_mem>>)
    %add3A_520 = arith.constant 512 : i32
    %add3A_521 = arith.addi %mul3A_0, %add3A_520 : i32
    %dma_wait3A_522 = arith.constant 1 : i32
    %dma_wait3A_523 = arith.constant 0 : i32
    %dma_wait3A_524 = arith.constant 0 : i32
    %dma_wait3A_525 = tpu.memref_slice %arg9[%dma_wait3A_522, %dma_wait3A_523, %dma_wait3A_524] : memref<3x128x128xbf16, #tpu.memory_space<vmem>> -> memref<1x128x128xbf16, #tpu.memory_space<vmem>>
    %dma_wait3A_526 = tpu.memref_squeeze %dma_wait3A_525 : memref<1x128x128xbf16, #tpu.memory_space<vmem>> -> memref<128x128xbf16, #tpu.memory_space<vmem>>
    %dma_wait3A_527 = arith.constant 0 : i32
    %dma_wait3A_528 = tpu.memref_slice %arg10[%add3A_521, %dma_wait3A_527] : memref<10240x128xbf16, #tpu.memory_space<vmem_shared>> -> memref<128x128xbf16, #tpu.memory_space<vmem_shared>>
    %dma_wait3A_529 = arith.constant 0 : i32
    %dma_wait3A_530 = arith.constant 0 : i32
    %dma_wait3A_531 = tpu.memref_slice %arg9[%dma_wait3A_522, %dma_wait3A_529, %dma_wait3A_530] : memref<3x128x128xbf16, #tpu.memory_space<vmem>> -> memref<1x128x128xbf16, #tpu.memory_space<vmem>>
    %dma_wait3A_532 = tpu.memref_squeeze %dma_wait3A_531 : memref<1x128x128xbf16, #tpu.memory_space<vmem>> -> memref<128x128xbf16, #tpu.memory_space<vmem>>
    %dma_wait3A_533 = arith.constant 0 : i32
    %dma_wait3A_534 = tpu.memref_slice %arg10[%add3A_521, %dma_wait3A_533] : memref<10240x128xbf16, #tpu.memory_space<vmem_shared>> -> memref<128x128xbf16, #tpu.memory_space<vmem_shared>>
    tpu.wait_dma2 semaphore(%arg11 : memref<!tpu.dma_semaphore, #tpu.memory_space<semaphore_mem>>) src(%dma_wait3A_534 : memref<128x128xbf16, #tpu.memory_space<vmem_shared>>) dst(%dma_wait3A_532 : memref<128x128xbf16, #tpu.memory_space<vmem>>)
    %add3A_535 = arith.constant 512 : i32
    %add3A_536 = arith.addi %mul3A_0, %add3A_535 : i32
    %dma_start3A_537 = arith.constant 1 : i32
    %dma_start3A_538 = arith.constant 0 : i32
    %dma_start3A_539 = arith.constant 0 : i32
    %dma_start3A_540 = tpu.memref_slice %arg9[%dma_start3A_537, %dma_start3A_538, %dma_start3A_539] : memref<3x128x128xbf16, #tpu.memory_space<vmem>> -> memref<1x128x128xbf16, #tpu.memory_space<vmem>>
    %dma_start3A_541 = tpu.memref_squeeze %dma_start3A_540 : memref<1x128x128xbf16, #tpu.memory_space<vmem>> -> memref<128x128xbf16, #tpu.memory_space<vmem>>
    %dma_start3A_542 = arith.constant 0 : i32
    %dma_start3A_543 = tpu.memref_slice %arg6[%add3A_536, %arg0, %dma_start3A_542] : memref<10240x2x128xbf16, #tpu.memory_space<hbm>> -> memref<128x1x128xbf16, #tpu.memory_space<hbm>>
    %dma_start3A_544 = tpu.memref_squeeze %dma_start3A_543 : memref<128x1x128xbf16, #tpu.memory_space<hbm>> -> memref<128x128xbf16, #tpu.memory_space<hbm>>
    %dma_start3A_545 = arith.constant 0 : i32
    %dma_start3A_546 = tpu.memref_slice %arg6[%add3A_536, %arg0, %dma_start3A_545] : memref<10240x2x128xbf16, #tpu.memory_space<hbm>> -> memref<128x1x128xbf16, #tpu.memory_space<hbm>>
    %dma_start3A_547 = tpu.memref_squeeze %dma_start3A_546 : memref<128x1x128xbf16, #tpu.memory_space<hbm>> -> memref<128x128xbf16, #tpu.memory_space<hbm>>
    %dma_start3A_548 = arith.constant 0 : i32
    %dma_start3A_549 = arith.constant 0 : i32
    %dma_start3A_550 = tpu.memref_slice %arg9[%dma_start3A_537, %dma_start3A_548, %dma_start3A_549] : memref<3x128x128xbf16, #tpu.memory_space<vmem>> -> memref<1x128x128xbf16, #tpu.memory_space<vmem>>
    %dma_start3A_551 = tpu.memref_squeeze %dma_start3A_550 : memref<1x128x128xbf16, #tpu.memory_space<vmem>> -> memref<128x128xbf16, #tpu.memory_space<vmem>>
    tpu.enqueue_dma source(%dma_start3A_551 : memref<128x128xbf16, #tpu.memory_space<vmem>>) target(%dma_start3A_547 : memref<128x128xbf16, #tpu.memory_space<hbm>>) target_semaphore(%arg12 : memref<!tpu.dma_semaphore, #tpu.memory_space<semaphore_mem>>)
    %add3A_552 = arith.constant 256 : i32
    %add3A_553 = arith.addi %mul3A_0, %add3A_552 : i32
    %dma_wait3A_554 = arith.constant 2 : i32
    %dma_wait3A_555 = arith.constant 0 : i32
    %dma_wait3A_556 = arith.constant 0 : i32
    %dma_wait3A_557 = tpu.memref_slice %arg9[%dma_wait3A_554, %dma_wait3A_555, %dma_wait3A_556] : memref<3x128x128xbf16, #tpu.memory_space<vmem>> -> memref<1x128x128xbf16, #tpu.memory_space<vmem>>
    %dma_wait3A_558 = tpu.memref_squeeze %dma_wait3A_557 : memref<1x128x128xbf16, #tpu.memory_space<vmem>> -> memref<128x128xbf16, #tpu.memory_space<vmem>>
    %dma_wait3A_559 = arith.constant 0 : i32
    %dma_wait3A_560 = tpu.memref_slice %arg6[%add3A_553, %arg0, %dma_wait3A_559] : memref<10240x2x128xbf16, #tpu.memory_space<hbm>> -> memref<128x1x128xbf16, #tpu.memory_space<hbm>>
    %dma_wait3A_561 = tpu.memref_squeeze %dma_wait3A_560 : memref<128x1x128xbf16, #tpu.memory_space<hbm>> -> memref<128x128xbf16, #tpu.memory_space<hbm>>
    %dma_wait3A_562 = arith.constant 0 : i32
    %dma_wait3A_563 = tpu.memref_slice %arg6[%add3A_553, %arg0, %dma_wait3A_562] : memref<10240x2x128xbf16, #tpu.memory_space<hbm>> -> memref<128x1x128xbf16, #tpu.memory_space<hbm>>
    %dma_wait3A_564 = tpu.memref_squeeze %dma_wait3A_563 : memref<128x1x128xbf16, #tpu.memory_space<hbm>> -> memref<128x128xbf16, #tpu.memory_space<hbm>>
    %dma_wait3A_565 = arith.constant 0 : i32
    %dma_wait3A_566 = arith.constant 0 : i32
    %dma_wait3A_567 = tpu.memref_slice %arg9[%dma_wait3A_554, %dma_wait3A_565, %dma_wait3A_566] : memref<3x128x128xbf16, #tpu.memory_space<vmem>> -> memref<1x128x128xbf16, #tpu.memory_space<vmem>>
    %dma_wait3A_568 = tpu.memref_squeeze %dma_wait3A_567 : memref<1x128x128xbf16, #tpu.memory_space<vmem>> -> memref<128x128xbf16, #tpu.memory_space<vmem>>
    tpu.wait_dma2 semaphore(%arg12 : memref<!tpu.dma_semaphore, #tpu.memory_space<semaphore_mem>>) src(%dma_wait3A_568 : memref<128x128xbf16, #tpu.memory_space<vmem>>) dst(%dma_wait3A_564 : memref<128x128xbf16, #tpu.memory_space<hbm>>)
    %add3A_569 = arith.constant 384 : i32
    %add3A_570 = arith.addi %mul3A_0, %add3A_569 : i32
    %dma_wait3A_571 = arith.constant 0 : i32
    %dma_wait3A_572 = arith.constant 0 : i32
    %dma_wait3A_573 = arith.constant 0 : i32
    %dma_wait3A_574 = tpu.memref_slice %arg9[%dma_wait3A_571, %dma_wait3A_572, %dma_wait3A_573] : memref<3x128x128xbf16, #tpu.memory_space<vmem>> -> memref<1x128x128xbf16, #tpu.memory_space<vmem>>
    %dma_wait3A_575 = tpu.memref_squeeze %dma_wait3A_574 : memref<1x128x128xbf16, #tpu.memory_space<vmem>> -> memref<128x128xbf16, #tpu.memory_space<vmem>>
    %dma_wait3A_576 = arith.constant 0 : i32
    %dma_wait3A_577 = tpu.memref_slice %arg6[%add3A_570, %arg0, %dma_wait3A_576] : memref<10240x2x128xbf16, #tpu.memory_space<hbm>> -> memref<128x1x128xbf16, #tpu.memory_space<hbm>>
    %dma_wait3A_578 = tpu.memref_squeeze %dma_wait3A_577 : memref<128x1x128xbf16, #tpu.memory_space<hbm>> -> memref<128x128xbf16, #tpu.memory_space<hbm>>
    %dma_wait3A_579 = arith.constant 0 : i32
    %dma_wait3A_580 = tpu.memref_slice %arg6[%add3A_570, %arg0, %dma_wait3A_579] : memref<10240x2x128xbf16, #tpu.memory_space<hbm>> -> memref<128x1x128xbf16, #tpu.memory_space<hbm>>
    %dma_wait3A_581 = tpu.memref_squeeze %dma_wait3A_580 : memref<128x1x128xbf16, #tpu.memory_space<hbm>> -> memref<128x128xbf16, #tpu.memory_space<hbm>>
    %dma_wait3A_582 = arith.constant 0 : i32
    %dma_wait3A_583 = arith.constant 0 : i32
    %dma_wait3A_584 = tpu.memref_slice %arg9[%dma_wait3A_571, %dma_wait3A_582, %dma_wait3A_583] : memref<3x128x128xbf16, #tpu.memory_space<vmem>> -> memref<1x128x128xbf16, #tpu.memory_space<vmem>>
    %dma_wait3A_585 = tpu.memref_squeeze %dma_wait3A_584 : memref<1x128x128xbf16, #tpu.memory_space<vmem>> -> memref<128x128xbf16, #tpu.memory_space<vmem>>
    tpu.wait_dma2 semaphore(%arg12 : memref<!tpu.dma_semaphore, #tpu.memory_space<semaphore_mem>>) src(%dma_wait3A_585 : memref<128x128xbf16, #tpu.memory_space<vmem>>) dst(%dma_wait3A_581 : memref<128x128xbf16, #tpu.memory_space<hbm>>)
    %add3A_586 = arith.constant 512 : i32
    %add3A_587 = arith.addi %mul3A_0, %add3A_586 : i32
    %dma_wait3A_588 = arith.constant 1 : i32
    %dma_wait3A_589 = arith.constant 0 : i32
    %dma_wait3A_590 = arith.constant 0 : i32
    %dma_wait3A_591 = tpu.memref_slice %arg9[%dma_wait3A_588, %dma_wait3A_589, %dma_wait3A_590] : memref<3x128x128xbf16, #tpu.memory_space<vmem>> -> memref<1x128x128xbf16, #tpu.memory_space<vmem>>
    %dma_wait3A_592 = tpu.memref_squeeze %dma_wait3A_591 : memref<1x128x128xbf16, #tpu.memory_space<vmem>> -> memref<128x128xbf16, #tpu.memory_space<vmem>>
    %dma_wait3A_593 = arith.constant 0 : i32
    %dma_wait3A_594 = tpu.memref_slice %arg6[%add3A_587, %arg0, %dma_wait3A_593] : memref<10240x2x128xbf16, #tpu.memory_space<hbm>> -> memref<128x1x128xbf16, #tpu.memory_space<hbm>>
    %dma_wait3A_595 = tpu.memref_squeeze %dma_wait3A_594 : memref<128x1x128xbf16, #tpu.memory_space<hbm>> -> memref<128x128xbf16, #tpu.memory_space<hbm>>
    %dma_wait3A_596 = arith.constant 0 : i32
    %dma_wait3A_597 = tpu.memref_slice %arg6[%add3A_587, %arg0, %dma_wait3A_596] : memref<10240x2x128xbf16, #tpu.memory_space<hbm>> -> memref<128x1x128xbf16, #tpu.memory_space<hbm>>
    %dma_wait3A_598 = tpu.memref_squeeze %dma_wait3A_597 : memref<128x1x128xbf16, #tpu.memory_space<hbm>> -> memref<128x128xbf16, #tpu.memory_space<hbm>>
    %dma_wait3A_599 = arith.constant 0 : i32
    %dma_wait3A_600 = arith.constant 0 : i32
    %dma_wait3A_601 = tpu.memref_slice %arg9[%dma_wait3A_588, %dma_wait3A_599, %dma_wait3A_600] : memref<3x128x128xbf16, #tpu.memory_space<vmem>> -> memref<1x128x128xbf16, #tpu.memory_space<vmem>>
    %dma_wait3A_602 = tpu.memref_squeeze %dma_wait3A_601 : memref<1x128x128xbf16, #tpu.memory_space<vmem>> -> memref<128x128xbf16, #tpu.memory_space<vmem>>
    tpu.wait_dma2 semaphore(%arg12 : memref<!tpu.dma_semaphore, #tpu.memory_space<semaphore_mem>>) src(%dma_wait3A_602 : memref<128x128xbf16, #tpu.memory_space<vmem>>) dst(%dma_wait3A_598 : memref<128x128xbf16, #tpu.memory_space<hbm>>)
    %barrier3A_603 = arith.constant 0 : index
    tpu.barrier barrier_id(%barrier3A_603)
    return
  }
}

#map = affine_map<(d0, d1) -> (0, 0, 0, 0)>
#map1 = affine_map<(d0, d1) -> (0, 0, 0)>
module attributes {stable_mosaic.version = 14 : i64} {
  func.func @_sc_hist(%arg0: i32, %arg1: i32, %arg2: memref<2x16x157x128xi32, #tpu.memory_space<hbm>>, %arg3: memref<2x10240x16xf32, #tpu.memory_space<hbm>>, %arg4: memref<157x128xi32, #tpu.memory_space<vmem>>, %arg5: memref<128x16xf32, #tpu.memory_space<vmem>>, %arg6: memref<640x16xf32, #tpu.memory_space<vmem>>, %arg7: memref<10240x16xf32, #tpu.memory_space<vmem_shared>>) attributes {dimension_semantics = [#tpu.dimension_semantics<core_parallel>, #tpu.dimension_semantics<subcore_parallel>], iteration_bounds = array<i64: 2, 16>, scalar_prefetch = 0 : i64, scratch_operands = 4 : i64, tpu.core_type = #tpu.core_type<sc_vector_subcore>, window_params = [{transform_indices = #map}, {transform_indices = #map1}]} {
    %broadcast_in_dim3A = arith.constant 1.000000e+00 : f32
    %broadcast_in_dim3A_0 = vector.broadcast %broadcast_in_dim3A : f32 to vector<16xf32>
    %broadcast_in_dim3A_1 = arith.constant 0.000000e+00 : f32
    %broadcast_in_dim3A_2 = vector.broadcast %broadcast_in_dim3A_1 : f32 to vector<16xf32>
    %scan3A = arith.constant 0 : i32
    %scan3A_3 = arith.constant 0 : i32
    %scan3A_4 = arith.constant 128 : i32
    %scan3A_5 = arith.addi %scan3A_3, %scan3A_4 : i32
    %scan3A_6 = arith.constant 1 : i32
    %scan3A_7 = scf.for %scan3A_29 = %scan3A_3 to %scan3A_5 step %scan3A_6 iter_args(%scan3A_30 = %scan3A) -> (i32)  : i32 {
      %swap3A = arith.index_cast %scan3A_29 : i32 to index
      %swap3A_31 = arith.constant 0 : index
      %swap3A_32 = tpu.vector_load %arg5[%swap3A, %swap3A_31] {strides = array<i32>} : memref<128x16xf32, #tpu.memory_space<vmem>>, vector<1x16xf32>,
      %swap3A_33 = vector.shape_cast %swap3A_32 : vector<1x16xf32> to vector<16xf32>
      %swap3A_34 = vector.shape_cast %broadcast_in_dim3A_0 : vector<16xf32> to vector<1x16xf32>
      tpu.vector_store %arg5[%swap3A, %swap3A_31], %swap3A_34 {strides = array<i32>} : memref<128x16xf32, #tpu.memory_space<vmem>>, vector<1x16xf32>,
      %scan3A_35 = arith.constant 0 : i32
      scf.yield %scan3A_35 : i32
    }
    %scan3A_8 = arith.constant 128 : i32
    %scan3A_9 = arith.constant 0 : i32
    %scan3A_10 = arith.constant 0 : i32
    %scan3A_11 = arith.constant 640 : i32
    %scan3A_12 = arith.addi %scan3A_10, %scan3A_11 : i32
    %scan3A_13 = arith.constant 1 : i32
    %scan3A_14 = scf.for %scan3A_29 = %scan3A_10 to %scan3A_12 step %scan3A_13 iter_args(%scan3A_30 = %scan3A_9) -> (i32)  : i32 {
      %swap3A = arith.index_cast %scan3A_29 : i32 to index
      %swap3A_31 = arith.constant 0 : index
      %swap3A_32 = tpu.vector_load %arg6[%swap3A, %swap3A_31] {strides = array<i32>} : memref<640x16xf32, #tpu.memory_space<vmem>>, vector<1x16xf32>,
      %swap3A_33 = vector.shape_cast %swap3A_32 : vector<1x16xf32> to vector<16xf32>
      %swap3A_34 = vector.shape_cast %broadcast_in_dim3A_2 : vector<16xf32> to vector<1x16xf32>
      tpu.vector_store %arg6[%swap3A, %swap3A_31], %swap3A_34 {strides = array<i32>} : memref<640x16xf32, #tpu.memory_space<vmem>>, vector<1x16xf32>,
      %scan3A_35 = arith.constant 0 : i32
      scf.yield %scan3A_35 : i32
    }
    %scan3A_15 = arith.constant 640 : i32
    %mul3A = arith.constant 640 : i32
    %mul3A_16 = arith.muli %arg1, %mul3A : i32
    "tpu.region"() ({
      %run_scoped3A = tpu.sem_alloc : memref<!tpu.dma_semaphore, #tpu.memory_space<semaphore_mem>>
      %dma_start3A = arith.constant 0 : i32
      %dma_start3A_29 = tpu.memref_slice %arg7[%mul3A_16, %dma_start3A] : memref<10240x16xf32, #tpu.memory_space<vmem_shared>> -> memref<640x16xf32, #tpu.memory_space<vmem_shared>>
      %dma_start3A_30 = arith.constant 0 : i32
      %dma_start3A_31 = tpu.memref_slice %arg7[%mul3A_16, %dma_start3A_30] : memref<10240x16xf32, #tpu.memory_space<vmem_shared>> -> memref<640x16xf32, #tpu.memory_space<vmem_shared>>
      tpu.enqueue_dma source(%arg6 : memref<640x16xf32, #tpu.memory_space<vmem>>) target(%dma_start3A_31 : memref<640x16xf32, #tpu.memory_space<vmem_shared>>) target_semaphore(%run_scoped3A : memref<!tpu.dma_semaphore, #tpu.memory_space<semaphore_mem>>)
      %dma_wait3A = arith.constant 0 : i32
      %dma_wait3A_32 = tpu.memref_slice %arg7[%mul3A_16, %dma_wait3A] : memref<10240x16xf32, #tpu.memory_space<vmem_shared>> -> memref<640x16xf32, #tpu.memory_space<vmem_shared>>
      %dma_wait3A_33 = arith.constant 0 : i32
      %dma_wait3A_34 = tpu.memref_slice %arg7[%mul3A_16, %dma_wait3A_33] : memref<10240x16xf32, #tpu.memory_space<vmem_shared>> -> memref<640x16xf32, #tpu.memory_space<vmem_shared>>
      tpu.wait_dma2 semaphore(%run_scoped3A : memref<!tpu.dma_semaphore, #tpu.memory_space<semaphore_mem>>) src(%arg6 : memref<640x16xf32, #tpu.memory_space<vmem>>) dst(%dma_wait3A_34 : memref<640x16xf32, #tpu.memory_space<vmem_shared>>)
      tpu.yield
    }) : () -> ()
    %barrier3A = arith.constant 0 : index
    tpu.barrier barrier_id(%barrier3A)
    "tpu.region"() ({
      %run_scoped3A = tpu.sem_alloc : memref<!tpu.dma_semaphore, #tpu.memory_space<semaphore_mem>>
      %dma_start3A = arith.constant 0 : i32
      %dma_start3A_29 = arith.constant 0 : i32
      %dma_start3A_30 = arith.constant 0 : i32
      %dma_start3A_31 = tpu.memref_slice %arg2[%arg0, %dma_start3A, %dma_start3A_29, %dma_start3A_30] : memref<2x16x157x128xi32, #tpu.memory_space<hbm>> -> memref<1x16x157x128xi32, #tpu.memory_space<hbm>>
      %dma_start3A_32 = tpu.memref_squeeze %dma_start3A_31 : memref<1x16x157x128xi32, #tpu.memory_space<hbm>> -> memref<16x157x128xi32, #tpu.memory_space<hbm>>
      %dma_start3A_33 = arith.constant 0 : i32
      %dma_start3A_34 = arith.constant 0 : i32
      %dma_start3A_35 = tpu.memref_slice %dma_start3A_32[%arg1, %dma_start3A_33, %dma_start3A_34] : memref<16x157x128xi32, #tpu.memory_space<hbm>> -> memref<1x157x128xi32, #tpu.memory_space<hbm>>
      %dma_start3A_36 = tpu.memref_squeeze %dma_start3A_35 : memref<1x157x128xi32, #tpu.memory_space<hbm>> -> memref<157x128xi32, #tpu.memory_space<hbm>>
      %dma_start3A_37 = arith.constant 0 : i32
      %dma_start3A_38 = arith.constant 0 : i32
      %dma_start3A_39 = arith.constant 0 : i32
      %dma_start3A_40 = tpu.memref_slice %arg2[%arg0, %dma_start3A_37, %dma_start3A_38, %dma_start3A_39] : memref<2x16x157x128xi32, #tpu.memory_space<hbm>> -> memref<1x16x157x128xi32, #tpu.memory_space<hbm>>
      %dma_start3A_41 = tpu.memref_squeeze %dma_start3A_40 : memref<1x16x157x128xi32, #tpu.memory_space<hbm>> -> memref<16x157x128xi32, #tpu.memory_space<hbm>>
      %dma_start3A_42 = arith.constant 0 : i32
      %dma_start3A_43 = arith.constant 0 : i32
      %dma_start3A_44 = tpu.memref_slice %dma_start3A_41[%arg1, %dma_start3A_42, %dma_start3A_43] : memref<16x157x128xi32, #tpu.memory_space<hbm>> -> memref<1x157x128xi32, #tpu.memory_space<hbm>>
      %dma_start3A_45 = tpu.memref_squeeze %dma_start3A_44 : memref<1x157x128xi32, #tpu.memory_space<hbm>> -> memref<157x128xi32, #tpu.memory_space<hbm>>
      tpu.enqueue_dma source(%dma_start3A_45 : memref<157x128xi32, #tpu.memory_space<hbm>>) target(%arg4 : memref<157x128xi32, #tpu.memory_space<vmem>>) target_semaphore(%run_scoped3A : memref<!tpu.dma_semaphore, #tpu.memory_space<semaphore_mem>>)
      %dma_wait3A = arith.constant 0 : i32
      %dma_wait3A_46 = arith.constant 0 : i32
      %dma_wait3A_47 = arith.constant 0 : i32
      %dma_wait3A_48 = tpu.memref_slice %arg2[%arg0, %dma_wait3A, %dma_wait3A_46, %dma_wait3A_47] : memref<2x16x157x128xi32, #tpu.memory_space<hbm>> -> memref<1x16x157x128xi32, #tpu.memory_space<hbm>>
      %dma_wait3A_49 = tpu.memref_squeeze %dma_wait3A_48 : memref<1x16x157x128xi32, #tpu.memory_space<hbm>> -> memref<16x157x128xi32, #tpu.memory_space<hbm>>
      %dma_wait3A_50 = arith.constant 0 : i32
      %dma_wait3A_51 = arith.constant 0 : i32
      %dma_wait3A_52 = tpu.memref_slice %dma_wait3A_49[%arg1, %dma_wait3A_50, %dma_wait3A_51] : memref<16x157x128xi32, #tpu.memory_space<hbm>> -> memref<1x157x128xi32, #tpu.memory_space<hbm>>
      %dma_wait3A_53 = tpu.memref_squeeze %dma_wait3A_52 : memref<1x157x128xi32, #tpu.memory_space<hbm>> -> memref<157x128xi32, #tpu.memory_space<hbm>>
      %dma_wait3A_54 = arith.constant 0 : i32
      %dma_wait3A_55 = arith.constant 0 : i32
      %dma_wait3A_56 = arith.constant 0 : i32
      %dma_wait3A_57 = tpu.memref_slice %arg2[%arg0, %dma_wait3A_54, %dma_wait3A_55, %dma_wait3A_56] : memref<2x16x157x128xi32, #tpu.memory_space<hbm>> -> memref<1x16x157x128xi32, #tpu.memory_space<hbm>>
      %dma_wait3A_58 = tpu.memref_squeeze %dma_wait3A_57 : memref<1x16x157x128xi32, #tpu.memory_space<hbm>> -> memref<16x157x128xi32, #tpu.memory_space<hbm>>
      %dma_wait3A_59 = arith.constant 0 : i32
      %dma_wait3A_60 = arith.constant 0 : i32
      %dma_wait3A_61 = tpu.memref_slice %dma_wait3A_58[%arg1, %dma_wait3A_59, %dma_wait3A_60] : memref<16x157x128xi32, #tpu.memory_space<hbm>> -> memref<1x157x128xi32, #tpu.memory_space<hbm>>
      %dma_wait3A_62 = tpu.memref_squeeze %dma_wait3A_61 : memref<1x157x128xi32, #tpu.memory_space<hbm>> -> memref<157x128xi32, #tpu.memory_space<hbm>>
      tpu.wait_dma2 semaphore(%run_scoped3A : memref<!tpu.dma_semaphore, #tpu.memory_space<semaphore_mem>>) src(%dma_wait3A_62 : memref<157x128xi32, #tpu.memory_space<hbm>>) dst(%arg4 : memref<157x128xi32, #tpu.memory_space<vmem>>)
      tpu.yield
    }) : () -> ()
    %scan3A_17 = arith.constant 0 : i32
    %scan3A_18 = arith.constant 0 : i32
    %scan3A_19 = arith.constant 157 : i32
    %scan3A_20 = arith.addi %scan3A_18, %scan3A_19 : i32
    %scan3A_21 = arith.constant 1 : i32
    %scan3A_22 = scf.for %scan3A_29 = %scan3A_18 to %scan3A_20 step %scan3A_21 iter_args(%scan3A_30 = %scan3A_17) -> (i32)  : i32 {
      "tpu.region"() ({
        %run_scoped3A = tpu.sem_alloc : memref<!tpu.dma_semaphore, #tpu.memory_space<semaphore_mem>>
        %dma_start3A = arith.constant 0 : i32
        %dma_start3A_32 = tpu.memref_slice %arg4[%scan3A_29, %dma_start3A] : memref<157x128xi32, #tpu.memory_space<vmem>> -> memref<1x128xi32, #tpu.memory_space<vmem>>
        %dma_start3A_33 = tpu.memref_squeeze %dma_start3A_32 : memref<1x128xi32, #tpu.memory_space<vmem>> -> memref<128xi32, #tpu.memory_space<vmem>>
        %dma_start3A_34 = arith.constant 0 : i32
        %dma_start3A_35 = arith.constant 0 : i32
        %dma_start3A_36 = tpu.memref_slice %arg7[%dma_start3A_34, %dma_start3A_35] : memref<10240x16xf32, #tpu.memory_space<vmem_shared>> -> memref<10240x16xf32, #tpu.memory_space<vmem_shared>>
        tpu.enqueue_indirect_dma source(%arg5 : memref<128x16xf32, #tpu.memory_space<vmem>>) target(%dma_start3A_36 : memref<10240x16xf32, #tpu.memory_space<vmem_shared>>) offsets(%dma_start3A_33 : memref<128xi32, #tpu.memory_space<vmem>>) semaphore(%run_scoped3A : memref<!tpu.dma_semaphore, #tpu.memory_space<semaphore_mem>>) {add = true}
        %dma_wait3A = arith.constant 0 : i32
        %dma_wait3A_37 = tpu.memref_slice %arg4[%scan3A_29, %dma_wait3A] : memref<157x128xi32, #tpu.memory_space<vmem>> -> memref<1x128xi32, #tpu.memory_space<vmem>>
        %dma_wait3A_38 = tpu.memref_squeeze %dma_wait3A_37 : memref<1x128xi32, #tpu.memory_space<vmem>> -> memref<128xi32, #tpu.memory_space<vmem>>
        %dma_wait3A_39 = arith.constant 0 : i32
        %dma_wait3A_40 = arith.constant 0 : i32
        %dma_wait3A_41 = tpu.memref_slice %arg7[%dma_wait3A_39, %dma_wait3A_40] : memref<10240x16xf32, #tpu.memory_space<vmem_shared>> -> memref<10240x16xf32, #tpu.memory_space<vmem_shared>>
        tpu.wait_indirect_dma semaphore(%run_scoped3A : memref<!tpu.dma_semaphore, #tpu.memory_space<semaphore_mem>>) src(%arg5 : memref<128x16xf32, #tpu.memory_space<vmem>>) dst(%dma_wait3A_41 : memref<10240x16xf32, #tpu.memory_space<vmem_shared>>)
        tpu.yield
      }) : () -> ()
      %scan3A_31 = arith.constant 0 : i32
      scf.yield %scan3A_31 : i32
    }
    %scan3A_23 = arith.constant 157 : i32
    %barrier3A_24 = arith.constant 0 : index
    tpu.barrier barrier_id(%barrier3A_24)
    %mul3A_25 = arith.constant 640 : i32
    %mul3A_26 = arith.muli %arg1, %mul3A_25 : i32
    "tpu.region"() ({
      %run_scoped3A = tpu.sem_alloc : memref<!tpu.dma_semaphore, #tpu.memory_space<semaphore_mem>>
      %dma_start3A = arith.constant 0 : i32
      %dma_start3A_29 = tpu.memref_slice %arg7[%mul3A_26, %dma_start3A] : memref<10240x16xf32, #tpu.memory_space<vmem_shared>> -> memref<640x16xf32, #tpu.memory_space<vmem_shared>>
      %dma_start3A_30 = arith.constant 0 : i32
      %dma_start3A_31 = tpu.memref_slice %arg7[%mul3A_26, %dma_start3A_30] : memref<10240x16xf32, #tpu.memory_space<vmem_shared>> -> memref<640x16xf32, #tpu.memory_space<vmem_shared>>
      tpu.enqueue_dma source(%dma_start3A_31 : memref<640x16xf32, #tpu.memory_space<vmem_shared>>) target(%arg6 : memref<640x16xf32, #tpu.memory_space<vmem>>) target_semaphore(%run_scoped3A : memref<!tpu.dma_semaphore, #tpu.memory_space<semaphore_mem>>)
      %dma_wait3A = arith.constant 0 : i32
      %dma_wait3A_32 = tpu.memref_slice %arg7[%mul3A_26, %dma_wait3A] : memref<10240x16xf32, #tpu.memory_space<vmem_shared>> -> memref<640x16xf32, #tpu.memory_space<vmem_shared>>
      %dma_wait3A_33 = arith.constant 0 : i32
      %dma_wait3A_34 = tpu.memref_slice %arg7[%mul3A_26, %dma_wait3A_33] : memref<10240x16xf32, #tpu.memory_space<vmem_shared>> -> memref<640x16xf32, #tpu.memory_space<vmem_shared>>
      tpu.wait_dma2 semaphore(%run_scoped3A : memref<!tpu.dma_semaphore, #tpu.memory_space<semaphore_mem>>) src(%dma_wait3A_34 : memref<640x16xf32, #tpu.memory_space<vmem_shared>>) dst(%arg6 : memref<640x16xf32, #tpu.memory_space<vmem>>)
      tpu.yield
    }) : () -> ()
    %mul3A_27 = arith.constant 640 : i32
    %mul3A_28 = arith.muli %arg1, %mul3A_27 : i32
    "tpu.region"() ({
      %run_scoped3A = tpu.sem_alloc : memref<!tpu.dma_semaphore, #tpu.memory_space<semaphore_mem>>
      %dma_start3A = arith.constant 0 : i32
      %dma_start3A_29 = arith.constant 0 : i32
      %dma_start3A_30 = tpu.memref_slice %arg3[%arg0, %dma_start3A, %dma_start3A_29] : memref<2x10240x16xf32, #tpu.memory_space<hbm>> -> memref<1x10240x16xf32, #tpu.memory_space<hbm>>
      %dma_start3A_31 = tpu.memref_squeeze %dma_start3A_30 : memref<1x10240x16xf32, #tpu.memory_space<hbm>> -> memref<10240x16xf32, #tpu.memory_space<hbm>>
      %dma_start3A_32 = arith.constant 0 : i32
      %dma_start3A_33 = tpu.memref_slice %dma_start3A_31[%mul3A_28, %dma_start3A_32] : memref<10240x16xf32, #tpu.memory_space<hbm>> -> memref<640x16xf32, #tpu.memory_space<hbm>>
      %dma_start3A_34 = arith.constant 0 : i32
      %dma_start3A_35 = arith.constant 0 : i32
      %dma_start3A_36 = tpu.memref_slice %arg3[%arg0, %dma_start3A_34, %dma_start3A_35] : memref<2x10240x16xf32, #tpu.memory_space<hbm>> -> memref<1x10240x16xf32, #tpu.memory_space<hbm>>
      %dma_start3A_37 = tpu.memref_squeeze %dma_start3A_36 : memref<1x10240x16xf32, #tpu.memory_space<hbm>> -> memref<10240x16xf32, #tpu.memory_space<hbm>>
      %dma_start3A_38 = arith.constant 0 : i32
      %dma_start3A_39 = tpu.memref_slice %dma_start3A_37[%mul3A_28, %dma_start3A_38] : memref<10240x16xf32, #tpu.memory_space<hbm>> -> memref<640x16xf32, #tpu.memory_space<hbm>>
      tpu.enqueue_dma source(%arg6 : memref<640x16xf32, #tpu.memory_space<vmem>>) target(%dma_start3A_39 : memref<640x16xf32, #tpu.memory_space<hbm>>) target_semaphore(%run_scoped3A : memref<!tpu.dma_semaphore, #tpu.memory_space<semaphore_mem>>)
      %dma_wait3A = arith.constant 0 : i32
      %dma_wait3A_40 = arith.constant 0 : i32
      %dma_wait3A_41 = tpu.memref_slice %arg3[%arg0, %dma_wait3A, %dma_wait3A_40] : memref<2x10240x16xf32, #tpu.memory_space<hbm>> -> memref<1x10240x16xf32, #tpu.memory_space<hbm>>
      %dma_wait3A_42 = tpu.memref_squeeze %dma_wait3A_41 : memref<1x10240x16xf32, #tpu.memory_space<hbm>> -> memref<10240x16xf32, #tpu.memory_space<hbm>>
      %dma_wait3A_43 = arith.constant 0 : i32
      %dma_wait3A_44 = tpu.memref_slice %dma_wait3A_42[%mul3A_28, %dma_wait3A_43] : memref<10240x16xf32, #tpu.memory_space<hbm>> -> memref<640x16xf32, #tpu.memory_space<hbm>>
      %dma_wait3A_45 = arith.constant 0 : i32
      %dma_wait3A_46 = arith.constant 0 : i32
      %dma_wait3A_47 = tpu.memref_slice %arg3[%arg0, %dma_wait3A_45, %dma_wait3A_46] : memref<2x10240x16xf32, #tpu.memory_space<hbm>> -> memref<1x10240x16xf32, #tpu.memory_space<hbm>>
      %dma_wait3A_48 = tpu.memref_squeeze %dma_wait3A_47 : memref<1x10240x16xf32, #tpu.memory_space<hbm>> -> memref<10240x16xf32, #tpu.memory_space<hbm>>
      %dma_wait3A_49 = arith.constant 0 : i32
      %dma_wait3A_50 = tpu.memref_slice %dma_wait3A_48[%mul3A_28, %dma_wait3A_49] : memref<10240x16xf32, #tpu.memory_space<hbm>> -> memref<640x16xf32, #tpu.memory_space<hbm>>
      tpu.wait_dma2 semaphore(%run_scoped3A : memref<!tpu.dma_semaphore, #tpu.memory_space<semaphore_mem>>) src(%arg6 : memref<640x16xf32, #tpu.memory_space<vmem>>) dst(%dma_wait3A_50 : memref<640x16xf32, #tpu.memory_space<hbm>>)
      tpu.yield
    }) : () -> ()
    return
  }
}

#map = affine_map<(d0, d1) -> (0, 0)>
#map1 = affine_map<(d0, d1) -> (0, 0, 0, 0)>
#map2 = affine_map<(d0, d1) -> (0, 0, 0)>
module attributes {stable_mosaic.version = 14 : i64} {
  func.func @_sc_agg(%arg0: i32, %arg1: i32, %arg2: memref<20000x128xbf16, #tpu.memory_space<hbm>>, %arg3: memref<2x16x157x128xi32, #tpu.memory_space<hbm>>, %arg4: memref<16x157x128xi32, #tpu.memory_space<hbm>>, %arg5: memref<128x128xbf16, #tpu.memory_space<hbm>>, %arg6: memref<10240x2x128xbf16, #tpu.memory_space<hbm>>, %arg7: memref<1x157x128xi32, #tpu.memory_space<vmem>>, %arg8: memref<157x128xi32, #tpu.memory_space<vmem>>, %arg9: memref<3x128x128xbf16, #tpu.memory_space<vmem>>, %arg10: memref<10240x128xbf16, #tpu.memory_space<vmem_shared>>, %arg11: memref<!tpu.dma_semaphore, #tpu.memory_space<semaphore_mem>>, %arg12: memref<!tpu.dma_semaphore, #tpu.memory_space<semaphore_mem>>) attributes {dimension_semantics = [#tpu.dimension_semantics<core_parallel>, #tpu.dimension_semantics<subcore_parallel>], iteration_bounds = array<i64: 2, 16>, scalar_prefetch = 0 : i64, scratch_operands = 6 : i64, tpu.core_type = #tpu.core_type<sc_vector_subcore>, window_params = [{transform_indices = #map}, {transform_indices = #map1}, {transform_indices = #map2}, {transform_indices = #map}, {transform_indices = #map2}]} {
    %mul3A = arith.constant 640 : i32
    %mul3A_0 = arith.muli %arg1, %mul3A : i32
    "tpu.region"() ({
      %run_scoped3A_604 = tpu.sem_alloc : memref<!tpu.dma_semaphore, #tpu.memory_space<semaphore_mem>>
      %dma_start3A_605 = arith.constant 0 : i32
      %dma_start3A_606 = arith.constant 0 : i32
      %dma_start3A_607 = tpu.memref_slice %arg4[%arg1, %dma_start3A_605, %dma_start3A_606] : memref<16x157x128xi32, #tpu.memory_space<hbm>> -> memref<1x157x128xi32, #tpu.memory_space<hbm>>
      %dma_start3A_608 = tpu.memref_squeeze %dma_start3A_607 : memref<1x157x128xi32, #tpu.memory_space<hbm>> -> memref<157x128xi32, #tpu.memory_space<hbm>>
      %dma_start3A_609 = arith.constant 0 : i32
      %dma_start3A_610 = arith.constant 0 : i32
      %dma_start3A_611 = tpu.memref_slice %arg4[%arg1, %dma_start3A_609, %dma_start3A_610] : memref<16x157x128xi32, #tpu.memory_space<hbm>> -> memref<1x157x128xi32, #tpu.memory_space<hbm>>
      %dma_start3A_612 = tpu.memref_squeeze %dma_start3A_611 : memref<1x157x128xi32, #tpu.memory_space<hbm>> -> memref<157x128xi32, #tpu.memory_space<hbm>>
      tpu.enqueue_dma source(%dma_start3A_612 : memref<157x128xi32, #tpu.memory_space<hbm>>) target(%arg8 : memref<157x128xi32, #tpu.memory_space<vmem>>) target_semaphore(%run_scoped3A_604 : memref<!tpu.dma_semaphore, #tpu.memory_space<semaphore_mem>>)
      %dma_wait3A_613 = arith.constant 0 : i32
      %dma_wait3A_614 = arith.constant 0 : i32
      %dma_wait3A_615 = tpu.memref_slice %arg4[%arg1, %dma_wait3A_613, %dma_wait3A_614] : memref<16x157x128xi32, #tpu.memory_space<hbm>> -> memref<1x157x128xi32, #tpu.memory_space<hbm>>
      %dma_wait3A_616 = tpu.memref_squeeze %dma_wait3A_615 : memref<1x157x128xi32, #tpu.memory_space<hbm>> -> memref<157x128xi32, #tpu.memory_space<hbm>>
      %dma_wait3A_617 = arith.constant 0 : i32
      %dma_wait3A_618 = arith.constant 0 : i32
      %dma_wait3A_619 = tpu.memref_slice %arg4[%arg1, %dma_wait3A_617, %dma_wait3A_618] : memref<16x157x128xi32, #tpu.memory_space<hbm>> -> memref<1x157x128xi32, #tpu.memory_space<hbm>>
      %dma_wait3A_620 = tpu.memref_squeeze %dma_wait3A_619 : memref<1x157x128xi32, #tpu.memory_space<hbm>> -> memref<157x128xi32, #tpu.memory_space<hbm>>
      tpu.wait_dma2 semaphore(%run_scoped3A_604 : memref<!tpu.dma_semaphore, #tpu.memory_space<semaphore_mem>>) src(%dma_wait3A_620 : memref<157x128xi32, #tpu.memory_space<hbm>>) dst(%arg8 : memref<157x128xi32, #tpu.memory_space<vmem>>)
      tpu.yield
    }) : () -> ()
    %run_scoped3A = arith.constant 0 : i32
    "tpu.region"() ({
      %run_scoped3A_604 = tpu.sem_alloc : memref<!tpu.dma_semaphore, #tpu.memory_space<semaphore_mem>>
      %dma_start3A_605 = arith.constant 0 : i32
      %dma_start3A_606 = arith.constant 0 : i32
      %dma_start3A_607 = tpu.memref_slice %arg7[%run_scoped3A, %dma_start3A_605, %dma_start3A_606] : memref<1x157x128xi32, #tpu.memory_space<vmem>> -> memref<1x157x128xi32, #tpu.memory_space<vmem>>
      %dma_start3A_608 = tpu.memref_squeeze %dma_start3A_607 : memref<1x157x128xi32, #tpu.memory_space<vmem>> -> memref<157x128xi32, #tpu.memory_space<vmem>>
      %dma_start3A_609 = arith.constant 0 : i32
      %dma_start3A_610 = arith.constant 0 : i32
      %dma_start3A_611 = arith.constant 0 : i32
      %dma_start3A_612 = tpu.memref_slice %arg3[%arg0, %dma_start3A_609, %dma_start3A_610, %dma_start3A_611] : memref<2x16x157x128xi32, #tpu.memory_space<hbm>> -> memref<1x16x157x128xi32, #tpu.memory_space<hbm>>
      %dma_start3A_613 = tpu.memref_squeeze %dma_start3A_612 : memref<1x16x157x128xi32, #tpu.memory_space<hbm>> -> memref<16x157x128xi32, #tpu.memory_space<hbm>>
      %dma_start3A_614 = arith.constant 0 : i32
      %dma_start3A_615 = arith.constant 0 : i32
      %dma_start3A_616 = tpu.memref_slice %dma_start3A_613[%arg1, %dma_start3A_614, %dma_start3A_615] : memref<16x157x128xi32, #tpu.memory_space<hbm>> -> memref<1x157x128xi32, #tpu.memory_space<hbm>>
      %dma_start3A_617 = tpu.memref_squeeze %dma_start3A_616 : memref<1x157x128xi32, #tpu.memory_space<hbm>> -> memref<157x128xi32, #tpu.memory_space<hbm>>
      %dma_start3A_618 = arith.constant 0 : i32
      %dma_start3A_619 = arith.constant 0 : i32
      %dma_start3A_620 = tpu.memref_slice %arg7[%run_scoped3A, %dma_start3A_618, %dma_start3A_619] : memref<1x157x128xi32, #tpu.memory_space<vmem>> -> memref<1x157x128xi32, #tpu.memory_space<vmem>>
      %dma_start3A_621 = tpu.memref_squeeze %dma_start3A_620 : memref<1x157x128xi32, #tpu.memory_space<vmem>> -> memref<157x128xi32, #tpu.memory_space<vmem>>
      %dma_start3A_622 = arith.constant 0 : i32
      %dma_start3A_623 = arith.constant 0 : i32
      %dma_start3A_624 = arith.constant 0 : i32
      %dma_start3A_625 = tpu.memref_slice %arg3[%arg0, %dma_start3A_622, %dma_start3A_623, %dma_start3A_624] : memref<2x16x157x128xi32, #tpu.memory_space<hbm>> -> memref<1x16x157x128xi32, #tpu.memory_space<hbm>>
      %dma_start3A_626 = tpu.memref_squeeze %dma_start3A_625 : memref<1x16x157x128xi32, #tpu.memory_space<hbm>> -> memref<16x157x128xi32, #tpu.memory_space<hbm>>
      %dma_start3A_627 = arith.constant 0 : i32
      %dma_start3A_628 = arith.constant 0 : i32
      %dma_start3A_629 = tpu.memref_slice %dma_start3A_626[%arg1, %dma_start3A_627, %dma_start3A_628] : memref<16x157x128xi32, #tpu.memory_space<hbm>> -> memref<1x157x128xi32, #tpu.memory_space<hbm>>
      %dma_start3A_630 = tpu.memref_squeeze %dma_start3A_629 : memref<1x157x128xi32, #tpu.memory_space<hbm>> -> memref<157x128xi32, #tpu.memory_space<hbm>>
      tpu.enqueue_dma source(%dma_start3A_630 : memref<157x128xi32, #tpu.memory_space<hbm>>) target(%dma_start3A_621 : memref<157x128xi32, #tpu.memory_space<vmem>>) target_semaphore(%run_scoped3A_604 : memref<!tpu.dma_semaphore, #tpu.memory_space<semaphore_mem>>)
      %dma_wait3A_631 = arith.constant 0 : i32
      %dma_wait3A_632 = arith.constant 0 : i32
      %dma_wait3A_633 = tpu.memref_slice %arg7[%run_scoped3A, %dma_wait3A_631, %dma_wait3A_632] : memref<1x157x128xi32, #tpu.memory_space<vmem>> -> memref<1x157x128xi32, #tpu.memory_space<vmem>>
      %dma_wait3A_634 = tpu.memref_squeeze %dma_wait3A_633 : memref<1x157x128xi32, #tpu.memory_space<vmem>> -> memref<157x128xi32, #tpu.memory_space<vmem>>
      %dma_wait3A_635 = arith.constant 0 : i32
      %dma_wait3A_636 = arith.constant 0 : i32
      %dma_wait3A_637 = arith.constant 0 : i32
      %dma_wait3A_638 = tpu.memref_slice %arg3[%arg0, %dma_wait3A_635, %dma_wait3A_636, %dma_wait3A_637] : memref<2x16x157x128xi32, #tpu.memory_space<hbm>> -> memref<1x16x157x128xi32, #tpu.memory_space<hbm>>
      %dma_wait3A_639 = tpu.memref_squeeze %dma_wait3A_638 : memref<1x16x157x128xi32, #tpu.memory_space<hbm>> -> memref<16x157x128xi32, #tpu.memory_space<hbm>>
      %dma_wait3A_640 = arith.constant 0 : i32
      %dma_wait3A_641 = arith.constant 0 : i32
      %dma_wait3A_642 = tpu.memref_slice %dma_wait3A_639[%arg1, %dma_wait3A_640, %dma_wait3A_641] : memref<16x157x128xi32, #tpu.memory_space<hbm>> -> memref<1x157x128xi32, #tpu.memory_space<hbm>>
      %dma_wait3A_643 = tpu.memref_squeeze %dma_wait3A_642 : memref<1x157x128xi32, #tpu.memory_space<hbm>> -> memref<157x128xi32, #tpu.memory_space<hbm>>
      %dma_wait3A_644 = arith.constant 0 : i32
      %dma_wait3A_645 = arith.constant 0 : i32
      %dma_wait3A_646 = tpu.memref_slice %arg7[%run_scoped3A, %dma_wait3A_644, %dma_wait3A_645] : memref<1x157x128xi32, #tpu.memory_space<vmem>> -> memref<1x157x128xi32, #tpu.memory_space<vmem>>
      %dma_wait3A_647 = tpu.memref_squeeze %dma_wait3A_646 : memref<1x157x128xi32, #tpu.memory_space<vmem>> -> memref<157x128xi32, #tpu.memory_space<vmem>>
      %dma_wait3A_648 = arith.constant 0 : i32
      %dma_wait3A_649 = arith.constant 0 : i32
      %dma_wait3A_650 = arith.constant 0 : i32
      %dma_wait3A_651 = tpu.memref_slice %arg3[%arg0, %dma_wait3A_648, %dma_wait3A_649, %dma_wait3A_650] : memref<2x16x157x128xi32, #tpu.memory_space<hbm>> -> memref<1x16x157x128xi32, #tpu.memory_space<hbm>>
      %dma_wait3A_652 = tpu.memref_squeeze %dma_wait3A_651 : memref<1x16x157x128xi32, #tpu.memory_space<hbm>> -> memref<16x157x128xi32, #tpu.memory_space<hbm>>
      %dma_wait3A_653 = arith.constant 0 : i32
      %dma_wait3A_654 = arith.constant 0 : i32
      %dma_wait3A_655 = tpu.memref_slice %dma_wait3A_652[%arg1, %dma_wait3A_653, %dma_wait3A_654] : memref<16x157x128xi32, #tpu.memory_space<hbm>> -> memref<1x157x128xi32, #tpu.memory_space<hbm>>
      %dma_wait3A_656 = tpu.memref_squeeze %dma_wait3A_655 : memref<1x157x128xi32, #tpu.memory_space<hbm>> -> memref<157x128xi32, #tpu.memory_space<hbm>>
      tpu.wait_dma2 semaphore(%run_scoped3A_604 : memref<!tpu.dma_semaphore, #tpu.memory_space<semaphore_mem>>) src(%dma_wait3A_656 : memref<157x128xi32, #tpu.memory_space<hbm>>) dst(%dma_wait3A_647 : memref<157x128xi32, #tpu.memory_space<vmem>>)
      tpu.yield
    }) : () -> ()
    %run_scoped3A_1 = arith.constant 0 : i32
    "tpu.region"() ({
      %run_scoped3A_604 = tpu.sem_alloc : memref<!tpu.dma_semaphore, #tpu.memory_space<semaphore_mem>>
      %dma_start3A_605 = arith.constant 0 : i32
      %dma_start3A_606 = arith.constant 0 : i32
      %dma_start3A_607 = tpu.memref_slice %arg9[%run_scoped3A_1, %dma_start3A_605, %dma_start3A_606] : memref<3x128x128xbf16, #tpu.memory_space<vmem>> -> memref<1x128x128xbf16, #tpu.memory_space<vmem>>
      %dma_start3A_608 = tpu.memref_squeeze %dma_start3A_607 : memref<1x128x128xbf16, #tpu.memory_space<vmem>> -> memref<128x128xbf16, #tpu.memory_space<vmem>>
      %dma_start3A_609 = arith.constant 0 : i32
      %dma_start3A_610 = arith.constant 0 : i32
      %dma_start3A_611 = tpu.memref_slice %arg9[%run_scoped3A_1, %dma_start3A_609, %dma_start3A_610] : memref<3x128x128xbf16, #tpu.memory_space<vmem>> -> memref<1x128x128xbf16, #tpu.memory_space<vmem>>
      %dma_start3A_612 = tpu.memref_squeeze %dma_start3A_611 : memref<1x128x128xbf16, #tpu.memory_space<vmem>> -> memref<128x128xbf16, #tpu.memory_space<vmem>>
      tpu.enqueue_dma source(%arg5 : memref<128x128xbf16, #tpu.memory_space<hbm>>) target(%dma_start3A_612 : memref<128x128xbf16, #tpu.memory_space<vmem>>) target_semaphore(%run_scoped3A_604 : memref<!tpu.dma_semaphore, #tpu.memory_space<semaphore_mem>>)
      %dma_wait3A_613 = arith.constant 0 : i32
      %dma_wait3A_614 = arith.constant 0 : i32
      %dma_wait3A_615 = tpu.memref_slice %arg9[%run_scoped3A_1, %dma_wait3A_613, %dma_wait3A_614] : memref<3x128x128xbf16, #tpu.memory_space<vmem>> -> memref<1x128x128xbf16, #tpu.memory_space<vmem>>
      %dma_wait3A_616 = tpu.memref_squeeze %dma_wait3A_615 : memref<1x128x128xbf16, #tpu.memory_space<vmem>> -> memref<128x128xbf16, #tpu.memory_space<vmem>>
      %dma_wait3A_617 = arith.constant 0 : i32
      %dma_wait3A_618 = arith.constant 0 : i32
      %dma_wait3A_619 = tpu.memref_slice %arg9[%run_scoped3A_1, %dma_wait3A_617, %dma_wait3A_618] : memref<3x128x128xbf16, #tpu.memory_space<vmem>> -> memref<1x128x128xbf16, #tpu.memory_space<vmem>>
      %dma_wait3A_620 = tpu.memref_squeeze %dma_wait3A_619 : memref<1x128x128xbf16, #tpu.memory_space<vmem>> -> memref<128x128xbf16, #tpu.memory_space<vmem>>
      tpu.wait_dma2 semaphore(%run_scoped3A_604 : memref<!tpu.dma_semaphore, #tpu.memory_space<semaphore_mem>>) src(%arg5 : memref<128x128xbf16, #tpu.memory_space<hbm>>) dst(%dma_wait3A_620 : memref<128x128xbf16, #tpu.memory_space<vmem>>)
      tpu.yield
    }) : () -> ()
    %add3A = arith.constant 0 : i32
    %add3A_2 = arith.addi %mul3A_0, %add3A : i32
    %dma_start3A = arith.constant 0 : i32
    %dma_start3A_3 = arith.constant 0 : i32
    %dma_start3A_4 = arith.constant 0 : i32
    %dma_start3A_5 = tpu.memref_slice %arg9[%dma_start3A, %dma_start3A_3, %dma_start3A_4] : memref<3x128x128xbf16, #tpu.memory_space<vmem>> -> memref<1x128x128xbf16, #tpu.memory_space<vmem>>
    %dma_start3A_6 = tpu.memref_squeeze %dma_start3A_5 : memref<1x128x128xbf16, #tpu.memory_space<vmem>> -> memref<128x128xbf16, #tpu.memory_space<vmem>>
    %dma_start3A_7 = arith.constant 0 : i32
    %dma_start3A_8 = tpu.memref_slice %arg10[%add3A_2, %dma_start3A_7] : memref<10240x128xbf16, #tpu.memory_space<vmem_shared>> -> memref<128x128xbf16, #tpu.memory_space<vmem_shared>>
    %dma_start3A_9 = arith.constant 0 : i32
    %dma_start3A_10 = tpu.memref_slice %arg10[%add3A_2, %dma_start3A_9] : memref<10240x128xbf16, #tpu.memory_space<vmem_shared>> -> memref<128x128xbf16, #tpu.memory_space<vmem_shared>>
    %dma_start3A_11 = arith.constant 0 : i32
    %dma_start3A_12 = arith.constant 0 : i32
    %dma_start3A_13 = tpu.memref_slice %arg9[%dma_start3A, %dma_start3A_11, %dma_start3A_12] : memref<3x128x128xbf16, #tpu.memory_space<vmem>> -> memref<1x128x128xbf16, #tpu.memory_space<vmem>>
    %dma_start3A_14 = tpu.memref_squeeze %dma_start3A_13 : memref<1x128x128xbf16, #tpu.memory_space<vmem>> -> memref<128x128xbf16, #tpu.memory_space<vmem>>
    tpu.enqueue_dma source(%dma_start3A_14 : memref<128x128xbf16, #tpu.memory_space<vmem>>) target(%dma_start3A_10 : memref<128x128xbf16, #tpu.memory_space<vmem_shared>>) target_semaphore(%arg12 : memref<!tpu.dma_semaphore, #tpu.memory_space<semaphore_mem>>)
    %add3A_15 = arith.constant 128 : i32
    %add3A_16 = arith.addi %mul3A_0, %add3A_15 : i32
    %dma_start3A_17 = arith.constant 0 : i32
    %dma_start3A_18 = arith.constant 0 : i32
    %dma_start3A_19 = arith.constant 0 : i32
    %dma_start3A_20 = tpu.memref_slice %arg9[%dma_start3A_17, %dma_start3A_18, %dma_start3A_19] : memref<3x128x128xbf16, #tpu.memory_space<vmem>> -> memref<1x128x128xbf16, #tpu.memory_space<vmem>>
    %dma_start3A_21 = tpu.memref_squeeze %dma_start3A_20 : memref<1x128x128xbf16, #tpu.memory_space<vmem>> -> memref<128x128xbf16, #tpu.memory_space<vmem>>
    %dma_start3A_22 = arith.constant 0 : i32
    %dma_start3A_23 = tpu.memref_slice %arg10[%add3A_16, %dma_start3A_22] : memref<10240x128xbf16, #tpu.memory_space<vmem_shared>> -> memref<128x128xbf16, #tpu.memory_space<vmem_shared>>
    %dma_start3A_24 = arith.constant 0 : i32
    %dma_start3A_25 = tpu.memref_slice %arg10[%add3A_16, %dma_start3A_24] : memref<10240x128xbf16, #tpu.memory_space<vmem_shared>> -> memref<128x128xbf16, #tpu.memory_space<vmem_shared>>
    %dma_start3A_26 = arith.constant 0 : i32
    %dma_start3A_27 = arith.constant 0 : i32
    %dma_start3A_28 = tpu.memref_slice %arg9[%dma_start3A_17, %dma_start3A_26, %dma_start3A_27] : memref<3x128x128xbf16, #tpu.memory_space<vmem>> -> memref<1x128x128xbf16, #tpu.memory_space<vmem>>
    %dma_start3A_29 = tpu.memref_squeeze %dma_start3A_28 : memref<1x128x128xbf16, #tpu.memory_space<vmem>> -> memref<128x128xbf16, #tpu.memory_space<vmem>>
    tpu.enqueue_dma source(%dma_start3A_29 : memref<128x128xbf16, #tpu.memory_space<vmem>>) target(%dma_start3A_25 : memref<128x128xbf16, #tpu.memory_space<vmem_shared>>) target_semaphore(%arg12 : memref<!tpu.dma_semaphore, #tpu.memory_space<semaphore_mem>>)
    %add3A_30 = arith.constant 256 : i32
    %add3A_31 = arith.addi %mul3A_0, %add3A_30 : i32
    %dma_start3A_32 = arith.constant 0 : i32
    %dma_start3A_33 = arith.constant 0 : i32
    %dma_start3A_34 = arith.constant 0 : i32
    %dma_start3A_35 = tpu.memref_slice %arg9[%dma_start3A_32, %dma_start3A_33, %dma_start3A_34] : memref<3x128x128xbf16, #tpu.memory_space<vmem>> -> memref<1x128x128xbf16, #tpu.memory_space<vmem>>
    %dma_start3A_36 = tpu.memref_squeeze %dma_start3A_35 : memref<1x128x128xbf16, #tpu.memory_space<vmem>> -> memref<128x128xbf16, #tpu.memory_space<vmem>>
    %dma_start3A_37 = arith.constant 0 : i32
    %dma_start3A_38 = tpu.memref_slice %arg10[%add3A_31, %dma_start3A_37] : memref<10240x128xbf16, #tpu.memory_space<vmem_shared>> -> memref<128x128xbf16, #tpu.memory_space<vmem_shared>>
    %dma_start3A_39 = arith.constant 0 : i32
    %dma_start3A_40 = tpu.memref_slice %arg10[%add3A_31, %dma_start3A_39] : memref<10240x128xbf16, #tpu.memory_space<vmem_shared>> -> memref<128x128xbf16, #tpu.memory_space<vmem_shared>>
    %dma_start3A_41 = arith.constant 0 : i32
    %dma_start3A_42 = arith.constant 0 : i32
    %dma_start3A_43 = tpu.memref_slice %arg9[%dma_start3A_32, %dma_start3A_41, %dma_start3A_42] : memref<3x128x128xbf16, #tpu.memory_space<vmem>> -> memref<1x128x128xbf16, #tpu.memory_space<vmem>>
    %dma_start3A_44 = tpu.memref_squeeze %dma_start3A_43 : memref<1x128x128xbf16, #tpu.memory_space<vmem>> -> memref<128x128xbf16, #tpu.memory_space<vmem>>
    tpu.enqueue_dma source(%dma_start3A_44 : memref<128x128xbf16, #tpu.memory_space<vmem>>) target(%dma_start3A_40 : memref<128x128xbf16, #tpu.memory_space<vmem_shared>>) target_semaphore(%arg12 : memref<!tpu.dma_semaphore, #tpu.memory_space<semaphore_mem>>)
    %add3A_45 = arith.constant 384 : i32
    %add3A_46 = arith.addi %mul3A_0, %add3A_45 : i32
    %dma_start3A_47 = arith.constant 0 : i32
    %dma_start3A_48 = arith.constant 0 : i32
    %dma_start3A_49 = arith.constant 0 : i32
    %dma_start3A_50 = tpu.memref_slice %arg9[%dma_start3A_47, %dma_start3A_48, %dma_start3A_49] : memref<3x128x128xbf16, #tpu.memory_space<vmem>> -> memref<1x128x128xbf16, #tpu.memory_space<vmem>>
    %dma_start3A_51 = tpu.memref_squeeze %dma_start3A_50 : memref<1x128x128xbf16, #tpu.memory_space<vmem>> -> memref<128x128xbf16, #tpu.memory_space<vmem>>
    %dma_start3A_52 = arith.constant 0 : i32
    %dma_start3A_53 = tpu.memref_slice %arg10[%add3A_46, %dma_start3A_52] : memref<10240x128xbf16, #tpu.memory_space<vmem_shared>> -> memref<128x128xbf16, #tpu.memory_space<vmem_shared>>
    %dma_start3A_54 = arith.constant 0 : i32
    %dma_start3A_55 = tpu.memref_slice %arg10[%add3A_46, %dma_start3A_54] : memref<10240x128xbf16, #tpu.memory_space<vmem_shared>> -> memref<128x128xbf16, #tpu.memory_space<vmem_shared>>
    %dma_start3A_56 = arith.constant 0 : i32
    %dma_start3A_57 = arith.constant 0 : i32
    %dma_start3A_58 = tpu.memref_slice %arg9[%dma_start3A_47, %dma_start3A_56, %dma_start3A_57] : memref<3x128x128xbf16, #tpu.memory_space<vmem>> -> memref<1x128x128xbf16, #tpu.memory_space<vmem>>
    %dma_start3A_59 = tpu.memref_squeeze %dma_start3A_58 : memref<1x128x128xbf16, #tpu.memory_space<vmem>> -> memref<128x128xbf16, #tpu.memory_space<vmem>>
    tpu.enqueue_dma source(%dma_start3A_59 : memref<128x128xbf16, #tpu.memory_space<vmem>>) target(%dma_start3A_55 : memref<128x128xbf16, #tpu.memory_space<vmem_shared>>) target_semaphore(%arg12 : memref<!tpu.dma_semaphore, #tpu.memory_space<semaphore_mem>>)
    %add3A_60 = arith.constant 512 : i32
    %add3A_61 = arith.addi %mul3A_0, %add3A_60 : i32
    %dma_start3A_62 = arith.constant 0 : i32
    %dma_start3A_63 = arith.constant 0 : i32
    %dma_start3A_64 = arith.constant 0 : i32
    %dma_start3A_65 = tpu.memref_slice %arg9[%dma_start3A_62, %dma_start3A_63, %dma_start3A_64] : memref<3x128x128xbf16, #tpu.memory_space<vmem>> -> memref<1x128x128xbf16, #tpu.memory_space<vmem>>
    %dma_start3A_66 = tpu.memref_squeeze %dma_start3A_65 : memref<1x128x128xbf16, #tpu.memory_space<vmem>> -> memref<128x128xbf16, #tpu.memory_space<vmem>>
    %dma_start3A_67 = arith.constant 0 : i32
    %dma_start3A_68 = tpu.memref_slice %arg10[%add3A_61, %dma_start3A_67] : memref<10240x128xbf16, #tpu.memory_space<vmem_shared>> -> memref<128x128xbf16, #tpu.memory_space<vmem_shared>>
    %dma_start3A_69 = arith.constant 0 : i32
    %dma_start3A_70 = tpu.memref_slice %arg10[%add3A_61, %dma_start3A_69] : memref<10240x128xbf16, #tpu.memory_space<vmem_shared>> -> memref<128x128xbf16, #tpu.memory_space<vmem_shared>>
    %dma_start3A_71 = arith.constant 0 : i32
    %dma_start3A_72 = arith.constant 0 : i32
    %dma_start3A_73 = tpu.memref_slice %arg9[%dma_start3A_62, %dma_start3A_71, %dma_start3A_72] : memref<3x128x128xbf16, #tpu.memory_space<vmem>> -> memref<1x128x128xbf16, #tpu.memory_space<vmem>>
    %dma_start3A_74 = tpu.memref_squeeze %dma_start3A_73 : memref<1x128x128xbf16, #tpu.memory_space<vmem>> -> memref<128x128xbf16, #tpu.memory_space<vmem>>
    tpu.enqueue_dma source(%dma_start3A_74 : memref<128x128xbf16, #tpu.memory_space<vmem>>) target(%dma_start3A_70 : memref<128x128xbf16, #tpu.memory_space<vmem_shared>>) target_semaphore(%arg12 : memref<!tpu.dma_semaphore, #tpu.memory_space<semaphore_mem>>)
    %add3A_75 = arith.constant 0 : i32
    %add3A_76 = arith.addi %mul3A_0, %add3A_75 : i32
    %dma_wait3A = arith.constant 0 : i32
    %dma_wait3A_77 = arith.constant 0 : i32
    %dma_wait3A_78 = arith.constant 0 : i32
    %dma_wait3A_79 = tpu.memref_slice %arg9[%dma_wait3A, %dma_wait3A_77, %dma_wait3A_78] : memref<3x128x128xbf16, #tpu.memory_space<vmem>> -> memref<1x128x128xbf16, #tpu.memory_space<vmem>>
    %dma_wait3A_80 = tpu.memref_squeeze %dma_wait3A_79 : memref<1x128x128xbf16, #tpu.memory_space<vmem>> -> memref<128x128xbf16, #tpu.memory_space<vmem>>
    %dma_wait3A_81 = arith.constant 0 : i32
    %dma_wait3A_82 = tpu.memref_slice %arg10[%add3A_76, %dma_wait3A_81] : memref<10240x128xbf16, #tpu.memory_space<vmem_shared>> -> memref<128x128xbf16, #tpu.memory_space<vmem_shared>>
    %dma_wait3A_83 = arith.constant 0 : i32
    %dma_wait3A_84 = tpu.memref_slice %arg10[%add3A_76, %dma_wait3A_83] : memref<10240x128xbf16, #tpu.memory_space<vmem_shared>> -> memref<128x128xbf16, #tpu.memory_space<vmem_shared>>
    %dma_wait3A_85 = arith.constant 0 : i32
    %dma_wait3A_86 = arith.constant 0 : i32
    %dma_wait3A_87 = tpu.memref_slice %arg9[%dma_wait3A, %dma_wait3A_85, %dma_wait3A_86] : memref<3x128x128xbf16, #tpu.memory_space<vmem>> -> memref<1x128x128xbf16, #tpu.memory_space<vmem>>
    %dma_wait3A_88 = tpu.memref_squeeze %dma_wait3A_87 : memref<1x128x128xbf16, #tpu.memory_space<vmem>> -> memref<128x128xbf16, #tpu.memory_space<vmem>>
    tpu.wait_dma2 semaphore(%arg12 : memref<!tpu.dma_semaphore, #tpu.memory_space<semaphore_mem>>) src(%dma_wait3A_88 : memref<128x128xbf16, #tpu.memory_space<vmem>>) dst(%dma_wait3A_84 : memref<128x128xbf16, #tpu.memory_space<vmem_shared>>)
    %add3A_89 = arith.constant 128 : i32
    %add3A_90 = arith.addi %mul3A_0, %add3A_89 : i32
    %dma_wait3A_91 = arith.constant 0 : i32
    %dma_wait3A_92 = arith.constant 0 : i32
    %dma_wait3A_93 = arith.constant 0 : i32
    %dma_wait3A_94 = tpu.memref_slice %arg9[%dma_wait3A_91, %dma_wait3A_92, %dma_wait3A_93] : memref<3x128x128xbf16, #tpu.memory_space<vmem>> -> memref<1x128x128xbf16, #tpu.memory_space<vmem>>
    %dma_wait3A_95 = tpu.memref_squeeze %dma_wait3A_94 : memref<1x128x128xbf16, #tpu.memory_space<vmem>> -> memref<128x128xbf16, #tpu.memory_space<vmem>>
    %dma_wait3A_96 = arith.constant 0 : i32
    %dma_wait3A_97 = tpu.memref_slice %arg10[%add3A_90, %dma_wait3A_96] : memref<10240x128xbf16, #tpu.memory_space<vmem_shared>> -> memref<128x128xbf16, #tpu.memory_space<vmem_shared>>
    %dma_wait3A_98 = arith.constant 0 : i32
    %dma_wait3A_99 = tpu.memref_slice %arg10[%add3A_90, %dma_wait3A_98] : memref<10240x128xbf16, #tpu.memory_space<vmem_shared>> -> memref<128x128xbf16, #tpu.memory_space<vmem_shared>>
    %dma_wait3A_100 = arith.constant 0 : i32
    %dma_wait3A_101 = arith.constant 0 : i32
    %dma_wait3A_102 = tpu.memref_slice %arg9[%dma_wait3A_91, %dma_wait3A_100, %dma_wait3A_101] : memref<3x128x128xbf16, #tpu.memory_space<vmem>> -> memref<1x128x128xbf16, #tpu.memory_space<vmem>>
    %dma_wait3A_103 = tpu.memref_squeeze %dma_wait3A_102 : memref<1x128x128xbf16, #tpu.memory_space<vmem>> -> memref<128x128xbf16, #tpu.memory_space<vmem>>
    tpu.wait_dma2 semaphore(%arg12 : memref<!tpu.dma_semaphore, #tpu.memory_space<semaphore_mem>>) src(%dma_wait3A_103 : memref<128x128xbf16, #tpu.memory_space<vmem>>) dst(%dma_wait3A_99 : memref<128x128xbf16, #tpu.memory_space<vmem_shared>>)
    %add3A_104 = arith.constant 256 : i32
    %add3A_105 = arith.addi %mul3A_0, %add3A_104 : i32
    %dma_wait3A_106 = arith.constant 0 : i32
    %dma_wait3A_107 = arith.constant 0 : i32
    %dma_wait3A_108 = arith.constant 0 : i32
    %dma_wait3A_109 = tpu.memref_slice %arg9[%dma_wait3A_106, %dma_wait3A_107, %dma_wait3A_108] : memref<3x128x128xbf16, #tpu.memory_space<vmem>> -> memref<1x128x128xbf16, #tpu.memory_space<vmem>>
    %dma_wait3A_110 = tpu.memref_squeeze %dma_wait3A_109 : memref<1x128x128xbf16, #tpu.memory_space<vmem>> -> memref<128x128xbf16, #tpu.memory_space<vmem>>
    %dma_wait3A_111 = arith.constant 0 : i32
    %dma_wait3A_112 = tpu.memref_slice %arg10[%add3A_105, %dma_wait3A_111] : memref<10240x128xbf16, #tpu.memory_space<vmem_shared>> -> memref<128x128xbf16, #tpu.memory_space<vmem_shared>>
    %dma_wait3A_113 = arith.constant 0 : i32
    %dma_wait3A_114 = tpu.memref_slice %arg10[%add3A_105, %dma_wait3A_113] : memref<10240x128xbf16, #tpu.memory_space<vmem_shared>> -> memref<128x128xbf16, #tpu.memory_space<vmem_shared>>
    %dma_wait3A_115 = arith.constant 0 : i32
    %dma_wait3A_116 = arith.constant 0 : i32
    %dma_wait3A_117 = tpu.memref_slice %arg9[%dma_wait3A_106, %dma_wait3A_115, %dma_wait3A_116] : memref<3x128x128xbf16, #tpu.memory_space<vmem>> -> memref<1x128x128xbf16, #tpu.memory_space<vmem>>
    %dma_wait3A_118 = tpu.memref_squeeze %dma_wait3A_117 : memref<1x128x128xbf16, #tpu.memory_space<vmem>> -> memref<128x128xbf16, #tpu.memory_space<vmem>>
    tpu.wait_dma2 semaphore(%arg12 : memref<!tpu.dma_semaphore, #tpu.memory_space<semaphore_mem>>) src(%dma_wait3A_118 : memref<128x128xbf16, #tpu.memory_space<vmem>>) dst(%dma_wait3A_114 : memref<128x128xbf16, #tpu.memory_space<vmem_shared>>)
    %add3A_119 = arith.constant 384 : i32
    %add3A_120 = arith.addi %mul3A_0, %add3A_119 : i32
    %dma_wait3A_121 = arith.constant 0 : i32
    %dma_wait3A_122 = arith.constant 0 : i32
    %dma_wait3A_123 = arith.constant 0 : i32
    %dma_wait3A_124 = tpu.memref_slice %arg9[%dma_wait3A_121, %dma_wait3A_122, %dma_wait3A_123] : memref<3x128x128xbf16, #tpu.memory_space<vmem>> -> memref<1x128x128xbf16, #tpu.memory_space<vmem>>
    %dma_wait3A_125 = tpu.memref_squeeze %dma_wait3A_124 : memref<1x128x128xbf16, #tpu.memory_space<vmem>> -> memref<128x128xbf16, #tpu.memory_space<vmem>>
    %dma_wait3A_126 = arith.constant 0 : i32
    %dma_wait3A_127 = tpu.memref_slice %arg10[%add3A_120, %dma_wait3A_126] : memref<10240x128xbf16, #tpu.memory_space<vmem_shared>> -> memref<128x128xbf16, #tpu.memory_space<vmem_shared>>
    %dma_wait3A_128 = arith.constant 0 : i32
    %dma_wait3A_129 = tpu.memref_slice %arg10[%add3A_120, %dma_wait3A_128] : memref<10240x128xbf16, #tpu.memory_space<vmem_shared>> -> memref<128x128xbf16, #tpu.memory_space<vmem_shared>>
    %dma_wait3A_130 = arith.constant 0 : i32
    %dma_wait3A_131 = arith.constant 0 : i32
    %dma_wait3A_132 = tpu.memref_slice %arg9[%dma_wait3A_121, %dma_wait3A_130, %dma_wait3A_131] : memref<3x128x128xbf16, #tpu.memory_space<vmem>> -> memref<1x128x128xbf16, #tpu.memory_space<vmem>>
    %dma_wait3A_133 = tpu.memref_squeeze %dma_wait3A_132 : memref<1x128x128xbf16, #tpu.memory_space<vmem>> -> memref<128x128xbf16, #tpu.memory_space<vmem>>
    tpu.wait_dma2 semaphore(%arg12 : memref<!tpu.dma_semaphore, #tpu.memory_space<semaphore_mem>>) src(%dma_wait3A_133 : memref<128x128xbf16, #tpu.memory_space<vmem>>) dst(%dma_wait3A_129 : memref<128x128xbf16, #tpu.memory_space<vmem_shared>>)
    %add3A_134 = arith.constant 512 : i32
    %add3A_135 = arith.addi %mul3A_0, %add3A_134 : i32
    %dma_wait3A_136 = arith.constant 0 : i32
    %dma_wait3A_137 = arith.constant 0 : i32
    %dma_wait3A_138 = arith.constant 0 : i32
    %dma_wait3A_139 = tpu.memref_slice %arg9[%dma_wait3A_136, %dma_wait3A_137, %dma_wait3A_138] : memref<3x128x128xbf16, #tpu.memory_space<vmem>> -> memref<1x128x128xbf16, #tpu.memory_space<vmem>>
    %dma_wait3A_140 = tpu.memref_squeeze %dma_wait3A_139 : memref<1x128x128xbf16, #tpu.memory_space<vmem>> -> memref<128x128xbf16, #tpu.memory_space<vmem>>
    %dma_wait3A_141 = arith.constant 0 : i32
    %dma_wait3A_142 = tpu.memref_slice %arg10[%add3A_135, %dma_wait3A_141] : memref<10240x128xbf16, #tpu.memory_space<vmem_shared>> -> memref<128x128xbf16, #tpu.memory_space<vmem_shared>>
    %dma_wait3A_143 = arith.constant 0 : i32
    %dma_wait3A_144 = tpu.memref_slice %arg10[%add3A_135, %dma_wait3A_143] : memref<10240x128xbf16, #tpu.memory_space<vmem_shared>> -> memref<128x128xbf16, #tpu.memory_space<vmem_shared>>
    %dma_wait3A_145 = arith.constant 0 : i32
    %dma_wait3A_146 = arith.constant 0 : i32
    %dma_wait3A_147 = tpu.memref_slice %arg9[%dma_wait3A_136, %dma_wait3A_145, %dma_wait3A_146] : memref<3x128x128xbf16, #tpu.memory_space<vmem>> -> memref<1x128x128xbf16, #tpu.memory_space<vmem>>
    %dma_wait3A_148 = tpu.memref_squeeze %dma_wait3A_147 : memref<1x128x128xbf16, #tpu.memory_space<vmem>> -> memref<128x128xbf16, #tpu.memory_space<vmem>>
    tpu.wait_dma2 semaphore(%arg12 : memref<!tpu.dma_semaphore, #tpu.memory_space<semaphore_mem>>) src(%dma_wait3A_148 : memref<128x128xbf16, #tpu.memory_space<vmem>>) dst(%dma_wait3A_144 : memref<128x128xbf16, #tpu.memory_space<vmem_shared>>)
    %barrier3A = arith.constant 0 : index
    tpu.barrier barrier_id(%barrier3A)
    %dma_start3A_149 = arith.constant 0 : i32
    %dma_start3A_150 = arith.constant 0 : i32
    %dma_start3A_151 = arith.constant 0 : i32
    %dma_start3A_152 = arith.constant 0 : i32
    %dma_start3A_153 = arith.constant 0 : i32
    %dma_start3A_154 = tpu.memref_slice %arg9[%dma_start3A_151, %dma_start3A_152, %dma_start3A_153] : memref<3x128x128xbf16, #tpu.memory_space<vmem>> -> memref<1x128x128xbf16, #tpu.memory_space<vmem>>
    %dma_start3A_155 = tpu.memref_squeeze %dma_start3A_154 : memref<1x128x128xbf16, #tpu.memory_space<vmem>> -> memref<128x128xbf16, #tpu.memory_space<vmem>>
    %dma_start3A_156 = arith.constant 0 : i32
    %dma_start3A_157 = arith.constant 0 : i32
    %dma_start3A_158 = tpu.memref_slice %arg7[%dma_start3A_149, %dma_start3A_156, %dma_start3A_157] : memref<1x157x128xi32, #tpu.memory_space<vmem>> -> memref<1x157x128xi32, #tpu.memory_space<vmem>>
    %dma_start3A_159 = tpu.memref_squeeze %dma_start3A_158 : memref<1x157x128xi32, #tpu.memory_space<vmem>> -> memref<157x128xi32, #tpu.memory_space<vmem>>
    %dma_start3A_160 = arith.constant 0 : i32
    %dma_start3A_161 = tpu.memref_slice %dma_start3A_159[%dma_start3A_150, %dma_start3A_160] : memref<157x128xi32, #tpu.memory_space<vmem>> -> memref<1x128xi32, #tpu.memory_space<vmem>>
    %dma_start3A_162 = tpu.memref_squeeze %dma_start3A_161 : memref<1x128xi32, #tpu.memory_space<vmem>> -> memref<128xi32, #tpu.memory_space<vmem>>
    %dma_start3A_163 = arith.constant 0 : i32
    %dma_start3A_164 = arith.constant 0 : i32
    %dma_start3A_165 = tpu.memref_slice %arg2[%dma_start3A_163, %dma_start3A_164] : memref<20000x128xbf16, #tpu.memory_space<hbm>> -> memref<20000x128xbf16, #tpu.memory_space<hbm>>
    tpu.enqueue_indirect_dma source(%dma_start3A_165 : memref<20000x128xbf16, #tpu.memory_space<hbm>>) target(%dma_start3A_155 : memref<128x128xbf16, #tpu.memory_space<vmem>>) offsets(%dma_start3A_162 : memref<128xi32, #tpu.memory_space<vmem>>) semaphore(%arg11 : memref<!tpu.dma_semaphore, #tpu.memory_space<semaphore_mem>>)
    %dma_start3A_166 = arith.constant 0 : i32
    %dma_start3A_167 = arith.constant 1 : i32
    %dma_start3A_168 = arith.constant 1 : i32
    %dma_start3A_169 = arith.constant 0 : i32
    %dma_start3A_170 = arith.constant 0 : i32
    %dma_start3A_171 = tpu.memref_slice %arg9[%dma_start3A_168, %dma_start3A_169, %dma_start3A_170] : memref<3x128x128xbf16, #tpu.memory_space<vmem>> -> memref<1x128x128xbf16, #tpu.memory_space<vmem>>
    %dma_start3A_172 = tpu.memref_squeeze %dma_start3A_171 : memref<1x128x128xbf16, #tpu.memory_space<vmem>> -> memref<128x128xbf16, #tpu.memory_space<vmem>>
    %dma_start3A_173 = arith.constant 0 : i32
    %dma_start3A_174 = arith.constant 0 : i32
    %dma_start3A_175 = tpu.memref_slice %arg7[%dma_start3A_166, %dma_start3A_173, %dma_start3A_174] : memref<1x157x128xi32, #tpu.memory_space<vmem>> -> memref<1x157x128xi32, #tpu.memory_space<vmem>>
    %dma_start3A_176 = tpu.memref_squeeze %dma_start3A_175 : memref<1x157x128xi32, #tpu.memory_space<vmem>> -> memref<157x128xi32, #tpu.memory_space<vmem>>
    %dma_start3A_177 = arith.constant 0 : i32
    %dma_start3A_178 = tpu.memref_slice %dma_start3A_176[%dma_start3A_167, %dma_start3A_177] : memref<157x128xi32, #tpu.memory_space<vmem>> -> memref<1x128xi32, #tpu.memory_space<vmem>>
    %dma_start3A_179 = tpu.memref_squeeze %dma_start3A_178 : memref<1x128xi32, #tpu.memory_space<vmem>> -> memref<128xi32, #tpu.memory_space<vmem>>
    %dma_start3A_180 = arith.constant 0 : i32
    %dma_start3A_181 = arith.constant 0 : i32
    %dma_start3A_182 = tpu.memref_slice %arg2[%dma_start3A_180, %dma_start3A_181] : memref<20000x128xbf16, #tpu.memory_space<hbm>> -> memref<20000x128xbf16, #tpu.memory_space<hbm>>
    tpu.enqueue_indirect_dma source(%dma_start3A_182 : memref<20000x128xbf16, #tpu.memory_space<hbm>>) target(%dma_start3A_172 : memref<128x128xbf16, #tpu.memory_space<vmem>>) offsets(%dma_start3A_179 : memref<128xi32, #tpu.memory_space<vmem>>) semaphore(%arg11 : memref<!tpu.dma_semaphore, #tpu.memory_space<semaphore_mem>>)
    %dma_start3A_183 = arith.constant 0 : i32
    %dma_start3A_184 = arith.constant 2 : i32
    %dma_start3A_185 = arith.constant 2 : i32
    %dma_start3A_186 = arith.constant 0 : i32
    %dma_start3A_187 = arith.constant 0 : i32
    %dma_start3A_188 = tpu.memref_slice %arg9[%dma_start3A_185, %dma_start3A_186, %dma_start3A_187] : memref<3x128x128xbf16, #tpu.memory_space<vmem>> -> memref<1x128x128xbf16, #tpu.memory_space<vmem>>
    %dma_start3A_189 = tpu.memref_squeeze %dma_start3A_188 : memref<1x128x128xbf16, #tpu.memory_space<vmem>> -> memref<128x128xbf16, #tpu.memory_space<vmem>>
    %dma_start3A_190 = arith.constant 0 : i32
    %dma_start3A_191 = arith.constant 0 : i32
    %dma_start3A_192 = tpu.memref_slice %arg7[%dma_start3A_183, %dma_start3A_190, %dma_start3A_191] : memref<1x157x128xi32, #tpu.memory_space<vmem>> -> memref<1x157x128xi32, #tpu.memory_space<vmem>>
    %dma_start3A_193 = tpu.memref_squeeze %dma_start3A_192 : memref<1x157x128xi32, #tpu.memory_space<vmem>> -> memref<157x128xi32, #tpu.memory_space<vmem>>
    %dma_start3A_194 = arith.constant 0 : i32
    %dma_start3A_195 = tpu.memref_slice %dma_start3A_193[%dma_start3A_184, %dma_start3A_194] : memref<157x128xi32, #tpu.memory_space<vmem>> -> memref<1x128xi32, #tpu.memory_space<vmem>>
    %dma_start3A_196 = tpu.memref_squeeze %dma_start3A_195 : memref<1x128xi32, #tpu.memory_space<vmem>> -> memref<128xi32, #tpu.memory_space<vmem>>
    %dma_start3A_197 = arith.constant 0 : i32
    %dma_start3A_198 = arith.constant 0 : i32
    %dma_start3A_199 = tpu.memref_slice %arg2[%dma_start3A_197, %dma_start3A_198] : memref<20000x128xbf16, #tpu.memory_space<hbm>> -> memref<20000x128xbf16, #tpu.memory_space<hbm>>
    tpu.enqueue_indirect_dma source(%dma_start3A_199 : memref<20000x128xbf16, #tpu.memory_space<hbm>>) target(%dma_start3A_189 : memref<128x128xbf16, #tpu.memory_space<vmem>>) offsets(%dma_start3A_196 : memref<128xi32, #tpu.memory_space<vmem>>) semaphore(%arg11 : memref<!tpu.dma_semaphore, #tpu.memory_space<semaphore_mem>>)
    %scan3A = arith.constant 0 : i32
    %scan3A_200 = arith.constant 0 : i32
    %scan3A_201 = arith.constant 0 : i32
    %scan3A_202 = arith.constant 52 : i32
    %scan3A_203 = arith.addi %scan3A_201, %scan3A_202 : i32
    %scan3A_204 = arith.constant 1 : i32
    %scan3A_205 = scf.for %scan3A_604 = %scan3A_201 to %scan3A_203 step %scan3A_204 iter_args(%scan3A_605 = %scan3A_200) -> (i32)  : i32 {
      %mul3A_606 = arith.constant 3 : i32
      %mul3A_607 = arith.muli %scan3A_604, %mul3A_606 : i32
      %add3A_608 = arith.constant 0 : i32
      %add3A_609 = arith.addi %mul3A_607, %add3A_608 : i32
      %dma_wait3A_610 = arith.constant 0 : i32
      %dma_wait3A_611 = arith.constant 0 : i32
      %dma_wait3A_612 = arith.constant 0 : i32
      %dma_wait3A_613 = tpu.memref_slice %arg9[%dma_wait3A_610, %dma_wait3A_611, %dma_wait3A_612] : memref<3x128x128xbf16, #tpu.memory_space<vmem>> -> memref<1x128x128xbf16, #tpu.memory_space<vmem>>
      %dma_wait3A_614 = tpu.memref_squeeze %dma_wait3A_613 : memref<1x128x128xbf16, #tpu.memory_space<vmem>> -> memref<128x128xbf16, #tpu.memory_space<vmem>>
      %dma_wait3A_615 = arith.constant 0 : i32
      %dma_wait3A_616 = arith.constant 0 : i32
      %dma_wait3A_617 = tpu.memref_slice %arg7[%scan3A, %dma_wait3A_615, %dma_wait3A_616] : memref<1x157x128xi32, #tpu.memory_space<vmem>> -> memref<1x157x128xi32, #tpu.memory_space<vmem>>
      %dma_wait3A_618 = tpu.memref_squeeze %dma_wait3A_617 : memref<1x157x128xi32, #tpu.memory_space<vmem>> -> memref<157x128xi32, #tpu.memory_space<vmem>>
      %dma_wait3A_619 = arith.constant 0 : i32
      %dma_wait3A_620 = tpu.memref_slice %dma_wait3A_618[%add3A_609, %dma_wait3A_619] : memref<157x128xi32, #tpu.memory_space<vmem>> -> memref<1x128xi32, #tpu.memory_space<vmem>>
      %dma_wait3A_621 = tpu.memref_squeeze %dma_wait3A_620 : memref<1x128xi32, #tpu.memory_space<vmem>> -> memref<128xi32, #tpu.memory_space<vmem>>
      %dma_wait3A_622 = arith.constant 0 : i32
      %dma_wait3A_623 = arith.constant 0 : i32
      %dma_wait3A_624 = tpu.memref_slice %arg2[%dma_wait3A_622, %dma_wait3A_623] : memref<20000x128xbf16, #tpu.memory_space<hbm>> -> memref<20000x128xbf16, #tpu.memory_space<hbm>>
      tpu.wait_indirect_dma semaphore(%arg11 : memref<!tpu.dma_semaphore, #tpu.memory_space<semaphore_mem>>) src(%dma_wait3A_624 : memref<20000x128xbf16, #tpu.memory_space<hbm>>) dst(%dma_wait3A_614 : memref<128x128xbf16, #tpu.memory_space<vmem>>)
      %add3A_625 = arith.constant 0 : i32
      %add3A_626 = arith.addi %mul3A_607, %add3A_625 : i32
      %dma_start3A_627 = arith.constant 0 : i32
      %dma_start3A_628 = arith.constant 0 : i32
      %dma_start3A_629 = arith.constant 0 : i32
      %dma_start3A_630 = tpu.memref_slice %arg9[%dma_start3A_627, %dma_start3A_628, %dma_start3A_629] : memref<3x128x128xbf16, #tpu.memory_space<vmem>> -> memref<1x128x128xbf16, #tpu.memory_space<vmem>>
      %dma_start3A_631 = tpu.memref_squeeze %dma_start3A_630 : memref<1x128x128xbf16, #tpu.memory_space<vmem>> -> memref<128x128xbf16, #tpu.memory_space<vmem>>
      %dma_start3A_632 = arith.constant 0 : i32
      %dma_start3A_633 = tpu.memref_slice %arg8[%add3A_626, %dma_start3A_632] : memref<157x128xi32, #tpu.memory_space<vmem>> -> memref<1x128xi32, #tpu.memory_space<vmem>>
      %dma_start3A_634 = tpu.memref_squeeze %dma_start3A_633 : memref<1x128xi32, #tpu.memory_space<vmem>> -> memref<128xi32, #tpu.memory_space<vmem>>
      %dma_start3A_635 = arith.constant 0 : i32
      %dma_start3A_636 = arith.constant 0 : i32
      %dma_start3A_637 = tpu.memref_slice %arg10[%dma_start3A_635, %dma_start3A_636] : memref<10240x128xbf16, #tpu.memory_space<vmem_shared>> -> memref<10240x128xbf16, #tpu.memory_space<vmem_shared>>
      tpu.enqueue_indirect_dma source(%dma_start3A_631 : memref<128x128xbf16, #tpu.memory_space<vmem>>) target(%dma_start3A_637 : memref<10240x128xbf16, #tpu.memory_space<vmem_shared>>) offsets(%dma_start3A_634 : memref<128xi32, #tpu.memory_space<vmem>>) semaphore(%arg12 : memref<!tpu.dma_semaphore, #tpu.memory_space<semaphore_mem>>) {add = true}
      %add3A_638 = arith.constant 1 : i32
      %add3A_639 = arith.addi %mul3A_607, %add3A_638 : i32
      %dma_wait3A_640 = arith.constant 1 : i32
      %dma_wait3A_641 = arith.constant 0 : i32
      %dma_wait3A_642 = arith.constant 0 : i32
      %dma_wait3A_643 = tpu.memref_slice %arg9[%dma_wait3A_640, %dma_wait3A_641, %dma_wait3A_642] : memref<3x128x128xbf16, #tpu.memory_space<vmem>> -> memref<1x128x128xbf16, #tpu.memory_space<vmem>>
      %dma_wait3A_644 = tpu.memref_squeeze %dma_wait3A_643 : memref<1x128x128xbf16, #tpu.memory_space<vmem>> -> memref<128x128xbf16, #tpu.memory_space<vmem>>
      %dma_wait3A_645 = arith.constant 0 : i32
      %dma_wait3A_646 = arith.constant 0 : i32
      %dma_wait3A_647 = tpu.memref_slice %arg7[%scan3A, %dma_wait3A_645, %dma_wait3A_646] : memref<1x157x128xi32, #tpu.memory_space<vmem>> -> memref<1x157x128xi32, #tpu.memory_space<vmem>>
      %dma_wait3A_648 = tpu.memref_squeeze %dma_wait3A_647 : memref<1x157x128xi32, #tpu.memory_space<vmem>> -> memref<157x128xi32, #tpu.memory_space<vmem>>
      %dma_wait3A_649 = arith.constant 0 : i32
      %dma_wait3A_650 = tpu.memref_slice %dma_wait3A_648[%add3A_639, %dma_wait3A_649] : memref<157x128xi32, #tpu.memory_space<vmem>> -> memref<1x128xi32, #tpu.memory_space<vmem>>
      %dma_wait3A_651 = tpu.memref_squeeze %dma_wait3A_650 : memref<1x128xi32, #tpu.memory_space<vmem>> -> memref<128xi32, #tpu.memory_space<vmem>>
      %dma_wait3A_652 = arith.constant 0 : i32
      %dma_wait3A_653 = arith.constant 0 : i32
      %dma_wait3A_654 = tpu.memref_slice %arg2[%dma_wait3A_652, %dma_wait3A_653] : memref<20000x128xbf16, #tpu.memory_space<hbm>> -> memref<20000x128xbf16, #tpu.memory_space<hbm>>
      tpu.wait_indirect_dma semaphore(%arg11 : memref<!tpu.dma_semaphore, #tpu.memory_space<semaphore_mem>>) src(%dma_wait3A_654 : memref<20000x128xbf16, #tpu.memory_space<hbm>>) dst(%dma_wait3A_644 : memref<128x128xbf16, #tpu.memory_space<vmem>>)
      %add3A_655 = arith.constant 1 : i32
      %add3A_656 = arith.addi %mul3A_607, %add3A_655 : i32
      %dma_start3A_657 = arith.constant 1 : i32
      %dma_start3A_658 = arith.constant 0 : i32
      %dma_start3A_659 = arith.constant 0 : i32
      %dma_start3A_660 = tpu.memref_slice %arg9[%dma_start3A_657, %dma_start3A_658, %dma_start3A_659] : memref<3x128x128xbf16, #tpu.memory_space<vmem>> -> memref<1x128x128xbf16, #tpu.memory_space<vmem>>
      %dma_start3A_661 = tpu.memref_squeeze %dma_start3A_660 : memref<1x128x128xbf16, #tpu.memory_space<vmem>> -> memref<128x128xbf16, #tpu.memory_space<vmem>>
      %dma_start3A_662 = arith.constant 0 : i32
      %dma_start3A_663 = tpu.memref_slice %arg8[%add3A_656, %dma_start3A_662] : memref<157x128xi32, #tpu.memory_space<vmem>> -> memref<1x128xi32, #tpu.memory_space<vmem>>
      %dma_start3A_664 = tpu.memref_squeeze %dma_start3A_663 : memref<1x128xi32, #tpu.memory_space<vmem>> -> memref<128xi32, #tpu.memory_space<vmem>>
      %dma_start3A_665 = arith.constant 0 : i32
      %dma_start3A_666 = arith.constant 0 : i32
      %dma_start3A_667 = tpu.memref_slice %arg10[%dma_start3A_665, %dma_start3A_666] : memref<10240x128xbf16, #tpu.memory_space<vmem_shared>> -> memref<10240x128xbf16, #tpu.memory_space<vmem_shared>>
      tpu.enqueue_indirect_dma source(%dma_start3A_661 : memref<128x128xbf16, #tpu.memory_space<vmem>>) target(%dma_start3A_667 : memref<10240x128xbf16, #tpu.memory_space<vmem_shared>>) offsets(%dma_start3A_664 : memref<128xi32, #tpu.memory_space<vmem>>) semaphore(%arg12 : memref<!tpu.dma_semaphore, #tpu.memory_space<semaphore_mem>>) {add = true}
      %add3A_668 = arith.constant 2 : i32
      %add3A_669 = arith.addi %mul3A_607, %add3A_668 : i32
      %dma_wait3A_670 = arith.constant 2 : i32
      %dma_wait3A_671 = arith.constant 0 : i32
      %dma_wait3A_672 = arith.constant 0 : i32
      %dma_wait3A_673 = tpu.memref_slice %arg9[%dma_wait3A_670, %dma_wait3A_671, %dma_wait3A_672] : memref<3x128x128xbf16, #tpu.memory_space<vmem>> -> memref<1x128x128xbf16, #tpu.memory_space<vmem>>
      %dma_wait3A_674 = tpu.memref_squeeze %dma_wait3A_673 : memref<1x128x128xbf16, #tpu.memory_space<vmem>> -> memref<128x128xbf16, #tpu.memory_space<vmem>>
      %dma_wait3A_675 = arith.constant 0 : i32
      %dma_wait3A_676 = arith.constant 0 : i32
      %dma_wait3A_677 = tpu.memref_slice %arg7[%scan3A, %dma_wait3A_675, %dma_wait3A_676] : memref<1x157x128xi32, #tpu.memory_space<vmem>> -> memref<1x157x128xi32, #tpu.memory_space<vmem>>
      %dma_wait3A_678 = tpu.memref_squeeze %dma_wait3A_677 : memref<1x157x128xi32, #tpu.memory_space<vmem>> -> memref<157x128xi32, #tpu.memory_space<vmem>>
      %dma_wait3A_679 = arith.constant 0 : i32
      %dma_wait3A_680 = tpu.memref_slice %dma_wait3A_678[%add3A_669, %dma_wait3A_679] : memref<157x128xi32, #tpu.memory_space<vmem>> -> memref<1x128xi32, #tpu.memory_space<vmem>>
      %dma_wait3A_681 = tpu.memref_squeeze %dma_wait3A_680 : memref<1x128xi32, #tpu.memory_space<vmem>> -> memref<128xi32, #tpu.memory_space<vmem>>
      %dma_wait3A_682 = arith.constant 0 : i32
      %dma_wait3A_683 = arith.constant 0 : i32
      %dma_wait3A_684 = tpu.memref_slice %arg2[%dma_wait3A_682, %dma_wait3A_683] : memref<20000x128xbf16, #tpu.memory_space<hbm>> -> memref<20000x128xbf16, #tpu.memory_space<hbm>>
      tpu.wait_indirect_dma semaphore(%arg11 : memref<!tpu.dma_semaphore, #tpu.memory_space<semaphore_mem>>) src(%dma_wait3A_684 : memref<20000x128xbf16, #tpu.memory_space<hbm>>) dst(%dma_wait3A_674 : memref<128x128xbf16, #tpu.memory_space<vmem>>)
      %add3A_685 = arith.constant 2 : i32
      %add3A_686 = arith.addi %mul3A_607, %add3A_685 : i32
      %dma_start3A_687 = arith.constant 2 : i32
      %dma_start3A_688 = arith.constant 0 : i32
      %dma_start3A_689 = arith.constant 0 : i32
      %dma_start3A_690 = tpu.memref_slice %arg9[%dma_start3A_687, %dma_start3A_688, %dma_start3A_689] : memref<3x128x128xbf16, #tpu.memory_space<vmem>> -> memref<1x128x128xbf16, #tpu.memory_space<vmem>>
      %dma_start3A_691 = tpu.memref_squeeze %dma_start3A_690 : memref<1x128x128xbf16, #tpu.memory_space<vmem>> -> memref<128x128xbf16, #tpu.memory_space<vmem>>
      %dma_start3A_692 = arith.constant 0 : i32
      %dma_start3A_693 = tpu.memref_slice %arg8[%add3A_686, %dma_start3A_692] : memref<157x128xi32, #tpu.memory_space<vmem>> -> memref<1x128xi32, #tpu.memory_space<vmem>>
      %dma_start3A_694 = tpu.memref_squeeze %dma_start3A_693 : memref<1x128xi32, #tpu.memory_space<vmem>> -> memref<128xi32, #tpu.memory_space<vmem>>
      %dma_start3A_695 = arith.constant 0 : i32
      %dma_start3A_696 = arith.constant 0 : i32
      %dma_start3A_697 = tpu.memref_slice %arg10[%dma_start3A_695, %dma_start3A_696] : memref<10240x128xbf16, #tpu.memory_space<vmem_shared>> -> memref<10240x128xbf16, #tpu.memory_space<vmem_shared>>
      tpu.enqueue_indirect_dma source(%dma_start3A_691 : memref<128x128xbf16, #tpu.memory_space<vmem>>) target(%dma_start3A_697 : memref<10240x128xbf16, #tpu.memory_space<vmem_shared>>) offsets(%dma_start3A_694 : memref<128xi32, #tpu.memory_space<vmem>>) semaphore(%arg12 : memref<!tpu.dma_semaphore, #tpu.memory_space<semaphore_mem>>) {add = true}
      %add3A_698 = arith.constant 0 : i32
      %add3A_699 = arith.addi %mul3A_607, %add3A_698 : i32
      %dma_wait3A_700 = arith.constant 0 : i32
      %dma_wait3A_701 = arith.constant 0 : i32
      %dma_wait3A_702 = arith.constant 0 : i32
      %dma_wait3A_703 = tpu.memref_slice %arg9[%dma_wait3A_700, %dma_wait3A_701, %dma_wait3A_702] : memref<3x128x128xbf16, #tpu.memory_space<vmem>> -> memref<1x128x128xbf16, #tpu.memory_space<vmem>>
      %dma_wait3A_704 = tpu.memref_squeeze %dma_wait3A_703 : memref<1x128x128xbf16, #tpu.memory_space<vmem>> -> memref<128x128xbf16, #tpu.memory_space<vmem>>
      %dma_wait3A_705 = arith.constant 0 : i32
      %dma_wait3A_706 = tpu.memref_slice %arg8[%add3A_699, %dma_wait3A_705] : memref<157x128xi32, #tpu.memory_space<vmem>> -> memref<1x128xi32, #tpu.memory_space<vmem>>
      %dma_wait3A_707 = tpu.memref_squeeze %dma_wait3A_706 : memref<1x128xi32, #tpu.memory_space<vmem>> -> memref<128xi32, #tpu.memory_space<vmem>>
      %dma_wait3A_708 = arith.constant 0 : i32
      %dma_wait3A_709 = arith.constant 0 : i32
      %dma_wait3A_710 = tpu.memref_slice %arg10[%dma_wait3A_708, %dma_wait3A_709] : memref<10240x128xbf16, #tpu.memory_space<vmem_shared>> -> memref<10240x128xbf16, #tpu.memory_space<vmem_shared>>
      tpu.wait_indirect_dma semaphore(%arg12 : memref<!tpu.dma_semaphore, #tpu.memory_space<semaphore_mem>>) src(%dma_wait3A_704 : memref<128x128xbf16, #tpu.memory_space<vmem>>) dst(%dma_wait3A_710 : memref<10240x128xbf16, #tpu.memory_space<vmem_shared>>)
      %add3A_711 = arith.constant 3 : i32
      %add3A_712 = arith.addi %mul3A_607, %add3A_711 : i32
      %add3A_713 = arith.constant 0 : i32
      %add3A_714 = arith.addi %add3A_712, %add3A_713 : i32
      %min3A = arith.constant 156 : i32
      %min3A_715 = arith.minsi %add3A_714, %min3A : i32
      %dma_start3A_716 = arith.constant 0 : i32
      %dma_start3A_717 = arith.constant 0 : i32
      %dma_start3A_718 = arith.constant 0 : i32
      %dma_start3A_719 = tpu.memref_slice %arg9[%dma_start3A_716, %dma_start3A_717, %dma_start3A_718] : memref<3x128x128xbf16, #tpu.memory_space<vmem>> -> memref<1x128x128xbf16, #tpu.memory_space<vmem>>
      %dma_start3A_720 = tpu.memref_squeeze %dma_start3A_719 : memref<1x128x128xbf16, #tpu.memory_space<vmem>> -> memref<128x128xbf16, #tpu.memory_space<vmem>>
      %dma_start3A_721 = arith.constant 0 : i32
      %dma_start3A_722 = arith.constant 0 : i32
      %dma_start3A_723 = tpu.memref_slice %arg7[%scan3A, %dma_start3A_721, %dma_start3A_722] : memref<1x157x128xi32, #tpu.memory_space<vmem>> -> memref<1x157x128xi32, #tpu.memory_space<vmem>>
      %dma_start3A_724 = tpu.memref_squeeze %dma_start3A_723 : memref<1x157x128xi32, #tpu.memory_space<vmem>> -> memref<157x128xi32, #tpu.memory_space<vmem>>
      %dma_start3A_725 = arith.constant 0 : i32
      %dma_start3A_726 = tpu.memref_slice %dma_start3A_724[%min3A_715, %dma_start3A_725] : memref<157x128xi32, #tpu.memory_space<vmem>> -> memref<1x128xi32, #tpu.memory_space<vmem>>
      %dma_start3A_727 = tpu.memref_squeeze %dma_start3A_726 : memref<1x128xi32, #tpu.memory_space<vmem>> -> memref<128xi32, #tpu.memory_space<vmem>>
      %dma_start3A_728 = arith.constant 0 : i32
      %dma_start3A_729 = arith.constant 0 : i32
      %dma_start3A_730 = tpu.memref_slice %arg2[%dma_start3A_728, %dma_start3A_729] : memref<20000x128xbf16, #tpu.memory_space<hbm>> -> memref<20000x128xbf16, #tpu.memory_space<hbm>>
      tpu.enqueue_indirect_dma source(%dma_start3A_730 : memref<20000x128xbf16, #tpu.memory_space<hbm>>) target(%dma_start3A_720 : memref<128x128xbf16, #tpu.memory_space<vmem>>) offsets(%dma_start3A_727 : memref<128xi32, #tpu.memory_space<vmem>>) semaphore(%arg11 : memref<!tpu.dma_semaphore, #tpu.memory_space<semaphore_mem>>)
      %add3A_731 = arith.constant 1 : i32
      %add3A_732 = arith.addi %mul3A_607, %add3A_731 : i32
      %dma_wait3A_733 = arith.constant 1 : i32
      %dma_wait3A_734 = arith.constant 0 : i32
      %dma_wait3A_735 = arith.constant 0 : i32
      %dma_wait3A_736 = tpu.memref_slice %arg9[%dma_wait3A_733, %dma_wait3A_734, %dma_wait3A_735] : memref<3x128x128xbf16, #tpu.memory_space<vmem>> -> memref<1x128x128xbf16, #tpu.memory_space<vmem>>
      %dma_wait3A_737 = tpu.memref_squeeze %dma_wait3A_736 : memref<1x128x128xbf16, #tpu.memory_space<vmem>> -> memref<128x128xbf16, #tpu.memory_space<vmem>>
      %dma_wait3A_738 = arith.constant 0 : i32
      %dma_wait3A_739 = tpu.memref_slice %arg8[%add3A_732, %dma_wait3A_738] : memref<157x128xi32, #tpu.memory_space<vmem>> -> memref<1x128xi32, #tpu.memory_space<vmem>>
      %dma_wait3A_740 = tpu.memref_squeeze %dma_wait3A_739 : memref<1x128xi32, #tpu.memory_space<vmem>> -> memref<128xi32, #tpu.memory_space<vmem>>
      %dma_wait3A_741 = arith.constant 0 : i32
      %dma_wait3A_742 = arith.constant 0 : i32
      %dma_wait3A_743 = tpu.memref_slice %arg10[%dma_wait3A_741, %dma_wait3A_742] : memref<10240x128xbf16, #tpu.memory_space<vmem_shared>> -> memref<10240x128xbf16, #tpu.memory_space<vmem_shared>>
      tpu.wait_indirect_dma semaphore(%arg12 : memref<!tpu.dma_semaphore, #tpu.memory_space<semaphore_mem>>) src(%dma_wait3A_737 : memref<128x128xbf16, #tpu.memory_space<vmem>>) dst(%dma_wait3A_743 : memref<10240x128xbf16, #tpu.memory_space<vmem_shared>>)
      %add3A_744 = arith.constant 3 : i32
      %add3A_745 = arith.addi %mul3A_607, %add3A_744 : i32
      %add3A_746 = arith.constant 1 : i32
      %add3A_747 = arith.addi %add3A_745, %add3A_746 : i32
      %min3A_748 = arith.constant 156 : i32
      %min3A_749 = arith.minsi %add3A_747, %min3A_748 : i32
      %dma_start3A_750 = arith.constant 1 : i32
      %dma_start3A_751 = arith.constant 0 : i32
      %dma_start3A_752 = arith.constant 0 : i32
      %dma_start3A_753 = tpu.memref_slice %arg9[%dma_start3A_750, %dma_start3A_751, %dma_start3A_752] : memref<3x128x128xbf16, #tpu.memory_space<vmem>> -> memref<1x128x128xbf16, #tpu.memory_space<vmem>>
      %dma_start3A_754 = tpu.memref_squeeze %dma_start3A_753 : memref<1x128x128xbf16, #tpu.memory_space<vmem>> -> memref<128x128xbf16, #tpu.memory_space<vmem>>
      %dma_start3A_755 = arith.constant 0 : i32
      %dma_start3A_756 = arith.constant 0 : i32
      %dma_start3A_757 = tpu.memref_slice %arg7[%scan3A, %dma_start3A_755, %dma_start3A_756] : memref<1x157x128xi32, #tpu.memory_space<vmem>> -> memref<1x157x128xi32, #tpu.memory_space<vmem>>
      %dma_start3A_758 = tpu.memref_squeeze %dma_start3A_757 : memref<1x157x128xi32, #tpu.memory_space<vmem>> -> memref<157x128xi32, #tpu.memory_space<vmem>>
      %dma_start3A_759 = arith.constant 0 : i32
      %dma_start3A_760 = tpu.memref_slice %dma_start3A_758[%min3A_749, %dma_start3A_759] : memref<157x128xi32, #tpu.memory_space<vmem>> -> memref<1x128xi32, #tpu.memory_space<vmem>>
      %dma_start3A_761 = tpu.memref_squeeze %dma_start3A_760 : memref<1x128xi32, #tpu.memory_space<vmem>> -> memref<128xi32, #tpu.memory_space<vmem>>
      %dma_start3A_762 = arith.constant 0 : i32
      %dma_start3A_763 = arith.constant 0 : i32
      %dma_start3A_764 = tpu.memref_slice %arg2[%dma_start3A_762, %dma_start3A_763] : memref<20000x128xbf16, #tpu.memory_space<hbm>> -> memref<20000x128xbf16, #tpu.memory_space<hbm>>
      tpu.enqueue_indirect_dma source(%dma_start3A_764 : memref<20000x128xbf16, #tpu.memory_space<hbm>>) target(%dma_start3A_754 : memref<128x128xbf16, #tpu.memory_space<vmem>>) offsets(%dma_start3A_761 : memref<128xi32, #tpu.memory_space<vmem>>) semaphore(%arg11 : memref<!tpu.dma_semaphore, #tpu.memory_space<semaphore_mem>>)
      %add3A_765 = arith.constant 2 : i32
      %add3A_766 = arith.addi %mul3A_607, %add3A_765 : i32
      %dma_wait3A_767 = arith.constant 2 : i32
      %dma_wait3A_768 = arith.constant 0 : i32
      %dma_wait3A_769 = arith.constant 0 : i32
      %dma_wait3A_770 = tpu.memref_slice %arg9[%dma_wait3A_767, %dma_wait3A_768, %dma_wait3A_769] : memref<3x128x128xbf16, #tpu.memory_space<vmem>> -> memref<1x128x128xbf16, #tpu.memory_space<vmem>>
      %dma_wait3A_771 = tpu.memref_squeeze %dma_wait3A_770 : memref<1x128x128xbf16, #tpu.memory_space<vmem>> -> memref<128x128xbf16, #tpu.memory_space<vmem>>
      %dma_wait3A_772 = arith.constant 0 : i32
      %dma_wait3A_773 = tpu.memref_slice %arg8[%add3A_766, %dma_wait3A_772] : memref<157x128xi32, #tpu.memory_space<vmem>> -> memref<1x128xi32, #tpu.memory_space<vmem>>
      %dma_wait3A_774 = tpu.memref_squeeze %dma_wait3A_773 : memref<1x128xi32, #tpu.memory_space<vmem>> -> memref<128xi32, #tpu.memory_space<vmem>>
      %dma_wait3A_775 = arith.constant 0 : i32
      %dma_wait3A_776 = arith.constant 0 : i32
      %dma_wait3A_777 = tpu.memref_slice %arg10[%dma_wait3A_775, %dma_wait3A_776] : memref<10240x128xbf16, #tpu.memory_space<vmem_shared>> -> memref<10240x128xbf16, #tpu.memory_space<vmem_shared>>
      tpu.wait_indirect_dma semaphore(%arg12 : memref<!tpu.dma_semaphore, #tpu.memory_space<semaphore_mem>>) src(%dma_wait3A_771 : memref<128x128xbf16, #tpu.memory_space<vmem>>) dst(%dma_wait3A_777 : memref<10240x128xbf16, #tpu.memory_space<vmem_shared>>)
      %add3A_778 = arith.constant 3 : i32
      %add3A_779 = arith.addi %mul3A_607, %add3A_778 : i32
      %add3A_780 = arith.constant 2 : i32
      %add3A_781 = arith.addi %add3A_779, %add3A_780 : i32
      %min3A_782 = arith.constant 156 : i32
      %min3A_783 = arith.minsi %add3A_781, %min3A_782 : i32
      %dma_start3A_784 = arith.constant 2 : i32
      %dma_start3A_785 = arith.constant 0 : i32
      %dma_start3A_786 = arith.constant 0 : i32
      %dma_start3A_787 = tpu.memref_slice %arg9[%dma_start3A_784, %dma_start3A_785, %dma_start3A_786] : memref<3x128x128xbf16, #tpu.memory_space<vmem>> -> memref<1x128x128xbf16, #tpu.memory_space<vmem>>
      %dma_start3A_788 = tpu.memref_squeeze %dma_start3A_787 : memref<1x128x128xbf16, #tpu.memory_space<vmem>> -> memref<128x128xbf16, #tpu.memory_space<vmem>>
      %dma_start3A_789 = arith.constant 0 : i32
      %dma_start3A_790 = arith.constant 0 : i32
      %dma_start3A_791 = tpu.memref_slice %arg7[%scan3A, %dma_start3A_789, %dma_start3A_790] : memref<1x157x128xi32, #tpu.memory_space<vmem>> -> memref<1x157x128xi32, #tpu.memory_space<vmem>>
      %dma_start3A_792 = tpu.memref_squeeze %dma_start3A_791 : memref<1x157x128xi32, #tpu.memory_space<vmem>> -> memref<157x128xi32, #tpu.memory_space<vmem>>
      %dma_start3A_793 = arith.constant 0 : i32
      %dma_start3A_794 = tpu.memref_slice %dma_start3A_792[%min3A_783, %dma_start3A_793] : memref<157x128xi32, #tpu.memory_space<vmem>> -> memref<1x128xi32, #tpu.memory_space<vmem>>
      %dma_start3A_795 = tpu.memref_squeeze %dma_start3A_794 : memref<1x128xi32, #tpu.memory_space<vmem>> -> memref<128xi32, #tpu.memory_space<vmem>>
      %dma_start3A_796 = arith.constant 0 : i32
      %dma_start3A_797 = arith.constant 0 : i32
      %dma_start3A_798 = tpu.memref_slice %arg2[%dma_start3A_796, %dma_start3A_797] : memref<20000x128xbf16, #tpu.memory_space<hbm>> -> memref<20000x128xbf16, #tpu.memory_space<hbm>>
      tpu.enqueue_indirect_dma source(%dma_start3A_798 : memref<20000x128xbf16, #tpu.memory_space<hbm>>) target(%dma_start3A_788 : memref<128x128xbf16, #tpu.memory_space<vmem>>) offsets(%dma_start3A_795 : memref<128xi32, #tpu.memory_space<vmem>>) semaphore(%arg11 : memref<!tpu.dma_semaphore, #tpu.memory_space<semaphore_mem>>)
      %scan3A_799 = arith.constant 0 : i32
      scf.yield %scan3A_799 : i32
    }
    %scan3A_206 = arith.constant 52 : i32
    %dma_wait3A_207 = arith.constant 0 : i32
    %dma_wait3A_208 = arith.constant 156 : i32
    %dma_wait3A_209 = arith.constant 0 : i32
    %dma_wait3A_210 = arith.constant 0 : i32
    %dma_wait3A_211 = arith.constant 0 : i32
    %dma_wait3A_212 = tpu.memref_slice %arg9[%dma_wait3A_209, %dma_wait3A_210, %dma_wait3A_211] : memref<3x128x128xbf16, #tpu.memory_space<vmem>> -> memref<1x128x128xbf16, #tpu.memory_space<vmem>>
    %dma_wait3A_213 = tpu.memref_squeeze %dma_wait3A_212 : memref<1x128x128xbf16, #tpu.memory_space<vmem>> -> memref<128x128xbf16, #tpu.memory_space<vmem>>
    %dma_wait3A_214 = arith.constant 0 : i32
    %dma_wait3A_215 = arith.constant 0 : i32
    %dma_wait3A_216 = tpu.memref_slice %arg7[%dma_wait3A_207, %dma_wait3A_214, %dma_wait3A_215] : memref<1x157x128xi32, #tpu.memory_space<vmem>> -> memref<1x157x128xi32, #tpu.memory_space<vmem>>
    %dma_wait3A_217 = tpu.memref_squeeze %dma_wait3A_216 : memref<1x157x128xi32, #tpu.memory_space<vmem>> -> memref<157x128xi32, #tpu.memory_space<vmem>>
    %dma_wait3A_218 = arith.constant 0 : i32
    %dma_wait3A_219 = tpu.memref_slice %dma_wait3A_217[%dma_wait3A_208, %dma_wait3A_218] : memref<157x128xi32, #tpu.memory_space<vmem>> -> memref<1x128xi32, #tpu.memory_space<vmem>>
    %dma_wait3A_220 = tpu.memref_squeeze %dma_wait3A_219 : memref<1x128xi32, #tpu.memory_space<vmem>> -> memref<128xi32, #tpu.memory_space<vmem>>
    %dma_wait3A_221 = arith.constant 0 : i32
    %dma_wait3A_222 = arith.constant 0 : i32
    %dma_wait3A_223 = tpu.memref_slice %arg2[%dma_wait3A_221, %dma_wait3A_222] : memref<20000x128xbf16, #tpu.memory_space<hbm>> -> memref<20000x128xbf16, #tpu.memory_space<hbm>>
    tpu.wait_indirect_dma semaphore(%arg11 : memref<!tpu.dma_semaphore, #tpu.memory_space<semaphore_mem>>) src(%dma_wait3A_223 : memref<20000x128xbf16, #tpu.memory_space<hbm>>) dst(%dma_wait3A_213 : memref<128x128xbf16, #tpu.memory_space<vmem>>)
    %dma_start3A_224 = arith.constant 0 : i32
    %dma_start3A_225 = arith.constant 156 : i32
    %dma_start3A_226 = arith.constant 0 : i32
    %dma_start3A_227 = arith.constant 0 : i32
    %dma_start3A_228 = tpu.memref_slice %arg9[%dma_start3A_224, %dma_start3A_226, %dma_start3A_227] : memref<3x128x128xbf16, #tpu.memory_space<vmem>> -> memref<1x128x128xbf16, #tpu.memory_space<vmem>>
    %dma_start3A_229 = tpu.memref_squeeze %dma_start3A_228 : memref<1x128x128xbf16, #tpu.memory_space<vmem>> -> memref<128x128xbf16, #tpu.memory_space<vmem>>
    %dma_start3A_230 = arith.constant 0 : i32
    %dma_start3A_231 = tpu.memref_slice %arg8[%dma_start3A_225, %dma_start3A_230] : memref<157x128xi32, #tpu.memory_space<vmem>> -> memref<1x128xi32, #tpu.memory_space<vmem>>
    %dma_start3A_232 = tpu.memref_squeeze %dma_start3A_231 : memref<1x128xi32, #tpu.memory_space<vmem>> -> memref<128xi32, #tpu.memory_space<vmem>>
    %dma_start3A_233 = arith.constant 0 : i32
    %dma_start3A_234 = arith.constant 0 : i32
    %dma_start3A_235 = tpu.memref_slice %arg10[%dma_start3A_233, %dma_start3A_234] : memref<10240x128xbf16, #tpu.memory_space<vmem_shared>> -> memref<10240x128xbf16, #tpu.memory_space<vmem_shared>>
    tpu.enqueue_indirect_dma source(%dma_start3A_229 : memref<128x128xbf16, #tpu.memory_space<vmem>>) target(%dma_start3A_235 : memref<10240x128xbf16, #tpu.memory_space<vmem_shared>>) offsets(%dma_start3A_232 : memref<128xi32, #tpu.memory_space<vmem>>) semaphore(%arg12 : memref<!tpu.dma_semaphore, #tpu.memory_space<semaphore_mem>>) {add = true}
    %dma_wait3A_236 = arith.constant 0 : i32
    %dma_wait3A_237 = arith.constant 156 : i32
    %dma_wait3A_238 = arith.constant 0 : i32
    %dma_wait3A_239 = arith.constant 0 : i32
    %dma_wait3A_240 = tpu.memref_slice %arg9[%dma_wait3A_236, %dma_wait3A_238, %dma_wait3A_239] : memref<3x128x128xbf16, #tpu.memory_space<vmem>> -> memref<1x128x128xbf16, #tpu.memory_space<vmem>>
    %dma_wait3A_241 = tpu.memref_squeeze %dma_wait3A_240 : memref<1x128x128xbf16, #tpu.memory_space<vmem>> -> memref<128x128xbf16, #tpu.memory_space<vmem>>
    %dma_wait3A_242 = arith.constant 0 : i32
    %dma_wait3A_243 = tpu.memref_slice %arg8[%dma_wait3A_237, %dma_wait3A_242] : memref<157x128xi32, #tpu.memory_space<vmem>> -> memref<1x128xi32, #tpu.memory_space<vmem>>
    %dma_wait3A_244 = tpu.memref_squeeze %dma_wait3A_243 : memref<1x128xi32, #tpu.memory_space<vmem>> -> memref<128xi32, #tpu.memory_space<vmem>>
    %dma_wait3A_245 = arith.constant 0 : i32
    %dma_wait3A_246 = arith.constant 0 : i32
    %dma_wait3A_247 = tpu.memref_slice %arg10[%dma_wait3A_245, %dma_wait3A_246] : memref<10240x128xbf16, #tpu.memory_space<vmem_shared>> -> memref<10240x128xbf16, #tpu.memory_space<vmem_shared>>
    tpu.wait_indirect_dma semaphore(%arg12 : memref<!tpu.dma_semaphore, #tpu.memory_space<semaphore_mem>>) src(%dma_wait3A_241 : memref<128x128xbf16, #tpu.memory_space<vmem>>) dst(%dma_wait3A_247 : memref<10240x128xbf16, #tpu.memory_space<vmem_shared>>)
    %dma_wait3A_248 = arith.constant 0 : i32
    %dma_wait3A_249 = arith.constant 156 : i32
    %dma_wait3A_250 = arith.constant 1 : i32
    %dma_wait3A_251 = arith.constant 0 : i32
    %dma_wait3A_252 = arith.constant 0 : i32
    %dma_wait3A_253 = tpu.memref_slice %arg9[%dma_wait3A_250, %dma_wait3A_251, %dma_wait3A_252] : memref<3x128x128xbf16, #tpu.memory_space<vmem>> -> memref<1x128x128xbf16, #tpu.memory_space<vmem>>
    %dma_wait3A_254 = tpu.memref_squeeze %dma_wait3A_253 : memref<1x128x128xbf16, #tpu.memory_space<vmem>> -> memref<128x128xbf16, #tpu.memory_space<vmem>>
    %dma_wait3A_255 = arith.constant 0 : i32
    %dma_wait3A_256 = arith.constant 0 : i32
    %dma_wait3A_257 = tpu.memref_slice %arg7[%dma_wait3A_248, %dma_wait3A_255, %dma_wait3A_256] : memref<1x157x128xi32, #tpu.memory_space<vmem>> -> memref<1x157x128xi32, #tpu.memory_space<vmem>>
    %dma_wait3A_258 = tpu.memref_squeeze %dma_wait3A_257 : memref<1x157x128xi32, #tpu.memory_space<vmem>> -> memref<157x128xi32, #tpu.memory_space<vmem>>
    %dma_wait3A_259 = arith.constant 0 : i32
    %dma_wait3A_260 = tpu.memref_slice %dma_wait3A_258[%dma_wait3A_249, %dma_wait3A_259] : memref<157x128xi32, #tpu.memory_space<vmem>> -> memref<1x128xi32, #tpu.memory_space<vmem>>
    %dma_wait3A_261 = tpu.memref_squeeze %dma_wait3A_260 : memref<1x128xi32, #tpu.memory_space<vmem>> -> memref<128xi32, #tpu.memory_space<vmem>>
    %dma_wait3A_262 = arith.constant 0 : i32
    %dma_wait3A_263 = arith.constant 0 : i32
    %dma_wait3A_264 = tpu.memref_slice %arg2[%dma_wait3A_262, %dma_wait3A_263] : memref<20000x128xbf16, #tpu.memory_space<hbm>> -> memref<20000x128xbf16, #tpu.memory_space<hbm>>
    tpu.wait_indirect_dma semaphore(%arg11 : memref<!tpu.dma_semaphore, #tpu.memory_space<semaphore_mem>>) src(%dma_wait3A_264 : memref<20000x128xbf16, #tpu.memory_space<hbm>>) dst(%dma_wait3A_254 : memref<128x128xbf16, #tpu.memory_space<vmem>>)
    %dma_wait3A_265 = arith.constant 0 : i32
    %dma_wait3A_266 = arith.constant 156 : i32
    %dma_wait3A_267 = arith.constant 2 : i32
    %dma_wait3A_268 = arith.constant 0 : i32
    %dma_wait3A_269 = arith.constant 0 : i32
    %dma_wait3A_270 = tpu.memref_slice %arg9[%dma_wait3A_267, %dma_wait3A_268, %dma_wait3A_269] : memref<3x128x128xbf16, #tpu.memory_space<vmem>> -> memref<1x128x128xbf16, #tpu.memory_space<vmem>>
    %dma_wait3A_271 = tpu.memref_squeeze %dma_wait3A_270 : memref<1x128x128xbf16, #tpu.memory_space<vmem>> -> memref<128x128xbf16, #tpu.memory_space<vmem>>
    %dma_wait3A_272 = arith.constant 0 : i32
    %dma_wait3A_273 = arith.constant 0 : i32
    %dma_wait3A_274 = tpu.memref_slice %arg7[%dma_wait3A_265, %dma_wait3A_272, %dma_wait3A_273] : memref<1x157x128xi32, #tpu.memory_space<vmem>> -> memref<1x157x128xi32, #tpu.memory_space<vmem>>
    %dma_wait3A_275 = tpu.memref_squeeze %dma_wait3A_274 : memref<1x157x128xi32, #tpu.memory_space<vmem>> -> memref<157x128xi32, #tpu.memory_space<vmem>>
    %dma_wait3A_276 = arith.constant 0 : i32
    %dma_wait3A_277 = tpu.memref_slice %dma_wait3A_275[%dma_wait3A_266, %dma_wait3A_276] : memref<157x128xi32, #tpu.memory_space<vmem>> -> memref<1x128xi32, #tpu.memory_space<vmem>>
    %dma_wait3A_278 = tpu.memref_squeeze %dma_wait3A_277 : memref<1x128xi32, #tpu.memory_space<vmem>> -> memref<128xi32, #tpu.memory_space<vmem>>
    %dma_wait3A_279 = arith.constant 0 : i32
    %dma_wait3A_280 = arith.constant 0 : i32
    %dma_wait3A_281 = tpu.memref_slice %arg2[%dma_wait3A_279, %dma_wait3A_280] : memref<20000x128xbf16, #tpu.memory_space<hbm>> -> memref<20000x128xbf16, #tpu.memory_space<hbm>>
    tpu.wait_indirect_dma semaphore(%arg11 : memref<!tpu.dma_semaphore, #tpu.memory_space<semaphore_mem>>) src(%dma_wait3A_281 : memref<20000x128xbf16, #tpu.memory_space<hbm>>) dst(%dma_wait3A_271 : memref<128x128xbf16, #tpu.memory_space<vmem>>)
    %barrier3A_282 = arith.constant 0 : index
    tpu.barrier barrier_id(%barrier3A_282)
    %add3A_283 = arith.constant 0 : i32
    %add3A_284 = arith.addi %mul3A_0, %add3A_283 : i32
    %dma_start3A_285 = arith.constant 0 : i32
    %dma_start3A_286 = arith.constant 0 : i32
    %dma_start3A_287 = arith.constant 0 : i32
    %dma_start3A_288 = tpu.memref_slice %arg9[%dma_start3A_285, %dma_start3A_286, %dma_start3A_287] : memref<3x128x128xbf16, #tpu.memory_space<vmem>> -> memref<1x128x128xbf16, #tpu.memory_space<vmem>>
    %dma_start3A_289 = tpu.memref_squeeze %dma_start3A_288 : memref<1x128x128xbf16, #tpu.memory_space<vmem>> -> memref<128x128xbf16, #tpu.memory_space<vmem>>
    %dma_start3A_290 = arith.constant 0 : i32
    %dma_start3A_291 = tpu.memref_slice %arg10[%add3A_284, %dma_start3A_290] : memref<10240x128xbf16, #tpu.memory_space<vmem_shared>> -> memref<128x128xbf16, #tpu.memory_space<vmem_shared>>
    %dma_start3A_292 = arith.constant 0 : i32
    %dma_start3A_293 = arith.constant 0 : i32
    %dma_start3A_294 = tpu.memref_slice %arg9[%dma_start3A_285, %dma_start3A_292, %dma_start3A_293] : memref<3x128x128xbf16, #tpu.memory_space<vmem>> -> memref<1x128x128xbf16, #tpu.memory_space<vmem>>
    %dma_start3A_295 = tpu.memref_squeeze %dma_start3A_294 : memref<1x128x128xbf16, #tpu.memory_space<vmem>> -> memref<128x128xbf16, #tpu.memory_space<vmem>>
    %dma_start3A_296 = arith.constant 0 : i32
    %dma_start3A_297 = tpu.memref_slice %arg10[%add3A_284, %dma_start3A_296] : memref<10240x128xbf16, #tpu.memory_space<vmem_shared>> -> memref<128x128xbf16, #tpu.memory_space<vmem_shared>>
    tpu.enqueue_dma source(%dma_start3A_297 : memref<128x128xbf16, #tpu.memory_space<vmem_shared>>) target(%dma_start3A_295 : memref<128x128xbf16, #tpu.memory_space<vmem>>) target_semaphore(%arg11 : memref<!tpu.dma_semaphore, #tpu.memory_space<semaphore_mem>>)
    %add3A_298 = arith.constant 0 : i32
    %add3A_299 = arith.addi %mul3A_0, %add3A_298 : i32
    %dma_wait3A_300 = arith.constant 0 : i32
    %dma_wait3A_301 = arith.constant 0 : i32
    %dma_wait3A_302 = arith.constant 0 : i32
    %dma_wait3A_303 = tpu.memref_slice %arg9[%dma_wait3A_300, %dma_wait3A_301, %dma_wait3A_302] : memref<3x128x128xbf16, #tpu.memory_space<vmem>> -> memref<1x128x128xbf16, #tpu.memory_space<vmem>>
    %dma_wait3A_304 = tpu.memref_squeeze %dma_wait3A_303 : memref<1x128x128xbf16, #tpu.memory_space<vmem>> -> memref<128x128xbf16, #tpu.memory_space<vmem>>
    %dma_wait3A_305 = arith.constant 0 : i32
    %dma_wait3A_306 = tpu.memref_slice %arg10[%add3A_299, %dma_wait3A_305] : memref<10240x128xbf16, #tpu.memory_space<vmem_shared>> -> memref<128x128xbf16, #tpu.memory_space<vmem_shared>>
    %dma_wait3A_307 = arith.constant 0 : i32
    %dma_wait3A_308 = arith.constant 0 : i32
    %dma_wait3A_309 = tpu.memref_slice %arg9[%dma_wait3A_300, %dma_wait3A_307, %dma_wait3A_308] : memref<3x128x128xbf16, #tpu.memory_space<vmem>> -> memref<1x128x128xbf16, #tpu.memory_space<vmem>>
    %dma_wait3A_310 = tpu.memref_squeeze %dma_wait3A_309 : memref<1x128x128xbf16, #tpu.memory_space<vmem>> -> memref<128x128xbf16, #tpu.memory_space<vmem>>
    %dma_wait3A_311 = arith.constant 0 : i32
    %dma_wait3A_312 = tpu.memref_slice %arg10[%add3A_299, %dma_wait3A_311] : memref<10240x128xbf16, #tpu.memory_space<vmem_shared>> -> memref<128x128xbf16, #tpu.memory_space<vmem_shared>>
    tpu.wait_dma2 semaphore(%arg11 : memref<!tpu.dma_semaphore, #tpu.memory_space<semaphore_mem>>) src(%dma_wait3A_312 : memref<128x128xbf16, #tpu.memory_space<vmem_shared>>) dst(%dma_wait3A_310 : memref<128x128xbf16, #tpu.memory_space<vmem>>)
    %add3A_313 = arith.constant 0 : i32
    %add3A_314 = arith.addi %mul3A_0, %add3A_313 : i32
    %dma_start3A_315 = arith.constant 0 : i32
    %dma_start3A_316 = arith.constant 0 : i32
    %dma_start3A_317 = arith.constant 0 : i32
    %dma_start3A_318 = tpu.memref_slice %arg9[%dma_start3A_315, %dma_start3A_316, %dma_start3A_317] : memref<3x128x128xbf16, #tpu.memory_space<vmem>> -> memref<1x128x128xbf16, #tpu.memory_space<vmem>>
    %dma_start3A_319 = tpu.memref_squeeze %dma_start3A_318 : memref<1x128x128xbf16, #tpu.memory_space<vmem>> -> memref<128x128xbf16, #tpu.memory_space<vmem>>
    %dma_start3A_320 = arith.constant 0 : i32
    %dma_start3A_321 = tpu.memref_slice %arg6[%add3A_314, %arg0, %dma_start3A_320] : memref<10240x2x128xbf16, #tpu.memory_space<hbm>> -> memref<128x1x128xbf16, #tpu.memory_space<hbm>>
    %dma_start3A_322 = tpu.memref_squeeze %dma_start3A_321 : memref<128x1x128xbf16, #tpu.memory_space<hbm>> -> memref<128x128xbf16, #tpu.memory_space<hbm>>
    %dma_start3A_323 = arith.constant 0 : i32
    %dma_start3A_324 = tpu.memref_slice %arg6[%add3A_314, %arg0, %dma_start3A_323] : memref<10240x2x128xbf16, #tpu.memory_space<hbm>> -> memref<128x1x128xbf16, #tpu.memory_space<hbm>>
    %dma_start3A_325 = tpu.memref_squeeze %dma_start3A_324 : memref<128x1x128xbf16, #tpu.memory_space<hbm>> -> memref<128x128xbf16, #tpu.memory_space<hbm>>
    %dma_start3A_326 = arith.constant 0 : i32
    %dma_start3A_327 = arith.constant 0 : i32
    %dma_start3A_328 = tpu.memref_slice %arg9[%dma_start3A_315, %dma_start3A_326, %dma_start3A_327] : memref<3x128x128xbf16, #tpu.memory_space<vmem>> -> memref<1x128x128xbf16, #tpu.memory_space<vmem>>
    %dma_start3A_329 = tpu.memref_squeeze %dma_start3A_328 : memref<1x128x128xbf16, #tpu.memory_space<vmem>> -> memref<128x128xbf16, #tpu.memory_space<vmem>>
    tpu.enqueue_dma source(%dma_start3A_329 : memref<128x128xbf16, #tpu.memory_space<vmem>>) target(%dma_start3A_325 : memref<128x128xbf16, #tpu.memory_space<hbm>>) target_semaphore(%arg12 : memref<!tpu.dma_semaphore, #tpu.memory_space<semaphore_mem>>)
    %add3A_330 = arith.constant 128 : i32
    %add3A_331 = arith.addi %mul3A_0, %add3A_330 : i32
    %dma_start3A_332 = arith.constant 1 : i32
    %dma_start3A_333 = arith.constant 0 : i32
    %dma_start3A_334 = arith.constant 0 : i32
    %dma_start3A_335 = tpu.memref_slice %arg9[%dma_start3A_332, %dma_start3A_333, %dma_start3A_334] : memref<3x128x128xbf16, #tpu.memory_space<vmem>> -> memref<1x128x128xbf16, #tpu.memory_space<vmem>>
    %dma_start3A_336 = tpu.memref_squeeze %dma_start3A_335 : memref<1x128x128xbf16, #tpu.memory_space<vmem>> -> memref<128x128xbf16, #tpu.memory_space<vmem>>
    %dma_start3A_337 = arith.constant 0 : i32
    %dma_start3A_338 = tpu.memref_slice %arg10[%add3A_331, %dma_start3A_337] : memref<10240x128xbf16, #tpu.memory_space<vmem_shared>> -> memref<128x128xbf16, #tpu.memory_space<vmem_shared>>
    %dma_start3A_339 = arith.constant 0 : i32
    %dma_start3A_340 = arith.constant 0 : i32
    %dma_start3A_341 = tpu.memref_slice %arg9[%dma_start3A_332, %dma_start3A_339, %dma_start3A_340] : memref<3x128x128xbf16, #tpu.memory_space<vmem>> -> memref<1x128x128xbf16, #tpu.memory_space<vmem>>
    %dma_start3A_342 = tpu.memref_squeeze %dma_start3A_341 : memref<1x128x128xbf16, #tpu.memory_space<vmem>> -> memref<128x128xbf16, #tpu.memory_space<vmem>>
    %dma_start3A_343 = arith.constant 0 : i32
    %dma_start3A_344 = tpu.memref_slice %arg10[%add3A_331, %dma_start3A_343] : memref<10240x128xbf16, #tpu.memory_space<vmem_shared>> -> memref<128x128xbf16, #tpu.memory_space<vmem_shared>>
    tpu.enqueue_dma source(%dma_start3A_344 : memref<128x128xbf16, #tpu.memory_space<vmem_shared>>) target(%dma_start3A_342 : memref<128x128xbf16, #tpu.memory_space<vmem>>) target_semaphore(%arg11 : memref<!tpu.dma_semaphore, #tpu.memory_space<semaphore_mem>>)
    %add3A_345 = arith.constant 128 : i32
    %add3A_346 = arith.addi %mul3A_0, %add3A_345 : i32
    %dma_wait3A_347 = arith.constant 1 : i32
    %dma_wait3A_348 = arith.constant 0 : i32
    %dma_wait3A_349 = arith.constant 0 : i32
    %dma_wait3A_350 = tpu.memref_slice %arg9[%dma_wait3A_347, %dma_wait3A_348, %dma_wait3A_349] : memref<3x128x128xbf16, #tpu.memory_space<vmem>> -> memref<1x128x128xbf16, #tpu.memory_space<vmem>>
    %dma_wait3A_351 = tpu.memref_squeeze %dma_wait3A_350 : memref<1x128x128xbf16, #tpu.memory_space<vmem>> -> memref<128x128xbf16, #tpu.memory_space<vmem>>
    %dma_wait3A_352 = arith.constant 0 : i32
    %dma_wait3A_353 = tpu.memref_slice %arg10[%add3A_346, %dma_wait3A_352] : memref<10240x128xbf16, #tpu.memory_space<vmem_shared>> -> memref<128x128xbf16, #tpu.memory_space<vmem_shared>>
    %dma_wait3A_354 = arith.constant 0 : i32
    %dma_wait3A_355 = arith.constant 0 : i32
    %dma_wait3A_356 = tpu.memref_slice %arg9[%dma_wait3A_347, %dma_wait3A_354, %dma_wait3A_355] : memref<3x128x128xbf16, #tpu.memory_space<vmem>> -> memref<1x128x128xbf16, #tpu.memory_space<vmem>>
    %dma_wait3A_357 = tpu.memref_squeeze %dma_wait3A_356 : memref<1x128x128xbf16, #tpu.memory_space<vmem>> -> memref<128x128xbf16, #tpu.memory_space<vmem>>
    %dma_wait3A_358 = arith.constant 0 : i32
    %dma_wait3A_359 = tpu.memref_slice %arg10[%add3A_346, %dma_wait3A_358] : memref<10240x128xbf16, #tpu.memory_space<vmem_shared>> -> memref<128x128xbf16, #tpu.memory_space<vmem_shared>>
    tpu.wait_dma2 semaphore(%arg11 : memref<!tpu.dma_semaphore, #tpu.memory_space<semaphore_mem>>) src(%dma_wait3A_359 : memref<128x128xbf16, #tpu.memory_space<vmem_shared>>) dst(%dma_wait3A_357 : memref<128x128xbf16, #tpu.memory_space<vmem>>)
    %add3A_360 = arith.constant 128 : i32
    %add3A_361 = arith.addi %mul3A_0, %add3A_360 : i32
    %dma_start3A_362 = arith.constant 1 : i32
    %dma_start3A_363 = arith.constant 0 : i32
    %dma_start3A_364 = arith.constant 0 : i32
    %dma_start3A_365 = tpu.memref_slice %arg9[%dma_start3A_362, %dma_start3A_363, %dma_start3A_364] : memref<3x128x128xbf16, #tpu.memory_space<vmem>> -> memref<1x128x128xbf16, #tpu.memory_space<vmem>>
    %dma_start3A_366 = tpu.memref_squeeze %dma_start3A_365 : memref<1x128x128xbf16, #tpu.memory_space<vmem>> -> memref<128x128xbf16, #tpu.memory_space<vmem>>
    %dma_start3A_367 = arith.constant 0 : i32
    %dma_start3A_368 = tpu.memref_slice %arg6[%add3A_361, %arg0, %dma_start3A_367] : memref<10240x2x128xbf16, #tpu.memory_space<hbm>> -> memref<128x1x128xbf16, #tpu.memory_space<hbm>>
    %dma_start3A_369 = tpu.memref_squeeze %dma_start3A_368 : memref<128x1x128xbf16, #tpu.memory_space<hbm>> -> memref<128x128xbf16, #tpu.memory_space<hbm>>
    %dma_start3A_370 = arith.constant 0 : i32
    %dma_start3A_371 = tpu.memref_slice %arg6[%add3A_361, %arg0, %dma_start3A_370] : memref<10240x2x128xbf16, #tpu.memory_space<hbm>> -> memref<128x1x128xbf16, #tpu.memory_space<hbm>>
    %dma_start3A_372 = tpu.memref_squeeze %dma_start3A_371 : memref<128x1x128xbf16, #tpu.memory_space<hbm>> -> memref<128x128xbf16, #tpu.memory_space<hbm>>
    %dma_start3A_373 = arith.constant 0 : i32
    %dma_start3A_374 = arith.constant 0 : i32
    %dma_start3A_375 = tpu.memref_slice %arg9[%dma_start3A_362, %dma_start3A_373, %dma_start3A_374] : memref<3x128x128xbf16, #tpu.memory_space<vmem>> -> memref<1x128x128xbf16, #tpu.memory_space<vmem>>
    %dma_start3A_376 = tpu.memref_squeeze %dma_start3A_375 : memref<1x128x128xbf16, #tpu.memory_space<vmem>> -> memref<128x128xbf16, #tpu.memory_space<vmem>>
    tpu.enqueue_dma source(%dma_start3A_376 : memref<128x128xbf16, #tpu.memory_space<vmem>>) target(%dma_start3A_372 : memref<128x128xbf16, #tpu.memory_space<hbm>>) target_semaphore(%arg12 : memref<!tpu.dma_semaphore, #tpu.memory_space<semaphore_mem>>)
    %add3A_377 = arith.constant 256 : i32
    %add3A_378 = arith.addi %mul3A_0, %add3A_377 : i32
    %dma_start3A_379 = arith.constant 2 : i32
    %dma_start3A_380 = arith.constant 0 : i32
    %dma_start3A_381 = arith.constant 0 : i32
    %dma_start3A_382 = tpu.memref_slice %arg9[%dma_start3A_379, %dma_start3A_380, %dma_start3A_381] : memref<3x128x128xbf16, #tpu.memory_space<vmem>> -> memref<1x128x128xbf16, #tpu.memory_space<vmem>>
    %dma_start3A_383 = tpu.memref_squeeze %dma_start3A_382 : memref<1x128x128xbf16, #tpu.memory_space<vmem>> -> memref<128x128xbf16, #tpu.memory_space<vmem>>
    %dma_start3A_384 = arith.constant 0 : i32
    %dma_start3A_385 = tpu.memref_slice %arg10[%add3A_378, %dma_start3A_384] : memref<10240x128xbf16, #tpu.memory_space<vmem_shared>> -> memref<128x128xbf16, #tpu.memory_space<vmem_shared>>
    %dma_start3A_386 = arith.constant 0 : i32
    %dma_start3A_387 = arith.constant 0 : i32
    %dma_start3A_388 = tpu.memref_slice %arg9[%dma_start3A_379, %dma_start3A_386, %dma_start3A_387] : memref<3x128x128xbf16, #tpu.memory_space<vmem>> -> memref<1x128x128xbf16, #tpu.memory_space<vmem>>
    %dma_start3A_389 = tpu.memref_squeeze %dma_start3A_388 : memref<1x128x128xbf16, #tpu.memory_space<vmem>> -> memref<128x128xbf16, #tpu.memory_space<vmem>>
    %dma_start3A_390 = arith.constant 0 : i32
    %dma_start3A_391 = tpu.memref_slice %arg10[%add3A_378, %dma_start3A_390] : memref<10240x128xbf16, #tpu.memory_space<vmem_shared>> -> memref<128x128xbf16, #tpu.memory_space<vmem_shared>>
    tpu.enqueue_dma source(%dma_start3A_391 : memref<128x128xbf16, #tpu.memory_space<vmem_shared>>) target(%dma_start3A_389 : memref<128x128xbf16, #tpu.memory_space<vmem>>) target_semaphore(%arg11 : memref<!tpu.dma_semaphore, #tpu.memory_space<semaphore_mem>>)
    %add3A_392 = arith.constant 256 : i32
    %add3A_393 = arith.addi %mul3A_0, %add3A_392 : i32
    %dma_wait3A_394 = arith.constant 2 : i32
    %dma_wait3A_395 = arith.constant 0 : i32
    %dma_wait3A_396 = arith.constant 0 : i32
    %dma_wait3A_397 = tpu.memref_slice %arg9[%dma_wait3A_394, %dma_wait3A_395, %dma_wait3A_396] : memref<3x128x128xbf16, #tpu.memory_space<vmem>> -> memref<1x128x128xbf16, #tpu.memory_space<vmem>>
    %dma_wait3A_398 = tpu.memref_squeeze %dma_wait3A_397 : memref<1x128x128xbf16, #tpu.memory_space<vmem>> -> memref<128x128xbf16, #tpu.memory_space<vmem>>
    %dma_wait3A_399 = arith.constant 0 : i32
    %dma_wait3A_400 = tpu.memref_slice %arg10[%add3A_393, %dma_wait3A_399] : memref<10240x128xbf16, #tpu.memory_space<vmem_shared>> -> memref<128x128xbf16, #tpu.memory_space<vmem_shared>>
    %dma_wait3A_401 = arith.constant 0 : i32
    %dma_wait3A_402 = arith.constant 0 : i32
    %dma_wait3A_403 = tpu.memref_slice %arg9[%dma_wait3A_394, %dma_wait3A_401, %dma_wait3A_402] : memref<3x128x128xbf16, #tpu.memory_space<vmem>> -> memref<1x128x128xbf16, #tpu.memory_space<vmem>>
    %dma_wait3A_404 = tpu.memref_squeeze %dma_wait3A_403 : memref<1x128x128xbf16, #tpu.memory_space<vmem>> -> memref<128x128xbf16, #tpu.memory_space<vmem>>
    %dma_wait3A_405 = arith.constant 0 : i32
    %dma_wait3A_406 = tpu.memref_slice %arg10[%add3A_393, %dma_wait3A_405] : memref<10240x128xbf16, #tpu.memory_space<vmem_shared>> -> memref<128x128xbf16, #tpu.memory_space<vmem_shared>>
    tpu.wait_dma2 semaphore(%arg11 : memref<!tpu.dma_semaphore, #tpu.memory_space<semaphore_mem>>) src(%dma_wait3A_406 : memref<128x128xbf16, #tpu.memory_space<vmem_shared>>) dst(%dma_wait3A_404 : memref<128x128xbf16, #tpu.memory_space<vmem>>)
    %add3A_407 = arith.constant 256 : i32
    %add3A_408 = arith.addi %mul3A_0, %add3A_407 : i32
    %dma_start3A_409 = arith.constant 2 : i32
    %dma_start3A_410 = arith.constant 0 : i32
    %dma_start3A_411 = arith.constant 0 : i32
    %dma_start3A_412 = tpu.memref_slice %arg9[%dma_start3A_409, %dma_start3A_410, %dma_start3A_411] : memref<3x128x128xbf16, #tpu.memory_space<vmem>> -> memref<1x128x128xbf16, #tpu.memory_space<vmem>>
    %dma_start3A_413 = tpu.memref_squeeze %dma_start3A_412 : memref<1x128x128xbf16, #tpu.memory_space<vmem>> -> memref<128x128xbf16, #tpu.memory_space<vmem>>
    %dma_start3A_414 = arith.constant 0 : i32
    %dma_start3A_415 = tpu.memref_slice %arg6[%add3A_408, %arg0, %dma_start3A_414] : memref<10240x2x128xbf16, #tpu.memory_space<hbm>> -> memref<128x1x128xbf16, #tpu.memory_space<hbm>>
    %dma_start3A_416 = tpu.memref_squeeze %dma_start3A_415 : memref<128x1x128xbf16, #tpu.memory_space<hbm>> -> memref<128x128xbf16, #tpu.memory_space<hbm>>
    %dma_start3A_417 = arith.constant 0 : i32
    %dma_start3A_418 = tpu.memref_slice %arg6[%add3A_408, %arg0, %dma_start3A_417] : memref<10240x2x128xbf16, #tpu.memory_space<hbm>> -> memref<128x1x128xbf16, #tpu.memory_space<hbm>>
    %dma_start3A_419 = tpu.memref_squeeze %dma_start3A_418 : memref<128x1x128xbf16, #tpu.memory_space<hbm>> -> memref<128x128xbf16, #tpu.memory_space<hbm>>
    %dma_start3A_420 = arith.constant 0 : i32
    %dma_start3A_421 = arith.constant 0 : i32
    %dma_start3A_422 = tpu.memref_slice %arg9[%dma_start3A_409, %dma_start3A_420, %dma_start3A_421] : memref<3x128x128xbf16, #tpu.memory_space<vmem>> -> memref<1x128x128xbf16, #tpu.memory_space<vmem>>
    %dma_start3A_423 = tpu.memref_squeeze %dma_start3A_422 : memref<1x128x128xbf16, #tpu.memory_space<vmem>> -> memref<128x128xbf16, #tpu.memory_space<vmem>>
    tpu.enqueue_dma source(%dma_start3A_423 : memref<128x128xbf16, #tpu.memory_space<vmem>>) target(%dma_start3A_419 : memref<128x128xbf16, #tpu.memory_space<hbm>>) target_semaphore(%arg12 : memref<!tpu.dma_semaphore, #tpu.memory_space<semaphore_mem>>)
    %add3A_424 = arith.constant 0 : i32
    %add3A_425 = arith.addi %mul3A_0, %add3A_424 : i32
    %dma_wait3A_426 = arith.constant 0 : i32
    %dma_wait3A_427 = arith.constant 0 : i32
    %dma_wait3A_428 = arith.constant 0 : i32
    %dma_wait3A_429 = tpu.memref_slice %arg9[%dma_wait3A_426, %dma_wait3A_427, %dma_wait3A_428] : memref<3x128x128xbf16, #tpu.memory_space<vmem>> -> memref<1x128x128xbf16, #tpu.memory_space<vmem>>
    %dma_wait3A_430 = tpu.memref_squeeze %dma_wait3A_429 : memref<1x128x128xbf16, #tpu.memory_space<vmem>> -> memref<128x128xbf16, #tpu.memory_space<vmem>>
    %dma_wait3A_431 = arith.constant 0 : i32
    %dma_wait3A_432 = tpu.memref_slice %arg6[%add3A_425, %arg0, %dma_wait3A_431] : memref<10240x2x128xbf16, #tpu.memory_space<hbm>> -> memref<128x1x128xbf16, #tpu.memory_space<hbm>>
    %dma_wait3A_433 = tpu.memref_squeeze %dma_wait3A_432 : memref<128x1x128xbf16, #tpu.memory_space<hbm>> -> memref<128x128xbf16, #tpu.memory_space<hbm>>
    %dma_wait3A_434 = arith.constant 0 : i32
    %dma_wait3A_435 = tpu.memref_slice %arg6[%add3A_425, %arg0, %dma_wait3A_434] : memref<10240x2x128xbf16, #tpu.memory_space<hbm>> -> memref<128x1x128xbf16, #tpu.memory_space<hbm>>
    %dma_wait3A_436 = tpu.memref_squeeze %dma_wait3A_435 : memref<128x1x128xbf16, #tpu.memory_space<hbm>> -> memref<128x128xbf16, #tpu.memory_space<hbm>>
    %dma_wait3A_437 = arith.constant 0 : i32
    %dma_wait3A_438 = arith.constant 0 : i32
    %dma_wait3A_439 = tpu.memref_slice %arg9[%dma_wait3A_426, %dma_wait3A_437, %dma_wait3A_438] : memref<3x128x128xbf16, #tpu.memory_space<vmem>> -> memref<1x128x128xbf16, #tpu.memory_space<vmem>>
    %dma_wait3A_440 = tpu.memref_squeeze %dma_wait3A_439 : memref<1x128x128xbf16, #tpu.memory_space<vmem>> -> memref<128x128xbf16, #tpu.memory_space<vmem>>
    tpu.wait_dma2 semaphore(%arg12 : memref<!tpu.dma_semaphore, #tpu.memory_space<semaphore_mem>>) src(%dma_wait3A_440 : memref<128x128xbf16, #tpu.memory_space<vmem>>) dst(%dma_wait3A_436 : memref<128x128xbf16, #tpu.memory_space<hbm>>)
    %add3A_441 = arith.constant 384 : i32
    %add3A_442 = arith.addi %mul3A_0, %add3A_441 : i32
    %dma_start3A_443 = arith.constant 0 : i32
    %dma_start3A_444 = arith.constant 0 : i32
    %dma_start3A_445 = arith.constant 0 : i32
    %dma_start3A_446 = tpu.memref_slice %arg9[%dma_start3A_443, %dma_start3A_444, %dma_start3A_445] : memref<3x128x128xbf16, #tpu.memory_space<vmem>> -> memref<1x128x128xbf16, #tpu.memory_space<vmem>>
    %dma_start3A_447 = tpu.memref_squeeze %dma_start3A_446 : memref<1x128x128xbf16, #tpu.memory_space<vmem>> -> memref<128x128xbf16, #tpu.memory_space<vmem>>
    %dma_start3A_448 = arith.constant 0 : i32
    %dma_start3A_449 = tpu.memref_slice %arg10[%add3A_442, %dma_start3A_448] : memref<10240x128xbf16, #tpu.memory_space<vmem_shared>> -> memref<128x128xbf16, #tpu.memory_space<vmem_shared>>
    %dma_start3A_450 = arith.constant 0 : i32
    %dma_start3A_451 = arith.constant 0 : i32
    %dma_start3A_452 = tpu.memref_slice %arg9[%dma_start3A_443, %dma_start3A_450, %dma_start3A_451] : memref<3x128x128xbf16, #tpu.memory_space<vmem>> -> memref<1x128x128xbf16, #tpu.memory_space<vmem>>
    %dma_start3A_453 = tpu.memref_squeeze %dma_start3A_452 : memref<1x128x128xbf16, #tpu.memory_space<vmem>> -> memref<128x128xbf16, #tpu.memory_space<vmem>>
    %dma_start3A_454 = arith.constant 0 : i32
    %dma_start3A_455 = tpu.memref_slice %arg10[%add3A_442, %dma_start3A_454] : memref<10240x128xbf16, #tpu.memory_space<vmem_shared>> -> memref<128x128xbf16, #tpu.memory_space<vmem_shared>>
    tpu.enqueue_dma source(%dma_start3A_455 : memref<128x128xbf16, #tpu.memory_space<vmem_shared>>) target(%dma_start3A_453 : memref<128x128xbf16, #tpu.memory_space<vmem>>) target_semaphore(%arg11 : memref<!tpu.dma_semaphore, #tpu.memory_space<semaphore_mem>>)
    %add3A_456 = arith.constant 384 : i32
    %add3A_457 = arith.addi %mul3A_0, %add3A_456 : i32
    %dma_wait3A_458 = arith.constant 0 : i32
    %dma_wait3A_459 = arith.constant 0 : i32
    %dma_wait3A_460 = arith.constant 0 : i32
    %dma_wait3A_461 = tpu.memref_slice %arg9[%dma_wait3A_458, %dma_wait3A_459, %dma_wait3A_460] : memref<3x128x128xbf16, #tpu.memory_space<vmem>> -> memref<1x128x128xbf16, #tpu.memory_space<vmem>>
    %dma_wait3A_462 = tpu.memref_squeeze %dma_wait3A_461 : memref<1x128x128xbf16, #tpu.memory_space<vmem>> -> memref<128x128xbf16, #tpu.memory_space<vmem>>
    %dma_wait3A_463 = arith.constant 0 : i32
    %dma_wait3A_464 = tpu.memref_slice %arg10[%add3A_457, %dma_wait3A_463] : memref<10240x128xbf16, #tpu.memory_space<vmem_shared>> -> memref<128x128xbf16, #tpu.memory_space<vmem_shared>>
    %dma_wait3A_465 = arith.constant 0 : i32
    %dma_wait3A_466 = arith.constant 0 : i32
    %dma_wait3A_467 = tpu.memref_slice %arg9[%dma_wait3A_458, %dma_wait3A_465, %dma_wait3A_466] : memref<3x128x128xbf16, #tpu.memory_space<vmem>> -> memref<1x128x128xbf16, #tpu.memory_space<vmem>>
    %dma_wait3A_468 = tpu.memref_squeeze %dma_wait3A_467 : memref<1x128x128xbf16, #tpu.memory_space<vmem>> -> memref<128x128xbf16, #tpu.memory_space<vmem>>
    %dma_wait3A_469 = arith.constant 0 : i32
    %dma_wait3A_470 = tpu.memref_slice %arg10[%add3A_457, %dma_wait3A_469] : memref<10240x128xbf16, #tpu.memory_space<vmem_shared>> -> memref<128x128xbf16, #tpu.memory_space<vmem_shared>>
    tpu.wait_dma2 semaphore(%arg11 : memref<!tpu.dma_semaphore, #tpu.memory_space<semaphore_mem>>) src(%dma_wait3A_470 : memref<128x128xbf16, #tpu.memory_space<vmem_shared>>) dst(%dma_wait3A_468 : memref<128x128xbf16, #tpu.memory_space<vmem>>)
    %add3A_471 = arith.constant 384 : i32
    %add3A_472 = arith.addi %mul3A_0, %add3A_471 : i32
    %dma_start3A_473 = arith.constant 0 : i32
    %dma_start3A_474 = arith.constant 0 : i32
    %dma_start3A_475 = arith.constant 0 : i32
    %dma_start3A_476 = tpu.memref_slice %arg9[%dma_start3A_473, %dma_start3A_474, %dma_start3A_475] : memref<3x128x128xbf16, #tpu.memory_space<vmem>> -> memref<1x128x128xbf16, #tpu.memory_space<vmem>>
    %dma_start3A_477 = tpu.memref_squeeze %dma_start3A_476 : memref<1x128x128xbf16, #tpu.memory_space<vmem>> -> memref<128x128xbf16, #tpu.memory_space<vmem>>
    %dma_start3A_478 = arith.constant 0 : i32
    %dma_start3A_479 = tpu.memref_slice %arg6[%add3A_472, %arg0, %dma_start3A_478] : memref<10240x2x128xbf16, #tpu.memory_space<hbm>> -> memref<128x1x128xbf16, #tpu.memory_space<hbm>>
    %dma_start3A_480 = tpu.memref_squeeze %dma_start3A_479 : memref<128x1x128xbf16, #tpu.memory_space<hbm>> -> memref<128x128xbf16, #tpu.memory_space<hbm>>
    %dma_start3A_481 = arith.constant 0 : i32
    %dma_start3A_482 = tpu.memref_slice %arg6[%add3A_472, %arg0, %dma_start3A_481] : memref<10240x2x128xbf16, #tpu.memory_space<hbm>> -> memref<128x1x128xbf16, #tpu.memory_space<hbm>>
    %dma_start3A_483 = tpu.memref_squeeze %dma_start3A_482 : memref<128x1x128xbf16, #tpu.memory_space<hbm>> -> memref<128x128xbf16, #tpu.memory_space<hbm>>
    %dma_start3A_484 = arith.constant 0 : i32
    %dma_start3A_485 = arith.constant 0 : i32
    %dma_start3A_486 = tpu.memref_slice %arg9[%dma_start3A_473, %dma_start3A_484, %dma_start3A_485] : memref<3x128x128xbf16, #tpu.memory_space<vmem>> -> memref<1x128x128xbf16, #tpu.memory_space<vmem>>
    %dma_start3A_487 = tpu.memref_squeeze %dma_start3A_486 : memref<1x128x128xbf16, #tpu.memory_space<vmem>> -> memref<128x128xbf16, #tpu.memory_space<vmem>>
    tpu.enqueue_dma source(%dma_start3A_487 : memref<128x128xbf16, #tpu.memory_space<vmem>>) target(%dma_start3A_483 : memref<128x128xbf16, #tpu.memory_space<hbm>>) target_semaphore(%arg12 : memref<!tpu.dma_semaphore, #tpu.memory_space<semaphore_mem>>)
    %add3A_488 = arith.constant 128 : i32
    %add3A_489 = arith.addi %mul3A_0, %add3A_488 : i32
    %dma_wait3A_490 = arith.constant 1 : i32
    %dma_wait3A_491 = arith.constant 0 : i32
    %dma_wait3A_492 = arith.constant 0 : i32
    %dma_wait3A_493 = tpu.memref_slice %arg9[%dma_wait3A_490, %dma_wait3A_491, %dma_wait3A_492] : memref<3x128x128xbf16, #tpu.memory_space<vmem>> -> memref<1x128x128xbf16, #tpu.memory_space<vmem>>
    %dma_wait3A_494 = tpu.memref_squeeze %dma_wait3A_493 : memref<1x128x128xbf16, #tpu.memory_space<vmem>> -> memref<128x128xbf16, #tpu.memory_space<vmem>>
    %dma_wait3A_495 = arith.constant 0 : i32
    %dma_wait3A_496 = tpu.memref_slice %arg6[%add3A_489, %arg0, %dma_wait3A_495] : memref<10240x2x128xbf16, #tpu.memory_space<hbm>> -> memref<128x1x128xbf16, #tpu.memory_space<hbm>>
    %dma_wait3A_497 = tpu.memref_squeeze %dma_wait3A_496 : memref<128x1x128xbf16, #tpu.memory_space<hbm>> -> memref<128x128xbf16, #tpu.memory_space<hbm>>
    %dma_wait3A_498 = arith.constant 0 : i32
    %dma_wait3A_499 = tpu.memref_slice %arg6[%add3A_489, %arg0, %dma_wait3A_498] : memref<10240x2x128xbf16, #tpu.memory_space<hbm>> -> memref<128x1x128xbf16, #tpu.memory_space<hbm>>
    %dma_wait3A_500 = tpu.memref_squeeze %dma_wait3A_499 : memref<128x1x128xbf16, #tpu.memory_space<hbm>> -> memref<128x128xbf16, #tpu.memory_space<hbm>>
    %dma_wait3A_501 = arith.constant 0 : i32
    %dma_wait3A_502 = arith.constant 0 : i32
    %dma_wait3A_503 = tpu.memref_slice %arg9[%dma_wait3A_490, %dma_wait3A_501, %dma_wait3A_502] : memref<3x128x128xbf16, #tpu.memory_space<vmem>> -> memref<1x128x128xbf16, #tpu.memory_space<vmem>>
    %dma_wait3A_504 = tpu.memref_squeeze %dma_wait3A_503 : memref<1x128x128xbf16, #tpu.memory_space<vmem>> -> memref<128x128xbf16, #tpu.memory_space<vmem>>
    tpu.wait_dma2 semaphore(%arg12 : memref<!tpu.dma_semaphore, #tpu.memory_space<semaphore_mem>>) src(%dma_wait3A_504 : memref<128x128xbf16, #tpu.memory_space<vmem>>) dst(%dma_wait3A_500 : memref<128x128xbf16, #tpu.memory_space<hbm>>)
    %add3A_505 = arith.constant 512 : i32
    %add3A_506 = arith.addi %mul3A_0, %add3A_505 : i32
    %dma_start3A_507 = arith.constant 1 : i32
    %dma_start3A_508 = arith.constant 0 : i32
    %dma_start3A_509 = arith.constant 0 : i32
    %dma_start3A_510 = tpu.memref_slice %arg9[%dma_start3A_507, %dma_start3A_508, %dma_start3A_509] : memref<3x128x128xbf16, #tpu.memory_space<vmem>> -> memref<1x128x128xbf16, #tpu.memory_space<vmem>>
    %dma_start3A_511 = tpu.memref_squeeze %dma_start3A_510 : memref<1x128x128xbf16, #tpu.memory_space<vmem>> -> memref<128x128xbf16, #tpu.memory_space<vmem>>
    %dma_start3A_512 = arith.constant 0 : i32
    %dma_start3A_513 = tpu.memref_slice %arg10[%add3A_506, %dma_start3A_512] : memref<10240x128xbf16, #tpu.memory_space<vmem_shared>> -> memref<128x128xbf16, #tpu.memory_space<vmem_shared>>
    %dma_start3A_514 = arith.constant 0 : i32
    %dma_start3A_515 = arith.constant 0 : i32
    %dma_start3A_516 = tpu.memref_slice %arg9[%dma_start3A_507, %dma_start3A_514, %dma_start3A_515] : memref<3x128x128xbf16, #tpu.memory_space<vmem>> -> memref<1x128x128xbf16, #tpu.memory_space<vmem>>
    %dma_start3A_517 = tpu.memref_squeeze %dma_start3A_516 : memref<1x128x128xbf16, #tpu.memory_space<vmem>> -> memref<128x128xbf16, #tpu.memory_space<vmem>>
    %dma_start3A_518 = arith.constant 0 : i32
    %dma_start3A_519 = tpu.memref_slice %arg10[%add3A_506, %dma_start3A_518] : memref<10240x128xbf16, #tpu.memory_space<vmem_shared>> -> memref<128x128xbf16, #tpu.memory_space<vmem_shared>>
    tpu.enqueue_dma source(%dma_start3A_519 : memref<128x128xbf16, #tpu.memory_space<vmem_shared>>) target(%dma_start3A_517 : memref<128x128xbf16, #tpu.memory_space<vmem>>) target_semaphore(%arg11 : memref<!tpu.dma_semaphore, #tpu.memory_space<semaphore_mem>>)
    %add3A_520 = arith.constant 512 : i32
    %add3A_521 = arith.addi %mul3A_0, %add3A_520 : i32
    %dma_wait3A_522 = arith.constant 1 : i32
    %dma_wait3A_523 = arith.constant 0 : i32
    %dma_wait3A_524 = arith.constant 0 : i32
    %dma_wait3A_525 = tpu.memref_slice %arg9[%dma_wait3A_522, %dma_wait3A_523, %dma_wait3A_524] : memref<3x128x128xbf16, #tpu.memory_space<vmem>> -> memref<1x128x128xbf16, #tpu.memory_space<vmem>>
    %dma_wait3A_526 = tpu.memref_squeeze %dma_wait3A_525 : memref<1x128x128xbf16, #tpu.memory_space<vmem>> -> memref<128x128xbf16, #tpu.memory_space<vmem>>
    %dma_wait3A_527 = arith.constant 0 : i32
    %dma_wait3A_528 = tpu.memref_slice %arg10[%add3A_521, %dma_wait3A_527] : memref<10240x128xbf16, #tpu.memory_space<vmem_shared>> -> memref<128x128xbf16, #tpu.memory_space<vmem_shared>>
    %dma_wait3A_529 = arith.constant 0 : i32
    %dma_wait3A_530 = arith.constant 0 : i32
    %dma_wait3A_531 = tpu.memref_slice %arg9[%dma_wait3A_522, %dma_wait3A_529, %dma_wait3A_530] : memref<3x128x128xbf16, #tpu.memory_space<vmem>> -> memref<1x128x128xbf16, #tpu.memory_space<vmem>>
    %dma_wait3A_532 = tpu.memref_squeeze %dma_wait3A_531 : memref<1x128x128xbf16, #tpu.memory_space<vmem>> -> memref<128x128xbf16, #tpu.memory_space<vmem>>
    %dma_wait3A_533 = arith.constant 0 : i32
    %dma_wait3A_534 = tpu.memref_slice %arg10[%add3A_521, %dma_wait3A_533] : memref<10240x128xbf16, #tpu.memory_space<vmem_shared>> -> memref<128x128xbf16, #tpu.memory_space<vmem_shared>>
    tpu.wait_dma2 semaphore(%arg11 : memref<!tpu.dma_semaphore, #tpu.memory_space<semaphore_mem>>) src(%dma_wait3A_534 : memref<128x128xbf16, #tpu.memory_space<vmem_shared>>) dst(%dma_wait3A_532 : memref<128x128xbf16, #tpu.memory_space<vmem>>)
    %add3A_535 = arith.constant 512 : i32
    %add3A_536 = arith.addi %mul3A_0, %add3A_535 : i32
    %dma_start3A_537 = arith.constant 1 : i32
    %dma_start3A_538 = arith.constant 0 : i32
    %dma_start3A_539 = arith.constant 0 : i32
    %dma_start3A_540 = tpu.memref_slice %arg9[%dma_start3A_537, %dma_start3A_538, %dma_start3A_539] : memref<3x128x128xbf16, #tpu.memory_space<vmem>> -> memref<1x128x128xbf16, #tpu.memory_space<vmem>>
    %dma_start3A_541 = tpu.memref_squeeze %dma_start3A_540 : memref<1x128x128xbf16, #tpu.memory_space<vmem>> -> memref<128x128xbf16, #tpu.memory_space<vmem>>
    %dma_start3A_542 = arith.constant 0 : i32
    %dma_start3A_543 = tpu.memref_slice %arg6[%add3A_536, %arg0, %dma_start3A_542] : memref<10240x2x128xbf16, #tpu.memory_space<hbm>> -> memref<128x1x128xbf16, #tpu.memory_space<hbm>>
    %dma_start3A_544 = tpu.memref_squeeze %dma_start3A_543 : memref<128x1x128xbf16, #tpu.memory_space<hbm>> -> memref<128x128xbf16, #tpu.memory_space<hbm>>
    %dma_start3A_545 = arith.constant 0 : i32
    %dma_start3A_546 = tpu.memref_slice %arg6[%add3A_536, %arg0, %dma_start3A_545] : memref<10240x2x128xbf16, #tpu.memory_space<hbm>> -> memref<128x1x128xbf16, #tpu.memory_space<hbm>>
    %dma_start3A_547 = tpu.memref_squeeze %dma_start3A_546 : memref<128x1x128xbf16, #tpu.memory_space<hbm>> -> memref<128x128xbf16, #tpu.memory_space<hbm>>
    %dma_start3A_548 = arith.constant 0 : i32
    %dma_start3A_549 = arith.constant 0 : i32
    %dma_start3A_550 = tpu.memref_slice %arg9[%dma_start3A_537, %dma_start3A_548, %dma_start3A_549] : memref<3x128x128xbf16, #tpu.memory_space<vmem>> -> memref<1x128x128xbf16, #tpu.memory_space<vmem>>
    %dma_start3A_551 = tpu.memref_squeeze %dma_start3A_550 : memref<1x128x128xbf16, #tpu.memory_space<vmem>> -> memref<128x128xbf16, #tpu.memory_space<vmem>>
    tpu.enqueue_dma source(%dma_start3A_551 : memref<128x128xbf16, #tpu.memory_space<vmem>>) target(%dma_start3A_547 : memref<128x128xbf16, #tpu.memory_space<hbm>>) target_semaphore(%arg12 : memref<!tpu.dma_semaphore, #tpu.memory_space<semaphore_mem>>)
    %add3A_552 = arith.constant 256 : i32
    %add3A_553 = arith.addi %mul3A_0, %add3A_552 : i32
    %dma_wait3A_554 = arith.constant 2 : i32
    %dma_wait3A_555 = arith.constant 0 : i32
    %dma_wait3A_556 = arith.constant 0 : i32
    %dma_wait3A_557 = tpu.memref_slice %arg9[%dma_wait3A_554, %dma_wait3A_555, %dma_wait3A_556] : memref<3x128x128xbf16, #tpu.memory_space<vmem>> -> memref<1x128x128xbf16, #tpu.memory_space<vmem>>
    %dma_wait3A_558 = tpu.memref_squeeze %dma_wait3A_557 : memref<1x128x128xbf16, #tpu.memory_space<vmem>> -> memref<128x128xbf16, #tpu.memory_space<vmem>>
    %dma_wait3A_559 = arith.constant 0 : i32
    %dma_wait3A_560 = tpu.memref_slice %arg6[%add3A_553, %arg0, %dma_wait3A_559] : memref<10240x2x128xbf16, #tpu.memory_space<hbm>> -> memref<128x1x128xbf16, #tpu.memory_space<hbm>>
    %dma_wait3A_561 = tpu.memref_squeeze %dma_wait3A_560 : memref<128x1x128xbf16, #tpu.memory_space<hbm>> -> memref<128x128xbf16, #tpu.memory_space<hbm>>
    %dma_wait3A_562 = arith.constant 0 : i32
    %dma_wait3A_563 = tpu.memref_slice %arg6[%add3A_553, %arg0, %dma_wait3A_562] : memref<10240x2x128xbf16, #tpu.memory_space<hbm>> -> memref<128x1x128xbf16, #tpu.memory_space<hbm>>
    %dma_wait3A_564 = tpu.memref_squeeze %dma_wait3A_563 : memref<128x1x128xbf16, #tpu.memory_space<hbm>> -> memref<128x128xbf16, #tpu.memory_space<hbm>>
    %dma_wait3A_565 = arith.constant 0 : i32
    %dma_wait3A_566 = arith.constant 0 : i32
    %dma_wait3A_567 = tpu.memref_slice %arg9[%dma_wait3A_554, %dma_wait3A_565, %dma_wait3A_566] : memref<3x128x128xbf16, #tpu.memory_space<vmem>> -> memref<1x128x128xbf16, #tpu.memory_space<vmem>>
    %dma_wait3A_568 = tpu.memref_squeeze %dma_wait3A_567 : memref<1x128x128xbf16, #tpu.memory_space<vmem>> -> memref<128x128xbf16, #tpu.memory_space<vmem>>
    tpu.wait_dma2 semaphore(%arg12 : memref<!tpu.dma_semaphore, #tpu.memory_space<semaphore_mem>>) src(%dma_wait3A_568 : memref<128x128xbf16, #tpu.memory_space<vmem>>) dst(%dma_wait3A_564 : memref<128x128xbf16, #tpu.memory_space<hbm>>)
    %add3A_569 = arith.constant 384 : i32
    %add3A_570 = arith.addi %mul3A_0, %add3A_569 : i32
    %dma_wait3A_571 = arith.constant 0 : i32
    %dma_wait3A_572 = arith.constant 0 : i32
    %dma_wait3A_573 = arith.constant 0 : i32
    %dma_wait3A_574 = tpu.memref_slice %arg9[%dma_wait3A_571, %dma_wait3A_572, %dma_wait3A_573] : memref<3x128x128xbf16, #tpu.memory_space<vmem>> -> memref<1x128x128xbf16, #tpu.memory_space<vmem>>
    %dma_wait3A_575 = tpu.memref_squeeze %dma_wait3A_574 : memref<1x128x128xbf16, #tpu.memory_space<vmem>> -> memref<128x128xbf16, #tpu.memory_space<vmem>>
    %dma_wait3A_576 = arith.constant 0 : i32
    %dma_wait3A_577 = tpu.memref_slice %arg6[%add3A_570, %arg0, %dma_wait3A_576] : memref<10240x2x128xbf16, #tpu.memory_space<hbm>> -> memref<128x1x128xbf16, #tpu.memory_space<hbm>>
    %dma_wait3A_578 = tpu.memref_squeeze %dma_wait3A_577 : memref<128x1x128xbf16, #tpu.memory_space<hbm>> -> memref<128x128xbf16, #tpu.memory_space<hbm>>
    %dma_wait3A_579 = arith.constant 0 : i32
    %dma_wait3A_580 = tpu.memref_slice %arg6[%add3A_570, %arg0, %dma_wait3A_579] : memref<10240x2x128xbf16, #tpu.memory_space<hbm>> -> memref<128x1x128xbf16, #tpu.memory_space<hbm>>
    %dma_wait3A_581 = tpu.memref_squeeze %dma_wait3A_580 : memref<128x1x128xbf16, #tpu.memory_space<hbm>> -> memref<128x128xbf16, #tpu.memory_space<hbm>>
    %dma_wait3A_582 = arith.constant 0 : i32
    %dma_wait3A_583 = arith.constant 0 : i32
    %dma_wait3A_584 = tpu.memref_slice %arg9[%dma_wait3A_571, %dma_wait3A_582, %dma_wait3A_583] : memref<3x128x128xbf16, #tpu.memory_space<vmem>> -> memref<1x128x128xbf16, #tpu.memory_space<vmem>>
    %dma_wait3A_585 = tpu.memref_squeeze %dma_wait3A_584 : memref<1x128x128xbf16, #tpu.memory_space<vmem>> -> memref<128x128xbf16, #tpu.memory_space<vmem>>
    tpu.wait_dma2 semaphore(%arg12 : memref<!tpu.dma_semaphore, #tpu.memory_space<semaphore_mem>>) src(%dma_wait3A_585 : memref<128x128xbf16, #tpu.memory_space<vmem>>) dst(%dma_wait3A_581 : memref<128x128xbf16, #tpu.memory_space<hbm>>)
    %add3A_586 = arith.constant 512 : i32
    %add3A_587 = arith.addi %mul3A_0, %add3A_586 : i32
    %dma_wait3A_588 = arith.constant 1 : i32
    %dma_wait3A_589 = arith.constant 0 : i32
    %dma_wait3A_590 = arith.constant 0 : i32
    %dma_wait3A_591 = tpu.memref_slice %arg9[%dma_wait3A_588, %dma_wait3A_589, %dma_wait3A_590] : memref<3x128x128xbf16, #tpu.memory_space<vmem>> -> memref<1x128x128xbf16, #tpu.memory_space<vmem>>
    %dma_wait3A_592 = tpu.memref_squeeze %dma_wait3A_591 : memref<1x128x128xbf16, #tpu.memory_space<vmem>> -> memref<128x128xbf16, #tpu.memory_space<vmem>>
    %dma_wait3A_593 = arith.constant 0 : i32
    %dma_wait3A_594 = tpu.memref_slice %arg6[%add3A_587, %arg0, %dma_wait3A_593] : memref<10240x2x128xbf16, #tpu.memory_space<hbm>> -> memref<128x1x128xbf16, #tpu.memory_space<hbm>>
    %dma_wait3A_595 = tpu.memref_squeeze %dma_wait3A_594 : memref<128x1x128xbf16, #tpu.memory_space<hbm>> -> memref<128x128xbf16, #tpu.memory_space<hbm>>
    %dma_wait3A_596 = arith.constant 0 : i32
    %dma_wait3A_597 = tpu.memref_slice %arg6[%add3A_587, %arg0, %dma_wait3A_596] : memref<10240x2x128xbf16, #tpu.memory_space<hbm>> -> memref<128x1x128xbf16, #tpu.memory_space<hbm>>
    %dma_wait3A_598 = tpu.memref_squeeze %dma_wait3A_597 : memref<128x1x128xbf16, #tpu.memory_space<hbm>> -> memref<128x128xbf16, #tpu.memory_space<hbm>>
    %dma_wait3A_599 = arith.constant 0 : i32
    %dma_wait3A_600 = arith.constant 0 : i32
    %dma_wait3A_601 = tpu.memref_slice %arg9[%dma_wait3A_588, %dma_wait3A_599, %dma_wait3A_600] : memref<3x128x128xbf16, #tpu.memory_space<vmem>> -> memref<1x128x128xbf16, #tpu.memory_space<vmem>>
    %dma_wait3A_602 = tpu.memref_squeeze %dma_wait3A_601 : memref<1x128x128xbf16, #tpu.memory_space<vmem>> -> memref<128x128xbf16, #tpu.memory_space<vmem>>
    tpu.wait_dma2 semaphore(%arg12 : memref<!tpu.dma_semaphore, #tpu.memory_space<semaphore_mem>>) src(%dma_wait3A_602 : memref<128x128xbf16, #tpu.memory_space<vmem>>) dst(%dma_wait3A_598 : memref<128x128xbf16, #tpu.memory_space<hbm>>)
    %barrier3A_603 = arith.constant 0 : index
    tpu.barrier barrier_id(%barrier3A_603)
    return
  }
}

#map = affine_map<(d0, d1) -> (0, 0)>
#map1 = affine_map<(d0, d1) -> (0, 0, 0, 0)>
#map2 = affine_map<(d0, d1) -> (0, 0, 0)>
module attributes {stable_mosaic.version = 14 : i64} {
  func.func @_sc_agg(%arg0: i32, %arg1: i32, %arg2: memref<20000x128xbf16, #tpu.memory_space<hbm>>, %arg3: memref<2x16x157x128xi32, #tpu.memory_space<hbm>>, %arg4: memref<16x157x128xi32, #tpu.memory_space<hbm>>, %arg5: memref<128x128xbf16, #tpu.memory_space<hbm>>, %arg6: memref<10240x2x128xbf16, #tpu.memory_space<hbm>>, %arg7: memref<1x157x128xi32, #tpu.memory_space<vmem>>, %arg8: memref<157x128xi32, #tpu.memory_space<vmem>>, %arg9: memref<3x128x128xbf16, #tpu.memory_space<vmem>>, %arg10: memref<10240x128xbf16, #tpu.memory_space<vmem_shared>>, %arg11: memref<!tpu.dma_semaphore, #tpu.memory_space<semaphore_mem>>, %arg12: memref<!tpu.dma_semaphore, #tpu.memory_space<semaphore_mem>>) attributes {dimension_semantics = [#tpu.dimension_semantics<core_parallel>, #tpu.dimension_semantics<subcore_parallel>], iteration_bounds = array<i64: 2, 16>, scalar_prefetch = 0 : i64, scratch_operands = 6 : i64, tpu.core_type = #tpu.core_type<sc_vector_subcore>, window_params = [{transform_indices = #map}, {transform_indices = #map1}, {transform_indices = #map2}, {transform_indices = #map}, {transform_indices = #map2}]} {
    %mul3A = arith.constant 640 : i32
    %mul3A_0 = arith.muli %arg1, %mul3A : i32
    "tpu.region"() ({
      %run_scoped3A_604 = tpu.sem_alloc : memref<!tpu.dma_semaphore, #tpu.memory_space<semaphore_mem>>
      %dma_start3A_605 = arith.constant 0 : i32
      %dma_start3A_606 = arith.constant 0 : i32
      %dma_start3A_607 = tpu.memref_slice %arg4[%arg1, %dma_start3A_605, %dma_start3A_606] : memref<16x157x128xi32, #tpu.memory_space<hbm>> -> memref<1x157x128xi32, #tpu.memory_space<hbm>>
      %dma_start3A_608 = tpu.memref_squeeze %dma_start3A_607 : memref<1x157x128xi32, #tpu.memory_space<hbm>> -> memref<157x128xi32, #tpu.memory_space<hbm>>
      %dma_start3A_609 = arith.constant 0 : i32
      %dma_start3A_610 = arith.constant 0 : i32
      %dma_start3A_611 = tpu.memref_slice %arg4[%arg1, %dma_start3A_609, %dma_start3A_610] : memref<16x157x128xi32, #tpu.memory_space<hbm>> -> memref<1x157x128xi32, #tpu.memory_space<hbm>>
      %dma_start3A_612 = tpu.memref_squeeze %dma_start3A_611 : memref<1x157x128xi32, #tpu.memory_space<hbm>> -> memref<157x128xi32, #tpu.memory_space<hbm>>
      tpu.enqueue_dma source(%dma_start3A_612 : memref<157x128xi32, #tpu.memory_space<hbm>>) target(%arg8 : memref<157x128xi32, #tpu.memory_space<vmem>>) target_semaphore(%run_scoped3A_604 : memref<!tpu.dma_semaphore, #tpu.memory_space<semaphore_mem>>)
      %dma_wait3A_613 = arith.constant 0 : i32
      %dma_wait3A_614 = arith.constant 0 : i32
      %dma_wait3A_615 = tpu.memref_slice %arg4[%arg1, %dma_wait3A_613, %dma_wait3A_614] : memref<16x157x128xi32, #tpu.memory_space<hbm>> -> memref<1x157x128xi32, #tpu.memory_space<hbm>>
      %dma_wait3A_616 = tpu.memref_squeeze %dma_wait3A_615 : memref<1x157x128xi32, #tpu.memory_space<hbm>> -> memref<157x128xi32, #tpu.memory_space<hbm>>
      %dma_wait3A_617 = arith.constant 0 : i32
      %dma_wait3A_618 = arith.constant 0 : i32
      %dma_wait3A_619 = tpu.memref_slice %arg4[%arg1, %dma_wait3A_617, %dma_wait3A_618] : memref<16x157x128xi32, #tpu.memory_space<hbm>> -> memref<1x157x128xi32, #tpu.memory_space<hbm>>
      %dma_wait3A_620 = tpu.memref_squeeze %dma_wait3A_619 : memref<1x157x128xi32, #tpu.memory_space<hbm>> -> memref<157x128xi32, #tpu.memory_space<hbm>>
      tpu.wait_dma2 semaphore(%run_scoped3A_604 : memref<!tpu.dma_semaphore, #tpu.memory_space<semaphore_mem>>) src(%dma_wait3A_620 : memref<157x128xi32, #tpu.memory_space<hbm>>) dst(%arg8 : memref<157x128xi32, #tpu.memory_space<vmem>>)
      tpu.yield
    }) : () -> ()
    %run_scoped3A = arith.constant 0 : i32
    "tpu.region"() ({
      %run_scoped3A_604 = tpu.sem_alloc : memref<!tpu.dma_semaphore, #tpu.memory_space<semaphore_mem>>
      %dma_start3A_605 = arith.constant 0 : i32
      %dma_start3A_606 = arith.constant 0 : i32
      %dma_start3A_607 = tpu.memref_slice %arg7[%run_scoped3A, %dma_start3A_605, %dma_start3A_606] : memref<1x157x128xi32, #tpu.memory_space<vmem>> -> memref<1x157x128xi32, #tpu.memory_space<vmem>>
      %dma_start3A_608 = tpu.memref_squeeze %dma_start3A_607 : memref<1x157x128xi32, #tpu.memory_space<vmem>> -> memref<157x128xi32, #tpu.memory_space<vmem>>
      %dma_start3A_609 = arith.constant 0 : i32
      %dma_start3A_610 = arith.constant 0 : i32
      %dma_start3A_611 = arith.constant 0 : i32
      %dma_start3A_612 = tpu.memref_slice %arg3[%arg0, %dma_start3A_609, %dma_start3A_610, %dma_start3A_611] : memref<2x16x157x128xi32, #tpu.memory_space<hbm>> -> memref<1x16x157x128xi32, #tpu.memory_space<hbm>>
      %dma_start3A_613 = tpu.memref_squeeze %dma_start3A_612 : memref<1x16x157x128xi32, #tpu.memory_space<hbm>> -> memref<16x157x128xi32, #tpu.memory_space<hbm>>
      %dma_start3A_614 = arith.constant 0 : i32
      %dma_start3A_615 = arith.constant 0 : i32
      %dma_start3A_616 = tpu.memref_slice %dma_start3A_613[%arg1, %dma_start3A_614, %dma_start3A_615] : memref<16x157x128xi32, #tpu.memory_space<hbm>> -> memref<1x157x128xi32, #tpu.memory_space<hbm>>
      %dma_start3A_617 = tpu.memref_squeeze %dma_start3A_616 : memref<1x157x128xi32, #tpu.memory_space<hbm>> -> memref<157x128xi32, #tpu.memory_space<hbm>>
      %dma_start3A_618 = arith.constant 0 : i32
      %dma_start3A_619 = arith.constant 0 : i32
      %dma_start3A_620 = tpu.memref_slice %arg7[%run_scoped3A, %dma_start3A_618, %dma_start3A_619] : memref<1x157x128xi32, #tpu.memory_space<vmem>> -> memref<1x157x128xi32, #tpu.memory_space<vmem>>
      %dma_start3A_621 = tpu.memref_squeeze %dma_start3A_620 : memref<1x157x128xi32, #tpu.memory_space<vmem>> -> memref<157x128xi32, #tpu.memory_space<vmem>>
      %dma_start3A_622 = arith.constant 0 : i32
      %dma_start3A_623 = arith.constant 0 : i32
      %dma_start3A_624 = arith.constant 0 : i32
      %dma_start3A_625 = tpu.memref_slice %arg3[%arg0, %dma_start3A_622, %dma_start3A_623, %dma_start3A_624] : memref<2x16x157x128xi32, #tpu.memory_space<hbm>> -> memref<1x16x157x128xi32, #tpu.memory_space<hbm>>
      %dma_start3A_626 = tpu.memref_squeeze %dma_start3A_625 : memref<1x16x157x128xi32, #tpu.memory_space<hbm>> -> memref<16x157x128xi32, #tpu.memory_space<hbm>>
      %dma_start3A_627 = arith.constant 0 : i32
      %dma_start3A_628 = arith.constant 0 : i32
      %dma_start3A_629 = tpu.memref_slice %dma_start3A_626[%arg1, %dma_start3A_627, %dma_start3A_628] : memref<16x157x128xi32, #tpu.memory_space<hbm>> -> memref<1x157x128xi32, #tpu.memory_space<hbm>>
      %dma_start3A_630 = tpu.memref_squeeze %dma_start3A_629 : memref<1x157x128xi32, #tpu.memory_space<hbm>> -> memref<157x128xi32, #tpu.memory_space<hbm>>
      tpu.enqueue_dma source(%dma_start3A_630 : memref<157x128xi32, #tpu.memory_space<hbm>>) target(%dma_start3A_621 : memref<157x128xi32, #tpu.memory_space<vmem>>) target_semaphore(%run_scoped3A_604 : memref<!tpu.dma_semaphore, #tpu.memory_space<semaphore_mem>>)
      %dma_wait3A_631 = arith.constant 0 : i32
      %dma_wait3A_632 = arith.constant 0 : i32
      %dma_wait3A_633 = tpu.memref_slice %arg7[%run_scoped3A, %dma_wait3A_631, %dma_wait3A_632] : memref<1x157x128xi32, #tpu.memory_space<vmem>> -> memref<1x157x128xi32, #tpu.memory_space<vmem>>
      %dma_wait3A_634 = tpu.memref_squeeze %dma_wait3A_633 : memref<1x157x128xi32, #tpu.memory_space<vmem>> -> memref<157x128xi32, #tpu.memory_space<vmem>>
      %dma_wait3A_635 = arith.constant 0 : i32
      %dma_wait3A_636 = arith.constant 0 : i32
      %dma_wait3A_637 = arith.constant 0 : i32
      %dma_wait3A_638 = tpu.memref_slice %arg3[%arg0, %dma_wait3A_635, %dma_wait3A_636, %dma_wait3A_637] : memref<2x16x157x128xi32, #tpu.memory_space<hbm>> -> memref<1x16x157x128xi32, #tpu.memory_space<hbm>>
      %dma_wait3A_639 = tpu.memref_squeeze %dma_wait3A_638 : memref<1x16x157x128xi32, #tpu.memory_space<hbm>> -> memref<16x157x128xi32, #tpu.memory_space<hbm>>
      %dma_wait3A_640 = arith.constant 0 : i32
      %dma_wait3A_641 = arith.constant 0 : i32
      %dma_wait3A_642 = tpu.memref_slice %dma_wait3A_639[%arg1, %dma_wait3A_640, %dma_wait3A_641] : memref<16x157x128xi32, #tpu.memory_space<hbm>> -> memref<1x157x128xi32, #tpu.memory_space<hbm>>
      %dma_wait3A_643 = tpu.memref_squeeze %dma_wait3A_642 : memref<1x157x128xi32, #tpu.memory_space<hbm>> -> memref<157x128xi32, #tpu.memory_space<hbm>>
      %dma_wait3A_644 = arith.constant 0 : i32
      %dma_wait3A_645 = arith.constant 0 : i32
      %dma_wait3A_646 = tpu.memref_slice %arg7[%run_scoped3A, %dma_wait3A_644, %dma_wait3A_645] : memref<1x157x128xi32, #tpu.memory_space<vmem>> -> memref<1x157x128xi32, #tpu.memory_space<vmem>>
      %dma_wait3A_647 = tpu.memref_squeeze %dma_wait3A_646 : memref<1x157x128xi32, #tpu.memory_space<vmem>> -> memref<157x128xi32, #tpu.memory_space<vmem>>
      %dma_wait3A_648 = arith.constant 0 : i32
      %dma_wait3A_649 = arith.constant 0 : i32
      %dma_wait3A_650 = arith.constant 0 : i32
      %dma_wait3A_651 = tpu.memref_slice %arg3[%arg0, %dma_wait3A_648, %dma_wait3A_649, %dma_wait3A_650] : memref<2x16x157x128xi32, #tpu.memory_space<hbm>> -> memref<1x16x157x128xi32, #tpu.memory_space<hbm>>
      %dma_wait3A_652 = tpu.memref_squeeze %dma_wait3A_651 : memref<1x16x157x128xi32, #tpu.memory_space<hbm>> -> memref<16x157x128xi32, #tpu.memory_space<hbm>>
      %dma_wait3A_653 = arith.constant 0 : i32
      %dma_wait3A_654 = arith.constant 0 : i32
      %dma_wait3A_655 = tpu.memref_slice %dma_wait3A_652[%arg1, %dma_wait3A_653, %dma_wait3A_654] : memref<16x157x128xi32, #tpu.memory_space<hbm>> -> memref<1x157x128xi32, #tpu.memory_space<hbm>>
      %dma_wait3A_656 = tpu.memref_squeeze %dma_wait3A_655 : memref<1x157x128xi32, #tpu.memory_space<hbm>> -> memref<157x128xi32, #tpu.memory_space<hbm>>
      tpu.wait_dma2 semaphore(%run_scoped3A_604 : memref<!tpu.dma_semaphore, #tpu.memory_space<semaphore_mem>>) src(%dma_wait3A_656 : memref<157x128xi32, #tpu.memory_space<hbm>>) dst(%dma_wait3A_647 : memref<157x128xi32, #tpu.memory_space<vmem>>)
      tpu.yield
    }) : () -> ()
    %run_scoped3A_1 = arith.constant 0 : i32
    "tpu.region"() ({
      %run_scoped3A_604 = tpu.sem_alloc : memref<!tpu.dma_semaphore, #tpu.memory_space<semaphore_mem>>
      %dma_start3A_605 = arith.constant 0 : i32
      %dma_start3A_606 = arith.constant 0 : i32
      %dma_start3A_607 = tpu.memref_slice %arg9[%run_scoped3A_1, %dma_start3A_605, %dma_start3A_606] : memref<3x128x128xbf16, #tpu.memory_space<vmem>> -> memref<1x128x128xbf16, #tpu.memory_space<vmem>>
      %dma_start3A_608 = tpu.memref_squeeze %dma_start3A_607 : memref<1x128x128xbf16, #tpu.memory_space<vmem>> -> memref<128x128xbf16, #tpu.memory_space<vmem>>
      %dma_start3A_609 = arith.constant 0 : i32
      %dma_start3A_610 = arith.constant 0 : i32
      %dma_start3A_611 = tpu.memref_slice %arg9[%run_scoped3A_1, %dma_start3A_609, %dma_start3A_610] : memref<3x128x128xbf16, #tpu.memory_space<vmem>> -> memref<1x128x128xbf16, #tpu.memory_space<vmem>>
      %dma_start3A_612 = tpu.memref_squeeze %dma_start3A_611 : memref<1x128x128xbf16, #tpu.memory_space<vmem>> -> memref<128x128xbf16, #tpu.memory_space<vmem>>
      tpu.enqueue_dma source(%arg5 : memref<128x128xbf16, #tpu.memory_space<hbm>>) target(%dma_start3A_612 : memref<128x128xbf16, #tpu.memory_space<vmem>>) target_semaphore(%run_scoped3A_604 : memref<!tpu.dma_semaphore, #tpu.memory_space<semaphore_mem>>)
      %dma_wait3A_613 = arith.constant 0 : i32
      %dma_wait3A_614 = arith.constant 0 : i32
      %dma_wait3A_615 = tpu.memref_slice %arg9[%run_scoped3A_1, %dma_wait3A_613, %dma_wait3A_614] : memref<3x128x128xbf16, #tpu.memory_space<vmem>> -> memref<1x128x128xbf16, #tpu.memory_space<vmem>>
      %dma_wait3A_616 = tpu.memref_squeeze %dma_wait3A_615 : memref<1x128x128xbf16, #tpu.memory_space<vmem>> -> memref<128x128xbf16, #tpu.memory_space<vmem>>
      %dma_wait3A_617 = arith.constant 0 : i32
      %dma_wait3A_618 = arith.constant 0 : i32
      %dma_wait3A_619 = tpu.memref_slice %arg9[%run_scoped3A_1, %dma_wait3A_617, %dma_wait3A_618] : memref<3x128x128xbf16, #tpu.memory_space<vmem>> -> memref<1x128x128xbf16, #tpu.memory_space<vmem>>
      %dma_wait3A_620 = tpu.memref_squeeze %dma_wait3A_619 : memref<1x128x128xbf16, #tpu.memory_space<vmem>> -> memref<128x128xbf16, #tpu.memory_space<vmem>>
      tpu.wait_dma2 semaphore(%run_scoped3A_604 : memref<!tpu.dma_semaphore, #tpu.memory_space<semaphore_mem>>) src(%arg5 : memref<128x128xbf16, #tpu.memory_space<hbm>>) dst(%dma_wait3A_620 : memref<128x128xbf16, #tpu.memory_space<vmem>>)
      tpu.yield
    }) : () -> ()
    %add3A = arith.constant 0 : i32
    %add3A_2 = arith.addi %mul3A_0, %add3A : i32
    %dma_start3A = arith.constant 0 : i32
    %dma_start3A_3 = arith.constant 0 : i32
    %dma_start3A_4 = arith.constant 0 : i32
    %dma_start3A_5 = tpu.memref_slice %arg9[%dma_start3A, %dma_start3A_3, %dma_start3A_4] : memref<3x128x128xbf16, #tpu.memory_space<vmem>> -> memref<1x128x128xbf16, #tpu.memory_space<vmem>>
    %dma_start3A_6 = tpu.memref_squeeze %dma_start3A_5 : memref<1x128x128xbf16, #tpu.memory_space<vmem>> -> memref<128x128xbf16, #tpu.memory_space<vmem>>
    %dma_start3A_7 = arith.constant 0 : i32
    %dma_start3A_8 = tpu.memref_slice %arg10[%add3A_2, %dma_start3A_7] : memref<10240x128xbf16, #tpu.memory_space<vmem_shared>> -> memref<128x128xbf16, #tpu.memory_space<vmem_shared>>
    %dma_start3A_9 = arith.constant 0 : i32
    %dma_start3A_10 = tpu.memref_slice %arg10[%add3A_2, %dma_start3A_9] : memref<10240x128xbf16, #tpu.memory_space<vmem_shared>> -> memref<128x128xbf16, #tpu.memory_space<vmem_shared>>
    %dma_start3A_11 = arith.constant 0 : i32
    %dma_start3A_12 = arith.constant 0 : i32
    %dma_start3A_13 = tpu.memref_slice %arg9[%dma_start3A, %dma_start3A_11, %dma_start3A_12] : memref<3x128x128xbf16, #tpu.memory_space<vmem>> -> memref<1x128x128xbf16, #tpu.memory_space<vmem>>
    %dma_start3A_14 = tpu.memref_squeeze %dma_start3A_13 : memref<1x128x128xbf16, #tpu.memory_space<vmem>> -> memref<128x128xbf16, #tpu.memory_space<vmem>>
    tpu.enqueue_dma source(%dma_start3A_14 : memref<128x128xbf16, #tpu.memory_space<vmem>>) target(%dma_start3A_10 : memref<128x128xbf16, #tpu.memory_space<vmem_shared>>) target_semaphore(%arg12 : memref<!tpu.dma_semaphore, #tpu.memory_space<semaphore_mem>>)
    %add3A_15 = arith.constant 128 : i32
    %add3A_16 = arith.addi %mul3A_0, %add3A_15 : i32
    %dma_start3A_17 = arith.constant 0 : i32
    %dma_start3A_18 = arith.constant 0 : i32
    %dma_start3A_19 = arith.constant 0 : i32
    %dma_start3A_20 = tpu.memref_slice %arg9[%dma_start3A_17, %dma_start3A_18, %dma_start3A_19] : memref<3x128x128xbf16, #tpu.memory_space<vmem>> -> memref<1x128x128xbf16, #tpu.memory_space<vmem>>
    %dma_start3A_21 = tpu.memref_squeeze %dma_start3A_20 : memref<1x128x128xbf16, #tpu.memory_space<vmem>> -> memref<128x128xbf16, #tpu.memory_space<vmem>>
    %dma_start3A_22 = arith.constant 0 : i32
    %dma_start3A_23 = tpu.memref_slice %arg10[%add3A_16, %dma_start3A_22] : memref<10240x128xbf16, #tpu.memory_space<vmem_shared>> -> memref<128x128xbf16, #tpu.memory_space<vmem_shared>>
    %dma_start3A_24 = arith.constant 0 : i32
    %dma_start3A_25 = tpu.memref_slice %arg10[%add3A_16, %dma_start3A_24] : memref<10240x128xbf16, #tpu.memory_space<vmem_shared>> -> memref<128x128xbf16, #tpu.memory_space<vmem_shared>>
    %dma_start3A_26 = arith.constant 0 : i32
    %dma_start3A_27 = arith.constant 0 : i32
    %dma_start3A_28 = tpu.memref_slice %arg9[%dma_start3A_17, %dma_start3A_26, %dma_start3A_27] : memref<3x128x128xbf16, #tpu.memory_space<vmem>> -> memref<1x128x128xbf16, #tpu.memory_space<vmem>>
    %dma_start3A_29 = tpu.memref_squeeze %dma_start3A_28 : memref<1x128x128xbf16, #tpu.memory_space<vmem>> -> memref<128x128xbf16, #tpu.memory_space<vmem>>
    tpu.enqueue_dma source(%dma_start3A_29 : memref<128x128xbf16, #tpu.memory_space<vmem>>) target(%dma_start3A_25 : memref<128x128xbf16, #tpu.memory_space<vmem_shared>>) target_semaphore(%arg12 : memref<!tpu.dma_semaphore, #tpu.memory_space<semaphore_mem>>)
    %add3A_30 = arith.constant 256 : i32
    %add3A_31 = arith.addi %mul3A_0, %add3A_30 : i32
    %dma_start3A_32 = arith.constant 0 : i32
    %dma_start3A_33 = arith.constant 0 : i32
    %dma_start3A_34 = arith.constant 0 : i32
    %dma_start3A_35 = tpu.memref_slice %arg9[%dma_start3A_32, %dma_start3A_33, %dma_start3A_34] : memref<3x128x128xbf16, #tpu.memory_space<vmem>> -> memref<1x128x128xbf16, #tpu.memory_space<vmem>>
    %dma_start3A_36 = tpu.memref_squeeze %dma_start3A_35 : memref<1x128x128xbf16, #tpu.memory_space<vmem>> -> memref<128x128xbf16, #tpu.memory_space<vmem>>
    %dma_start3A_37 = arith.constant 0 : i32
    %dma_start3A_38 = tpu.memref_slice %arg10[%add3A_31, %dma_start3A_37] : memref<10240x128xbf16, #tpu.memory_space<vmem_shared>> -> memref<128x128xbf16, #tpu.memory_space<vmem_shared>>
    %dma_start3A_39 = arith.constant 0 : i32
    %dma_start3A_40 = tpu.memref_slice %arg10[%add3A_31, %dma_start3A_39] : memref<10240x128xbf16, #tpu.memory_space<vmem_shared>> -> memref<128x128xbf16, #tpu.memory_space<vmem_shared>>
    %dma_start3A_41 = arith.constant 0 : i32
    %dma_start3A_42 = arith.constant 0 : i32
    %dma_start3A_43 = tpu.memref_slice %arg9[%dma_start3A_32, %dma_start3A_41, %dma_start3A_42] : memref<3x128x128xbf16, #tpu.memory_space<vmem>> -> memref<1x128x128xbf16, #tpu.memory_space<vmem>>
    %dma_start3A_44 = tpu.memref_squeeze %dma_start3A_43 : memref<1x128x128xbf16, #tpu.memory_space<vmem>> -> memref<128x128xbf16, #tpu.memory_space<vmem>>
    tpu.enqueue_dma source(%dma_start3A_44 : memref<128x128xbf16, #tpu.memory_space<vmem>>) target(%dma_start3A_40 : memref<128x128xbf16, #tpu.memory_space<vmem_shared>>) target_semaphore(%arg12 : memref<!tpu.dma_semaphore, #tpu.memory_space<semaphore_mem>>)
    %add3A_45 = arith.constant 384 : i32
    %add3A_46 = arith.addi %mul3A_0, %add3A_45 : i32
    %dma_start3A_47 = arith.constant 0 : i32
    %dma_start3A_48 = arith.constant 0 : i32
    %dma_start3A_49 = arith.constant 0 : i32
    %dma_start3A_50 = tpu.memref_slice %arg9[%dma_start3A_47, %dma_start3A_48, %dma_start3A_49] : memref<3x128x128xbf16, #tpu.memory_space<vmem>> -> memref<1x128x128xbf16, #tpu.memory_space<vmem>>
    %dma_start3A_51 = tpu.memref_squeeze %dma_start3A_50 : memref<1x128x128xbf16, #tpu.memory_space<vmem>> -> memref<128x128xbf16, #tpu.memory_space<vmem>>
    %dma_start3A_52 = arith.constant 0 : i32
    %dma_start3A_53 = tpu.memref_slice %arg10[%add3A_46, %dma_start3A_52] : memref<10240x128xbf16, #tpu.memory_space<vmem_shared>> -> memref<128x128xbf16, #tpu.memory_space<vmem_shared>>
    %dma_start3A_54 = arith.constant 0 : i32
    %dma_start3A_55 = tpu.memref_slice %arg10[%add3A_46, %dma_start3A_54] : memref<10240x128xbf16, #tpu.memory_space<vmem_shared>> -> memref<128x128xbf16, #tpu.memory_space<vmem_shared>>
    %dma_start3A_56 = arith.constant 0 : i32
    %dma_start3A_57 = arith.constant 0 : i32
    %dma_start3A_58 = tpu.memref_slice %arg9[%dma_start3A_47, %dma_start3A_56, %dma_start3A_57] : memref<3x128x128xbf16, #tpu.memory_space<vmem>> -> memref<1x128x128xbf16, #tpu.memory_space<vmem>>
    %dma_start3A_59 = tpu.memref_squeeze %dma_start3A_58 : memref<1x128x128xbf16, #tpu.memory_space<vmem>> -> memref<128x128xbf16, #tpu.memory_space<vmem>>
    tpu.enqueue_dma source(%dma_start3A_59 : memref<128x128xbf16, #tpu.memory_space<vmem>>) target(%dma_start3A_55 : memref<128x128xbf16, #tpu.memory_space<vmem_shared>>) target_semaphore(%arg12 : memref<!tpu.dma_semaphore, #tpu.memory_space<semaphore_mem>>)
    %add3A_60 = arith.constant 512 : i32
    %add3A_61 = arith.addi %mul3A_0, %add3A_60 : i32
    %dma_start3A_62 = arith.constant 0 : i32
    %dma_start3A_63 = arith.constant 0 : i32
    %dma_start3A_64 = arith.constant 0 : i32
    %dma_start3A_65 = tpu.memref_slice %arg9[%dma_start3A_62, %dma_start3A_63, %dma_start3A_64] : memref<3x128x128xbf16, #tpu.memory_space<vmem>> -> memref<1x128x128xbf16, #tpu.memory_space<vmem>>
    %dma_start3A_66 = tpu.memref_squeeze %dma_start3A_65 : memref<1x128x128xbf16, #tpu.memory_space<vmem>> -> memref<128x128xbf16, #tpu.memory_space<vmem>>
    %dma_start3A_67 = arith.constant 0 : i32
    %dma_start3A_68 = tpu.memref_slice %arg10[%add3A_61, %dma_start3A_67] : memref<10240x128xbf16, #tpu.memory_space<vmem_shared>> -> memref<128x128xbf16, #tpu.memory_space<vmem_shared>>
    %dma_start3A_69 = arith.constant 0 : i32
    %dma_start3A_70 = tpu.memref_slice %arg10[%add3A_61, %dma_start3A_69] : memref<10240x128xbf16, #tpu.memory_space<vmem_shared>> -> memref<128x128xbf16, #tpu.memory_space<vmem_shared>>
    %dma_start3A_71 = arith.constant 0 : i32
    %dma_start3A_72 = arith.constant 0 : i32
    %dma_start3A_73 = tpu.memref_slice %arg9[%dma_start3A_62, %dma_start3A_71, %dma_start3A_72] : memref<3x128x128xbf16, #tpu.memory_space<vmem>> -> memref<1x128x128xbf16, #tpu.memory_space<vmem>>
    %dma_start3A_74 = tpu.memref_squeeze %dma_start3A_73 : memref<1x128x128xbf16, #tpu.memory_space<vmem>> -> memref<128x128xbf16, #tpu.memory_space<vmem>>
    tpu.enqueue_dma source(%dma_start3A_74 : memref<128x128xbf16, #tpu.memory_space<vmem>>) target(%dma_start3A_70 : memref<128x128xbf16, #tpu.memory_space<vmem_shared>>) target_semaphore(%arg12 : memref<!tpu.dma_semaphore, #tpu.memory_space<semaphore_mem>>)
    %add3A_75 = arith.constant 0 : i32
    %add3A_76 = arith.addi %mul3A_0, %add3A_75 : i32
    %dma_wait3A = arith.constant 0 : i32
    %dma_wait3A_77 = arith.constant 0 : i32
    %dma_wait3A_78 = arith.constant 0 : i32
    %dma_wait3A_79 = tpu.memref_slice %arg9[%dma_wait3A, %dma_wait3A_77, %dma_wait3A_78] : memref<3x128x128xbf16, #tpu.memory_space<vmem>> -> memref<1x128x128xbf16, #tpu.memory_space<vmem>>
    %dma_wait3A_80 = tpu.memref_squeeze %dma_wait3A_79 : memref<1x128x128xbf16, #tpu.memory_space<vmem>> -> memref<128x128xbf16, #tpu.memory_space<vmem>>
    %dma_wait3A_81 = arith.constant 0 : i32
    %dma_wait3A_82 = tpu.memref_slice %arg10[%add3A_76, %dma_wait3A_81] : memref<10240x128xbf16, #tpu.memory_space<vmem_shared>> -> memref<128x128xbf16, #tpu.memory_space<vmem_shared>>
    %dma_wait3A_83 = arith.constant 0 : i32
    %dma_wait3A_84 = tpu.memref_slice %arg10[%add3A_76, %dma_wait3A_83] : memref<10240x128xbf16, #tpu.memory_space<vmem_shared>> -> memref<128x128xbf16, #tpu.memory_space<vmem_shared>>
    %dma_wait3A_85 = arith.constant 0 : i32
    %dma_wait3A_86 = arith.constant 0 : i32
    %dma_wait3A_87 = tpu.memref_slice %arg9[%dma_wait3A, %dma_wait3A_85, %dma_wait3A_86] : memref<3x128x128xbf16, #tpu.memory_space<vmem>> -> memref<1x128x128xbf16, #tpu.memory_space<vmem>>
    %dma_wait3A_88 = tpu.memref_squeeze %dma_wait3A_87 : memref<1x128x128xbf16, #tpu.memory_space<vmem>> -> memref<128x128xbf16, #tpu.memory_space<vmem>>
    tpu.wait_dma2 semaphore(%arg12 : memref<!tpu.dma_semaphore, #tpu.memory_space<semaphore_mem>>) src(%dma_wait3A_88 : memref<128x128xbf16, #tpu.memory_space<vmem>>) dst(%dma_wait3A_84 : memref<128x128xbf16, #tpu.memory_space<vmem_shared>>)
    %add3A_89 = arith.constant 128 : i32
    %add3A_90 = arith.addi %mul3A_0, %add3A_89 : i32
    %dma_wait3A_91 = arith.constant 0 : i32
    %dma_wait3A_92 = arith.constant 0 : i32
    %dma_wait3A_93 = arith.constant 0 : i32
    %dma_wait3A_94 = tpu.memref_slice %arg9[%dma_wait3A_91, %dma_wait3A_92, %dma_wait3A_93] : memref<3x128x128xbf16, #tpu.memory_space<vmem>> -> memref<1x128x128xbf16, #tpu.memory_space<vmem>>
    %dma_wait3A_95 = tpu.memref_squeeze %dma_wait3A_94 : memref<1x128x128xbf16, #tpu.memory_space<vmem>> -> memref<128x128xbf16, #tpu.memory_space<vmem>>
    %dma_wait3A_96 = arith.constant 0 : i32
    %dma_wait3A_97 = tpu.memref_slice %arg10[%add3A_90, %dma_wait3A_96] : memref<10240x128xbf16, #tpu.memory_space<vmem_shared>> -> memref<128x128xbf16, #tpu.memory_space<vmem_shared>>
    %dma_wait3A_98 = arith.constant 0 : i32
    %dma_wait3A_99 = tpu.memref_slice %arg10[%add3A_90, %dma_wait3A_98] : memref<10240x128xbf16, #tpu.memory_space<vmem_shared>> -> memref<128x128xbf16, #tpu.memory_space<vmem_shared>>
    %dma_wait3A_100 = arith.constant 0 : i32
    %dma_wait3A_101 = arith.constant 0 : i32
    %dma_wait3A_102 = tpu.memref_slice %arg9[%dma_wait3A_91, %dma_wait3A_100, %dma_wait3A_101] : memref<3x128x128xbf16, #tpu.memory_space<vmem>> -> memref<1x128x128xbf16, #tpu.memory_space<vmem>>
    %dma_wait3A_103 = tpu.memref_squeeze %dma_wait3A_102 : memref<1x128x128xbf16, #tpu.memory_space<vmem>> -> memref<128x128xbf16, #tpu.memory_space<vmem>>
    tpu.wait_dma2 semaphore(%arg12 : memref<!tpu.dma_semaphore, #tpu.memory_space<semaphore_mem>>) src(%dma_wait3A_103 : memref<128x128xbf16, #tpu.memory_space<vmem>>) dst(%dma_wait3A_99 : memref<128x128xbf16, #tpu.memory_space<vmem_shared>>)
    %add3A_104 = arith.constant 256 : i32
    %add3A_105 = arith.addi %mul3A_0, %add3A_104 : i32
    %dma_wait3A_106 = arith.constant 0 : i32
    %dma_wait3A_107 = arith.constant 0 : i32
    %dma_wait3A_108 = arith.constant 0 : i32
    %dma_wait3A_109 = tpu.memref_slice %arg9[%dma_wait3A_106, %dma_wait3A_107, %dma_wait3A_108] : memref<3x128x128xbf16, #tpu.memory_space<vmem>> -> memref<1x128x128xbf16, #tpu.memory_space<vmem>>
    %dma_wait3A_110 = tpu.memref_squeeze %dma_wait3A_109 : memref<1x128x128xbf16, #tpu.memory_space<vmem>> -> memref<128x128xbf16, #tpu.memory_space<vmem>>
    %dma_wait3A_111 = arith.constant 0 : i32
    %dma_wait3A_112 = tpu.memref_slice %arg10[%add3A_105, %dma_wait3A_111] : memref<10240x128xbf16, #tpu.memory_space<vmem_shared>> -> memref<128x128xbf16, #tpu.memory_space<vmem_shared>>
    %dma_wait3A_113 = arith.constant 0 : i32
    %dma_wait3A_114 = tpu.memref_slice %arg10[%add3A_105, %dma_wait3A_113] : memref<10240x128xbf16, #tpu.memory_space<vmem_shared>> -> memref<128x128xbf16, #tpu.memory_space<vmem_shared>>
    %dma_wait3A_115 = arith.constant 0 : i32
    %dma_wait3A_116 = arith.constant 0 : i32
    %dma_wait3A_117 = tpu.memref_slice %arg9[%dma_wait3A_106, %dma_wait3A_115, %dma_wait3A_116] : memref<3x128x128xbf16, #tpu.memory_space<vmem>> -> memref<1x128x128xbf16, #tpu.memory_space<vmem>>
    %dma_wait3A_118 = tpu.memref_squeeze %dma_wait3A_117 : memref<1x128x128xbf16, #tpu.memory_space<vmem>> -> memref<128x128xbf16, #tpu.memory_space<vmem>>
    tpu.wait_dma2 semaphore(%arg12 : memref<!tpu.dma_semaphore, #tpu.memory_space<semaphore_mem>>) src(%dma_wait3A_118 : memref<128x128xbf16, #tpu.memory_space<vmem>>) dst(%dma_wait3A_114 : memref<128x128xbf16, #tpu.memory_space<vmem_shared>>)
    %add3A_119 = arith.constant 384 : i32
    %add3A_120 = arith.addi %mul3A_0, %add3A_119 : i32
    %dma_wait3A_121 = arith.constant 0 : i32
    %dma_wait3A_122 = arith.constant 0 : i32
    %dma_wait3A_123 = arith.constant 0 : i32
    %dma_wait3A_124 = tpu.memref_slice %arg9[%dma_wait3A_121, %dma_wait3A_122, %dma_wait3A_123] : memref<3x128x128xbf16, #tpu.memory_space<vmem>> -> memref<1x128x128xbf16, #tpu.memory_space<vmem>>
    %dma_wait3A_125 = tpu.memref_squeeze %dma_wait3A_124 : memref<1x128x128xbf16, #tpu.memory_space<vmem>> -> memref<128x128xbf16, #tpu.memory_space<vmem>>
    %dma_wait3A_126 = arith.constant 0 : i32
    %dma_wait3A_127 = tpu.memref_slice %arg10[%add3A_120, %dma_wait3A_126] : memref<10240x128xbf16, #tpu.memory_space<vmem_shared>> -> memref<128x128xbf16, #tpu.memory_space<vmem_shared>>
    %dma_wait3A_128 = arith.constant 0 : i32
    %dma_wait3A_129 = tpu.memref_slice %arg10[%add3A_120, %dma_wait3A_128] : memref<10240x128xbf16, #tpu.memory_space<vmem_shared>> -> memref<128x128xbf16, #tpu.memory_space<vmem_shared>>
    %dma_wait3A_130 = arith.constant 0 : i32
    %dma_wait3A_131 = arith.constant 0 : i32
    %dma_wait3A_132 = tpu.memref_slice %arg9[%dma_wait3A_121, %dma_wait3A_130, %dma_wait3A_131] : memref<3x128x128xbf16, #tpu.memory_space<vmem>> -> memref<1x128x128xbf16, #tpu.memory_space<vmem>>
    %dma_wait3A_133 = tpu.memref_squeeze %dma_wait3A_132 : memref<1x128x128xbf16, #tpu.memory_space<vmem>> -> memref<128x128xbf16, #tpu.memory_space<vmem>>
    tpu.wait_dma2 semaphore(%arg12 : memref<!tpu.dma_semaphore, #tpu.memory_space<semaphore_mem>>) src(%dma_wait3A_133 : memref<128x128xbf16, #tpu.memory_space<vmem>>) dst(%dma_wait3A_129 : memref<128x128xbf16, #tpu.memory_space<vmem_shared>>)
    %add3A_134 = arith.constant 512 : i32
    %add3A_135 = arith.addi %mul3A_0, %add3A_134 : i32
    %dma_wait3A_136 = arith.constant 0 : i32
    %dma_wait3A_137 = arith.constant 0 : i32
    %dma_wait3A_138 = arith.constant 0 : i32
    %dma_wait3A_139 = tpu.memref_slice %arg9[%dma_wait3A_136, %dma_wait3A_137, %dma_wait3A_138] : memref<3x128x128xbf16, #tpu.memory_space<vmem>> -> memref<1x128x128xbf16, #tpu.memory_space<vmem>>
    %dma_wait3A_140 = tpu.memref_squeeze %dma_wait3A_139 : memref<1x128x128xbf16, #tpu.memory_space<vmem>> -> memref<128x128xbf16, #tpu.memory_space<vmem>>
    %dma_wait3A_141 = arith.constant 0 : i32
    %dma_wait3A_142 = tpu.memref_slice %arg10[%add3A_135, %dma_wait3A_141] : memref<10240x128xbf16, #tpu.memory_space<vmem_shared>> -> memref<128x128xbf16, #tpu.memory_space<vmem_shared>>
    %dma_wait3A_143 = arith.constant 0 : i32
    %dma_wait3A_144 = tpu.memref_slice %arg10[%add3A_135, %dma_wait3A_143] : memref<10240x128xbf16, #tpu.memory_space<vmem_shared>> -> memref<128x128xbf16, #tpu.memory_space<vmem_shared>>
    %dma_wait3A_145 = arith.constant 0 : i32
    %dma_wait3A_146 = arith.constant 0 : i32
    %dma_wait3A_147 = tpu.memref_slice %arg9[%dma_wait3A_136, %dma_wait3A_145, %dma_wait3A_146] : memref<3x128x128xbf16, #tpu.memory_space<vmem>> -> memref<1x128x128xbf16, #tpu.memory_space<vmem>>
    %dma_wait3A_148 = tpu.memref_squeeze %dma_wait3A_147 : memref<1x128x128xbf16, #tpu.memory_space<vmem>> -> memref<128x128xbf16, #tpu.memory_space<vmem>>
    tpu.wait_dma2 semaphore(%arg12 : memref<!tpu.dma_semaphore, #tpu.memory_space<semaphore_mem>>) src(%dma_wait3A_148 : memref<128x128xbf16, #tpu.memory_space<vmem>>) dst(%dma_wait3A_144 : memref<128x128xbf16, #tpu.memory_space<vmem_shared>>)
    %barrier3A = arith.constant 0 : index
    tpu.barrier barrier_id(%barrier3A)
    %dma_start3A_149 = arith.constant 0 : i32
    %dma_start3A_150 = arith.constant 0 : i32
    %dma_start3A_151 = arith.constant 0 : i32
    %dma_start3A_152 = arith.constant 0 : i32
    %dma_start3A_153 = arith.constant 0 : i32
    %dma_start3A_154 = tpu.memref_slice %arg9[%dma_start3A_151, %dma_start3A_152, %dma_start3A_153] : memref<3x128x128xbf16, #tpu.memory_space<vmem>> -> memref<1x128x128xbf16, #tpu.memory_space<vmem>>
    %dma_start3A_155 = tpu.memref_squeeze %dma_start3A_154 : memref<1x128x128xbf16, #tpu.memory_space<vmem>> -> memref<128x128xbf16, #tpu.memory_space<vmem>>
    %dma_start3A_156 = arith.constant 0 : i32
    %dma_start3A_157 = arith.constant 0 : i32
    %dma_start3A_158 = tpu.memref_slice %arg7[%dma_start3A_149, %dma_start3A_156, %dma_start3A_157] : memref<1x157x128xi32, #tpu.memory_space<vmem>> -> memref<1x157x128xi32, #tpu.memory_space<vmem>>
    %dma_start3A_159 = tpu.memref_squeeze %dma_start3A_158 : memref<1x157x128xi32, #tpu.memory_space<vmem>> -> memref<157x128xi32, #tpu.memory_space<vmem>>
    %dma_start3A_160 = arith.constant 0 : i32
    %dma_start3A_161 = tpu.memref_slice %dma_start3A_159[%dma_start3A_150, %dma_start3A_160] : memref<157x128xi32, #tpu.memory_space<vmem>> -> memref<1x128xi32, #tpu.memory_space<vmem>>
    %dma_start3A_162 = tpu.memref_squeeze %dma_start3A_161 : memref<1x128xi32, #tpu.memory_space<vmem>> -> memref<128xi32, #tpu.memory_space<vmem>>
    %dma_start3A_163 = arith.constant 0 : i32
    %dma_start3A_164 = arith.constant 0 : i32
    %dma_start3A_165 = tpu.memref_slice %arg2[%dma_start3A_163, %dma_start3A_164] : memref<20000x128xbf16, #tpu.memory_space<hbm>> -> memref<20000x128xbf16, #tpu.memory_space<hbm>>
    tpu.enqueue_indirect_dma source(%dma_start3A_165 : memref<20000x128xbf16, #tpu.memory_space<hbm>>) target(%dma_start3A_155 : memref<128x128xbf16, #tpu.memory_space<vmem>>) offsets(%dma_start3A_162 : memref<128xi32, #tpu.memory_space<vmem>>) semaphore(%arg11 : memref<!tpu.dma_semaphore, #tpu.memory_space<semaphore_mem>>)
    %dma_start3A_166 = arith.constant 0 : i32
    %dma_start3A_167 = arith.constant 1 : i32
    %dma_start3A_168 = arith.constant 1 : i32
    %dma_start3A_169 = arith.constant 0 : i32
    %dma_start3A_170 = arith.constant 0 : i32
    %dma_start3A_171 = tpu.memref_slice %arg9[%dma_start3A_168, %dma_start3A_169, %dma_start3A_170] : memref<3x128x128xbf16, #tpu.memory_space<vmem>> -> memref<1x128x128xbf16, #tpu.memory_space<vmem>>
    %dma_start3A_172 = tpu.memref_squeeze %dma_start3A_171 : memref<1x128x128xbf16, #tpu.memory_space<vmem>> -> memref<128x128xbf16, #tpu.memory_space<vmem>>
    %dma_start3A_173 = arith.constant 0 : i32
    %dma_start3A_174 = arith.constant 0 : i32
    %dma_start3A_175 = tpu.memref_slice %arg7[%dma_start3A_166, %dma_start3A_173, %dma_start3A_174] : memref<1x157x128xi32, #tpu.memory_space<vmem>> -> memref<1x157x128xi32, #tpu.memory_space<vmem>>
    %dma_start3A_176 = tpu.memref_squeeze %dma_start3A_175 : memref<1x157x128xi32, #tpu.memory_space<vmem>> -> memref<157x128xi32, #tpu.memory_space<vmem>>
    %dma_start3A_177 = arith.constant 0 : i32
    %dma_start3A_178 = tpu.memref_slice %dma_start3A_176[%dma_start3A_167, %dma_start3A_177] : memref<157x128xi32, #tpu.memory_space<vmem>> -> memref<1x128xi32, #tpu.memory_space<vmem>>
    %dma_start3A_179 = tpu.memref_squeeze %dma_start3A_178 : memref<1x128xi32, #tpu.memory_space<vmem>> -> memref<128xi32, #tpu.memory_space<vmem>>
    %dma_start3A_180 = arith.constant 0 : i32
    %dma_start3A_181 = arith.constant 0 : i32
    %dma_start3A_182 = tpu.memref_slice %arg2[%dma_start3A_180, %dma_start3A_181] : memref<20000x128xbf16, #tpu.memory_space<hbm>> -> memref<20000x128xbf16, #tpu.memory_space<hbm>>
    tpu.enqueue_indirect_dma source(%dma_start3A_182 : memref<20000x128xbf16, #tpu.memory_space<hbm>>) target(%dma_start3A_172 : memref<128x128xbf16, #tpu.memory_space<vmem>>) offsets(%dma_start3A_179 : memref<128xi32, #tpu.memory_space<vmem>>) semaphore(%arg11 : memref<!tpu.dma_semaphore, #tpu.memory_space<semaphore_mem>>)
    %dma_start3A_183 = arith.constant 0 : i32
    %dma_start3A_184 = arith.constant 2 : i32
    %dma_start3A_185 = arith.constant 2 : i32
    %dma_start3A_186 = arith.constant 0 : i32
    %dma_start3A_187 = arith.constant 0 : i32
    %dma_start3A_188 = tpu.memref_slice %arg9[%dma_start3A_185, %dma_start3A_186, %dma_start3A_187] : memref<3x128x128xbf16, #tpu.memory_space<vmem>> -> memref<1x128x128xbf16, #tpu.memory_space<vmem>>
    %dma_start3A_189 = tpu.memref_squeeze %dma_start3A_188 : memref<1x128x128xbf16, #tpu.memory_space<vmem>> -> memref<128x128xbf16, #tpu.memory_space<vmem>>
    %dma_start3A_190 = arith.constant 0 : i32
    %dma_start3A_191 = arith.constant 0 : i32
    %dma_start3A_192 = tpu.memref_slice %arg7[%dma_start3A_183, %dma_start3A_190, %dma_start3A_191] : memref<1x157x128xi32, #tpu.memory_space<vmem>> -> memref<1x157x128xi32, #tpu.memory_space<vmem>>
    %dma_start3A_193 = tpu.memref_squeeze %dma_start3A_192 : memref<1x157x128xi32, #tpu.memory_space<vmem>> -> memref<157x128xi32, #tpu.memory_space<vmem>>
    %dma_start3A_194 = arith.constant 0 : i32
    %dma_start3A_195 = tpu.memref_slice %dma_start3A_193[%dma_start3A_184, %dma_start3A_194] : memref<157x128xi32, #tpu.memory_space<vmem>> -> memref<1x128xi32, #tpu.memory_space<vmem>>
    %dma_start3A_196 = tpu.memref_squeeze %dma_start3A_195 : memref<1x128xi32, #tpu.memory_space<vmem>> -> memref<128xi32, #tpu.memory_space<vmem>>
    %dma_start3A_197 = arith.constant 0 : i32
    %dma_start3A_198 = arith.constant 0 : i32
    %dma_start3A_199 = tpu.memref_slice %arg2[%dma_start3A_197, %dma_start3A_198] : memref<20000x128xbf16, #tpu.memory_space<hbm>> -> memref<20000x128xbf16, #tpu.memory_space<hbm>>
    tpu.enqueue_indirect_dma source(%dma_start3A_199 : memref<20000x128xbf16, #tpu.memory_space<hbm>>) target(%dma_start3A_189 : memref<128x128xbf16, #tpu.memory_space<vmem>>) offsets(%dma_start3A_196 : memref<128xi32, #tpu.memory_space<vmem>>) semaphore(%arg11 : memref<!tpu.dma_semaphore, #tpu.memory_space<semaphore_mem>>)
    %scan3A = arith.constant 0 : i32
    %scan3A_200 = arith.constant 0 : i32
    %scan3A_201 = arith.constant 0 : i32
    %scan3A_202 = arith.constant 52 : i32
    %scan3A_203 = arith.addi %scan3A_201, %scan3A_202 : i32
    %scan3A_204 = arith.constant 1 : i32
    %scan3A_205 = scf.for %scan3A_604 = %scan3A_201 to %scan3A_203 step %scan3A_204 iter_args(%scan3A_605 = %scan3A_200) -> (i32)  : i32 {
      %mul3A_606 = arith.constant 3 : i32
      %mul3A_607 = arith.muli %scan3A_604, %mul3A_606 : i32
      %add3A_608 = arith.constant 0 : i32
      %add3A_609 = arith.addi %mul3A_607, %add3A_608 : i32
      %dma_wait3A_610 = arith.constant 0 : i32
      %dma_wait3A_611 = arith.constant 0 : i32
      %dma_wait3A_612 = arith.constant 0 : i32
      %dma_wait3A_613 = tpu.memref_slice %arg9[%dma_wait3A_610, %dma_wait3A_611, %dma_wait3A_612] : memref<3x128x128xbf16, #tpu.memory_space<vmem>> -> memref<1x128x128xbf16, #tpu.memory_space<vmem>>
      %dma_wait3A_614 = tpu.memref_squeeze %dma_wait3A_613 : memref<1x128x128xbf16, #tpu.memory_space<vmem>> -> memref<128x128xbf16, #tpu.memory_space<vmem>>
      %dma_wait3A_615 = arith.constant 0 : i32
      %dma_wait3A_616 = arith.constant 0 : i32
      %dma_wait3A_617 = tpu.memref_slice %arg7[%scan3A, %dma_wait3A_615, %dma_wait3A_616] : memref<1x157x128xi32, #tpu.memory_space<vmem>> -> memref<1x157x128xi32, #tpu.memory_space<vmem>>
      %dma_wait3A_618 = tpu.memref_squeeze %dma_wait3A_617 : memref<1x157x128xi32, #tpu.memory_space<vmem>> -> memref<157x128xi32, #tpu.memory_space<vmem>>
      %dma_wait3A_619 = arith.constant 0 : i32
      %dma_wait3A_620 = tpu.memref_slice %dma_wait3A_618[%add3A_609, %dma_wait3A_619] : memref<157x128xi32, #tpu.memory_space<vmem>> -> memref<1x128xi32, #tpu.memory_space<vmem>>
      %dma_wait3A_621 = tpu.memref_squeeze %dma_wait3A_620 : memref<1x128xi32, #tpu.memory_space<vmem>> -> memref<128xi32, #tpu.memory_space<vmem>>
      %dma_wait3A_622 = arith.constant 0 : i32
      %dma_wait3A_623 = arith.constant 0 : i32
      %dma_wait3A_624 = tpu.memref_slice %arg2[%dma_wait3A_622, %dma_wait3A_623] : memref<20000x128xbf16, #tpu.memory_space<hbm>> -> memref<20000x128xbf16, #tpu.memory_space<hbm>>
      tpu.wait_indirect_dma semaphore(%arg11 : memref<!tpu.dma_semaphore, #tpu.memory_space<semaphore_mem>>) src(%dma_wait3A_624 : memref<20000x128xbf16, #tpu.memory_space<hbm>>) dst(%dma_wait3A_614 : memref<128x128xbf16, #tpu.memory_space<vmem>>)
      %add3A_625 = arith.constant 0 : i32
      %add3A_626 = arith.addi %mul3A_607, %add3A_625 : i32
      %dma_start3A_627 = arith.constant 0 : i32
      %dma_start3A_628 = arith.constant 0 : i32
      %dma_start3A_629 = arith.constant 0 : i32
      %dma_start3A_630 = tpu.memref_slice %arg9[%dma_start3A_627, %dma_start3A_628, %dma_start3A_629] : memref<3x128x128xbf16, #tpu.memory_space<vmem>> -> memref<1x128x128xbf16, #tpu.memory_space<vmem>>
      %dma_start3A_631 = tpu.memref_squeeze %dma_start3A_630 : memref<1x128x128xbf16, #tpu.memory_space<vmem>> -> memref<128x128xbf16, #tpu.memory_space<vmem>>
      %dma_start3A_632 = arith.constant 0 : i32
      %dma_start3A_633 = tpu.memref_slice %arg8[%add3A_626, %dma_start3A_632] : memref<157x128xi32, #tpu.memory_space<vmem>> -> memref<1x128xi32, #tpu.memory_space<vmem>>
      %dma_start3A_634 = tpu.memref_squeeze %dma_start3A_633 : memref<1x128xi32, #tpu.memory_space<vmem>> -> memref<128xi32, #tpu.memory_space<vmem>>
      %dma_start3A_635 = arith.constant 0 : i32
      %dma_start3A_636 = arith.constant 0 : i32
      %dma_start3A_637 = tpu.memref_slice %arg10[%dma_start3A_635, %dma_start3A_636] : memref<10240x128xbf16, #tpu.memory_space<vmem_shared>> -> memref<10240x128xbf16, #tpu.memory_space<vmem_shared>>
      tpu.enqueue_indirect_dma source(%dma_start3A_631 : memref<128x128xbf16, #tpu.memory_space<vmem>>) target(%dma_start3A_637 : memref<10240x128xbf16, #tpu.memory_space<vmem_shared>>) offsets(%dma_start3A_634 : memref<128xi32, #tpu.memory_space<vmem>>) semaphore(%arg12 : memref<!tpu.dma_semaphore, #tpu.memory_space<semaphore_mem>>) {add = true}
      %add3A_638 = arith.constant 1 : i32
      %add3A_639 = arith.addi %mul3A_607, %add3A_638 : i32
      %dma_wait3A_640 = arith.constant 1 : i32
      %dma_wait3A_641 = arith.constant 0 : i32
      %dma_wait3A_642 = arith.constant 0 : i32
      %dma_wait3A_643 = tpu.memref_slice %arg9[%dma_wait3A_640, %dma_wait3A_641, %dma_wait3A_642] : memref<3x128x128xbf16, #tpu.memory_space<vmem>> -> memref<1x128x128xbf16, #tpu.memory_space<vmem>>
      %dma_wait3A_644 = tpu.memref_squeeze %dma_wait3A_643 : memref<1x128x128xbf16, #tpu.memory_space<vmem>> -> memref<128x128xbf16, #tpu.memory_space<vmem>>
      %dma_wait3A_645 = arith.constant 0 : i32
      %dma_wait3A_646 = arith.constant 0 : i32
      %dma_wait3A_647 = tpu.memref_slice %arg7[%scan3A, %dma_wait3A_645, %dma_wait3A_646] : memref<1x157x128xi32, #tpu.memory_space<vmem>> -> memref<1x157x128xi32, #tpu.memory_space<vmem>>
      %dma_wait3A_648 = tpu.memref_squeeze %dma_wait3A_647 : memref<1x157x128xi32, #tpu.memory_space<vmem>> -> memref<157x128xi32, #tpu.memory_space<vmem>>
      %dma_wait3A_649 = arith.constant 0 : i32
      %dma_wait3A_650 = tpu.memref_slice %dma_wait3A_648[%add3A_639, %dma_wait3A_649] : memref<157x128xi32, #tpu.memory_space<vmem>> -> memref<1x128xi32, #tpu.memory_space<vmem>>
      %dma_wait3A_651 = tpu.memref_squeeze %dma_wait3A_650 : memref<1x128xi32, #tpu.memory_space<vmem>> -> memref<128xi32, #tpu.memory_space<vmem>>
      %dma_wait3A_652 = arith.constant 0 : i32
      %dma_wait3A_653 = arith.constant 0 : i32
      %dma_wait3A_654 = tpu.memref_slice %arg2[%dma_wait3A_652, %dma_wait3A_653] : memref<20000x128xbf16, #tpu.memory_space<hbm>> -> memref<20000x128xbf16, #tpu.memory_space<hbm>>
      tpu.wait_indirect_dma semaphore(%arg11 : memref<!tpu.dma_semaphore, #tpu.memory_space<semaphore_mem>>) src(%dma_wait3A_654 : memref<20000x128xbf16, #tpu.memory_space<hbm>>) dst(%dma_wait3A_644 : memref<128x128xbf16, #tpu.memory_space<vmem>>)
      %add3A_655 = arith.constant 1 : i32
      %add3A_656 = arith.addi %mul3A_607, %add3A_655 : i32
      %dma_start3A_657 = arith.constant 1 : i32
      %dma_start3A_658 = arith.constant 0 : i32
      %dma_start3A_659 = arith.constant 0 : i32
      %dma_start3A_660 = tpu.memref_slice %arg9[%dma_start3A_657, %dma_start3A_658, %dma_start3A_659] : memref<3x128x128xbf16, #tpu.memory_space<vmem>> -> memref<1x128x128xbf16, #tpu.memory_space<vmem>>
      %dma_start3A_661 = tpu.memref_squeeze %dma_start3A_660 : memref<1x128x128xbf16, #tpu.memory_space<vmem>> -> memref<128x128xbf16, #tpu.memory_space<vmem>>
      %dma_start3A_662 = arith.constant 0 : i32
      %dma_start3A_663 = tpu.memref_slice %arg8[%add3A_656, %dma_start3A_662] : memref<157x128xi32, #tpu.memory_space<vmem>> -> memref<1x128xi32, #tpu.memory_space<vmem>>
      %dma_start3A_664 = tpu.memref_squeeze %dma_start3A_663 : memref<1x128xi32, #tpu.memory_space<vmem>> -> memref<128xi32, #tpu.memory_space<vmem>>
      %dma_start3A_665 = arith.constant 0 : i32
      %dma_start3A_666 = arith.constant 0 : i32
      %dma_start3A_667 = tpu.memref_slice %arg10[%dma_start3A_665, %dma_start3A_666] : memref<10240x128xbf16, #tpu.memory_space<vmem_shared>> -> memref<10240x128xbf16, #tpu.memory_space<vmem_shared>>
      tpu.enqueue_indirect_dma source(%dma_start3A_661 : memref<128x128xbf16, #tpu.memory_space<vmem>>) target(%dma_start3A_667 : memref<10240x128xbf16, #tpu.memory_space<vmem_shared>>) offsets(%dma_start3A_664 : memref<128xi32, #tpu.memory_space<vmem>>) semaphore(%arg12 : memref<!tpu.dma_semaphore, #tpu.memory_space<semaphore_mem>>) {add = true}
      %add3A_668 = arith.constant 2 : i32
      %add3A_669 = arith.addi %mul3A_607, %add3A_668 : i32
      %dma_wait3A_670 = arith.constant 2 : i32
      %dma_wait3A_671 = arith.constant 0 : i32
      %dma_wait3A_672 = arith.constant 0 : i32
      %dma_wait3A_673 = tpu.memref_slice %arg9[%dma_wait3A_670, %dma_wait3A_671, %dma_wait3A_672] : memref<3x128x128xbf16, #tpu.memory_space<vmem>> -> memref<1x128x128xbf16, #tpu.memory_space<vmem>>
      %dma_wait3A_674 = tpu.memref_squeeze %dma_wait3A_673 : memref<1x128x128xbf16, #tpu.memory_space<vmem>> -> memref<128x128xbf16, #tpu.memory_space<vmem>>
      %dma_wait3A_675 = arith.constant 0 : i32
      %dma_wait3A_676 = arith.constant 0 : i32
      %dma_wait3A_677 = tpu.memref_slice %arg7[%scan3A, %dma_wait3A_675, %dma_wait3A_676] : memref<1x157x128xi32, #tpu.memory_space<vmem>> -> memref<1x157x128xi32, #tpu.memory_space<vmem>>
      %dma_wait3A_678 = tpu.memref_squeeze %dma_wait3A_677 : memref<1x157x128xi32, #tpu.memory_space<vmem>> -> memref<157x128xi32, #tpu.memory_space<vmem>>
      %dma_wait3A_679 = arith.constant 0 : i32
      %dma_wait3A_680 = tpu.memref_slice %dma_wait3A_678[%add3A_669, %dma_wait3A_679] : memref<157x128xi32, #tpu.memory_space<vmem>> -> memref<1x128xi32, #tpu.memory_space<vmem>>
      %dma_wait3A_681 = tpu.memref_squeeze %dma_wait3A_680 : memref<1x128xi32, #tpu.memory_space<vmem>> -> memref<128xi32, #tpu.memory_space<vmem>>
      %dma_wait3A_682 = arith.constant 0 : i32
      %dma_wait3A_683 = arith.constant 0 : i32
      %dma_wait3A_684 = tpu.memref_slice %arg2[%dma_wait3A_682, %dma_wait3A_683] : memref<20000x128xbf16, #tpu.memory_space<hbm>> -> memref<20000x128xbf16, #tpu.memory_space<hbm>>
      tpu.wait_indirect_dma semaphore(%arg11 : memref<!tpu.dma_semaphore, #tpu.memory_space<semaphore_mem>>) src(%dma_wait3A_684 : memref<20000x128xbf16, #tpu.memory_space<hbm>>) dst(%dma_wait3A_674 : memref<128x128xbf16, #tpu.memory_space<vmem>>)
      %add3A_685 = arith.constant 2 : i32
      %add3A_686 = arith.addi %mul3A_607, %add3A_685 : i32
      %dma_start3A_687 = arith.constant 2 : i32
      %dma_start3A_688 = arith.constant 0 : i32
      %dma_start3A_689 = arith.constant 0 : i32
      %dma_start3A_690 = tpu.memref_slice %arg9[%dma_start3A_687, %dma_start3A_688, %dma_start3A_689] : memref<3x128x128xbf16, #tpu.memory_space<vmem>> -> memref<1x128x128xbf16, #tpu.memory_space<vmem>>
      %dma_start3A_691 = tpu.memref_squeeze %dma_start3A_690 : memref<1x128x128xbf16, #tpu.memory_space<vmem>> -> memref<128x128xbf16, #tpu.memory_space<vmem>>
      %dma_start3A_692 = arith.constant 0 : i32
      %dma_start3A_693 = tpu.memref_slice %arg8[%add3A_686, %dma_start3A_692] : memref<157x128xi32, #tpu.memory_space<vmem>> -> memref<1x128xi32, #tpu.memory_space<vmem>>
      %dma_start3A_694 = tpu.memref_squeeze %dma_start3A_693 : memref<1x128xi32, #tpu.memory_space<vmem>> -> memref<128xi32, #tpu.memory_space<vmem>>
      %dma_start3A_695 = arith.constant 0 : i32
      %dma_start3A_696 = arith.constant 0 : i32
      %dma_start3A_697 = tpu.memref_slice %arg10[%dma_start3A_695, %dma_start3A_696] : memref<10240x128xbf16, #tpu.memory_space<vmem_shared>> -> memref<10240x128xbf16, #tpu.memory_space<vmem_shared>>
      tpu.enqueue_indirect_dma source(%dma_start3A_691 : memref<128x128xbf16, #tpu.memory_space<vmem>>) target(%dma_start3A_697 : memref<10240x128xbf16, #tpu.memory_space<vmem_shared>>) offsets(%dma_start3A_694 : memref<128xi32, #tpu.memory_space<vmem>>) semaphore(%arg12 : memref<!tpu.dma_semaphore, #tpu.memory_space<semaphore_mem>>) {add = true}
      %add3A_698 = arith.constant 0 : i32
      %add3A_699 = arith.addi %mul3A_607, %add3A_698 : i32
      %dma_wait3A_700 = arith.constant 0 : i32
      %dma_wait3A_701 = arith.constant 0 : i32
      %dma_wait3A_702 = arith.constant 0 : i32
      %dma_wait3A_703 = tpu.memref_slice %arg9[%dma_wait3A_700, %dma_wait3A_701, %dma_wait3A_702] : memref<3x128x128xbf16, #tpu.memory_space<vmem>> -> memref<1x128x128xbf16, #tpu.memory_space<vmem>>
      %dma_wait3A_704 = tpu.memref_squeeze %dma_wait3A_703 : memref<1x128x128xbf16, #tpu.memory_space<vmem>> -> memref<128x128xbf16, #tpu.memory_space<vmem>>
      %dma_wait3A_705 = arith.constant 0 : i32
      %dma_wait3A_706 = tpu.memref_slice %arg8[%add3A_699, %dma_wait3A_705] : memref<157x128xi32, #tpu.memory_space<vmem>> -> memref<1x128xi32, #tpu.memory_space<vmem>>
      %dma_wait3A_707 = tpu.memref_squeeze %dma_wait3A_706 : memref<1x128xi32, #tpu.memory_space<vmem>> -> memref<128xi32, #tpu.memory_space<vmem>>
      %dma_wait3A_708 = arith.constant 0 : i32
      %dma_wait3A_709 = arith.constant 0 : i32
      %dma_wait3A_710 = tpu.memref_slice %arg10[%dma_wait3A_708, %dma_wait3A_709] : memref<10240x128xbf16, #tpu.memory_space<vmem_shared>> -> memref<10240x128xbf16, #tpu.memory_space<vmem_shared>>
      tpu.wait_indirect_dma semaphore(%arg12 : memref<!tpu.dma_semaphore, #tpu.memory_space<semaphore_mem>>) src(%dma_wait3A_704 : memref<128x128xbf16, #tpu.memory_space<vmem>>) dst(%dma_wait3A_710 : memref<10240x128xbf16, #tpu.memory_space<vmem_shared>>)
      %add3A_711 = arith.constant 3 : i32
      %add3A_712 = arith.addi %mul3A_607, %add3A_711 : i32
      %add3A_713 = arith.constant 0 : i32
      %add3A_714 = arith.addi %add3A_712, %add3A_713 : i32
      %min3A = arith.constant 156 : i32
      %min3A_715 = arith.minsi %add3A_714, %min3A : i32
      %dma_start3A_716 = arith.constant 0 : i32
      %dma_start3A_717 = arith.constant 0 : i32
      %dma_start3A_718 = arith.constant 0 : i32
      %dma_start3A_719 = tpu.memref_slice %arg9[%dma_start3A_716, %dma_start3A_717, %dma_start3A_718] : memref<3x128x128xbf16, #tpu.memory_space<vmem>> -> memref<1x128x128xbf16, #tpu.memory_space<vmem>>
      %dma_start3A_720 = tpu.memref_squeeze %dma_start3A_719 : memref<1x128x128xbf16, #tpu.memory_space<vmem>> -> memref<128x128xbf16, #tpu.memory_space<vmem>>
      %dma_start3A_721 = arith.constant 0 : i32
      %dma_start3A_722 = arith.constant 0 : i32
      %dma_start3A_723 = tpu.memref_slice %arg7[%scan3A, %dma_start3A_721, %dma_start3A_722] : memref<1x157x128xi32, #tpu.memory_space<vmem>> -> memref<1x157x128xi32, #tpu.memory_space<vmem>>
      %dma_start3A_724 = tpu.memref_squeeze %dma_start3A_723 : memref<1x157x128xi32, #tpu.memory_space<vmem>> -> memref<157x128xi32, #tpu.memory_space<vmem>>
      %dma_start3A_725 = arith.constant 0 : i32
      %dma_start3A_726 = tpu.memref_slice %dma_start3A_724[%min3A_715, %dma_start3A_725] : memref<157x128xi32, #tpu.memory_space<vmem>> -> memref<1x128xi32, #tpu.memory_space<vmem>>
      %dma_start3A_727 = tpu.memref_squeeze %dma_start3A_726 : memref<1x128xi32, #tpu.memory_space<vmem>> -> memref<128xi32, #tpu.memory_space<vmem>>
      %dma_start3A_728 = arith.constant 0 : i32
      %dma_start3A_729 = arith.constant 0 : i32
      %dma_start3A_730 = tpu.memref_slice %arg2[%dma_start3A_728, %dma_start3A_729] : memref<20000x128xbf16, #tpu.memory_space<hbm>> -> memref<20000x128xbf16, #tpu.memory_space<hbm>>
      tpu.enqueue_indirect_dma source(%dma_start3A_730 : memref<20000x128xbf16, #tpu.memory_space<hbm>>) target(%dma_start3A_720 : memref<128x128xbf16, #tpu.memory_space<vmem>>) offsets(%dma_start3A_727 : memref<128xi32, #tpu.memory_space<vmem>>) semaphore(%arg11 : memref<!tpu.dma_semaphore, #tpu.memory_space<semaphore_mem>>)
      %add3A_731 = arith.constant 1 : i32
      %add3A_732 = arith.addi %mul3A_607, %add3A_731 : i32
      %dma_wait3A_733 = arith.constant 1 : i32
      %dma_wait3A_734 = arith.constant 0 : i32
      %dma_wait3A_735 = arith.constant 0 : i32
      %dma_wait3A_736 = tpu.memref_slice %arg9[%dma_wait3A_733, %dma_wait3A_734, %dma_wait3A_735] : memref<3x128x128xbf16, #tpu.memory_space<vmem>> -> memref<1x128x128xbf16, #tpu.memory_space<vmem>>
      %dma_wait3A_737 = tpu.memref_squeeze %dma_wait3A_736 : memref<1x128x128xbf16, #tpu.memory_space<vmem>> -> memref<128x128xbf16, #tpu.memory_space<vmem>>
      %dma_wait3A_738 = arith.constant 0 : i32
      %dma_wait3A_739 = tpu.memref_slice %arg8[%add3A_732, %dma_wait3A_738] : memref<157x128xi32, #tpu.memory_space<vmem>> -> memref<1x128xi32, #tpu.memory_space<vmem>>
      %dma_wait3A_740 = tpu.memref_squeeze %dma_wait3A_739 : memref<1x128xi32, #tpu.memory_space<vmem>> -> memref<128xi32, #tpu.memory_space<vmem>>
      %dma_wait3A_741 = arith.constant 0 : i32
      %dma_wait3A_742 = arith.constant 0 : i32
      %dma_wait3A_743 = tpu.memref_slice %arg10[%dma_wait3A_741, %dma_wait3A_742] : memref<10240x128xbf16, #tpu.memory_space<vmem_shared>> -> memref<10240x128xbf16, #tpu.memory_space<vmem_shared>>
      tpu.wait_indirect_dma semaphore(%arg12 : memref<!tpu.dma_semaphore, #tpu.memory_space<semaphore_mem>>) src(%dma_wait3A_737 : memref<128x128xbf16, #tpu.memory_space<vmem>>) dst(%dma_wait3A_743 : memref<10240x128xbf16, #tpu.memory_space<vmem_shared>>)
      %add3A_744 = arith.constant 3 : i32
      %add3A_745 = arith.addi %mul3A_607, %add3A_744 : i32
      %add3A_746 = arith.constant 1 : i32
      %add3A_747 = arith.addi %add3A_745, %add3A_746 : i32
      %min3A_748 = arith.constant 156 : i32
      %min3A_749 = arith.minsi %add3A_747, %min3A_748 : i32
      %dma_start3A_750 = arith.constant 1 : i32
      %dma_start3A_751 = arith.constant 0 : i32
      %dma_start3A_752 = arith.constant 0 : i32
      %dma_start3A_753 = tpu.memref_slice %arg9[%dma_start3A_750, %dma_start3A_751, %dma_start3A_752] : memref<3x128x128xbf16, #tpu.memory_space<vmem>> -> memref<1x128x128xbf16, #tpu.memory_space<vmem>>
      %dma_start3A_754 = tpu.memref_squeeze %dma_start3A_753 : memref<1x128x128xbf16, #tpu.memory_space<vmem>> -> memref<128x128xbf16, #tpu.memory_space<vmem>>
      %dma_start3A_755 = arith.constant 0 : i32
      %dma_start3A_756 = arith.constant 0 : i32
      %dma_start3A_757 = tpu.memref_slice %arg7[%scan3A, %dma_start3A_755, %dma_start3A_756] : memref<1x157x128xi32, #tpu.memory_space<vmem>> -> memref<1x157x128xi32, #tpu.memory_space<vmem>>
      %dma_start3A_758 = tpu.memref_squeeze %dma_start3A_757 : memref<1x157x128xi32, #tpu.memory_space<vmem>> -> memref<157x128xi32, #tpu.memory_space<vmem>>
      %dma_start3A_759 = arith.constant 0 : i32
      %dma_start3A_760 = tpu.memref_slice %dma_start3A_758[%min3A_749, %dma_start3A_759] : memref<157x128xi32, #tpu.memory_space<vmem>> -> memref<1x128xi32, #tpu.memory_space<vmem>>
      %dma_start3A_761 = tpu.memref_squeeze %dma_start3A_760 : memref<1x128xi32, #tpu.memory_space<vmem>> -> memref<128xi32, #tpu.memory_space<vmem>>
      %dma_start3A_762 = arith.constant 0 : i32
      %dma_start3A_763 = arith.constant 0 : i32
      %dma_start3A_764 = tpu.memref_slice %arg2[%dma_start3A_762, %dma_start3A_763] : memref<20000x128xbf16, #tpu.memory_space<hbm>> -> memref<20000x128xbf16, #tpu.memory_space<hbm>>
      tpu.enqueue_indirect_dma source(%dma_start3A_764 : memref<20000x128xbf16, #tpu.memory_space<hbm>>) target(%dma_start3A_754 : memref<128x128xbf16, #tpu.memory_space<vmem>>) offsets(%dma_start3A_761 : memref<128xi32, #tpu.memory_space<vmem>>) semaphore(%arg11 : memref<!tpu.dma_semaphore, #tpu.memory_space<semaphore_mem>>)
      %add3A_765 = arith.constant 2 : i32
      %add3A_766 = arith.addi %mul3A_607, %add3A_765 : i32
      %dma_wait3A_767 = arith.constant 2 : i32
      %dma_wait3A_768 = arith.constant 0 : i32
      %dma_wait3A_769 = arith.constant 0 : i32
      %dma_wait3A_770 = tpu.memref_slice %arg9[%dma_wait3A_767, %dma_wait3A_768, %dma_wait3A_769] : memref<3x128x128xbf16, #tpu.memory_space<vmem>> -> memref<1x128x128xbf16, #tpu.memory_space<vmem>>
      %dma_wait3A_771 = tpu.memref_squeeze %dma_wait3A_770 : memref<1x128x128xbf16, #tpu.memory_space<vmem>> -> memref<128x128xbf16, #tpu.memory_space<vmem>>
      %dma_wait3A_772 = arith.constant 0 : i32
      %dma_wait3A_773 = tpu.memref_slice %arg8[%add3A_766, %dma_wait3A_772] : memref<157x128xi32, #tpu.memory_space<vmem>> -> memref<1x128xi32, #tpu.memory_space<vmem>>
      %dma_wait3A_774 = tpu.memref_squeeze %dma_wait3A_773 : memref<1x128xi32, #tpu.memory_space<vmem>> -> memref<128xi32, #tpu.memory_space<vmem>>
      %dma_wait3A_775 = arith.constant 0 : i32
      %dma_wait3A_776 = arith.constant 0 : i32
      %dma_wait3A_777 = tpu.memref_slice %arg10[%dma_wait3A_775, %dma_wait3A_776] : memref<10240x128xbf16, #tpu.memory_space<vmem_shared>> -> memref<10240x128xbf16, #tpu.memory_space<vmem_shared>>
      tpu.wait_indirect_dma semaphore(%arg12 : memref<!tpu.dma_semaphore, #tpu.memory_space<semaphore_mem>>) src(%dma_wait3A_771 : memref<128x128xbf16, #tpu.memory_space<vmem>>) dst(%dma_wait3A_777 : memref<10240x128xbf16, #tpu.memory_space<vmem_shared>>)
      %add3A_778 = arith.constant 3 : i32
      %add3A_779 = arith.addi %mul3A_607, %add3A_778 : i32
      %add3A_780 = arith.constant 2 : i32
      %add3A_781 = arith.addi %add3A_779, %add3A_780 : i32
      %min3A_782 = arith.constant 156 : i32
      %min3A_783 = arith.minsi %add3A_781, %min3A_782 : i32
      %dma_start3A_784 = arith.constant 2 : i32
      %dma_start3A_785 = arith.constant 0 : i32
      %dma_start3A_786 = arith.constant 0 : i32
      %dma_start3A_787 = tpu.memref_slice %arg9[%dma_start3A_784, %dma_start3A_785, %dma_start3A_786] : memref<3x128x128xbf16, #tpu.memory_space<vmem>> -> memref<1x128x128xbf16, #tpu.memory_space<vmem>>
      %dma_start3A_788 = tpu.memref_squeeze %dma_start3A_787 : memref<1x128x128xbf16, #tpu.memory_space<vmem>> -> memref<128x128xbf16, #tpu.memory_space<vmem>>
      %dma_start3A_789 = arith.constant 0 : i32
      %dma_start3A_790 = arith.constant 0 : i32
      %dma_start3A_791 = tpu.memref_slice %arg7[%scan3A, %dma_start3A_789, %dma_start3A_790] : memref<1x157x128xi32, #tpu.memory_space<vmem>> -> memref<1x157x128xi32, #tpu.memory_space<vmem>>
      %dma_start3A_792 = tpu.memref_squeeze %dma_start3A_791 : memref<1x157x128xi32, #tpu.memory_space<vmem>> -> memref<157x128xi32, #tpu.memory_space<vmem>>
      %dma_start3A_793 = arith.constant 0 : i32
      %dma_start3A_794 = tpu.memref_slice %dma_start3A_792[%min3A_783, %dma_start3A_793] : memref<157x128xi32, #tpu.memory_space<vmem>> -> memref<1x128xi32, #tpu.memory_space<vmem>>
      %dma_start3A_795 = tpu.memref_squeeze %dma_start3A_794 : memref<1x128xi32, #tpu.memory_space<vmem>> -> memref<128xi32, #tpu.memory_space<vmem>>
      %dma_start3A_796 = arith.constant 0 : i32
      %dma_start3A_797 = arith.constant 0 : i32
      %dma_start3A_798 = tpu.memref_slice %arg2[%dma_start3A_796, %dma_start3A_797] : memref<20000x128xbf16, #tpu.memory_space<hbm>> -> memref<20000x128xbf16, #tpu.memory_space<hbm>>
      tpu.enqueue_indirect_dma source(%dma_start3A_798 : memref<20000x128xbf16, #tpu.memory_space<hbm>>) target(%dma_start3A_788 : memref<128x128xbf16, #tpu.memory_space<vmem>>) offsets(%dma_start3A_795 : memref<128xi32, #tpu.memory_space<vmem>>) semaphore(%arg11 : memref<!tpu.dma_semaphore, #tpu.memory_space<semaphore_mem>>)
      %scan3A_799 = arith.constant 0 : i32
      scf.yield %scan3A_799 : i32
    }
    %scan3A_206 = arith.constant 52 : i32
    %dma_wait3A_207 = arith.constant 0 : i32
    %dma_wait3A_208 = arith.constant 156 : i32
    %dma_wait3A_209 = arith.constant 0 : i32
    %dma_wait3A_210 = arith.constant 0 : i32
    %dma_wait3A_211 = arith.constant 0 : i32
    %dma_wait3A_212 = tpu.memref_slice %arg9[%dma_wait3A_209, %dma_wait3A_210, %dma_wait3A_211] : memref<3x128x128xbf16, #tpu.memory_space<vmem>> -> memref<1x128x128xbf16, #tpu.memory_space<vmem>>
    %dma_wait3A_213 = tpu.memref_squeeze %dma_wait3A_212 : memref<1x128x128xbf16, #tpu.memory_space<vmem>> -> memref<128x128xbf16, #tpu.memory_space<vmem>>
    %dma_wait3A_214 = arith.constant 0 : i32
    %dma_wait3A_215 = arith.constant 0 : i32
    %dma_wait3A_216 = tpu.memref_slice %arg7[%dma_wait3A_207, %dma_wait3A_214, %dma_wait3A_215] : memref<1x157x128xi32, #tpu.memory_space<vmem>> -> memref<1x157x128xi32, #tpu.memory_space<vmem>>
    %dma_wait3A_217 = tpu.memref_squeeze %dma_wait3A_216 : memref<1x157x128xi32, #tpu.memory_space<vmem>> -> memref<157x128xi32, #tpu.memory_space<vmem>>
    %dma_wait3A_218 = arith.constant 0 : i32
    %dma_wait3A_219 = tpu.memref_slice %dma_wait3A_217[%dma_wait3A_208, %dma_wait3A_218] : memref<157x128xi32, #tpu.memory_space<vmem>> -> memref<1x128xi32, #tpu.memory_space<vmem>>
    %dma_wait3A_220 = tpu.memref_squeeze %dma_wait3A_219 : memref<1x128xi32, #tpu.memory_space<vmem>> -> memref<128xi32, #tpu.memory_space<vmem>>
    %dma_wait3A_221 = arith.constant 0 : i32
    %dma_wait3A_222 = arith.constant 0 : i32
    %dma_wait3A_223 = tpu.memref_slice %arg2[%dma_wait3A_221, %dma_wait3A_222] : memref<20000x128xbf16, #tpu.memory_space<hbm>> -> memref<20000x128xbf16, #tpu.memory_space<hbm>>
    tpu.wait_indirect_dma semaphore(%arg11 : memref<!tpu.dma_semaphore, #tpu.memory_space<semaphore_mem>>) src(%dma_wait3A_223 : memref<20000x128xbf16, #tpu.memory_space<hbm>>) dst(%dma_wait3A_213 : memref<128x128xbf16, #tpu.memory_space<vmem>>)
    %dma_start3A_224 = arith.constant 0 : i32
    %dma_start3A_225 = arith.constant 156 : i32
    %dma_start3A_226 = arith.constant 0 : i32
    %dma_start3A_227 = arith.constant 0 : i32
    %dma_start3A_228 = tpu.memref_slice %arg9[%dma_start3A_224, %dma_start3A_226, %dma_start3A_227] : memref<3x128x128xbf16, #tpu.memory_space<vmem>> -> memref<1x128x128xbf16, #tpu.memory_space<vmem>>
    %dma_start3A_229 = tpu.memref_squeeze %dma_start3A_228 : memref<1x128x128xbf16, #tpu.memory_space<vmem>> -> memref<128x128xbf16, #tpu.memory_space<vmem>>
    %dma_start3A_230 = arith.constant 0 : i32
    %dma_start3A_231 = tpu.memref_slice %arg8[%dma_start3A_225, %dma_start3A_230] : memref<157x128xi32, #tpu.memory_space<vmem>> -> memref<1x128xi32, #tpu.memory_space<vmem>>
    %dma_start3A_232 = tpu.memref_squeeze %dma_start3A_231 : memref<1x128xi32, #tpu.memory_space<vmem>> -> memref<128xi32, #tpu.memory_space<vmem>>
    %dma_start3A_233 = arith.constant 0 : i32
    %dma_start3A_234 = arith.constant 0 : i32
    %dma_start3A_235 = tpu.memref_slice %arg10[%dma_start3A_233, %dma_start3A_234] : memref<10240x128xbf16, #tpu.memory_space<vmem_shared>> -> memref<10240x128xbf16, #tpu.memory_space<vmem_shared>>
    tpu.enqueue_indirect_dma source(%dma_start3A_229 : memref<128x128xbf16, #tpu.memory_space<vmem>>) target(%dma_start3A_235 : memref<10240x128xbf16, #tpu.memory_space<vmem_shared>>) offsets(%dma_start3A_232 : memref<128xi32, #tpu.memory_space<vmem>>) semaphore(%arg12 : memref<!tpu.dma_semaphore, #tpu.memory_space<semaphore_mem>>) {add = true}
    %dma_wait3A_236 = arith.constant 0 : i32
    %dma_wait3A_237 = arith.constant 156 : i32
    %dma_wait3A_238 = arith.constant 0 : i32
    %dma_wait3A_239 = arith.constant 0 : i32
    %dma_wait3A_240 = tpu.memref_slice %arg9[%dma_wait3A_236, %dma_wait3A_238, %dma_wait3A_239] : memref<3x128x128xbf16, #tpu.memory_space<vmem>> -> memref<1x128x128xbf16, #tpu.memory_space<vmem>>
    %dma_wait3A_241 = tpu.memref_squeeze %dma_wait3A_240 : memref<1x128x128xbf16, #tpu.memory_space<vmem>> -> memref<128x128xbf16, #tpu.memory_space<vmem>>
    %dma_wait3A_242 = arith.constant 0 : i32
    %dma_wait3A_243 = tpu.memref_slice %arg8[%dma_wait3A_237, %dma_wait3A_242] : memref<157x128xi32, #tpu.memory_space<vmem>> -> memref<1x128xi32, #tpu.memory_space<vmem>>
    %dma_wait3A_244 = tpu.memref_squeeze %dma_wait3A_243 : memref<1x128xi32, #tpu.memory_space<vmem>> -> memref<128xi32, #tpu.memory_space<vmem>>
    %dma_wait3A_245 = arith.constant 0 : i32
    %dma_wait3A_246 = arith.constant 0 : i32
    %dma_wait3A_247 = tpu.memref_slice %arg10[%dma_wait3A_245, %dma_wait3A_246] : memref<10240x128xbf16, #tpu.memory_space<vmem_shared>> -> memref<10240x128xbf16, #tpu.memory_space<vmem_shared>>
    tpu.wait_indirect_dma semaphore(%arg12 : memref<!tpu.dma_semaphore, #tpu.memory_space<semaphore_mem>>) src(%dma_wait3A_241 : memref<128x128xbf16, #tpu.memory_space<vmem>>) dst(%dma_wait3A_247 : memref<10240x128xbf16, #tpu.memory_space<vmem_shared>>)
    %dma_wait3A_248 = arith.constant 0 : i32
    %dma_wait3A_249 = arith.constant 156 : i32
    %dma_wait3A_250 = arith.constant 1 : i32
    %dma_wait3A_251 = arith.constant 0 : i32
    %dma_wait3A_252 = arith.constant 0 : i32
    %dma_wait3A_253 = tpu.memref_slice %arg9[%dma_wait3A_250, %dma_wait3A_251, %dma_wait3A_252] : memref<3x128x128xbf16, #tpu.memory_space<vmem>> -> memref<1x128x128xbf16, #tpu.memory_space<vmem>>
    %dma_wait3A_254 = tpu.memref_squeeze %dma_wait3A_253 : memref<1x128x128xbf16, #tpu.memory_space<vmem>> -> memref<128x128xbf16, #tpu.memory_space<vmem>>
    %dma_wait3A_255 = arith.constant 0 : i32
    %dma_wait3A_256 = arith.constant 0 : i32
    %dma_wait3A_257 = tpu.memref_slice %arg7[%dma_wait3A_248, %dma_wait3A_255, %dma_wait3A_256] : memref<1x157x128xi32, #tpu.memory_space<vmem>> -> memref<1x157x128xi32, #tpu.memory_space<vmem>>
    %dma_wait3A_258 = tpu.memref_squeeze %dma_wait3A_257 : memref<1x157x128xi32, #tpu.memory_space<vmem>> -> memref<157x128xi32, #tpu.memory_space<vmem>>
    %dma_wait3A_259 = arith.constant 0 : i32
    %dma_wait3A_260 = tpu.memref_slice %dma_wait3A_258[%dma_wait3A_249, %dma_wait3A_259] : memref<157x128xi32, #tpu.memory_space<vmem>> -> memref<1x128xi32, #tpu.memory_space<vmem>>
    %dma_wait3A_261 = tpu.memref_squeeze %dma_wait3A_260 : memref<1x128xi32, #tpu.memory_space<vmem>> -> memref<128xi32, #tpu.memory_space<vmem>>
    %dma_wait3A_262 = arith.constant 0 : i32
    %dma_wait3A_263 = arith.constant 0 : i32
    %dma_wait3A_264 = tpu.memref_slice %arg2[%dma_wait3A_262, %dma_wait3A_263] : memref<20000x128xbf16, #tpu.memory_space<hbm>> -> memref<20000x128xbf16, #tpu.memory_space<hbm>>
    tpu.wait_indirect_dma semaphore(%arg11 : memref<!tpu.dma_semaphore, #tpu.memory_space<semaphore_mem>>) src(%dma_wait3A_264 : memref<20000x128xbf16, #tpu.memory_space<hbm>>) dst(%dma_wait3A_254 : memref<128x128xbf16, #tpu.memory_space<vmem>>)
    %dma_wait3A_265 = arith.constant 0 : i32
    %dma_wait3A_266 = arith.constant 156 : i32
    %dma_wait3A_267 = arith.constant 2 : i32
    %dma_wait3A_268 = arith.constant 0 : i32
    %dma_wait3A_269 = arith.constant 0 : i32
    %dma_wait3A_270 = tpu.memref_slice %arg9[%dma_wait3A_267, %dma_wait3A_268, %dma_wait3A_269] : memref<3x128x128xbf16, #tpu.memory_space<vmem>> -> memref<1x128x128xbf16, #tpu.memory_space<vmem>>
    %dma_wait3A_271 = tpu.memref_squeeze %dma_wait3A_270 : memref<1x128x128xbf16, #tpu.memory_space<vmem>> -> memref<128x128xbf16, #tpu.memory_space<vmem>>
    %dma_wait3A_272 = arith.constant 0 : i32
    %dma_wait3A_273 = arith.constant 0 : i32
    %dma_wait3A_274 = tpu.memref_slice %arg7[%dma_wait3A_265, %dma_wait3A_272, %dma_wait3A_273] : memref<1x157x128xi32, #tpu.memory_space<vmem>> -> memref<1x157x128xi32, #tpu.memory_space<vmem>>
    %dma_wait3A_275 = tpu.memref_squeeze %dma_wait3A_274 : memref<1x157x128xi32, #tpu.memory_space<vmem>> -> memref<157x128xi32, #tpu.memory_space<vmem>>
    %dma_wait3A_276 = arith.constant 0 : i32
    %dma_wait3A_277 = tpu.memref_slice %dma_wait3A_275[%dma_wait3A_266, %dma_wait3A_276] : memref<157x128xi32, #tpu.memory_space<vmem>> -> memref<1x128xi32, #tpu.memory_space<vmem>>
    %dma_wait3A_278 = tpu.memref_squeeze %dma_wait3A_277 : memref<1x128xi32, #tpu.memory_space<vmem>> -> memref<128xi32, #tpu.memory_space<vmem>>
    %dma_wait3A_279 = arith.constant 0 : i32
    %dma_wait3A_280 = arith.constant 0 : i32
    %dma_wait3A_281 = tpu.memref_slice %arg2[%dma_wait3A_279, %dma_wait3A_280] : memref<20000x128xbf16, #tpu.memory_space<hbm>> -> memref<20000x128xbf16, #tpu.memory_space<hbm>>
    tpu.wait_indirect_dma semaphore(%arg11 : memref<!tpu.dma_semaphore, #tpu.memory_space<semaphore_mem>>) src(%dma_wait3A_281 : memref<20000x128xbf16, #tpu.memory_space<hbm>>) dst(%dma_wait3A_271 : memref<128x128xbf16, #tpu.memory_space<vmem>>)
    %barrier3A_282 = arith.constant 0 : index
    tpu.barrier barrier_id(%barrier3A_282)
    %add3A_283 = arith.constant 0 : i32
    %add3A_284 = arith.addi %mul3A_0, %add3A_283 : i32
    %dma_start3A_285 = arith.constant 0 : i32
    %dma_start3A_286 = arith.constant 0 : i32
    %dma_start3A_287 = arith.constant 0 : i32
    %dma_start3A_288 = tpu.memref_slice %arg9[%dma_start3A_285, %dma_start3A_286, %dma_start3A_287] : memref<3x128x128xbf16, #tpu.memory_space<vmem>> -> memref<1x128x128xbf16, #tpu.memory_space<vmem>>
    %dma_start3A_289 = tpu.memref_squeeze %dma_start3A_288 : memref<1x128x128xbf16, #tpu.memory_space<vmem>> -> memref<128x128xbf16, #tpu.memory_space<vmem>>
    %dma_start3A_290 = arith.constant 0 : i32
    %dma_start3A_291 = tpu.memref_slice %arg10[%add3A_284, %dma_start3A_290] : memref<10240x128xbf16, #tpu.memory_space<vmem_shared>> -> memref<128x128xbf16, #tpu.memory_space<vmem_shared>>
    %dma_start3A_292 = arith.constant 0 : i32
    %dma_start3A_293 = arith.constant 0 : i32
    %dma_start3A_294 = tpu.memref_slice %arg9[%dma_start3A_285, %dma_start3A_292, %dma_start3A_293] : memref<3x128x128xbf16, #tpu.memory_space<vmem>> -> memref<1x128x128xbf16, #tpu.memory_space<vmem>>
    %dma_start3A_295 = tpu.memref_squeeze %dma_start3A_294 : memref<1x128x128xbf16, #tpu.memory_space<vmem>> -> memref<128x128xbf16, #tpu.memory_space<vmem>>
    %dma_start3A_296 = arith.constant 0 : i32
    %dma_start3A_297 = tpu.memref_slice %arg10[%add3A_284, %dma_start3A_296] : memref<10240x128xbf16, #tpu.memory_space<vmem_shared>> -> memref<128x128xbf16, #tpu.memory_space<vmem_shared>>
    tpu.enqueue_dma source(%dma_start3A_297 : memref<128x128xbf16, #tpu.memory_space<vmem_shared>>) target(%dma_start3A_295 : memref<128x128xbf16, #tpu.memory_space<vmem>>) target_semaphore(%arg11 : memref<!tpu.dma_semaphore, #tpu.memory_space<semaphore_mem>>)
    %add3A_298 = arith.constant 0 : i32
    %add3A_299 = arith.addi %mul3A_0, %add3A_298 : i32
    %dma_wait3A_300 = arith.constant 0 : i32
    %dma_wait3A_301 = arith.constant 0 : i32
    %dma_wait3A_302 = arith.constant 0 : i32
    %dma_wait3A_303 = tpu.memref_slice %arg9[%dma_wait3A_300, %dma_wait3A_301, %dma_wait3A_302] : memref<3x128x128xbf16, #tpu.memory_space<vmem>> -> memref<1x128x128xbf16, #tpu.memory_space<vmem>>
    %dma_wait3A_304 = tpu.memref_squeeze %dma_wait3A_303 : memref<1x128x128xbf16, #tpu.memory_space<vmem>> -> memref<128x128xbf16, #tpu.memory_space<vmem>>
    %dma_wait3A_305 = arith.constant 0 : i32
    %dma_wait3A_306 = tpu.memref_slice %arg10[%add3A_299, %dma_wait3A_305] : memref<10240x128xbf16, #tpu.memory_space<vmem_shared>> -> memref<128x128xbf16, #tpu.memory_space<vmem_shared>>
    %dma_wait3A_307 = arith.constant 0 : i32
    %dma_wait3A_308 = arith.constant 0 : i32
    %dma_wait3A_309 = tpu.memref_slice %arg9[%dma_wait3A_300, %dma_wait3A_307, %dma_wait3A_308] : memref<3x128x128xbf16, #tpu.memory_space<vmem>> -> memref<1x128x128xbf16, #tpu.memory_space<vmem>>
    %dma_wait3A_310 = tpu.memref_squeeze %dma_wait3A_309 : memref<1x128x128xbf16, #tpu.memory_space<vmem>> -> memref<128x128xbf16, #tpu.memory_space<vmem>>
    %dma_wait3A_311 = arith.constant 0 : i32
    %dma_wait3A_312 = tpu.memref_slice %arg10[%add3A_299, %dma_wait3A_311] : memref<10240x128xbf16, #tpu.memory_space<vmem_shared>> -> memref<128x128xbf16, #tpu.memory_space<vmem_shared>>
    tpu.wait_dma2 semaphore(%arg11 : memref<!tpu.dma_semaphore, #tpu.memory_space<semaphore_mem>>) src(%dma_wait3A_312 : memref<128x128xbf16, #tpu.memory_space<vmem_shared>>) dst(%dma_wait3A_310 : memref<128x128xbf16, #tpu.memory_space<vmem>>)
    %add3A_313 = arith.constant 0 : i32
    %add3A_314 = arith.addi %mul3A_0, %add3A_313 : i32
    %dma_start3A_315 = arith.constant 0 : i32
    %dma_start3A_316 = arith.constant 0 : i32
    %dma_start3A_317 = arith.constant 0 : i32
    %dma_start3A_318 = tpu.memref_slice %arg9[%dma_start3A_315, %dma_start3A_316, %dma_start3A_317] : memref<3x128x128xbf16, #tpu.memory_space<vmem>> -> memref<1x128x128xbf16, #tpu.memory_space<vmem>>
    %dma_start3A_319 = tpu.memref_squeeze %dma_start3A_318 : memref<1x128x128xbf16, #tpu.memory_space<vmem>> -> memref<128x128xbf16, #tpu.memory_space<vmem>>
    %dma_start3A_320 = arith.constant 0 : i32
    %dma_start3A_321 = tpu.memref_slice %arg6[%add3A_314, %arg0, %dma_start3A_320] : memref<10240x2x128xbf16, #tpu.memory_space<hbm>> -> memref<128x1x128xbf16, #tpu.memory_space<hbm>>
    %dma_start3A_322 = tpu.memref_squeeze %dma_start3A_321 : memref<128x1x128xbf16, #tpu.memory_space<hbm>> -> memref<128x128xbf16, #tpu.memory_space<hbm>>
    %dma_start3A_323 = arith.constant 0 : i32
    %dma_start3A_324 = tpu.memref_slice %arg6[%add3A_314, %arg0, %dma_start3A_323] : memref<10240x2x128xbf16, #tpu.memory_space<hbm>> -> memref<128x1x128xbf16, #tpu.memory_space<hbm>>
    %dma_start3A_325 = tpu.memref_squeeze %dma_start3A_324 : memref<128x1x128xbf16, #tpu.memory_space<hbm>> -> memref<128x128xbf16, #tpu.memory_space<hbm>>
    %dma_start3A_326 = arith.constant 0 : i32
    %dma_start3A_327 = arith.constant 0 : i32
    %dma_start3A_328 = tpu.memref_slice %arg9[%dma_start3A_315, %dma_start3A_326, %dma_start3A_327] : memref<3x128x128xbf16, #tpu.memory_space<vmem>> -> memref<1x128x128xbf16, #tpu.memory_space<vmem>>
    %dma_start3A_329 = tpu.memref_squeeze %dma_start3A_328 : memref<1x128x128xbf16, #tpu.memory_space<vmem>> -> memref<128x128xbf16, #tpu.memory_space<vmem>>
    tpu.enqueue_dma source(%dma_start3A_329 : memref<128x128xbf16, #tpu.memory_space<vmem>>) target(%dma_start3A_325 : memref<128x128xbf16, #tpu.memory_space<hbm>>) target_semaphore(%arg12 : memref<!tpu.dma_semaphore, #tpu.memory_space<semaphore_mem>>)
    %add3A_330 = arith.constant 128 : i32
    %add3A_331 = arith.addi %mul3A_0, %add3A_330 : i32
    %dma_start3A_332 = arith.constant 1 : i32
    %dma_start3A_333 = arith.constant 0 : i32
    %dma_start3A_334 = arith.constant 0 : i32
    %dma_start3A_335 = tpu.memref_slice %arg9[%dma_start3A_332, %dma_start3A_333, %dma_start3A_334] : memref<3x128x128xbf16, #tpu.memory_space<vmem>> -> memref<1x128x128xbf16, #tpu.memory_space<vmem>>
    %dma_start3A_336 = tpu.memref_squeeze %dma_start3A_335 : memref<1x128x128xbf16, #tpu.memory_space<vmem>> -> memref<128x128xbf16, #tpu.memory_space<vmem>>
    %dma_start3A_337 = arith.constant 0 : i32
    %dma_start3A_338 = tpu.memref_slice %arg10[%add3A_331, %dma_start3A_337] : memref<10240x128xbf16, #tpu.memory_space<vmem_shared>> -> memref<128x128xbf16, #tpu.memory_space<vmem_shared>>
    %dma_start3A_339 = arith.constant 0 : i32
    %dma_start3A_340 = arith.constant 0 : i32
    %dma_start3A_341 = tpu.memref_slice %arg9[%dma_start3A_332, %dma_start3A_339, %dma_start3A_340] : memref<3x128x128xbf16, #tpu.memory_space<vmem>> -> memref<1x128x128xbf16, #tpu.memory_space<vmem>>
    %dma_start3A_342 = tpu.memref_squeeze %dma_start3A_341 : memref<1x128x128xbf16, #tpu.memory_space<vmem>> -> memref<128x128xbf16, #tpu.memory_space<vmem>>
    %dma_start3A_343 = arith.constant 0 : i32
    %dma_start3A_344 = tpu.memref_slice %arg10[%add3A_331, %dma_start3A_343] : memref<10240x128xbf16, #tpu.memory_space<vmem_shared>> -> memref<128x128xbf16, #tpu.memory_space<vmem_shared>>
    tpu.enqueue_dma source(%dma_start3A_344 : memref<128x128xbf16, #tpu.memory_space<vmem_shared>>) target(%dma_start3A_342 : memref<128x128xbf16, #tpu.memory_space<vmem>>) target_semaphore(%arg11 : memref<!tpu.dma_semaphore, #tpu.memory_space<semaphore_mem>>)
    %add3A_345 = arith.constant 128 : i32
    %add3A_346 = arith.addi %mul3A_0, %add3A_345 : i32
    %dma_wait3A_347 = arith.constant 1 : i32
    %dma_wait3A_348 = arith.constant 0 : i32
    %dma_wait3A_349 = arith.constant 0 : i32
    %dma_wait3A_350 = tpu.memref_slice %arg9[%dma_wait3A_347, %dma_wait3A_348, %dma_wait3A_349] : memref<3x128x128xbf16, #tpu.memory_space<vmem>> -> memref<1x128x128xbf16, #tpu.memory_space<vmem>>
    %dma_wait3A_351 = tpu.memref_squeeze %dma_wait3A_350 : memref<1x128x128xbf16, #tpu.memory_space<vmem>> -> memref<128x128xbf16, #tpu.memory_space<vmem>>
    %dma_wait3A_352 = arith.constant 0 : i32
    %dma_wait3A_353 = tpu.memref_slice %arg10[%add3A_346, %dma_wait3A_352] : memref<10240x128xbf16, #tpu.memory_space<vmem_shared>> -> memref<128x128xbf16, #tpu.memory_space<vmem_shared>>
    %dma_wait3A_354 = arith.constant 0 : i32
    %dma_wait3A_355 = arith.constant 0 : i32
    %dma_wait3A_356 = tpu.memref_slice %arg9[%dma_wait3A_347, %dma_wait3A_354, %dma_wait3A_355] : memref<3x128x128xbf16, #tpu.memory_space<vmem>> -> memref<1x128x128xbf16, #tpu.memory_space<vmem>>
    %dma_wait3A_357 = tpu.memref_squeeze %dma_wait3A_356 : memref<1x128x128xbf16, #tpu.memory_space<vmem>> -> memref<128x128xbf16, #tpu.memory_space<vmem>>
    %dma_wait3A_358 = arith.constant 0 : i32
    %dma_wait3A_359 = tpu.memref_slice %arg10[%add3A_346, %dma_wait3A_358] : memref<10240x128xbf16, #tpu.memory_space<vmem_shared>> -> memref<128x128xbf16, #tpu.memory_space<vmem_shared>>
    tpu.wait_dma2 semaphore(%arg11 : memref<!tpu.dma_semaphore, #tpu.memory_space<semaphore_mem>>) src(%dma_wait3A_359 : memref<128x128xbf16, #tpu.memory_space<vmem_shared>>) dst(%dma_wait3A_357 : memref<128x128xbf16, #tpu.memory_space<vmem>>)
    %add3A_360 = arith.constant 128 : i32
    %add3A_361 = arith.addi %mul3A_0, %add3A_360 : i32
    %dma_start3A_362 = arith.constant 1 : i32
    %dma_start3A_363 = arith.constant 0 : i32
    %dma_start3A_364 = arith.constant 0 : i32
    %dma_start3A_365 = tpu.memref_slice %arg9[%dma_start3A_362, %dma_start3A_363, %dma_start3A_364] : memref<3x128x128xbf16, #tpu.memory_space<vmem>> -> memref<1x128x128xbf16, #tpu.memory_space<vmem>>
    %dma_start3A_366 = tpu.memref_squeeze %dma_start3A_365 : memref<1x128x128xbf16, #tpu.memory_space<vmem>> -> memref<128x128xbf16, #tpu.memory_space<vmem>>
    %dma_start3A_367 = arith.constant 0 : i32
    %dma_start3A_368 = tpu.memref_slice %arg6[%add3A_361, %arg0, %dma_start3A_367] : memref<10240x2x128xbf16, #tpu.memory_space<hbm>> -> memref<128x1x128xbf16, #tpu.memory_space<hbm>>
    %dma_start3A_369 = tpu.memref_squeeze %dma_start3A_368 : memref<128x1x128xbf16, #tpu.memory_space<hbm>> -> memref<128x128xbf16, #tpu.memory_space<hbm>>
    %dma_start3A_370 = arith.constant 0 : i32
    %dma_start3A_371 = tpu.memref_slice %arg6[%add3A_361, %arg0, %dma_start3A_370] : memref<10240x2x128xbf16, #tpu.memory_space<hbm>> -> memref<128x1x128xbf16, #tpu.memory_space<hbm>>
    %dma_start3A_372 = tpu.memref_squeeze %dma_start3A_371 : memref<128x1x128xbf16, #tpu.memory_space<hbm>> -> memref<128x128xbf16, #tpu.memory_space<hbm>>
    %dma_start3A_373 = arith.constant 0 : i32
    %dma_start3A_374 = arith.constant 0 : i32
    %dma_start3A_375 = tpu.memref_slice %arg9[%dma_start3A_362, %dma_start3A_373, %dma_start3A_374] : memref<3x128x128xbf16, #tpu.memory_space<vmem>> -> memref<1x128x128xbf16, #tpu.memory_space<vmem>>
    %dma_start3A_376 = tpu.memref_squeeze %dma_start3A_375 : memref<1x128x128xbf16, #tpu.memory_space<vmem>> -> memref<128x128xbf16, #tpu.memory_space<vmem>>
    tpu.enqueue_dma source(%dma_start3A_376 : memref<128x128xbf16, #tpu.memory_space<vmem>>) target(%dma_start3A_372 : memref<128x128xbf16, #tpu.memory_space<hbm>>) target_semaphore(%arg12 : memref<!tpu.dma_semaphore, #tpu.memory_space<semaphore_mem>>)
    %add3A_377 = arith.constant 256 : i32
    %add3A_378 = arith.addi %mul3A_0, %add3A_377 : i32
    %dma_start3A_379 = arith.constant 2 : i32
    %dma_start3A_380 = arith.constant 0 : i32
    %dma_start3A_381 = arith.constant 0 : i32
    %dma_start3A_382 = tpu.memref_slice %arg9[%dma_start3A_379, %dma_start3A_380, %dma_start3A_381] : memref<3x128x128xbf16, #tpu.memory_space<vmem>> -> memref<1x128x128xbf16, #tpu.memory_space<vmem>>
    %dma_start3A_383 = tpu.memref_squeeze %dma_start3A_382 : memref<1x128x128xbf16, #tpu.memory_space<vmem>> -> memref<128x128xbf16, #tpu.memory_space<vmem>>
    %dma_start3A_384 = arith.constant 0 : i32
    %dma_start3A_385 = tpu.memref_slice %arg10[%add3A_378, %dma_start3A_384] : memref<10240x128xbf16, #tpu.memory_space<vmem_shared>> -> memref<128x128xbf16, #tpu.memory_space<vmem_shared>>
    %dma_start3A_386 = arith.constant 0 : i32
    %dma_start3A_387 = arith.constant 0 : i32
    %dma_start3A_388 = tpu.memref_slice %arg9[%dma_start3A_379, %dma_start3A_386, %dma_start3A_387] : memref<3x128x128xbf16, #tpu.memory_space<vmem>> -> memref<1x128x128xbf16, #tpu.memory_space<vmem>>
    %dma_start3A_389 = tpu.memref_squeeze %dma_start3A_388 : memref<1x128x128xbf16, #tpu.memory_space<vmem>> -> memref<128x128xbf16, #tpu.memory_space<vmem>>
    %dma_start3A_390 = arith.constant 0 : i32
    %dma_start3A_391 = tpu.memref_slice %arg10[%add3A_378, %dma_start3A_390] : memref<10240x128xbf16, #tpu.memory_space<vmem_shared>> -> memref<128x128xbf16, #tpu.memory_space<vmem_shared>>
    tpu.enqueue_dma source(%dma_start3A_391 : memref<128x128xbf16, #tpu.memory_space<vmem_shared>>) target(%dma_start3A_389 : memref<128x128xbf16, #tpu.memory_space<vmem>>) target_semaphore(%arg11 : memref<!tpu.dma_semaphore, #tpu.memory_space<semaphore_mem>>)
    %add3A_392 = arith.constant 256 : i32
    %add3A_393 = arith.addi %mul3A_0, %add3A_392 : i32
    %dma_wait3A_394 = arith.constant 2 : i32
    %dma_wait3A_395 = arith.constant 0 : i32
    %dma_wait3A_396 = arith.constant 0 : i32
    %dma_wait3A_397 = tpu.memref_slice %arg9[%dma_wait3A_394, %dma_wait3A_395, %dma_wait3A_396] : memref<3x128x128xbf16, #tpu.memory_space<vmem>> -> memref<1x128x128xbf16, #tpu.memory_space<vmem>>
    %dma_wait3A_398 = tpu.memref_squeeze %dma_wait3A_397 : memref<1x128x128xbf16, #tpu.memory_space<vmem>> -> memref<128x128xbf16, #tpu.memory_space<vmem>>
    %dma_wait3A_399 = arith.constant 0 : i32
    %dma_wait3A_400 = tpu.memref_slice %arg10[%add3A_393, %dma_wait3A_399] : memref<10240x128xbf16, #tpu.memory_space<vmem_shared>> -> memref<128x128xbf16, #tpu.memory_space<vmem_shared>>
    %dma_wait3A_401 = arith.constant 0 : i32
    %dma_wait3A_402 = arith.constant 0 : i32
    %dma_wait3A_403 = tpu.memref_slice %arg9[%dma_wait3A_394, %dma_wait3A_401, %dma_wait3A_402] : memref<3x128x128xbf16, #tpu.memory_space<vmem>> -> memref<1x128x128xbf16, #tpu.memory_space<vmem>>
    %dma_wait3A_404 = tpu.memref_squeeze %dma_wait3A_403 : memref<1x128x128xbf16, #tpu.memory_space<vmem>> -> memref<128x128xbf16, #tpu.memory_space<vmem>>
    %dma_wait3A_405 = arith.constant 0 : i32
    %dma_wait3A_406 = tpu.memref_slice %arg10[%add3A_393, %dma_wait3A_405] : memref<10240x128xbf16, #tpu.memory_space<vmem_shared>> -> memref<128x128xbf16, #tpu.memory_space<vmem_shared>>
    tpu.wait_dma2 semaphore(%arg11 : memref<!tpu.dma_semaphore, #tpu.memory_space<semaphore_mem>>) src(%dma_wait3A_406 : memref<128x128xbf16, #tpu.memory_space<vmem_shared>>) dst(%dma_wait3A_404 : memref<128x128xbf16, #tpu.memory_space<vmem>>)
    %add3A_407 = arith.constant 256 : i32
    %add3A_408 = arith.addi %mul3A_0, %add3A_407 : i32
    %dma_start3A_409 = arith.constant 2 : i32
    %dma_start3A_410 = arith.constant 0 : i32
    %dma_start3A_411 = arith.constant 0 : i32
    %dma_start3A_412 = tpu.memref_slice %arg9[%dma_start3A_409, %dma_start3A_410, %dma_start3A_411] : memref<3x128x128xbf16, #tpu.memory_space<vmem>> -> memref<1x128x128xbf16, #tpu.memory_space<vmem>>
    %dma_start3A_413 = tpu.memref_squeeze %dma_start3A_412 : memref<1x128x128xbf16, #tpu.memory_space<vmem>> -> memref<128x128xbf16, #tpu.memory_space<vmem>>
    %dma_start3A_414 = arith.constant 0 : i32
    %dma_start3A_415 = tpu.memref_slice %arg6[%add3A_408, %arg0, %dma_start3A_414] : memref<10240x2x128xbf16, #tpu.memory_space<hbm>> -> memref<128x1x128xbf16, #tpu.memory_space<hbm>>
    %dma_start3A_416 = tpu.memref_squeeze %dma_start3A_415 : memref<128x1x128xbf16, #tpu.memory_space<hbm>> -> memref<128x128xbf16, #tpu.memory_space<hbm>>
    %dma_start3A_417 = arith.constant 0 : i32
    %dma_start3A_418 = tpu.memref_slice %arg6[%add3A_408, %arg0, %dma_start3A_417] : memref<10240x2x128xbf16, #tpu.memory_space<hbm>> -> memref<128x1x128xbf16, #tpu.memory_space<hbm>>
    %dma_start3A_419 = tpu.memref_squeeze %dma_start3A_418 : memref<128x1x128xbf16, #tpu.memory_space<hbm>> -> memref<128x128xbf16, #tpu.memory_space<hbm>>
    %dma_start3A_420 = arith.constant 0 : i32
    %dma_start3A_421 = arith.constant 0 : i32
    %dma_start3A_422 = tpu.memref_slice %arg9[%dma_start3A_409, %dma_start3A_420, %dma_start3A_421] : memref<3x128x128xbf16, #tpu.memory_space<vmem>> -> memref<1x128x128xbf16, #tpu.memory_space<vmem>>
    %dma_start3A_423 = tpu.memref_squeeze %dma_start3A_422 : memref<1x128x128xbf16, #tpu.memory_space<vmem>> -> memref<128x128xbf16, #tpu.memory_space<vmem>>
    tpu.enqueue_dma source(%dma_start3A_423 : memref<128x128xbf16, #tpu.memory_space<vmem>>) target(%dma_start3A_419 : memref<128x128xbf16, #tpu.memory_space<hbm>>) target_semaphore(%arg12 : memref<!tpu.dma_semaphore, #tpu.memory_space<semaphore_mem>>)
    %add3A_424 = arith.constant 0 : i32
    %add3A_425 = arith.addi %mul3A_0, %add3A_424 : i32
    %dma_wait3A_426 = arith.constant 0 : i32
    %dma_wait3A_427 = arith.constant 0 : i32
    %dma_wait3A_428 = arith.constant 0 : i32
    %dma_wait3A_429 = tpu.memref_slice %arg9[%dma_wait3A_426, %dma_wait3A_427, %dma_wait3A_428] : memref<3x128x128xbf16, #tpu.memory_space<vmem>> -> memref<1x128x128xbf16, #tpu.memory_space<vmem>>
    %dma_wait3A_430 = tpu.memref_squeeze %dma_wait3A_429 : memref<1x128x128xbf16, #tpu.memory_space<vmem>> -> memref<128x128xbf16, #tpu.memory_space<vmem>>
    %dma_wait3A_431 = arith.constant 0 : i32
    %dma_wait3A_432 = tpu.memref_slice %arg6[%add3A_425, %arg0, %dma_wait3A_431] : memref<10240x2x128xbf16, #tpu.memory_space<hbm>> -> memref<128x1x128xbf16, #tpu.memory_space<hbm>>
    %dma_wait3A_433 = tpu.memref_squeeze %dma_wait3A_432 : memref<128x1x128xbf16, #tpu.memory_space<hbm>> -> memref<128x128xbf16, #tpu.memory_space<hbm>>
    %dma_wait3A_434 = arith.constant 0 : i32
    %dma_wait3A_435 = tpu.memref_slice %arg6[%add3A_425, %arg0, %dma_wait3A_434] : memref<10240x2x128xbf16, #tpu.memory_space<hbm>> -> memref<128x1x128xbf16, #tpu.memory_space<hbm>>
    %dma_wait3A_436 = tpu.memref_squeeze %dma_wait3A_435 : memref<128x1x128xbf16, #tpu.memory_space<hbm>> -> memref<128x128xbf16, #tpu.memory_space<hbm>>
    %dma_wait3A_437 = arith.constant 0 : i32
    %dma_wait3A_438 = arith.constant 0 : i32
    %dma_wait3A_439 = tpu.memref_slice %arg9[%dma_wait3A_426, %dma_wait3A_437, %dma_wait3A_438] : memref<3x128x128xbf16, #tpu.memory_space<vmem>> -> memref<1x128x128xbf16, #tpu.memory_space<vmem>>
    %dma_wait3A_440 = tpu.memref_squeeze %dma_wait3A_439 : memref<1x128x128xbf16, #tpu.memory_space<vmem>> -> memref<128x128xbf16, #tpu.memory_space<vmem>>
    tpu.wait_dma2 semaphore(%arg12 : memref<!tpu.dma_semaphore, #tpu.memory_space<semaphore_mem>>) src(%dma_wait3A_440 : memref<128x128xbf16, #tpu.memory_space<vmem>>) dst(%dma_wait3A_436 : memref<128x128xbf16, #tpu.memory_space<hbm>>)
    %add3A_441 = arith.constant 384 : i32
    %add3A_442 = arith.addi %mul3A_0, %add3A_441 : i32
    %dma_start3A_443 = arith.constant 0 : i32
    %dma_start3A_444 = arith.constant 0 : i32
    %dma_start3A_445 = arith.constant 0 : i32
    %dma_start3A_446 = tpu.memref_slice %arg9[%dma_start3A_443, %dma_start3A_444, %dma_start3A_445] : memref<3x128x128xbf16, #tpu.memory_space<vmem>> -> memref<1x128x128xbf16, #tpu.memory_space<vmem>>
    %dma_start3A_447 = tpu.memref_squeeze %dma_start3A_446 : memref<1x128x128xbf16, #tpu.memory_space<vmem>> -> memref<128x128xbf16, #tpu.memory_space<vmem>>
    %dma_start3A_448 = arith.constant 0 : i32
    %dma_start3A_449 = tpu.memref_slice %arg10[%add3A_442, %dma_start3A_448] : memref<10240x128xbf16, #tpu.memory_space<vmem_shared>> -> memref<128x128xbf16, #tpu.memory_space<vmem_shared>>
    %dma_start3A_450 = arith.constant 0 : i32
    %dma_start3A_451 = arith.constant 0 : i32
    %dma_start3A_452 = tpu.memref_slice %arg9[%dma_start3A_443, %dma_start3A_450, %dma_start3A_451] : memref<3x128x128xbf16, #tpu.memory_space<vmem>> -> memref<1x128x128xbf16, #tpu.memory_space<vmem>>
    %dma_start3A_453 = tpu.memref_squeeze %dma_start3A_452 : memref<1x128x128xbf16, #tpu.memory_space<vmem>> -> memref<128x128xbf16, #tpu.memory_space<vmem>>
    %dma_start3A_454 = arith.constant 0 : i32
    %dma_start3A_455 = tpu.memref_slice %arg10[%add3A_442, %dma_start3A_454] : memref<10240x128xbf16, #tpu.memory_space<vmem_shared>> -> memref<128x128xbf16, #tpu.memory_space<vmem_shared>>
    tpu.enqueue_dma source(%dma_start3A_455 : memref<128x128xbf16, #tpu.memory_space<vmem_shared>>) target(%dma_start3A_453 : memref<128x128xbf16, #tpu.memory_space<vmem>>) target_semaphore(%arg11 : memref<!tpu.dma_semaphore, #tpu.memory_space<semaphore_mem>>)
    %add3A_456 = arith.constant 384 : i32
    %add3A_457 = arith.addi %mul3A_0, %add3A_456 : i32
    %dma_wait3A_458 = arith.constant 0 : i32
    %dma_wait3A_459 = arith.constant 0 : i32
    %dma_wait3A_460 = arith.constant 0 : i32
    %dma_wait3A_461 = tpu.memref_slice %arg9[%dma_wait3A_458, %dma_wait3A_459, %dma_wait3A_460] : memref<3x128x128xbf16, #tpu.memory_space<vmem>> -> memref<1x128x128xbf16, #tpu.memory_space<vmem>>
    %dma_wait3A_462 = tpu.memref_squeeze %dma_wait3A_461 : memref<1x128x128xbf16, #tpu.memory_space<vmem>> -> memref<128x128xbf16, #tpu.memory_space<vmem>>
    %dma_wait3A_463 = arith.constant 0 : i32
    %dma_wait3A_464 = tpu.memref_slice %arg10[%add3A_457, %dma_wait3A_463] : memref<10240x128xbf16, #tpu.memory_space<vmem_shared>> -> memref<128x128xbf16, #tpu.memory_space<vmem_shared>>
    %dma_wait3A_465 = arith.constant 0 : i32
    %dma_wait3A_466 = arith.constant 0 : i32
    %dma_wait3A_467 = tpu.memref_slice %arg9[%dma_wait3A_458, %dma_wait3A_465, %dma_wait3A_466] : memref<3x128x128xbf16, #tpu.memory_space<vmem>> -> memref<1x128x128xbf16, #tpu.memory_space<vmem>>
    %dma_wait3A_468 = tpu.memref_squeeze %dma_wait3A_467 : memref<1x128x128xbf16, #tpu.memory_space<vmem>> -> memref<128x128xbf16, #tpu.memory_space<vmem>>
    %dma_wait3A_469 = arith.constant 0 : i32
    %dma_wait3A_470 = tpu.memref_slice %arg10[%add3A_457, %dma_wait3A_469] : memref<10240x128xbf16, #tpu.memory_space<vmem_shared>> -> memref<128x128xbf16, #tpu.memory_space<vmem_shared>>
    tpu.wait_dma2 semaphore(%arg11 : memref<!tpu.dma_semaphore, #tpu.memory_space<semaphore_mem>>) src(%dma_wait3A_470 : memref<128x128xbf16, #tpu.memory_space<vmem_shared>>) dst(%dma_wait3A_468 : memref<128x128xbf16, #tpu.memory_space<vmem>>)
    %add3A_471 = arith.constant 384 : i32
    %add3A_472 = arith.addi %mul3A_0, %add3A_471 : i32
    %dma_start3A_473 = arith.constant 0 : i32
    %dma_start3A_474 = arith.constant 0 : i32
    %dma_start3A_475 = arith.constant 0 : i32
    %dma_start3A_476 = tpu.memref_slice %arg9[%dma_start3A_473, %dma_start3A_474, %dma_start3A_475] : memref<3x128x128xbf16, #tpu.memory_space<vmem>> -> memref<1x128x128xbf16, #tpu.memory_space<vmem>>
    %dma_start3A_477 = tpu.memref_squeeze %dma_start3A_476 : memref<1x128x128xbf16, #tpu.memory_space<vmem>> -> memref<128x128xbf16, #tpu.memory_space<vmem>>
    %dma_start3A_478 = arith.constant 0 : i32
    %dma_start3A_479 = tpu.memref_slice %arg6[%add3A_472, %arg0, %dma_start3A_478] : memref<10240x2x128xbf16, #tpu.memory_space<hbm>> -> memref<128x1x128xbf16, #tpu.memory_space<hbm>>
    %dma_start3A_480 = tpu.memref_squeeze %dma_start3A_479 : memref<128x1x128xbf16, #tpu.memory_space<hbm>> -> memref<128x128xbf16, #tpu.memory_space<hbm>>
    %dma_start3A_481 = arith.constant 0 : i32
    %dma_start3A_482 = tpu.memref_slice %arg6[%add3A_472, %arg0, %dma_start3A_481] : memref<10240x2x128xbf16, #tpu.memory_space<hbm>> -> memref<128x1x128xbf16, #tpu.memory_space<hbm>>
    %dma_start3A_483 = tpu.memref_squeeze %dma_start3A_482 : memref<128x1x128xbf16, #tpu.memory_space<hbm>> -> memref<128x128xbf16, #tpu.memory_space<hbm>>
    %dma_start3A_484 = arith.constant 0 : i32
    %dma_start3A_485 = arith.constant 0 : i32
    %dma_start3A_486 = tpu.memref_slice %arg9[%dma_start3A_473, %dma_start3A_484, %dma_start3A_485] : memref<3x128x128xbf16, #tpu.memory_space<vmem>> -> memref<1x128x128xbf16, #tpu.memory_space<vmem>>
    %dma_start3A_487 = tpu.memref_squeeze %dma_start3A_486 : memref<1x128x128xbf16, #tpu.memory_space<vmem>> -> memref<128x128xbf16, #tpu.memory_space<vmem>>
    tpu.enqueue_dma source(%dma_start3A_487 : memref<128x128xbf16, #tpu.memory_space<vmem>>) target(%dma_start3A_483 : memref<128x128xbf16, #tpu.memory_space<hbm>>) target_semaphore(%arg12 : memref<!tpu.dma_semaphore, #tpu.memory_space<semaphore_mem>>)
    %add3A_488 = arith.constant 128 : i32
    %add3A_489 = arith.addi %mul3A_0, %add3A_488 : i32
    %dma_wait3A_490 = arith.constant 1 : i32
    %dma_wait3A_491 = arith.constant 0 : i32
    %dma_wait3A_492 = arith.constant 0 : i32
    %dma_wait3A_493 = tpu.memref_slice %arg9[%dma_wait3A_490, %dma_wait3A_491, %dma_wait3A_492] : memref<3x128x128xbf16, #tpu.memory_space<vmem>> -> memref<1x128x128xbf16, #tpu.memory_space<vmem>>
    %dma_wait3A_494 = tpu.memref_squeeze %dma_wait3A_493 : memref<1x128x128xbf16, #tpu.memory_space<vmem>> -> memref<128x128xbf16, #tpu.memory_space<vmem>>
    %dma_wait3A_495 = arith.constant 0 : i32
    %dma_wait3A_496 = tpu.memref_slice %arg6[%add3A_489, %arg0, %dma_wait3A_495] : memref<10240x2x128xbf16, #tpu.memory_space<hbm>> -> memref<128x1x128xbf16, #tpu.memory_space<hbm>>
    %dma_wait3A_497 = tpu.memref_squeeze %dma_wait3A_496 : memref<128x1x128xbf16, #tpu.memory_space<hbm>> -> memref<128x128xbf16, #tpu.memory_space<hbm>>
    %dma_wait3A_498 = arith.constant 0 : i32
    %dma_wait3A_499 = tpu.memref_slice %arg6[%add3A_489, %arg0, %dma_wait3A_498] : memref<10240x2x128xbf16, #tpu.memory_space<hbm>> -> memref<128x1x128xbf16, #tpu.memory_space<hbm>>
    %dma_wait3A_500 = tpu.memref_squeeze %dma_wait3A_499 : memref<128x1x128xbf16, #tpu.memory_space<hbm>> -> memref<128x128xbf16, #tpu.memory_space<hbm>>
    %dma_wait3A_501 = arith.constant 0 : i32
    %dma_wait3A_502 = arith.constant 0 : i32
    %dma_wait3A_503 = tpu.memref_slice %arg9[%dma_wait3A_490, %dma_wait3A_501, %dma_wait3A_502] : memref<3x128x128xbf16, #tpu.memory_space<vmem>> -> memref<1x128x128xbf16, #tpu.memory_space<vmem>>
    %dma_wait3A_504 = tpu.memref_squeeze %dma_wait3A_503 : memref<1x128x128xbf16, #tpu.memory_space<vmem>> -> memref<128x128xbf16, #tpu.memory_space<vmem>>
    tpu.wait_dma2 semaphore(%arg12 : memref<!tpu.dma_semaphore, #tpu.memory_space<semaphore_mem>>) src(%dma_wait3A_504 : memref<128x128xbf16, #tpu.memory_space<vmem>>) dst(%dma_wait3A_500 : memref<128x128xbf16, #tpu.memory_space<hbm>>)
    %add3A_505 = arith.constant 512 : i32
    %add3A_506 = arith.addi %mul3A_0, %add3A_505 : i32
    %dma_start3A_507 = arith.constant 1 : i32
    %dma_start3A_508 = arith.constant 0 : i32
    %dma_start3A_509 = arith.constant 0 : i32
    %dma_start3A_510 = tpu.memref_slice %arg9[%dma_start3A_507, %dma_start3A_508, %dma_start3A_509] : memref<3x128x128xbf16, #tpu.memory_space<vmem>> -> memref<1x128x128xbf16, #tpu.memory_space<vmem>>
    %dma_start3A_511 = tpu.memref_squeeze %dma_start3A_510 : memref<1x128x128xbf16, #tpu.memory_space<vmem>> -> memref<128x128xbf16, #tpu.memory_space<vmem>>
    %dma_start3A_512 = arith.constant 0 : i32
    %dma_start3A_513 = tpu.memref_slice %arg10[%add3A_506, %dma_start3A_512] : memref<10240x128xbf16, #tpu.memory_space<vmem_shared>> -> memref<128x128xbf16, #tpu.memory_space<vmem_shared>>
    %dma_start3A_514 = arith.constant 0 : i32
    %dma_start3A_515 = arith.constant 0 : i32
    %dma_start3A_516 = tpu.memref_slice %arg9[%dma_start3A_507, %dma_start3A_514, %dma_start3A_515] : memref<3x128x128xbf16, #tpu.memory_space<vmem>> -> memref<1x128x128xbf16, #tpu.memory_space<vmem>>
    %dma_start3A_517 = tpu.memref_squeeze %dma_start3A_516 : memref<1x128x128xbf16, #tpu.memory_space<vmem>> -> memref<128x128xbf16, #tpu.memory_space<vmem>>
    %dma_start3A_518 = arith.constant 0 : i32
    %dma_start3A_519 = tpu.memref_slice %arg10[%add3A_506, %dma_start3A_518] : memref<10240x128xbf16, #tpu.memory_space<vmem_shared>> -> memref<128x128xbf16, #tpu.memory_space<vmem_shared>>
    tpu.enqueue_dma source(%dma_start3A_519 : memref<128x128xbf16, #tpu.memory_space<vmem_shared>>) target(%dma_start3A_517 : memref<128x128xbf16, #tpu.memory_space<vmem>>) target_semaphore(%arg11 : memref<!tpu.dma_semaphore, #tpu.memory_space<semaphore_mem>>)
    %add3A_520 = arith.constant 512 : i32
    %add3A_521 = arith.addi %mul3A_0, %add3A_520 : i32
    %dma_wait3A_522 = arith.constant 1 : i32
    %dma_wait3A_523 = arith.constant 0 : i32
    %dma_wait3A_524 = arith.constant 0 : i32
    %dma_wait3A_525 = tpu.memref_slice %arg9[%dma_wait3A_522, %dma_wait3A_523, %dma_wait3A_524] : memref<3x128x128xbf16, #tpu.memory_space<vmem>> -> memref<1x128x128xbf16, #tpu.memory_space<vmem>>
    %dma_wait3A_526 = tpu.memref_squeeze %dma_wait3A_525 : memref<1x128x128xbf16, #tpu.memory_space<vmem>> -> memref<128x128xbf16, #tpu.memory_space<vmem>>
    %dma_wait3A_527 = arith.constant 0 : i32
    %dma_wait3A_528 = tpu.memref_slice %arg10[%add3A_521, %dma_wait3A_527] : memref<10240x128xbf16, #tpu.memory_space<vmem_shared>> -> memref<128x128xbf16, #tpu.memory_space<vmem_shared>>
    %dma_wait3A_529 = arith.constant 0 : i32
    %dma_wait3A_530 = arith.constant 0 : i32
    %dma_wait3A_531 = tpu.memref_slice %arg9[%dma_wait3A_522, %dma_wait3A_529, %dma_wait3A_530] : memref<3x128x128xbf16, #tpu.memory_space<vmem>> -> memref<1x128x128xbf16, #tpu.memory_space<vmem>>
    %dma_wait3A_532 = tpu.memref_squeeze %dma_wait3A_531 : memref<1x128x128xbf16, #tpu.memory_space<vmem>> -> memref<128x128xbf16, #tpu.memory_space<vmem>>
    %dma_wait3A_533 = arith.constant 0 : i32
    %dma_wait3A_534 = tpu.memref_slice %arg10[%add3A_521, %dma_wait3A_533] : memref<10240x128xbf16, #tpu.memory_space<vmem_shared>> -> memref<128x128xbf16, #tpu.memory_space<vmem_shared>>
    tpu.wait_dma2 semaphore(%arg11 : memref<!tpu.dma_semaphore, #tpu.memory_space<semaphore_mem>>) src(%dma_wait3A_534 : memref<128x128xbf16, #tpu.memory_space<vmem_shared>>) dst(%dma_wait3A_532 : memref<128x128xbf16, #tpu.memory_space<vmem>>)
    %add3A_535 = arith.constant 512 : i32
    %add3A_536 = arith.addi %mul3A_0, %add3A_535 : i32
    %dma_start3A_537 = arith.constant 1 : i32
    %dma_start3A_538 = arith.constant 0 : i32
    %dma_start3A_539 = arith.constant 0 : i32
    %dma_start3A_540 = tpu.memref_slice %arg9[%dma_start3A_537, %dma_start3A_538, %dma_start3A_539] : memref<3x128x128xbf16, #tpu.memory_space<vmem>> -> memref<1x128x128xbf16, #tpu.memory_space<vmem>>
    %dma_start3A_541 = tpu.memref_squeeze %dma_start3A_540 : memref<1x128x128xbf16, #tpu.memory_space<vmem>> -> memref<128x128xbf16, #tpu.memory_space<vmem>>
    %dma_start3A_542 = arith.constant 0 : i32
    %dma_start3A_543 = tpu.memref_slice %arg6[%add3A_536, %arg0, %dma_start3A_542] : memref<10240x2x128xbf16, #tpu.memory_space<hbm>> -> memref<128x1x128xbf16, #tpu.memory_space<hbm>>
    %dma_start3A_544 = tpu.memref_squeeze %dma_start3A_543 : memref<128x1x128xbf16, #tpu.memory_space<hbm>> -> memref<128x128xbf16, #tpu.memory_space<hbm>>
    %dma_start3A_545 = arith.constant 0 : i32
    %dma_start3A_546 = tpu.memref_slice %arg6[%add3A_536, %arg0, %dma_start3A_545] : memref<10240x2x128xbf16, #tpu.memory_space<hbm>> -> memref<128x1x128xbf16, #tpu.memory_space<hbm>>
    %dma_start3A_547 = tpu.memref_squeeze %dma_start3A_546 : memref<128x1x128xbf16, #tpu.memory_space<hbm>> -> memref<128x128xbf16, #tpu.memory_space<hbm>>
    %dma_start3A_548 = arith.constant 0 : i32
    %dma_start3A_549 = arith.constant 0 : i32
    %dma_start3A_550 = tpu.memref_slice %arg9[%dma_start3A_537, %dma_start3A_548, %dma_start3A_549] : memref<3x128x128xbf16, #tpu.memory_space<vmem>> -> memref<1x128x128xbf16, #tpu.memory_space<vmem>>
    %dma_start3A_551 = tpu.memref_squeeze %dma_start3A_550 : memref<1x128x128xbf16, #tpu.memory_space<vmem>> -> memref<128x128xbf16, #tpu.memory_space<vmem>>
    tpu.enqueue_dma source(%dma_start3A_551 : memref<128x128xbf16, #tpu.memory_space<vmem>>) target(%dma_start3A_547 : memref<128x128xbf16, #tpu.memory_space<hbm>>) target_semaphore(%arg12 : memref<!tpu.dma_semaphore, #tpu.memory_space<semaphore_mem>>)
    %add3A_552 = arith.constant 256 : i32
    %add3A_553 = arith.addi %mul3A_0, %add3A_552 : i32
    %dma_wait3A_554 = arith.constant 2 : i32
    %dma_wait3A_555 = arith.constant 0 : i32
    %dma_wait3A_556 = arith.constant 0 : i32
    %dma_wait3A_557 = tpu.memref_slice %arg9[%dma_wait3A_554, %dma_wait3A_555, %dma_wait3A_556] : memref<3x128x128xbf16, #tpu.memory_space<vmem>> -> memref<1x128x128xbf16, #tpu.memory_space<vmem>>
    %dma_wait3A_558 = tpu.memref_squeeze %dma_wait3A_557 : memref<1x128x128xbf16, #tpu.memory_space<vmem>> -> memref<128x128xbf16, #tpu.memory_space<vmem>>
    %dma_wait3A_559 = arith.constant 0 : i32
    %dma_wait3A_560 = tpu.memref_slice %arg6[%add3A_553, %arg0, %dma_wait3A_559] : memref<10240x2x128xbf16, #tpu.memory_space<hbm>> -> memref<128x1x128xbf16, #tpu.memory_space<hbm>>
    %dma_wait3A_561 = tpu.memref_squeeze %dma_wait3A_560 : memref<128x1x128xbf16, #tpu.memory_space<hbm>> -> memref<128x128xbf16, #tpu.memory_space<hbm>>
    %dma_wait3A_562 = arith.constant 0 : i32
    %dma_wait3A_563 = tpu.memref_slice %arg6[%add3A_553, %arg0, %dma_wait3A_562] : memref<10240x2x128xbf16, #tpu.memory_space<hbm>> -> memref<128x1x128xbf16, #tpu.memory_space<hbm>>
    %dma_wait3A_564 = tpu.memref_squeeze %dma_wait3A_563 : memref<128x1x128xbf16, #tpu.memory_space<hbm>> -> memref<128x128xbf16, #tpu.memory_space<hbm>>
    %dma_wait3A_565 = arith.constant 0 : i32
    %dma_wait3A_566 = arith.constant 0 : i32
    %dma_wait3A_567 = tpu.memref_slice %arg9[%dma_wait3A_554, %dma_wait3A_565, %dma_wait3A_566] : memref<3x128x128xbf16, #tpu.memory_space<vmem>> -> memref<1x128x128xbf16, #tpu.memory_space<vmem>>
    %dma_wait3A_568 = tpu.memref_squeeze %dma_wait3A_567 : memref<1x128x128xbf16, #tpu.memory_space<vmem>> -> memref<128x128xbf16, #tpu.memory_space<vmem>>
    tpu.wait_dma2 semaphore(%arg12 : memref<!tpu.dma_semaphore, #tpu.memory_space<semaphore_mem>>) src(%dma_wait3A_568 : memref<128x128xbf16, #tpu.memory_space<vmem>>) dst(%dma_wait3A_564 : memref<128x128xbf16, #tpu.memory_space<hbm>>)
    %add3A_569 = arith.constant 384 : i32
    %add3A_570 = arith.addi %mul3A_0, %add3A_569 : i32
    %dma_wait3A_571 = arith.constant 0 : i32
    %dma_wait3A_572 = arith.constant 0 : i32
    %dma_wait3A_573 = arith.constant 0 : i32
    %dma_wait3A_574 = tpu.memref_slice %arg9[%dma_wait3A_571, %dma_wait3A_572, %dma_wait3A_573] : memref<3x128x128xbf16, #tpu.memory_space<vmem>> -> memref<1x128x128xbf16, #tpu.memory_space<vmem>>
    %dma_wait3A_575 = tpu.memref_squeeze %dma_wait3A_574 : memref<1x128x128xbf16, #tpu.memory_space<vmem>> -> memref<128x128xbf16, #tpu.memory_space<vmem>>
    %dma_wait3A_576 = arith.constant 0 : i32
    %dma_wait3A_577 = tpu.memref_slice %arg6[%add3A_570, %arg0, %dma_wait3A_576] : memref<10240x2x128xbf16, #tpu.memory_space<hbm>> -> memref<128x1x128xbf16, #tpu.memory_space<hbm>>
    %dma_wait3A_578 = tpu.memref_squeeze %dma_wait3A_577 : memref<128x1x128xbf16, #tpu.memory_space<hbm>> -> memref<128x128xbf16, #tpu.memory_space<hbm>>
    %dma_wait3A_579 = arith.constant 0 : i32
    %dma_wait3A_580 = tpu.memref_slice %arg6[%add3A_570, %arg0, %dma_wait3A_579] : memref<10240x2x128xbf16, #tpu.memory_space<hbm>> -> memref<128x1x128xbf16, #tpu.memory_space<hbm>>
    %dma_wait3A_581 = tpu.memref_squeeze %dma_wait3A_580 : memref<128x1x128xbf16, #tpu.memory_space<hbm>> -> memref<128x128xbf16, #tpu.memory_space<hbm>>
    %dma_wait3A_582 = arith.constant 0 : i32
    %dma_wait3A_583 = arith.constant 0 : i32
    %dma_wait3A_584 = tpu.memref_slice %arg9[%dma_wait3A_571, %dma_wait3A_582, %dma_wait3A_583] : memref<3x128x128xbf16, #tpu.memory_space<vmem>> -> memref<1x128x128xbf16, #tpu.memory_space<vmem>>
    %dma_wait3A_585 = tpu.memref_squeeze %dma_wait3A_584 : memref<1x128x128xbf16, #tpu.memory_space<vmem>> -> memref<128x128xbf16, #tpu.memory_space<vmem>>
    tpu.wait_dma2 semaphore(%arg12 : memref<!tpu.dma_semaphore, #tpu.memory_space<semaphore_mem>>) src(%dma_wait3A_585 : memref<128x128xbf16, #tpu.memory_space<vmem>>) dst(%dma_wait3A_581 : memref<128x128xbf16, #tpu.memory_space<hbm>>)
    %add3A_586 = arith.constant 512 : i32
    %add3A_587 = arith.addi %mul3A_0, %add3A_586 : i32
    %dma_wait3A_588 = arith.constant 1 : i32
    %dma_wait3A_589 = arith.constant 0 : i32
    %dma_wait3A_590 = arith.constant 0 : i32
    %dma_wait3A_591 = tpu.memref_slice %arg9[%dma_wait3A_588, %dma_wait3A_589, %dma_wait3A_590] : memref<3x128x128xbf16, #tpu.memory_space<vmem>> -> memref<1x128x128xbf16, #tpu.memory_space<vmem>>
    %dma_wait3A_592 = tpu.memref_squeeze %dma_wait3A_591 : memref<1x128x128xbf16, #tpu.memory_space<vmem>> -> memref<128x128xbf16, #tpu.memory_space<vmem>>
    %dma_wait3A_593 = arith.constant 0 : i32
    %dma_wait3A_594 = tpu.memref_slice %arg6[%add3A_587, %arg0, %dma_wait3A_593] : memref<10240x2x128xbf16, #tpu.memory_space<hbm>> -> memref<128x1x128xbf16, #tpu.memory_space<hbm>>
    %dma_wait3A_595 = tpu.memref_squeeze %dma_wait3A_594 : memref<128x1x128xbf16, #tpu.memory_space<hbm>> -> memref<128x128xbf16, #tpu.memory_space<hbm>>
    %dma_wait3A_596 = arith.constant 0 : i32
    %dma_wait3A_597 = tpu.memref_slice %arg6[%add3A_587, %arg0, %dma_wait3A_596] : memref<10240x2x128xbf16, #tpu.memory_space<hbm>> -> memref<128x1x128xbf16, #tpu.memory_space<hbm>>
    %dma_wait3A_598 = tpu.memref_squeeze %dma_wait3A_597 : memref<128x1x128xbf16, #tpu.memory_space<hbm>> -> memref<128x128xbf16, #tpu.memory_space<hbm>>
    %dma_wait3A_599 = arith.constant 0 : i32
    %dma_wait3A_600 = arith.constant 0 : i32
    %dma_wait3A_601 = tpu.memref_slice %arg9[%dma_wait3A_588, %dma_wait3A_599, %dma_wait3A_600] : memref<3x128x128xbf16, #tpu.memory_space<vmem>> -> memref<1x128x128xbf16, #tpu.memory_space<vmem>>
    %dma_wait3A_602 = tpu.memref_squeeze %dma_wait3A_601 : memref<1x128x128xbf16, #tpu.memory_space<vmem>> -> memref<128x128xbf16, #tpu.memory_space<vmem>>
    tpu.wait_dma2 semaphore(%arg12 : memref<!tpu.dma_semaphore, #tpu.memory_space<semaphore_mem>>) src(%dma_wait3A_602 : memref<128x128xbf16, #tpu.memory_space<vmem>>) dst(%dma_wait3A_598 : memref<128x128xbf16, #tpu.memory_space<hbm>>)
    %barrier3A_603 = arith.constant 0 : index
    tpu.barrier barrier_id(%barrier3A_603)
    return
  }
}

module attributes {stable_mosaic.version = 14 : i64} {
  func.func @_tc_in_body(%arg0: i32, %arg1: memref<400x128xf32, #tpu.memory_space<vmem>>, %arg2: memref<128x256xf32, #tpu.memory_space<vmem>>, %arg3: memref<1x256xf32, #tpu.memory_space<vmem>>, %arg4: memref<2x400x16xf32, #tpu.memory_space<vmem>>, %arg5: memref<400x256xbf16, #tpu.memory_space<vmem>>, %arg6: memref<400x1xf32, #tpu.memory_space<vmem>>, %arg7: memref<400x1xf32, #tpu.memory_space<vmem>>) attributes {dimension_semantics = [#tpu.dimension_semantics<arbitrary>], iteration_bounds = array<i64: 25>, scalar_prefetch = 0 : i64, scratch_operands = 0 : i64, tpu.core_type = #tpu.core_type<tc>, window_params = [{transform_indices = @transform_0, window_bounds = array<i64: 400, 128>}, {pipeline_mode = #tpu.pipeline_mode<synchronous>, transform_indices = @transform_1, window_bounds = array<i64: 128, 256>}, {pipeline_mode = #tpu.pipeline_mode<synchronous>, transform_indices = @transform_2, window_bounds = array<i64: 1, 256>}, {transform_indices = @transform_3, window_bounds = array<i64: 2, 400, 16>}, {transform_indices = @transform_4, window_bounds = array<i64: 400, 256>}, {transform_indices = @transform_5, window_bounds = array<i64: 400, 1>}, {transform_indices = @transform_6, window_bounds = array<i64: 400, 1>}]} {
    %get3A = arith.constant 0 : index
    %get3A_0 = arith.constant 0 : index
    %get3A_1 = arith.constant 0 : index
    %get3A_2 = vector.load %arg4[%get3A, %get3A_0, %get3A_1] : memref<2x400x16xf32, #tpu.memory_space<vmem>>, vector<1x400x1xf32>
    %get3A_3 = vector.shape_cast %get3A_2 : vector<1x400x1xf32> to vector<400x1xf32>
    %add3A = arith.constant 1.000000e+00 : f32
    %add3A_4 = vector.broadcast %add3A : f32 to vector<400x1xf32>
    %add3A_5 = arith.addf %get3A_3, %add3A_4 : vector<400x1xf32>
    %get3A_6 = arith.constant 1 : index
    %get3A_7 = arith.constant 0 : index
    %get3A_8 = arith.constant 0 : index
    %get3A_9 = vector.load %arg4[%get3A_6, %get3A_7, %get3A_8] : memref<2x400x16xf32, #tpu.memory_space<vmem>>, vector<1x400x1xf32>
    %get3A_10 = vector.shape_cast %get3A_9 : vector<1x400x1xf32> to vector<400x1xf32>
    %add3A_11 = arith.constant 1.000000e+00 : f32
    %add3A_12 = vector.broadcast %add3A_11 : f32 to vector<400x1xf32>
    %add3A_13 = arith.addf %get3A_10, %add3A_12 : vector<400x1xf32>
    %rsqrt3A = math.rsqrt %add3A_5 : vector<400x1xf32>
    %get3A_14 = arith.constant 0 : index
    %get3A_15 = arith.constant 0 : index
    %get3A_16 = vector.load %arg1[%get3A_14, %get3A_15] : memref<400x128xf32, #tpu.memory_space<vmem>>, vector<400x128xf32>
    %get3A_17 = arith.constant 0 : index
    %get3A_18 = arith.constant 0 : index
    %get3A_19 = vector.load %arg2[%get3A_17, %get3A_18] : memref<128x256xf32, #tpu.memory_space<vmem>>, vector<128x256xf32>
    %dot_general3A = arith.constant dense<0.000000e+00> : vector<400x256xf32>
    %dot_general3A_20 = tpu.matmul %get3A_16, %get3A_19, %dot_general3A {dimension_numbers = #tpu.dot_dimension_numbers<[1], [0], [0], [1], [0, 0, 1, 1], [], []>, transpose_lhs_hint = false} : vector<400x128xf32>, vector<128x256xf32>, vector<400x256xf32> -> vector<400x256xf32>
    %get3A_21 = arith.constant 0 : index
    %get3A_22 = arith.constant 0 : index
    %get3A_23 = vector.load %arg3[%get3A_21, %get3A_22] : memref<1x256xf32, #tpu.memory_space<vmem>>, vector<1x256xf32>
    %add3A_24 = vector.broadcast %get3A_23 : vector<1x256xf32> to vector<400x256xf32>
    %add3A_25 = arith.addf %dot_general3A_20, %add3A_24 : vector<400x256xf32>
    %mul3A = vector.broadcast %rsqrt3A : vector<400x1xf32> to vector<400x256xf32>
    %mul3A_26 = arith.mulf %mul3A, %add3A_25 : vector<400x256xf32>
    %convert_element_type3A = arith.truncf %mul3A_26 : vector<400x256xf32> to vector<400x256xbf16>
    %swap3A = arith.constant 0 : index
    %swap3A_27 = arith.constant 0 : index
    %swap3A_28 = vector.load %arg5[%swap3A, %swap3A_27] : memref<400x256xbf16, #tpu.memory_space<vmem>>, vector<400x256xbf16>
    tpu.vector_store %arg5[%swap3A, %swap3A_27], %convert_element_type3A {strides = array<i32>} : memref<400x256xbf16, #tpu.memory_space<vmem>>, vector<400x256xbf16>,
    %swap3A_29 = arith.constant 0 : index
    %swap3A_30 = arith.constant 0 : index
    %swap3A_31 = vector.load %arg6[%swap3A_29, %swap3A_30] : memref<400x1xf32, #tpu.memory_space<vmem>>, vector<400x1xf32>
    tpu.vector_store %arg6[%swap3A_29, %swap3A_30], %rsqrt3A {strides = array<i32>} : memref<400x1xf32, #tpu.memory_space<vmem>>, vector<400x1xf32>,
    %div3A = arith.divf %rsqrt3A, %add3A_13 : vector<400x1xf32>
    %swap3A_32 = arith.constant 0 : index
    %swap3A_33 = arith.constant 0 : index
    %swap3A_34 = vector.load %arg7[%swap3A_32, %swap3A_33] : memref<400x1xf32, #tpu.memory_space<vmem>>, vector<400x1xf32>
    tpu.vector_store %arg7[%swap3A_32, %swap3A_33], %div3A {strides = array<i32>} : memref<400x1xf32, #tpu.memory_space<vmem>>, vector<400x1xf32>,
    return
  }
  func.func @transform_0(%arg0: i32) -> (i32, i32) {
    %c0_i32 = arith.constant 0 : i32
    %c0_i32_0 = arith.constant 0 : i32
    return %arg0, %c0_i32 : i32, i32
  }
  func.func @transform_1(%arg0: i32) -> (i32, i32) {
    %c0_i32 = arith.constant 0 : i32
    %c0_i32_0 = arith.constant 0 : i32
    %c0_i32_1 = arith.constant 0 : i32
    return %c0_i32, %c0_i32_0 : i32, i32
  }
  func.func @transform_2(%arg0: i32) -> (i32, i32) {
    %c0_i32 = arith.constant 0 : i32
    %c0_i32_0 = arith.constant 0 : i32
    %c0_i32_1 = arith.constant 0 : i32
    return %c0_i32, %c0_i32_0 : i32, i32
  }
  func.func @transform_3(%arg0: i32) -> (i32, i32, i32) {
    %c0_i32 = arith.constant 0 : i32
    %c0_i32_0 = arith.constant 0 : i32
    %c0_i32_1 = arith.constant 0 : i32
    return %c0_i32, %arg0, %c0_i32_0 : i32, i32, i32
  }
  func.func @transform_4(%arg0: i32) -> (i32, i32) {
    %c0_i32 = arith.constant 0 : i32
    %c0_i32_0 = arith.constant 0 : i32
    return %arg0, %c0_i32 : i32, i32
  }
  func.func @transform_5(%arg0: i32) -> (i32, i32) {
    %c0_i32 = arith.constant 0 : i32
    %c0_i32_0 = arith.constant 0 : i32
    return %arg0, %c0_i32 : i32, i32
  }
  func.func @transform_6(%arg0: i32) -> (i32, i32) {
    %c0_i32 = arith.constant 0 : i32
    %c0_i32_0 = arith.constant 0 : i32
    return %arg0, %c0_i32 : i32, i32
  }
}

module attributes {stable_mosaic.version = 14 : i64} {
  func.func @_tc_mid_body(%arg0: i32, %arg1: memref<400x256xbf16, #tpu.memory_space<vmem>>, %arg2: memref<400x256xbf16, #tpu.memory_space<vmem>>, %arg3: memref<400x1xf32, #tpu.memory_space<vmem>>, %arg4: memref<400x1xf32, #tpu.memory_space<vmem>>, %arg5: memref<256x256xf32, #tpu.memory_space<vmem>>, %arg6: memref<1x256xf32, #tpu.memory_space<vmem>>, %arg7: memref<400x256xbf16, #tpu.memory_space<vmem>>) attributes {dimension_semantics = [#tpu.dimension_semantics<arbitrary>], iteration_bounds = array<i64: 25>, scalar_prefetch = 0 : i64, scratch_operands = 0 : i64, tpu.core_type = #tpu.core_type<tc>, window_params = [{transform_indices = @transform_0, window_bounds = array<i64: 400, 256>}, {transform_indices = @transform_1, window_bounds = array<i64: 400, 256>}, {transform_indices = @transform_2, window_bounds = array<i64: 400, 1>}, {transform_indices = @transform_3, window_bounds = array<i64: 400, 1>}, {pipeline_mode = #tpu.pipeline_mode<synchronous>, transform_indices = @transform_4, window_bounds = array<i64: 256, 256>}, {pipeline_mode = #tpu.pipeline_mode<synchronous>, transform_indices = @transform_5, window_bounds = array<i64: 1, 256>}, {transform_indices = @transform_6, window_bounds = array<i64: 400, 256>}]} {
    %get3A = arith.constant 0 : index
    %get3A_0 = arith.constant 0 : index
    %get3A_1 = vector.load %arg1[%get3A, %get3A_0] : memref<400x256xbf16, #tpu.memory_space<vmem>>, vector<400x256xbf16>
    %convert_element_type3A = arith.extf %get3A_1 : vector<400x256xbf16> to vector<400x256xf32>
    %get3A_2 = arith.constant 0 : index
    %get3A_3 = arith.constant 0 : index
    %get3A_4 = vector.load %arg2[%get3A_2, %get3A_3] : memref<400x256xbf16, #tpu.memory_space<vmem>>, vector<400x256xbf16>
    %convert_element_type3A_5 = arith.extf %get3A_4 : vector<400x256xbf16> to vector<400x256xf32>
    %add3A = arith.addf %convert_element_type3A, %convert_element_type3A_5 : vector<400x256xf32>
    %get3A_6 = arith.constant 0 : index
    %get3A_7 = arith.constant 0 : index
    %get3A_8 = vector.load %arg3[%get3A_6, %get3A_7] : memref<400x1xf32, #tpu.memory_space<vmem>>, vector<400x1xf32>
    %mul3A = vector.broadcast %get3A_8 : vector<400x1xf32> to vector<400x256xf32>
    %mul3A_9 = arith.mulf %mul3A, %add3A : vector<400x256xf32>
    %max3A = arith.constant 0.000000e+00 : f32
    %max3A_10 = vector.broadcast %max3A : f32 to vector<400x256xf32>
    %max3A_11 = arith.maximumf %mul3A_9, %max3A_10 : vector<400x256xf32>
    %get3A_12 = arith.constant 0 : index
    %get3A_13 = arith.constant 0 : index
    %get3A_14 = vector.load %arg5[%get3A_12, %get3A_13] : memref<256x256xf32, #tpu.memory_space<vmem>>, vector<256x256xf32>
    %dot_general3A = arith.constant dense<0.000000e+00> : vector<400x256xf32>
    %dot_general3A_15 = tpu.matmul %max3A_11, %get3A_14, %dot_general3A {dimension_numbers = #tpu.dot_dimension_numbers<[1], [0], [0], [1], [0, 0, 1, 1], [], []>, transpose_lhs_hint = false} : vector<400x256xf32>, vector<256x256xf32>, vector<400x256xf32> -> vector<400x256xf32>
    %get3A_16 = arith.constant 0 : index
    %get3A_17 = arith.constant 0 : index
    %get3A_18 = vector.load %arg4[%get3A_16, %get3A_17] : memref<400x1xf32, #tpu.memory_space<vmem>>, vector<400x1xf32>
    %get3A_19 = arith.constant 0 : index
    %get3A_20 = arith.constant 0 : index
    %get3A_21 = vector.load %arg6[%get3A_19, %get3A_20] : memref<1x256xf32, #tpu.memory_space<vmem>>, vector<1x256xf32>
    %add3A_22 = vector.broadcast %get3A_21 : vector<1x256xf32> to vector<400x256xf32>
    %add3A_23 = arith.addf %dot_general3A_15, %add3A_22 : vector<400x256xf32>
    %mul3A_24 = vector.broadcast %get3A_18 : vector<400x1xf32> to vector<400x256xf32>
    %mul3A_25 = arith.mulf %mul3A_24, %add3A_23 : vector<400x256xf32>
    %convert_element_type3A_26 = arith.truncf %mul3A_25 : vector<400x256xf32> to vector<400x256xbf16>
    %swap3A = arith.constant 0 : index
    %swap3A_27 = arith.constant 0 : index
    %swap3A_28 = vector.load %arg7[%swap3A, %swap3A_27] : memref<400x256xbf16, #tpu.memory_space<vmem>>, vector<400x256xbf16>
    tpu.vector_store %arg7[%swap3A, %swap3A_27], %convert_element_type3A_26 {strides = array<i32>} : memref<400x256xbf16, #tpu.memory_space<vmem>>, vector<400x256xbf16>,
    return
  }
  func.func @transform_0(%arg0: i32) -> (i32, i32) {
    %c0_i32 = arith.constant 0 : i32
    %c0_i32_0 = arith.constant 0 : i32
    return %arg0, %c0_i32 : i32, i32
  }
  func.func @transform_1(%arg0: i32) -> (i32, i32) {
    %c0_i32 = arith.constant 0 : i32
    %c0_i32_0 = arith.constant 0 : i32
    return %arg0, %c0_i32 : i32, i32
  }
  func.func @transform_2(%arg0: i32) -> (i32, i32) {
    %c0_i32 = arith.constant 0 : i32
    %c0_i32_0 = arith.constant 0 : i32
    return %arg0, %c0_i32 : i32, i32
  }
  func.func @transform_3(%arg0: i32) -> (i32, i32) {
    %c0_i32 = arith.constant 0 : i32
    %c0_i32_0 = arith.constant 0 : i32
    return %arg0, %c0_i32 : i32, i32
  }
  func.func @transform_4(%arg0: i32) -> (i32, i32) {
    %c0_i32 = arith.constant 0 : i32
    %c0_i32_0 = arith.constant 0 : i32
    %c0_i32_1 = arith.constant 0 : i32
    return %c0_i32, %c0_i32_0 : i32, i32
  }
  func.func @transform_5(%arg0: i32) -> (i32, i32) {
    %c0_i32 = arith.constant 0 : i32
    %c0_i32_0 = arith.constant 0 : i32
    %c0_i32_1 = arith.constant 0 : i32
    return %c0_i32, %c0_i32_0 : i32, i32
  }
  func.func @transform_6(%arg0: i32) -> (i32, i32) {
    %c0_i32 = arith.constant 0 : i32
    %c0_i32_0 = arith.constant 0 : i32
    return %arg0, %c0_i32 : i32, i32
  }
}

module attributes {stable_mosaic.version = 14 : i64} {
  func.func @_tc_fin_body(%arg0: i32, %arg1: memref<400x256xbf16, #tpu.memory_space<vmem>>, %arg2: memref<400x256xbf16, #tpu.memory_space<vmem>>, %arg3: memref<400x1xf32, #tpu.memory_space<vmem>>, %arg4: memref<1x1x400xi32, #tpu.memory_space<vmem>>, %arg5: memref<256x256xf32, #tpu.memory_space<vmem>>, %arg6: memref<1x256xf32, #tpu.memory_space<vmem>>, %arg7: memref<256x64xf32, #tpu.memory_space<vmem>>, %arg8: memref<1x64xf32, #tpu.memory_space<vmem>>, %arg9: memref<64x64xf32, #tpu.memory_space<vmem>>, %arg10: memref<64x256xf32, #tpu.memory_space<vmem>>, %arg11: memref<64x1xf32, #tpu.memory_space<vmem>>) attributes {dimension_semantics = [#tpu.dimension_semantics<arbitrary>], iteration_bounds = array<i64: 25>, scalar_prefetch = 0 : i64, scratch_operands = 2 : i64, tpu.core_type = #tpu.core_type<tc>, window_params = [{transform_indices = @transform_0, window_bounds = array<i64: 400, 256>}, {transform_indices = @transform_1, window_bounds = array<i64: 400, 256>}, {transform_indices = @transform_2, window_bounds = array<i64: 400, 1>}, {transform_indices = @transform_3, window_bounds = array<i64: 1, 1, 400>}, {pipeline_mode = #tpu.pipeline_mode<synchronous>, transform_indices = @transform_4, window_bounds = array<i64: 256, 256>}, {pipeline_mode = #tpu.pipeline_mode<synchronous>, transform_indices = @transform_5, window_bounds = array<i64: 1, 256>}, {pipeline_mode = #tpu.pipeline_mode<synchronous>, transform_indices = @transform_6, window_bounds = array<i64: 256, 64>}, {pipeline_mode = #tpu.pipeline_mode<synchronous>, transform_indices = @transform_7, window_bounds = array<i64: 1, 64>}, {pipeline_mode = #tpu.pipeline_mode<synchronous>, transform_indices = @transform_8, window_bounds = array<i64: 64, 64>}]} {
    %get3A = arith.constant 0 : index
    %get3A_0 = arith.constant 0 : index
    %get3A_1 = vector.load %arg1[%get3A, %get3A_0] : memref<400x256xbf16, #tpu.memory_space<vmem>>, vector<400x256xbf16>
    %convert_element_type3A = arith.extf %get3A_1 : vector<400x256xbf16> to vector<400x256xf32>
    %get3A_2 = arith.constant 0 : index
    %get3A_3 = arith.constant 0 : index
    %get3A_4 = vector.load %arg2[%get3A_2, %get3A_3] : memref<400x256xbf16, #tpu.memory_space<vmem>>, vector<400x256xbf16>
    %convert_element_type3A_5 = arith.extf %get3A_4 : vector<400x256xbf16> to vector<400x256xf32>
    %add3A = arith.addf %convert_element_type3A, %convert_element_type3A_5 : vector<400x256xf32>
    %get3A_6 = arith.constant 0 : index
    %get3A_7 = arith.constant 0 : index
    %get3A_8 = vector.load %arg3[%get3A_6, %get3A_7] : memref<400x1xf32, #tpu.memory_space<vmem>>, vector<400x1xf32>
    %mul3A = vector.broadcast %get3A_8 : vector<400x1xf32> to vector<400x256xf32>
    %mul3A_9 = arith.mulf %mul3A, %add3A : vector<400x256xf32>
    %max3A = arith.constant 0.000000e+00 : f32
    %max3A_10 = vector.broadcast %max3A : f32 to vector<400x256xf32>
    %max3A_11 = arith.maximumf %mul3A_9, %max3A_10 : vector<400x256xf32>
    %get3A_12 = arith.constant 0 : index
    %get3A_13 = arith.constant 0 : index
    %get3A_14 = arith.constant 0 : index
    %get3A_15 = vector.load %arg4[%get3A_12, %get3A_13, %get3A_14] : memref<1x1x400xi32, #tpu.memory_space<vmem>>, vector<1x1x400xi32>
    %get3A_16 = vector.shape_cast %get3A_15 : vector<1x1x400xi32> to vector<1x400xi32>
    %iota3A = tpu.iota {dimensions = array<i32: 0>} : vector<64x400xi32>
    %eq3A = vector.broadcast %get3A_16 : vector<1x400xi32> to vector<64x400xi32>
    %eq3A_17 = arith.cmpi eq, %eq3A, %iota3A : vector<64x400xi32>
    %convert_element_type3A_18 = arith.extui %eq3A_17 : vector<64x400xi1> to vector<64x400xi32>
    %convert_element_type3A_19 = arith.sitofp %convert_element_type3A_18 : vector<64x400xi32> to vector<64x400xf32>
    %eq3A_20 = arith.constant 0 : i32
    %eq3A_21 = arith.cmpi eq, %arg0, %eq3A_20 : i32
    %convert_element_type3A_22 = arith.extui %eq3A_21 : i1 to i32
    %cond3A = arith.constant 0 : i32
    %cond3A_23 = arith.cmpi ne, %convert_element_type3A_22, %cond3A : i32
    scf.if %cond3A_23 {
      %broadcast_in_dim3A_44 = arith.constant 0.000000e+00 : f32
      %broadcast_in_dim3A_45 = vector.broadcast %broadcast_in_dim3A_44 : f32 to vector<64x256xf32>
      %swap3A_46 = arith.constant 0 : index
      %swap3A_47 = arith.constant 0 : index
      %swap3A_48 = vector.load %arg10[%swap3A_46, %swap3A_47] : memref<64x256xf32, #tpu.memory_space<vmem>>, vector<64x256xf32>
      tpu.vector_store %arg10[%swap3A_46, %swap3A_47], %broadcast_in_dim3A_45 {strides = array<i32>} : memref<64x256xf32, #tpu.memory_space<vmem>>, vector<64x256xf32>,
      %broadcast_in_dim3A_49 = arith.constant 0.000000e+00 : f32
      %broadcast_in_dim3A_50 = vector.broadcast %broadcast_in_dim3A_49 : f32 to vector<64x1xf32>
      %swap3A_51 = arith.constant 0 : index
      %swap3A_52 = arith.constant 0 : index
      %swap3A_53 = vector.load %arg11[%swap3A_51, %swap3A_52] : memref<64x1xf32, #tpu.memory_space<vmem>>, vector<64x1xf32>
      tpu.vector_store %arg11[%swap3A_51, %swap3A_52], %broadcast_in_dim3A_50 {strides = array<i32>} : memref<64x1xf32, #tpu.memory_space<vmem>>, vector<64x1xf32>,
    } else {
    }
    %get3A_24 = arith.constant 0 : index
    %get3A_25 = arith.constant 0 : index
    %get3A_26 = vector.load %arg10[%get3A_24, %get3A_25] : memref<64x256xf32, #tpu.memory_space<vmem>>, vector<64x256xf32>
    %dot_general3A = arith.constant dense<0.000000e+00> : vector<64x256xf32>
    %dot_general3A_27 = tpu.matmul %convert_element_type3A_19, %max3A_11, %dot_general3A {dimension_numbers = #tpu.dot_dimension_numbers<[1], [0], [0], [1], [0, 0, 1, 1], [], []>, transpose_lhs_hint = false} : vector<64x400xf32>, vector<400x256xf32>, vector<64x256xf32> -> vector<64x256xf32>
    %add3A_28 = arith.addf %get3A_26, %dot_general3A_27 : vector<64x256xf32>
    %swap3A = arith.constant 0 : index
    %swap3A_29 = arith.constant 0 : index
    %swap3A_30 = vector.load %arg10[%swap3A, %swap3A_29] : memref<64x256xf32, #tpu.memory_space<vmem>>, vector<64x256xf32>
    tpu.vector_store %arg10[%swap3A, %swap3A_29], %add3A_28 {strides = array<i32>} : memref<64x256xf32, #tpu.memory_space<vmem>>, vector<64x256xf32>,
    %get3A_31 = arith.constant 0 : index
    %get3A_32 = arith.constant 0 : index
    %get3A_33 = vector.load %arg11[%get3A_31, %get3A_32] : memref<64x1xf32, #tpu.memory_space<vmem>>, vector<64x1xf32>
    %reduce_sum3A = arith.constant dense<0.000000e+00> : vector<64xf32>
    %reduce_sum3A_34 = vector.multi_reduction <add>, %convert_element_type3A_19, %reduce_sum3A [1] : vector<64x400xf32> to vector<64xf32>
    %broadcast_in_dim3A = vector.shape_cast %reduce_sum3A_34 : vector<64xf32> to vector<64x1xf32>
    %add3A_35 = arith.addf %get3A_33, %broadcast_in_dim3A : vector<64x1xf32>
    %swap3A_36 = arith.constant 0 : index
    %swap3A_37 = arith.constant 0 : index
    %swap3A_38 = vector.load %arg11[%swap3A_36, %swap3A_37] : memref<64x1xf32, #tpu.memory_space<vmem>>, vector<64x1xf32>
    tpu.vector_store %arg11[%swap3A_36, %swap3A_37], %add3A_35 {strides = array<i32>} : memref<64x1xf32, #tpu.memory_space<vmem>>, vector<64x1xf32>,
    %eq3A_39 = arith.constant 24 : i32
    %eq3A_40 = arith.cmpi eq, %arg0, %eq3A_39 : i32
    %convert_element_type3A_41 = arith.extui %eq3A_40 : i1 to i32
    %cond3A_42 = arith.constant 0 : i32
    %cond3A_43 = arith.cmpi ne, %convert_element_type3A_41, %cond3A_42 : i32
    scf.if %cond3A_43 {
      %get3A_44 = arith.constant 0 : index
      %get3A_45 = arith.constant 0 : index
      %get3A_46 = vector.load %arg10[%get3A_44, %get3A_45] : memref<64x256xf32, #tpu.memory_space<vmem>>, vector<64x256xf32>
      %get3A_47 = arith.constant 0 : index
      %get3A_48 = arith.constant 0 : index
      %get3A_49 = vector.load %arg11[%get3A_47, %get3A_48] : memref<64x1xf32, #tpu.memory_space<vmem>>, vector<64x1xf32>
      %max3A_50 = arith.constant 1.000000e+00 : f32
      %max3A_51 = vector.broadcast %max3A_50 : f32 to vector<64x1xf32>
      %max3A_52 = arith.maximumf %get3A_49, %max3A_51 : vector<64x1xf32>
      %div3A = vector.broadcast %max3A_52 : vector<64x1xf32> to vector<64x256xf32>
      %div3A_53 = arith.divf %get3A_46, %div3A : vector<64x256xf32>
      %get3A_54 = arith.constant 0 : index
      %get3A_55 = arith.constant 0 : index
      %get3A_56 = vector.load %arg5[%get3A_54, %get3A_55] : memref<256x256xf32, #tpu.memory_space<vmem>>, vector<256x256xf32>
      %dot_general3A_57 = arith.constant dense<0.000000e+00> : vector<64x256xf32>
      %dot_general3A_58 = tpu.matmul %div3A_53, %get3A_56, %dot_general3A_57 {dimension_numbers = #tpu.dot_dimension_numbers<[1], [0], [0], [1], [0, 0, 1, 1], [], []>, transpose_lhs_hint = false} : vector<64x256xf32>, vector<256x256xf32>, vector<64x256xf32> -> vector<64x256xf32>
      %get3A_59 = arith.constant 0 : index
      %get3A_60 = arith.constant 0 : index
      %get3A_61 = vector.load %arg6[%get3A_59, %get3A_60] : memref<1x256xf32, #tpu.memory_space<vmem>>, vector<1x256xf32>
      %add3A_62 = vector.broadcast %get3A_61 : vector<1x256xf32> to vector<64x256xf32>
      %add3A_63 = arith.addf %dot_general3A_58, %add3A_62 : vector<64x256xf32>
      %max3A_64 = arith.constant 0.000000e+00 : f32
      %max3A_65 = vector.broadcast %max3A_64 : f32 to vector<64x256xf32>
      %max3A_66 = arith.maximumf %add3A_63, %max3A_65 : vector<64x256xf32>
      %get3A_67 = arith.constant 0 : index
      %get3A_68 = arith.constant 0 : index
      %get3A_69 = vector.load %arg7[%get3A_67, %get3A_68] : memref<256x64xf32, #tpu.memory_space<vmem>>, vector<256x64xf32>
      %dot_general3A_70 = arith.constant dense<0.000000e+00> : vector<64x64xf32>
      %dot_general3A_71 = tpu.matmul %max3A_66, %get3A_69, %dot_general3A_70 {dimension_numbers = #tpu.dot_dimension_numbers<[1], [0], [0], [1], [0, 0, 1, 1], [], []>, transpose_lhs_hint = false} : vector<64x256xf32>, vector<256x64xf32>, vector<64x64xf32> -> vector<64x64xf32>
      %get3A_72 = arith.constant 0 : index
      %get3A_73 = arith.constant 0 : index
      %get3A_74 = vector.load %arg8[%get3A_72, %get3A_73] : memref<1x64xf32, #tpu.memory_space<vmem>>, vector<1x64xf32>
      %add3A_75 = vector.broadcast %get3A_74 : vector<1x64xf32> to vector<64x64xf32>
      %add3A_76 = arith.addf %dot_general3A_71, %add3A_75 : vector<64x64xf32>
      %swap3A_77 = arith.constant 0 : index
      %swap3A_78 = arith.constant 0 : index
      %swap3A_79 = vector.load %arg9[%swap3A_77, %swap3A_78] : memref<64x64xf32, #tpu.memory_space<vmem>>, vector<64x64xf32>
      tpu.vector_store %arg9[%swap3A_77, %swap3A_78], %add3A_76 {strides = array<i32>} : memref<64x64xf32, #tpu.memory_space<vmem>>, vector<64x64xf32>,
    } else {
    }
    return
  }
  func.func @transform_0(%arg0: i32) -> (i32, i32) {
    %c0_i32 = arith.constant 0 : i32
    %c0_i32_0 = arith.constant 0 : i32
    return %arg0, %c0_i32 : i32, i32
  }
  func.func @transform_1(%arg0: i32) -> (i32, i32) {
    %c0_i32 = arith.constant 0 : i32
    %c0_i32_0 = arith.constant 0 : i32
    return %arg0, %c0_i32 : i32, i32
  }
  func.func @transform_2(%arg0: i32) -> (i32, i32) {
    %c0_i32 = arith.constant 0 : i32
    %c0_i32_0 = arith.constant 0 : i32
    return %arg0, %c0_i32 : i32, i32
  }
  func.func @transform_3(%arg0: i32) -> (i32, i32, i32) {
    %c0_i32 = arith.constant 0 : i32
    %c0_i32_0 = arith.constant 0 : i32
    %c0_i32_1 = arith.constant 0 : i32
    return %arg0, %c0_i32, %c0_i32_0 : i32, i32, i32
  }
  func.func @transform_4(%arg0: i32) -> (i32, i32) {
    %c0_i32 = arith.constant 0 : i32
    %c0_i32_0 = arith.constant 0 : i32
    %c0_i32_1 = arith.constant 0 : i32
    return %c0_i32, %c0_i32_0 : i32, i32
  }
  func.func @transform_5(%arg0: i32) -> (i32, i32) {
    %c0_i32 = arith.constant 0 : i32
    %c0_i32_0 = arith.constant 0 : i32
    %c0_i32_1 = arith.constant 0 : i32
    return %c0_i32, %c0_i32_0 : i32, i32
  }
  func.func @transform_6(%arg0: i32) -> (i32, i32) {
    %c0_i32 = arith.constant 0 : i32
    %c0_i32_0 = arith.constant 0 : i32
    %c0_i32_1 = arith.constant 0 : i32
    return %c0_i32, %c0_i32_0 : i32, i32
  }
  func.func @transform_7(%arg0: i32) -> (i32, i32) {
    %c0_i32 = arith.constant 0 : i32
    %c0_i32_0 = arith.constant 0 : i32
    %c0_i32_1 = arith.constant 0 : i32
    return %c0_i32, %c0_i32_0 : i32, i32
  }
  func.func @transform_8(%arg0: i32) -> (i32, i32) {
    %c0_i32 = arith.constant 0 : i32
    %c0_i32_0 = arith.constant 0 : i32
    %c0_i32_1 = arith.constant 0 : i32
    return %c0_i32, %c0_i32_0 : i32, i32
  }
}

</mosaic_0001>

<sc_bundles>
// kernel: kernel.10.cloned.1.call-start
scs
__scs_entry_jumppad:
0x0: {  	(pc) =	sbr.rel $0x88, $3  }
0x1: {  	(tag) =	ssettag $0x0;
	lr =	simm.s32 $0x1  }
0x2: {  	[smem:$0x3F94] =	sst lr;
	_ =	strace $0xD0000000  }
0x3: {  	_ = 	snop  }
0x4: {  	_ = 	snop  }
0x5: {  	_ = 	snop  }
0x6: {  	_ = 	snop  }
0x7: {  	_ = 	snop  }
__scs_overlays_trampoline_lowered:
0x8: {  	[smem:$0x3FA3] =	sst s0  }
0x9: {  	[smem:$0x3FA4] =	sst s1  }
0xa: {  	[smem:$0x3FA5] =	sst s2  }
0xb: {  	[smem:$0x3FA6] =	sst s3  }
0xc: {  	[smem:$0x3FA7] =	sst s4  }
0xd: {  	[smem:$0x3FA8] =	sst s5  }
0xe: {  	[smem:$0x3FA9] =	sst s6  }
0xf: {  	[smem:$0x3FAA] =	sst s7  }
0x10: {  	[smem:$0x3FAB] =	sst s8  }
0x11: {  	[smem:$0x3FAC] =	sst s9;
	s0 =	simm.s32 @!p0 $0x0  }
0x12: {  	s1 =	sld [smem:$0x3F92];
	s0 =	simm.s32 @p0 $0x1  }
0x13: {  	[smem:$0x3FAD] =	sst s0;
	s0 =	simm.s32 @!p1 $0x0  }
0x14: {  	s2 =	sld [smem:$0x3F91];
	s0 =	simm.s32 @p1 $0x1  }
0x15: {  	[smem:$0x3FAE] =	sst s0;
	s0 =	simm.s32 @!p2 $0x0  }
0x16: {  	s3 =	sld [smem:$0x3FDB];
	s0 =	simm.s32 @p2 $0x1  }
0x17: {  	s4 =	simm.s32 $0x1BF5;
	[smem:$0x3FB0] =	sst s0  }
0x18: {  	s0 =	sld [smem:$0x3F93];
	_ =	swait.ge [sflag:s4], $0x0  }
0x19: {  	s7 =	sld [smem:$0x3F94]  }
0x1a: {  	s8 =	sadd.s32 $0xFFFFE003, lr  }
0x1b: {  	s9 =	sadd.s32 $0xFFFFFEF7, lr;
	s5 =	simm.s32 $0xFFFFFFFF;
	p2 =	slt.u32 s8, $0xFFFFF086  }
0x1c: {  	p1 =	slt.u32 s9, $0xF7A;
	s5 =	simm.s32 @!p2 $0x0  }
0x1d: {  	s5 =	simm.s32 @p1 $0x1;
	p0 =	seq.s32 s7, s2  }
0x1e: {  	s7 =	smul.u32 @!p0 $0xF7A, s2;
	p2 =	seq.s32 @!p0 s5, $0x0  }
0x1f: {  	s9 =	smul.u32 $0xF7A, s1;
	s8 =	simm.s32 @!p0 $0x1BF5;
	p2 =	por !p2, p0  }
0x20: {  	[sflag:s8] =	ssyncset.s32 @!p0 $0xFFFFF086;
	s6 =	sadd.s32 @!p0 s3, s7;
	s7 =	simm.s32 @!p0 $0x108  }
0x21: {  	s3 =	sadd.s32 s3, s9;
	s6 =	sadd.s32 @!p0 $0x88, s6;
	s7 =	simm.s32 @p2 $0x1082  }
0x22: {  	[simem:s7], [sflag:s8] =	dma.local @!p0 [hbm:s6], $0xF7A  }
0x23: {  	s9 =	sor.u32 $0xD0000000, s2;
	s6 =	simm.s32 $0x108;
	_ =	swait.ge @!p0 [sflag:s8], $0x0  }
0x24: {  	s3 =	sadd.s32 $0x88, s3;
	s6 =	simm.s32 @!p1 $0x1082;
	[sflag:s4] =	ssyncset.s32 $0xFFFFF086  }
0x25: {  	[simem:s6], [sflag:s4] =	dma.local [hbm:s3], $0xF7A  }
0x26: {  	[smem:$0x3F94] =	sst s1;
	(tag) =	ssettag s2;
	_ =	strace s9  }
0x27: {  	s1 =	sld [smem:$0x3FA4]  }
0x28: {  	s2 =	sld [smem:$0x3FA5]  }
0x29: {  	s4 =	sld [smem:$0x3FA7]  }
0x2a: {  	p0 =	seq.s32 s5, $0x0;
	s5 =	sld [smem:$0x3FA8]  }
0x2b: {  	s6 =	sld [smem:$0x3FA9]  }
0x2c: {  	s7 =	sld [smem:$0x3FAA]  }
0x2d: {  	s3 =	simm.s32 $0x108;
	s8 =	sld [smem:$0x3FAB]  }
0x2e: {  	s3 =	simm.s32 @!p0 $0x1082;
	s9 =	sld [smem:$0x3FAC]  }
0x2f: {  	lr =	sadd.s32 s0, s3;
	s0 =	sld [smem:$0x3FA3]  }
0x30: {  	s3 =	sld [smem:$0x3FA6]  }
0x31: {  	[smem:$0x3FAF] =	sst s10  }
0x32: {  	s10 =	sld [smem:$0x3FAD];
	_ =	sdelay $0x3  }
0x33: {  	p0 =	seq.s32 s10, $0x1;
	s10 =	sld [smem:$0x3FAF];
	_ =	sdelay $0x3  }
0x34: {  	[smem:$0x3FAF] =	sst s10  }
0x35: {  	s10 =	sld [smem:$0x3FAE];
	_ =	sdelay $0x3  }
0x36: {  	p1 =	seq.s32 s10, $0x1;
	s10 =	sld [smem:$0x3FAF];
	_ =	sdelay $0x3  }
0x37: {  	[smem:$0x3FAF] =	sst s10  }
0x38: {  	s10 =	sld [smem:$0x3FB0]  }
0x39: {  	_ = 	snop;
	(pc) =	sbr.ind lr, $3  }
0x3a: {  	_ = 	snop  }
0x3b: {  	_ = 	snop  }
0x3c: {  	p2 =	seq.s32 s10, $0x1;
	s10 =	sld [smem:$0x3FAF]  }
0x3d: {  	_ =	shalt  }
0x3e: {  	_ =	shalt  }
0x3f: {  	_ =	shalt  }
0x40: {  	_ =	shalt  }
0x41: {  	_ =	shalt  }
0x42: {  	_ =	shalt  }
0x43: {  	_ =	shalt  }
0x44: {  	_ =	shalt  }
0x45: {  	_ =	shalt  }
0x46: {  	_ =	shalt  }
0x47: {  	_ =	shalt  }
0x48: {  	_ =	shalt  }
0x49: {  	_ =	shalt  }
0x4a: {  	_ =	shalt  }
0x4b: {  	_ =	shalt  }
0x4c: {  	_ =	shalt  }
0x4d: {  	_ =	shalt  }
0x4e: {  	_ =	shalt  }
0x4f: {  	_ =	shalt  }
0x50: {  	_ =	shalt  }
0x51: {  	_ =	shalt  }
0x52: {  	_ =	shalt  }
0x53: {  	_ =	shalt  }
0x54: {  	_ =	shalt  }
0x55: {  	_ =	shalt  }
0x56: {  	_ =	shalt  }
0x57: {  	_ =	shalt  }
0x58: {  	_ =	shalt  }
0x59: {  	_ =	shalt  }
0x5a: {  	_ =	shalt  }
0x5b: {  	_ =	shalt  }
0x5c: {  	_ =	shalt  }
0x5d: {  	_ =	shalt  }
0x5e: {  	_ =	shalt  }
0x5f: {  	_ =	shalt  }
0x60: {  	_ =	shalt  }
0x61: {  	_ =	shalt  }
0x62: {  	_ =	shalt  }
0x63: {  	_ =	shalt  }
0x64: {  	_ =	shalt  }
0x65: {  	_ =	shalt  }
0x66: {  	_ =	shalt  }
0x67: {  	_ =	shalt  }
0x68: {  	_ =	shalt  }
0x69: {  	_ =	shalt  }
0x6a: {  	_ =	shalt  }
0x6b: {  	_ =	shalt  }
0x6c: {  	_ =	shalt  }
0x6d: {  	_ =	shalt  }
0x6e: {  	_ =	shalt  }
0x6f: {  	_ =	shalt  }
0x70: {  	_ =	shalt  }
0x71: {  	_ =	shalt  }
0x72: {  	_ =	shalt  }
0x73: {  	_ =	shalt  }
0x74: {  	_ =	shalt  }
0x75: {  	_ =	shalt  }
0x76: {  	_ =	shalt  }
0x77: {  	_ =	shalt  }
0x78: {  	_ =	shalt  }
0x79: {  	_ =	shalt  }
0x7a: {  	_ =	shalt  }
0x7b: {  	_ =	shalt  }
0x7c: {  	_ =	shalt  }
0x7d: {  	_ =	shalt  }
0x7e: {  	_ =	shalt  }
0x7f: {  	_ =	shalt  }
0x80: {  	_ =	shalt  }
0x81: {  	_ =	shalt  }
0x82: {  	_ =	shalt  }
0x83: {  	_ =	shalt  }
0x84: {  	_ =	shalt  }
0x85: {  	_ =	shalt  }
0x86: {  	_ =	shalt  }
0x87: {  	_ =	shalt  }
.Lfunc_end0:
.L_simem_size_0:
called_computation_lowered:
.L_overlay_start_0:
0x88: {  	s2 =	sld [smem:$0x3FD9]  }
0x89: {  	s3 =	sld [smem:$0x3FFE];
	_ =	sdelay $0x1  }
0x8a: {  	s1 =	srdreg.scid  }
0x8b: {  	s0 =	sand.u32 $0x1, s1  }
0x8c: {  	s16 =	sshll.u32 s0, $0xA;
	s2 =	sadd.s32 s3, s2  }
0x8d: {  	s2 =	sadd.s32 s2, s16  }
0x8e: {  	[smem:$0x3FBB] =	sst s2  }
0x8f: {  	_ = 	snop  }
0x90: {  	(tm) =	ssettm $0x1  }
0x91: {  	s17 =	sld [smem:$0x3FFB];
	_ =	sdelay $0x3  }
0x92: {  	_ =	strace s17  }
0x93: {  	s2 =	sld [smem:$0x3FFC];
	_ =	sdelay $0x3  }
0x94: {  	_ =	strace s2  }
0x95: {  	s2 =	sld [smem:$0x3FFD];
	_ =	sdelay $0x3  }
0x96: {  	_ =	strace s2  }
0x97: {  	_ =	strace $0x8FFFFFFF  }
0x98: {  	s18 =	sld [smem:$0x3FDB];
	_ =	sdelay $0x1  }
0x99: {  	s19 =	simm.s32 $_scs_section_size  }
0x9a: {  	s4 =	simm.s32 $_size__tile_overlayer_lowered;
	s5 =	simm.s32 $_tile_overlayer_lowered  }
0x9b: {  	s22 =	simm.s32 $0x1BFF;
	s21 =	sshll.u32 s5, $0x1;
	s2 =	sadd.s32 s19, s18  }
0x9c: {  	s6 =	simm.s32 $0x0;
	s20 =	sshll.u32 s4, $0x1;
	s4 =	sadd.s32 s21, s2  }
0x9d: {  	[timem:s6], [sflag:s22] =	dma.local [hbm:s4], s20  }
0x9e: {  	_ =	swait.ge [sflag:s22], s20  }
0x9f: {  	s3 =	ssub.s32 $0x0, s20;
	[sflag:s22] =	ssyncset.done $0x0  }
0xa0: {  	[sflag:s22] =	ssyncadd.s32 s3;
	_ =	sdelay $0x1  }
0xa1: {  	s23 =	simm.s32 $0x1B8B  }
0xa2: {  	_ =	swait.ge [sflag:s23], $0x1  }
0xa3: {  	[sflag:s23] =	ssyncset.done $0x0  }
0xa4: {  	s25 =	simm.s32 $0x1B8E;
	s24 =	sld [smem:$0x3FFE];
	[sflag:s23] =	ssyncadd.s32 $0xFFFFFFFF  }
0xa5: {  	s26 =	simm.s32 $execute0_lowered;
	[smem:$0x3FD2] =	sst s25  }
0xa6: {  	s4 =	sshll.u32 s26, $0x1;
	_ =	strace $0x80000046;
	[dreg:$0x1] =	wrdreg $0xFFFFFFFF  }
0xa7: {  	s28 =	simm.s32 $_size_execute0_lowered;
	s2 =	sadd.s32 s2, s4;
	[dreg:$0x0] =	wrdreg $0x0  }
0xa8: {  	s4 =	sshll.u32 s28, $0x1;
	[dreg:$0x2] =	wrdreg s2  }
0xa9: {  	[dreg:$0x3] =	wrdreg s4  }
0xaa: {  	[dreg:$0x4] =	wrdreg $0xC0  }
0xab: {  	_ =	task [dreg:s6], $0x5FFFF  }
0xac: {  	[dreg:$0x1] =	wrdreg $0xFFFFFFFF  }
0xad: {  	[dreg:$0x0] =	wrdreg $0x60  }
0xae: {  	[dreg:$0x2] =	wrdreg s24  }
0xaf: {  	[dreg:$0x3] =	wrdreg $0x7E800  }
0xb0: {  	[dreg:$0x4] =	wrdreg $0x9  }
0xb1: {  	_ =	task.clear_ibuf [dreg:s6], $0x5FFFF;
	_ =	strace $0x90000046  }
0xb2: {  	s29 =	simm.s32 $0x9;
	_ =	strace $0x80000048  }
0xb3: {  	_ =	swait.ge [sflag:s29], $0x1  }
0xb4: {  	[sflag:s29] =	ssyncadd.s32 $0xFFFFFFFF  }
0xb5: {  	_ =	strace $0x90000048  }
0xb6: {  	_ =	sfence  }
0xb7: {  	s30 =	sld [smem:$0x0];
	_ =	sdelay $0x2  }
0xb8: {  	s31 =	sshll.u32 s1, $0xD;
	s1 =	sshrl.u32 s1, $0x2  }
0xb9: {  	s3 =	sand.u32 $0x4000, s31;
	s1 =	sadd.s32 s1, s30  }
0xba: {  	s0 =	sor.u32 s3, s0;
	s1 =	sshll.u32 s1, $0x11  }
0xbb: {  	s0 =	sor.u32 s1, s0  }
0xbc: {  	s0 =	sadd.s32 $0x8F2B, s0  }
0xbd: {  	[sflag:s0] =	ssyncadd.remote.s32 $0x1  }
0xbe: {  	_ =	sfence.sel $0xFFFF  }
0xbf: {  	[dreg:$0x0] =	wrdreg $0xFFFFFFFF;
	(pc) =	sbr.abs _section_cstart, $3  }
0xc0: {  	[dreg:$0x1] =	wrdreg $0xFFFFFFFF  }
0xc1: {  	_ =	task.clear_ibuf [dreg:s6], $0x2FFFF;
	_ =	strace $0x9FFFFFFF  }
0xc2: {  	(tm) =	ssettm $0x7FFFFFFF  }
0xc3: {  	_ =	shalt  }
tec
execute0_lowered:
.L_overlay_start_1:
0x0: {  	(tag) =	ssettag $0x1  }
0x1: {  	s4 =	rddreg [dreg:$0x0]  }
0x2: {  	s0 =	srdreg.scid;
	s2 =	stileid.u32  }
0x3: {  	s1 =	rddreg [dreg:$0x1];
	s5 =	sand.u32 $0x1, s0;
	s8 =	smul.u32 $0x2800, s2  }
0x4: {  	s3 =	simm.s32 $0x0;
	s0 =	rddreg [dreg:$0x2];
	s6 =	smul.u32 $0x9D00, s5  }
0x5: {  	[smem:$0x7FF] =	sst s3;
	s7 =	smul.u32 $0x5000, s5;
	s5 =	ssub.s32 $0x2, s5  }
0x6: {  	s10 =	smul.u32 $0x9D0, s2;
	_ =	strace $0x80000047;
	s9 =	sshrl.u32 s5, $0x1  }
0x7: {  	s12 =	sshrl.u32 s8, $0x3;
	s6 =	sadd.s32 s6, s4;
	s7 =	sadd.s32 s7, s4  }
0x8: {  	s5 =	ssub.s32 s5, s9;
	s4 =	sadd.s32 s8, s1;
	s9 =	simm.s32 $0x80  }
0x9: {  	s31 =	sadd.s32 $0xCA00, s6;
	s11 =	sadd.s32 $0x20400, s7;
	s5 =	smax.u32 s5, $0x1  }
0xa: {  	s6 =	simm.s32 $0x5680;
	s7 =	simm.s32 $0x1;
	s8 =	sadd.s32 s10, s31  }
0xb: {  	v0 =	vimm.f32 $1.000000000e+00;
	v1 =	vimm.f32 $0.0e+00;
	s10 =	simm.s32 $0x4E80;
	s11 =	sadd.s32 s12, s11;
	s12 =	simm.s32 $0x0  }
.LBB2_1:
0xc: {  	s13 =	simm.s32 $0x0  }
.LBB2_2:
0xd: {  	p0 =	sne.s32 s13, $0x1FC0  }
.Ltmp0:
0xe: {  	_ = 	snop;
	(pc) =	sbr.rel @p0 .LBB2_2-.Ltmp0, $3  }
0xf: {  	_ =	sdelay $0x1  }
0x10: {  	s14 =	sshra.s32 s13, $0x2  }
0x11: {  	s13 =	sadd.s32 $0x40, s13;
	[tilespmem:s14+$0x4E80] =	vst v0  }
0x12: {  	s13 =	simm.s32 $0x40;
	s14 =	simm.s32 $0x0  }
.LBB2_4:
0x13: {  	p0 =	sne.s32 s13, $0x9FC0;
	[tilespmem:s14+$0x5680] =	vst v1;
	s14 =	smov.u32 s13;
	s13 =	sadd.s32 $0x40, s13  }
.Ltmp1:
0x14: {  	(pc) =	sbr.rel @p0 .LBB2_4-.Ltmp1, $2  }
0x15: {  	_ =	sdelay $0x2  }
0x16: {  	s14 =	sshra.s32 s14, $0x2  }
0x17: {  	[tilespmem:s14+$0x5680] =	vst v1  }
0x18: {  	[spmem:s4] =	stream.linear.scatter [tilespmem:s6], [sflag:$0x1], $0x2800, $0x38;
	[tilespmem:$0xA680] =	vst v63  }
0x19: {  	_ =	swait.ge [sflag:s7], $0x2800  }
0x1a: {  	[sflag:s7] =	ssyncset.done $0x0  }
0x1b: {  	[sflag:s7] =	ssyncadd.s32 $0xFFFFD800  }
0x1c: {  	s13 =	simm.s32 $0x0;
	[bflag:$0x0] =	sbarrier.arrive $0xFFFF  }
0x1d: {  	[tilespmem:s13], [sflag:$0x1] =	stream.linear.gather [hbm4b:s8+s13], $0x4E80, $0x38;
	[tilespmem:$0xA680] =	vst v63  }
0x1e: {  	_ =	swait.ge [sflag:s7], $0x4E80  }
0x1f: {  	[sflag:s7] =	ssyncset.done $0x0  }
0x20: {  	s31 =	simm.s32 $0x0;
	[sflag:s7] =	ssyncadd.s32 $0xFFFFB180  }
0x21: {  	[spmem:s1] =	stream.indirect.scatter.add.f32 [tilespmem:s10], [sflag:$0x1], $0x10, s31, s9, $0xb8;
	[tilespmem:$0xA680] =	vst v63  }
0x22: {  	_ =	swait.ge [sflag:s7], $0x800  }
0x23: {  	s13 =	simm.s32 $0x200;
	[sflag:s7] =	ssyncset.done $0x0  }
.LBB2_6:
0x24: {  	s14 =	sshra.s32 s13, $0x2;
	[sflag:s7] =	ssyncadd.s32 $0xFFFFF800;
	p0 =	sne.s32 s13, $0x13800  }
0x25: {  	[spmem:s1] =	stream.indirect.scatter.add.f32 [tilespmem:s10], [sflag:$0x1], $0x10, s14, s9, $0xb8;
	[tilespmem:$0xA680] =	vst v63  }
.Ltmp2:
0x26: {  	_ = 	snop;
	(pc) =	sbr.rel @p0 .LBB2_6-.Ltmp2, $4  }
0x27: {  	_ = 	snop  }
0x28: {  	s13 =	sadd.s32 $0x200, s13  }
0x29: {  	_ =	swait.ge [sflag:s7], $0x800  }
0x2a: {  	[sflag:s7] =	ssyncset.done $0x0  }
0x2b: {  	[sflag:s7] =	ssyncadd.s32 $0xFFFFF800  }
0x2c: {  	[bflag:$0x0] =	sbarrier.arrive $0xFFFF  }
0x2d: {  	[tilespmem:s6], [sflag:$0x1] =	stream.linear.gather [spmem:s4], $0x2800, $0x38;
	[tilespmem:$0xA680] =	vst v63  }
0x2e: {  	s12 =	sadd.s32 $0x1, s12;
	_ =	swait.ge [sflag:s7], $0x2800  }
0x2f: {  	p0 =	sne.s32 s12, s5;
	[sflag:s7] =	ssyncset.done $0x0  }
.Ltmp3:
0x30: {  	[sflag:s7] =	ssyncadd.s32 $0xFFFFD800;
	(pc) =	sbr.rel @p0 .LBB2_1-.Ltmp3, $4  }
0x31: {  	[hbm4b:s11+s3] =	stream.linear.scatter [tilespmem:s6], [sflag:$0x1], $0x2800, $0x38;
	[tilespmem:$0xA680] =	vst v63  }
0x32: {  	_ =	swait.ge [sflag:s7], $0x2800  }
0x33: {  	[sflag:s7] =	ssyncset.done $0x0  }
0x34: {  	[sflag:s7] =	ssyncadd.s32 $0xFFFFD800  }
0x35: {  	_ =	sfence.sel $0x180000  }
0x36: {  	[bflag:$0x0] =	sbarrier.arrive $0xFFFF  }
0x37: {  	p0 =	sne.s32 s2, $0x0;
	_ =	strace $0x90000047  }
0x38: {  	s0 =	sadd.s32 @!p0 $0x100000, s0;
	[bflag:$0x2] =	sbarrier.arrive $0xFFFF  }
0x39: {  	[sflag:s0] =	ssyncadd.tile.s32 @!p0 $0x1;
	_ =	shalt  }
.Lfunc_end2:
_tile_overlayer_lowered:
.L_overlay_start_2:
0x3a: {  	(tag) =	ssettag $0x2  }
0x3b: {  	s0 =	rddreg [dreg:$0x0];
	s2 =	stileid.u32  }
0x3c: {  	s1 =	rddreg [dreg:$0x1];
	p0 =	sne.s32 s2, $0x0  }
0x3d: {  	s3 =	rddreg [dreg:$0x2];
	[bflag:$0x3] =	sbarrier.arrive $0xFFFF;
	s2 =	simm.s32 @!p0 $0x1C01  }
0x3e: {  	[timem:s3], [sflag:s2] =	dma.local @!p0 [hbm:s0], s1  }
0x3f: {  	s0 =	simm.s32 @!p0 $0x1  }
0x40: {  	_ =	swait.ge @!p0 [sflag:s0], s1  }
0x41: {  	s1 =	ssub.s32 @!p0 $0x0, s1;
	[sflag:s0] =	ssyncset.done @!p0 $0x0  }
0x42: {  	[sflag:s0] =	ssyncadd.s32 @!p0 s1  }
0x43: {  	[bflag:$0x3] =	sbarrier.arrive $0xFFFF  }
0x44: {  	_ =	shalt  }

// kernel: kernel.13.cloned.1.call-start
scs
__scs_entry_jumppad:
0x0: {  	(pc) =	sbr.rel $0x88, $3  }
0x1: {  	(tag) =	ssettag $0x0;
	lr =	simm.s32 $0x1  }
0x2: {  	[smem:$0x3F94] =	sst lr;
	_ =	strace $0xD0000000  }
0x3: {  	_ = 	snop  }
0x4: {  	_ = 	snop  }
0x5: {  	_ = 	snop  }
0x6: {  	_ = 	snop  }
0x7: {  	_ = 	snop  }
__scs_overlays_trampoline_lowered:
0x8: {  	[smem:$0x3FA3] =	sst s0  }
0x9: {  	[smem:$0x3FA4] =	sst s1  }
0xa: {  	[smem:$0x3FA5] =	sst s2  }
0xb: {  	[smem:$0x3FA6] =	sst s3  }
0xc: {  	[smem:$0x3FA7] =	sst s4  }
0xd: {  	[smem:$0x3FA8] =	sst s5  }
0xe: {  	[smem:$0x3FA9] =	sst s6  }
0xf: {  	[smem:$0x3FAA] =	sst s7  }
0x10: {  	[smem:$0x3FAB] =	sst s8  }
0x11: {  	[smem:$0x3FAC] =	sst s9;
	s0 =	simm.s32 @!p0 $0x0  }
0x12: {  	s1 =	sld [smem:$0x3F92];
	s0 =	simm.s32 @p0 $0x1  }
0x13: {  	[smem:$0x3FAD] =	sst s0;
	s0 =	simm.s32 @!p1 $0x0  }
0x14: {  	s2 =	sld [smem:$0x3F91];
	s0 =	simm.s32 @p1 $0x1  }
0x15: {  	[smem:$0x3FAE] =	sst s0;
	s0 =	simm.s32 @!p2 $0x0  }
0x16: {  	s3 =	sld [smem:$0x3FDB];
	s0 =	simm.s32 @p2 $0x1  }
0x17: {  	s4 =	simm.s32 $0x1BF5;
	[smem:$0x3FB0] =	sst s0  }
0x18: {  	s0 =	sld [smem:$0x3F93];
	_ =	swait.ge [sflag:s4], $0x0  }
0x19: {  	s7 =	sld [smem:$0x3F94]  }
0x1a: {  	s8 =	sadd.s32 $0xFFFFE003, lr  }
0x1b: {  	s9 =	sadd.s32 $0xFFFFFEF7, lr;
	s5 =	simm.s32 $0xFFFFFFFF;
	p2 =	slt.u32 s8, $0xFFFFF086  }
0x1c: {  	p1 =	slt.u32 s9, $0xF7A;
	s5 =	simm.s32 @!p2 $0x0  }
0x1d: {  	s5 =	simm.s32 @p1 $0x1;
	p0 =	seq.s32 s7, s2  }
0x1e: {  	s7 =	smul.u32 @!p0 $0xF7A, s2;
	p2 =	seq.s32 @!p0 s5, $0x0  }
0x1f: {  	s9 =	smul.u32 $0xF7A, s1;
	s8 =	simm.s32 @!p0 $0x1BF5;
	p2 =	por !p2, p0  }
0x20: {  	[sflag:s8] =	ssyncset.s32 @!p0 $0xFFFFF086;
	s6 =	sadd.s32 @!p0 s3, s7;
	s7 =	simm.s32 @!p0 $0x108  }
0x21: {  	s3 =	sadd.s32 s3, s9;
	s6 =	sadd.s32 @!p0 $0x88, s6;
	s7 =	simm.s32 @p2 $0x1082  }
0x22: {  	[simem:s7], [sflag:s8] =	dma.local @!p0 [hbm:s6], $0xF7A  }
0x23: {  	s9 =	sor.u32 $0xD0000000, s2;
	s6 =	simm.s32 $0x108;
	_ =	swait.ge @!p0 [sflag:s8], $0x0  }
0x24: {  	s3 =	sadd.s32 $0x88, s3;
	s6 =	simm.s32 @!p1 $0x1082;
	[sflag:s4] =	ssyncset.s32 $0xFFFFF086  }
0x25: {  	[simem:s6], [sflag:s4] =	dma.local [hbm:s3], $0xF7A  }
0x26: {  	[smem:$0x3F94] =	sst s1;
	(tag) =	ssettag s2;
	_ =	strace s9  }
0x27: {  	s1 =	sld [smem:$0x3FA4]  }
0x28: {  	s2 =	sld [smem:$0x3FA5]  }
0x29: {  	s4 =	sld [smem:$0x3FA7]  }
0x2a: {  	p0 =	seq.s32 s5, $0x0;
	s5 =	sld [smem:$0x3FA8]  }
0x2b: {  	s6 =	sld [smem:$0x3FA9]  }
0x2c: {  	s7 =	sld [smem:$0x3FAA]  }
0x2d: {  	s3 =	simm.s32 $0x108;
	s8 =	sld [smem:$0x3FAB]  }
0x2e: {  	s3 =	simm.s32 @!p0 $0x1082;
	s9 =	sld [smem:$0x3FAC]  }
0x2f: {  	lr =	sadd.s32 s0, s3;
	s0 =	sld [smem:$0x3FA3]  }
0x30: {  	s3 =	sld [smem:$0x3FA6]  }
0x31: {  	[smem:$0x3FAF] =	sst s10  }
0x32: {  	s10 =	sld [smem:$0x3FAD];
	_ =	sdelay $0x3  }
0x33: {  	p0 =	seq.s32 s10, $0x1;
	s10 =	sld [smem:$0x3FAF];
	_ =	sdelay $0x3  }
0x34: {  	[smem:$0x3FAF] =	sst s10  }
0x35: {  	s10 =	sld [smem:$0x3FAE];
	_ =	sdelay $0x3  }
0x36: {  	p1 =	seq.s32 s10, $0x1;
	s10 =	sld [smem:$0x3FAF];
	_ =	sdelay $0x3  }
0x37: {  	[smem:$0x3FAF] =	sst s10  }
0x38: {  	s10 =	sld [smem:$0x3FB0]  }
0x39: {  	_ = 	snop;
	(pc) =	sbr.ind lr, $3  }
0x3a: {  	_ = 	snop  }
0x3b: {  	_ = 	snop  }
0x3c: {  	p2 =	seq.s32 s10, $0x1;
	s10 =	sld [smem:$0x3FAF]  }
0x3d: {  	_ =	shalt  }
0x3e: {  	_ =	shalt  }
0x3f: {  	_ =	shalt  }
0x40: {  	_ =	shalt  }
0x41: {  	_ =	shalt  }
0x42: {  	_ =	shalt  }
0x43: {  	_ =	shalt  }
0x44: {  	_ =	shalt  }
0x45: {  	_ =	shalt  }
0x46: {  	_ =	shalt  }
0x47: {  	_ =	shalt  }
0x48: {  	_ =	shalt  }
0x49: {  	_ =	shalt  }
0x4a: {  	_ =	shalt  }
0x4b: {  	_ =	shalt  }
0x4c: {  	_ =	shalt  }
0x4d: {  	_ =	shalt  }
0x4e: {  	_ =	shalt  }
0x4f: {  	_ =	shalt  }
0x50: {  	_ =	shalt  }
0x51: {  	_ =	shalt  }
0x52: {  	_ =	shalt  }
0x53: {  	_ =	shalt  }
0x54: {  	_ =	shalt  }
0x55: {  	_ =	shalt  }
0x56: {  	_ =	shalt  }
0x57: {  	_ =	shalt  }
0x58: {  	_ =	shalt  }
0x59: {  	_ =	shalt  }
0x5a: {  	_ =	shalt  }
0x5b: {  	_ =	shalt  }
0x5c: {  	_ =	shalt  }
0x5d: {  	_ =	shalt  }
0x5e: {  	_ =	shalt  }
0x5f: {  	_ =	shalt  }
0x60: {  	_ =	shalt  }
0x61: {  	_ =	shalt  }
0x62: {  	_ =	shalt  }
0x63: {  	_ =	shalt  }
0x64: {  	_ =	shalt  }
0x65: {  	_ =	shalt  }
0x66: {  	_ =	shalt  }
0x67: {  	_ =	shalt  }
0x68: {  	_ =	shalt  }
0x69: {  	_ =	shalt  }
0x6a: {  	_ =	shalt  }
0x6b: {  	_ =	shalt  }
0x6c: {  	_ =	shalt  }
0x6d: {  	_ =	shalt  }
0x6e: {  	_ =	shalt  }
0x6f: {  	_ =	shalt  }
0x70: {  	_ =	shalt  }
0x71: {  	_ =	shalt  }
0x72: {  	_ =	shalt  }
0x73: {  	_ =	shalt  }
0x74: {  	_ =	shalt  }
0x75: {  	_ =	shalt  }
0x76: {  	_ =	shalt  }
0x77: {  	_ =	shalt  }
0x78: {  	_ =	shalt  }
0x79: {  	_ =	shalt  }
0x7a: {  	_ =	shalt  }
0x7b: {  	_ =	shalt  }
0x7c: {  	_ =	shalt  }
0x7d: {  	_ =	shalt  }
0x7e: {  	_ =	shalt  }
0x7f: {  	_ =	shalt  }
0x80: {  	_ =	shalt  }
0x81: {  	_ =	shalt  }
0x82: {  	_ =	shalt  }
0x83: {  	_ =	shalt  }
0x84: {  	_ =	shalt  }
0x85: {  	_ =	shalt  }
0x86: {  	_ =	shalt  }
0x87: {  	_ =	shalt  }
.Lfunc_end0:
.L_simem_size_0:
called_computation.1_lowered:
.L_overlay_start_0:
0x88: {  	s2 =	sld [smem:$0x3FD9]  }
0x89: {  	s3 =	sld [smem:$0x3FFE];
	_ =	sdelay $0x1  }
0x8a: {  	s1 =	srdreg.scid  }
0x8b: {  	s0 =	sand.u32 $0x1, s1  }
0x8c: {  	s17 =	sshll.u32 s0, $0xA;
	s2 =	sadd.s32 s3, s2  }
0x8d: {  	s2 =	sadd.s32 s2, s17  }
0x8e: {  	[smem:$0x3FBB] =	sst s2  }
0x8f: {  	_ = 	snop  }
0x90: {  	s2 =	sld [smem:$0x3FD0];
	(tm) =	ssettm $0x1  }
0x91: {  	s18 =	sld [smem:$0x3FFB];
	_ =	sdelay $0x3  }
0x92: {  	_ =	strace s18  }
0x93: {  	s3 =	sld [smem:$0x3FFC];
	_ =	sdelay $0x3  }
0x94: {  	_ =	strace s3  }
0x95: {  	s3 =	sld [smem:$0x3FFD];
	_ =	sdelay $0x3  }
0x96: {  	_ =	strace s3  }
0x97: {  	_ =	strace $0x8FFFFFFF  }
0x98: {  	s19 =	sld [smem:$0x3FDB];
	_ =	sdelay $0x1  }
0x99: {  	s4 =	simm.s32 $_scs_section_size  }
0x9a: {  	s5 =	simm.s32 $_size__tile_overlayer_lowered;
	s6 =	simm.s32 $_tile_overlayer_lowered  }
0x9b: {  	s22 =	simm.s32 $0x1BFF;
	s21 =	sshll.u32 s6, $0x1;
	s3 =	sadd.s32 s4, s19  }
0x9c: {  	s7 =	simm.s32 $0x0;
	s20 =	sshll.u32 s5, $0x1;
	s5 =	sadd.s32 s21, s3  }
0x9d: {  	[timem:s7], [sflag:s22] =	dma.local [hbm:s5], s20  }
0x9e: {  	_ =	swait.ge [sflag:s22], s20  }
0x9f: {  	s4 =	ssub.s32 $0x0, s20;
	[sflag:s22] =	ssyncset.done $0x0  }
0xa0: {  	[sflag:s22] =	ssyncadd.s32 s4;
	_ =	sdelay $0x1  }
0xa1: {  	s23 =	simm.s32 $0x1B8B  }
0xa2: {  	_ =	swait.ge [sflag:s23], $0x1  }
0xa3: {  	[sflag:s23] =	ssyncset.done $0x0  }
0xa4: {  	s25 =	simm.s32 $0x1B8E;
	s24 =	sld [smem:$0x3FFE];
	[sflag:s23] =	ssyncadd.s32 $0xFFFFFFFF  }
0xa5: {  	s26 =	simm.s32 $execute0_lowered;
	[smem:$0x3FD2] =	sst s25  }
0xa6: {  	s5 =	sshll.u32 s26, $0x1;
	_ =	strace $0x80000049;
	[dreg:$0x1] =	wrdreg $0xFFFFFFFF  }
0xa7: {  	s28 =	simm.s32 $_size_execute0_lowered;
	s3 =	sadd.s32 s3, s5;
	[dreg:$0x0] =	wrdreg $0x0  }
0xa8: {  	s5 =	sshll.u32 s28, $0x1;
	[dreg:$0x2] =	wrdreg s3  }
0xa9: {  	[dreg:$0x3] =	wrdreg s5  }
0xaa: {  	[dreg:$0x4] =	wrdreg $0xC0  }
0xab: {  	_ =	task [dreg:s7], $0x5FFFF  }
0xac: {  	[dreg:$0x1] =	wrdreg $0xFFFFFFFF  }
0xad: {  	[dreg:$0x0] =	wrdreg $0x60  }
0xae: {  	[dreg:$0x2] =	wrdreg s24  }
0xaf: {  	[dreg:$0x3] =	wrdreg s2  }
0xb0: {  	[dreg:$0x4] =	wrdreg $0xFD000  }
0xb1: {  	[dreg:$0x5] =	wrdreg $0x9  }
0xb2: {  	_ =	task.clear_ibuf [dreg:s7], $0x6FFFF;
	_ =	strace $0x90000049  }
0xb3: {  	s29 =	simm.s32 $0x9;
	_ =	strace $0x8000004B  }
0xb4: {  	_ =	swait.ge [sflag:s29], $0x1  }
0xb5: {  	[sflag:s29] =	ssyncadd.s32 $0xFFFFFFFF  }
0xb6: {  	_ =	strace $0x9000004B  }
0xb7: {  	_ =	sfence  }
0xb8: {  	s30 =	sld [smem:$0x0];
	_ =	sdelay $0x2  }
0xb9: {  	s31 =	sshll.u32 s1, $0xD;
	s1 =	sshrl.u32 s1, $0x2  }
0xba: {  	s3 =	sand.u32 $0x4000, s31;
	s1 =	sadd.s32 s1, s30  }
0xbb: {  	s0 =	sor.u32 s3, s0;
	s1 =	sshll.u32 s1, $0x11  }
0xbc: {  	s0 =	sor.u32 s1, s0  }
0xbd: {  	s0 =	sadd.s32 $0x8F2B, s0  }
0xbe: {  	[sflag:s0] =	ssyncadd.remote.s32 $0x1  }
0xbf: {  	_ =	sfence.sel $0xFFFF  }
0xc0: {  	[dreg:$0x0] =	wrdreg $0xFFFFFFFF;
	(pc) =	sbr.abs _section_cstart, $3  }
0xc1: {  	[dreg:$0x1] =	wrdreg $0xFFFFFFFF  }
0xc2: {  	_ =	task.clear_ibuf [dreg:s7], $0x2FFFF;
	_ =	strace $0x9FFFFFFF  }
0xc3: {  	(tm) =	ssettm $0x7FFFFFFF  }
tec
execute0_lowered:
.L_overlay_start_1:
0x0: {  	(tag) =	ssettag $0x1  }
0x1: {  	s0 =	rddreg [dreg:$0x0]  }
0x2: {  	s2 =	rddreg [dreg:$0x2];
	s3 =	simm.s32 $0x0;
	s1 =	srdreg.scid  }
0x3: {  	s7 =	stileid.u32;
	s21 =	simm.s32 $0x9D00;
	s22 =	simm.s32 $0x2  }
0x4: {  	s23 =	simm.s32 $0x80;
	s24 =	simm.s32 $0xBD00;
	s28 =	simm.s32 $0x1  }
0x5: {  	s31 =	simm.s32 $0x9C00;
	[smem:$0x7FF] =	sst s3;
	s18 =	smul.u32 $0x9D0, s7  }
0x6: {  	s1 =	sand.u32 $0x1, s1;
	s5 =	sadd.s32 $0x3DE00, s0;
	s11 =	smul.u32 $0x28000, s7  }
0x7: {  	s4 =	smul.u32 $0x9D00, s1;
	_ =	strace $0x8000004A;
	s6 =	ssub.s32 $0x2, s1  }
0x8: {  	s1 =	sshll.u32 s1, $0x7;
	s26 =	sadd.s32 s18, s0;
	s8 =	sshrl.u32 s6, $0x1  }
0x9: {  	s29 =	sshrl.u32 s11, $0x2;
	s12 =	sadd.s32 $0x8000, s11;
	s14 =	sadd.s32 $0x10000, s11  }
0xa: {  	s15 =	sadd.s32 $0x18000, s11;
	s16 =	sadd.s32 $0x20000, s11;
	s11 =	sor.u32 s1, s11  }
0xb: {  	s4 =	sadd.s32 s4, s0;
	s0 =	sadd.s32 $0x65000, s0;
	s17 =	ssub.s32 s6, s8  }
0xc: {  	s6 =	sadd.s32 $0x2C00, s26;
	s7 =	sadd.s32 s29, s2;
	s30 =	sshrl.u32 s12, $0x2  }
0xd: {  	s9 =	sshrl.u32 s14, $0x2;
	s10 =	sshrl.u32 s15, $0x2;
	s12 =	sor.u32 s1, s12  }
0xe: {  	s13 =	sshrl.u32 s16, $0x2;
	s19 =	sshrl.u32 s11, $0x4;
	s14 =	sor.u32 s1, s14  }
0xf: {  	s15 =	sor.u32 s1, s15;
	s1 =	sor.u32 s1, s16;
	s26 =	simm.s32 $0xDD00  }
0x10: {  	s4 =	sadd.s32 $0x2A400, s4;
	s8 =	sadd.s32 s30, s2;
	s9 =	sadd.s32 s9, s2  }
0x11: {  	s10 =	sadd.s32 s10, s2;
	s20 =	sshrl.u32 s12, $0x4;
	s11 =	sadd.s32 s13, s2  }
0x12: {  	s12 =	sadd.s32 s0, s19;
	s14 =	sshrl.u32 s14, $0x4;
	s15 =	sshrl.u32 s15, $0x4  }
0x13: {  	s1 =	sshrl.u32 s1, $0x4;
	s17 =	smax.u32 s17, $0x1;
	s19 =	simm.s32 $0x3  }
0x14: {  	s13 =	sadd.s32 s0, s20;
	s14 =	sadd.s32 s0, s14;
	s15 =	sadd.s32 s0, s15  }
0x15: {  	s16 =	sadd.s32 s0, s1;
	s20 =	sadd.s32 s18, s4;
	s0 =	simm.s32 $0x4E00  }
0x16: {  	s4 =	simm.s32 $0x9C80;
	s1 =	simm.s32 $0x40;
	s18 =	simm.s32 $0x0  }
.LBB2_1:
0x17: {  	s25 =	simm.s32 $0x4E80  }
0x18: {  	[tilespmem:s25], [sflag:$0x3] =	stream.linear.gather [hbm4b:s6+s3], $0x4E80, $0x38;
	[tilespmem:$0x19D00] =	vst v63  }
0x19: {  	_ =	swait.ge [sflag:s19], $0x4E80  }
0x1a: {  	[sflag:s19] =	ssyncset.done $0x0  }
0x1b: {  	[sflag:s19] =	ssyncadd.s32 $0xFFFFB180  }
0x1c: {  	[tilespmem:s3], [sflag:$0x3] =	stream.linear.gather [hbm4b:s20+s3], $0x4E80, $0x38;
	[tilespmem:$0x19D00] =	vst v63  }
0x1d: {  	_ =	swait.ge [sflag:s19], $0x4E80  }
0x1e: {  	[sflag:s19] =	ssyncset.done $0x0  }
0x1f: {  	[sflag:s19] =	ssyncadd.s32 $0xFFFFB180  }
0x20: {  	s30 =	rddreg [dreg:$0x1]  }
0x21: {  	[tilespmem:s21], [sflag:$0x3] =	stream.linear.gather [hbm4b:s30+s3], $0x2000, $0x38;
	[tilespmem:$0x19D00] =	vst v63  }
0x22: {  	_ =	swait.ge [sflag:s19], $0x2000  }
0x23: {  	[sflag:s19] =	ssyncset.done $0x0  }
0x24: {  	[sflag:s19] =	ssyncadd.s32 $0xFFFFE000  }
0x25: {  	[spmem:s7] =	stream.linear.scatter [tilespmem:s21], [sflag:$0x2], $0x2000, $0x38;
	[tilespmem:$0x19D00] =	vst v63  }
0x26: {  	_ = 	snop  }
0x27: {  	[spmem:s8] =	stream.linear.scatter [tilespmem:s21], [sflag:$0x2], $0x2000, $0x38;
	[tilespmem:$0x19D00] =	vst v63  }
0x28: {  	_ = 	snop  }
0x29: {  	[spmem:s9] =	stream.linear.scatter [tilespmem:s21], [sflag:$0x2], $0x2000, $0x38;
	[tilespmem:$0x19D00] =	vst v63  }
0x2a: {  	_ = 	snop  }
0x2b: {  	[spmem:s10] =	stream.linear.scatter [tilespmem:s21], [sflag:$0x2], $0x2000, $0x38;
	[tilespmem:$0x19D00] =	vst v63  }
0x2c: {  	_ = 	snop  }
0x2d: {  	[spmem:s11] =	stream.linear.scatter [tilespmem:s21], [sflag:$0x2], $0x2000, $0x38;
	[tilespmem:$0x19D00] =	vst v63  }
0x2e: {  	_ =	swait.ge [sflag:s22], $0x2000  }
0x2f: {  	[sflag:s22] =	ssyncset.done $0x0  }
0x30: {  	[sflag:s22] =	ssyncadd.s32 $0xFFFFE000  }
0x31: {  	_ =	swait.ge [sflag:s22], $0x2000  }
0x32: {  	[sflag:s22] =	ssyncset.done $0x0  }
0x33: {  	[sflag:s22] =	ssyncadd.s32 $0xFFFFE000  }
0x34: {  	_ =	swait.ge [sflag:s22], $0x2000  }
0x35: {  	[sflag:s22] =	ssyncset.done $0x0  }
0x36: {  	[sflag:s22] =	ssyncadd.s32 $0xFFFFE000  }
0x37: {  	_ =	swait.ge [sflag:s22], $0x2000  }
0x38: {  	[sflag:s22] =	ssyncset.done $0x0  }
0x39: {  	[sflag:s22] =	ssyncadd.s32 $0xFFFFE000  }
0x3a: {  	_ =	swait.ge [sflag:s22], $0x2000  }
0x3b: {  	[sflag:s22] =	ssyncset.done $0x0  }
0x3c: {  	[sflag:s22] =	ssyncadd.s32 $0xFFFFE000  }
0x3d: {  	[bflag:$0x0] =	sbarrier.arrive $0xFFFF  }
0x3e: {  	[tilespmem:s21], [sflag:$0x1] =	stream.indirect.gather [hbm4b:s5+s23], $0x40, s3, s23, $0xb8;
	[tilespmem:$0x19D00] =	vst v63  }
0x3f: {  	_ = 	snop  }
0x40: {  	[tilespmem:s24], [sflag:$0x1] =	stream.indirect.gather [hbm4b:s5+s23], $0x40, s23, s23, $0xb8;
	[tilespmem:$0x19D00] =	vst v63  }
0x41: {  	s30 =	simm.s32 $0x100  }
0x42: {  	[tilespmem:s26], [sflag:$0x1] =	stream.indirect.gather [hbm4b:s5+s23], $0x40, s30, s23, $0xb8;
	[tilespmem:$0x19D00] =	vst v63  }
0x43: {  	_ =	swait.ge [sflag:s28], $0x2000  }
0x44: {  	[sflag:s28] =	ssyncset.done $0x0  }
0x45: {  	s30 =	simm.s32 $0x4E80;
	[sflag:s28] =	ssyncadd.s32 $0xFFFFE000  }
0x46: {  	[spmem:s2] =	stream.indirect.scatter.add.bf16 [tilespmem:s21], [sflag:$0x2], $0x40, s30, s23, $0xb8;
	[tilespmem:$0x19D00] =	vst v63  }
0x47: {  	_ =	swait.ge [sflag:s28], $0x2000  }
0x48: {  	[sflag:s28] =	ssyncset.done $0x0  }
0x49: {  	s30 =	simm.s32 $0x4F00;
	[sflag:s28] =	ssyncadd.s32 $0xFFFFE000  }
0x4a: {  	[spmem:s2] =	stream.indirect.scatter.add.bf16 [tilespmem:s24], [sflag:$0x2], $0x40, s30, s23, $0xb8;
	[tilespmem:$0x19D00] =	vst v63  }
0x4b: {  	_ =	swait.ge [sflag:s28], $0x2000  }
0x4c: {  	[sflag:s28] =	ssyncset.done $0x0  }
0x4d: {  	s30 =	simm.s32 $0x4F80;
	[sflag:s28] =	ssyncadd.s32 $0xFFFFE000  }
0x4e: {  	[spmem:s2] =	stream.indirect.scatter.add.bf16 [tilespmem:s26], [sflag:$0x2], $0x40, s30, s23, $0xb8;
	[tilespmem:$0x19D00] =	vst v63  }
0x4f: {  	_ =	swait.ge [sflag:s22], $0x2000  }
0x50: {  	[sflag:s22] =	ssyncset.done $0x0  }
0x51: {  	s30 =	simm.s32 $0x180;
	[sflag:s22] =	ssyncadd.s32 $0xFFFFE000  }
0x52: {  	[tilespmem:s21], [sflag:$0x1] =	stream.indirect.gather [hbm4b:s5+s23], $0x40, s30, s23, $0xb8;
	[tilespmem:$0x19D00] =	vst v63  }
0x53: {  	_ =	swait.ge [sflag:s22], $0x2000  }
0x54: {  	[sflag:s22] =	ssyncset.done $0x0  }
0x55: {  	s30 =	simm.s32 $0x200;
	[sflag:s22] =	ssyncadd.s32 $0xFFFFE000  }
0x56: {  	[tilespmem:s24], [sflag:$0x1] =	stream.indirect.gather [hbm4b:s5+s23], $0x40, s30, s23, $0xb8;
	[tilespmem:$0x19D00] =	vst v63  }
0x57: {  	_ =	swait.ge [sflag:s22], $0x2000  }
0x58: {  	[sflag:s22] =	ssyncset.done $0x0  }
0x59: {  	s29 =	simm.s32 $0x280;
	s25 =	simm.s32 $0x600;
	[sflag:s22] =	ssyncadd.s32 $0xFFFFE000  }
.LBB2_2:
0x5a: {  	[tilespmem:s26], [sflag:$0x1] =	stream.indirect.gather [hbm4b:s5+s23], $0x40, s29, s23, $0xb8;
	[tilespmem:$0x19D00] =	vst v63  }
0x5b: {  	s29 =	smov.u32 s25  }
0x5c: {  	p0 =	sne.s32 s25, $0x12C00;
	s25 =	sadd.s32 $0x600, s25;
	_ =	swait.ge [sflag:s28], $0x2000  }
0x5d: {  	s29 =	sshra.s32 s29, $0x2;
	[sflag:s28] =	ssyncset.done $0x0  }
0x5e: {  	s30 =	sadd.s32 $0x4E80, s29;
	[sflag:s28] =	ssyncadd.s32 $0xFFFFE000  }
0x5f: {  	[spmem:s2] =	stream.indirect.scatter.add.bf16 [tilespmem:s21], [sflag:$0x2], $0x40, s30, s23, $0xb8;
	[tilespmem:$0x19D00] =	vst v63  }
0x60: {  	_ =	swait.ge [sflag:s28], $0x2000  }
0x61: {  	[sflag:s28] =	ssyncset.done $0x0  }
0x62: {  	s30 =	sadd.s32 $0x4F00, s29;
	[sflag:s28] =	ssyncadd.s32 $0xFFFFE000  }
0x63: {  	[spmem:s2] =	stream.indirect.scatter.add.bf16 [tilespmem:s24], [sflag:$0x2], $0x40, s30, s23, $0xb8;
	[tilespmem:$0x19D00] =	vst v63  }
0x64: {  	_ =	swait.ge [sflag:s28], $0x2000  }
0x65: {  	[sflag:s28] =	ssyncset.done $0x0  }
0x66: {  	s30 =	sadd.s32 $0x4F80, s29;
	[sflag:s28] =	ssyncadd.s32 $0xFFFFE000  }
0x67: {  	[spmem:s2] =	stream.indirect.scatter.add.bf16 [tilespmem:s26], [sflag:$0x2], $0x40, s30, s23, $0xb8;
	[tilespmem:$0x19D00] =	vst v63  }
0x68: {  	_ =	swait.ge [sflag:s22], $0x2000  }
0x69: {  	[sflag:s22] =	ssyncset.done $0x0  }
0x6a: {  	s30 =	sadd.s32 $0x180, s29;
	[sflag:s22] =	ssyncadd.s32 $0xFFFFE000  }
0x6b: {  	[tilespmem:s21], [sflag:$0x1] =	stream.indirect.gather [hbm4b:s5+s23], $0x40, s30, s23, $0xb8;
	[tilespmem:$0x19D00] =	vst v63  }
0x6c: {  	_ =	swait.ge [sflag:s22], $0x2000  }
0x6d: {  	[sflag:s22] =	ssyncset.done $0x0  }
.Ltmp0:
0x6e: {  	s30 =	sadd.s32 $0x200, s29;
	[sflag:s22] =	ssyncadd.s32 $0xFFFFE000;
	(pc) =	sbr.rel @p0 .LBB2_2-.Ltmp0, $4  }
0x6f: {  	[tilespmem:s24], [sflag:$0x1] =	stream.indirect.gather [hbm4b:s5+s23], $0x40, s30, s23, $0xb8;
	[tilespmem:$0x19D00] =	vst v63  }
0x70: {  	_ =	swait.ge [sflag:s22], $0x2000  }
0x71: {  	[sflag:s22] =	ssyncset.done $0x0  }
0x72: {  	s29 =	sadd.s32 $0x280, s29;
	[sflag:s22] =	ssyncadd.s32 $0xFFFFE000  }
0x73: {  	[tilespmem:s26], [sflag:$0x1] =	stream.indirect.gather [hbm4b:s5+s23], $0x40, s29, s23, $0xb8;
	[tilespmem:$0x19D00] =	vst v63  }
0x74: {  	_ =	swait.ge [sflag:s28], $0x2000  }
0x75: {  	[sflag:s28] =	ssyncset.done $0x0  }
0x76: {  	s25 =	simm.s32 $0x9B00;
	[sflag:s28] =	ssyncadd.s32 $0xFFFFE000  }
0x77: {  	[spmem:s2] =	stream.indirect.scatter.add.bf16 [tilespmem:s21], [sflag:$0x2], $0x40, s25, s23, $0xb8;
	[tilespmem:$0x19D00] =	vst v63  }
0x78: {  	_ =	swait.ge [sflag:s28], $0x2000  }
0x79: {  	[sflag:s28] =	ssyncset.done $0x0  }
0x7a: {  	s30 =	simm.s32 $0x9B80;
	[sflag:s28] =	ssyncadd.s32 $0xFFFFE000  }
0x7b: {  	[spmem:s2] =	stream.indirect.scatter.add.bf16 [tilespmem:s24], [sflag:$0x2], $0x40, s30, s23, $0xb8;
	[tilespmem:$0x19D00] =	vst v63  }
0x7c: {  	_ =	swait.ge [sflag:s28], $0x2000  }
0x7d: {  	[sflag:s28] =	ssyncset.done $0x0  }
0x7e: {  	[sflag:s28] =	ssyncadd.s32 $0xFFFFE000  }
0x7f: {  	[spmem:s2] =	stream.indirect.scatter.add.bf16 [tilespmem:s26], [sflag:$0x2], $0x40, s31, s23, $0xb8;
	[tilespmem:$0x19D00] =	vst v63  }
0x80: {  	_ =	swait.ge [sflag:s22], $0x2000  }
0x81: {  	[sflag:s22] =	ssyncset.done $0x0  }
0x82: {  	[sflag:s22] =	ssyncadd.s32 $0xFFFFE000  }
0x83: {  	[tilespmem:s21], [sflag:$0x1] =	stream.indirect.gather [hbm4b:s5+s23], $0x40, s0, s23, $0xb8;
	[tilespmem:$0x19D00] =	vst v63  }
0x84: {  	_ =	swait.ge [sflag:s22], $0x2000  }
0x85: {  	[sflag:s22] =	ssyncset.done $0x0  }
0x86: {  	[sflag:s22] =	ssyncadd.s32 $0xFFFFE000  }
0x87: {  	[tilespmem:s24], [sflag:$0x1] =	stream.indirect.gather [hbm4b:s5+s23], $0x40, s0, s23, $0xb8;
	[tilespmem:$0x19D00] =	vst v63  }
0x88: {  	_ =	swait.ge [sflag:s22], $0x2000  }
0x89: {  	[sflag:s22] =	ssyncset.done $0x0  }
0x8a: {  	[sflag:s22] =	ssyncadd.s32 $0xFFFFE000  }
0x8b: {  	[tilespmem:s26], [sflag:$0x1] =	stream.indirect.gather [hbm4b:s5+s23], $0x40, s0, s23, $0xb8;
	[tilespmem:$0x19D00] =	vst v63  }
0x8c: {  	_ =	swait.ge [sflag:s28], $0x2000  }
0x8d: {  	[sflag:s28] =	ssyncset.done $0x0  }
0x8e: {  	[sflag:s28] =	ssyncadd.s32 $0xFFFFE000  }
0x8f: {  	[spmem:s2] =	stream.indirect.scatter.add.bf16 [tilespmem:s21], [sflag:$0x2], $0x40, s4, s23, $0xb8;
	[tilespmem:$0x19D00] =	vst v63  }
0x90: {  	_ =	swait.ge [sflag:s22], $0x2000  }
0x91: {  	[sflag:s22] =	ssyncset.done $0x0  }
0x92: {  	[sflag:s22] =	ssyncadd.s32 $0xFFFFE000  }
0x93: {  	_ =	swait.ge [sflag:s28], $0x2000  }
0x94: {  	[sflag:s28] =	ssyncset.done $0x0  }
0x95: {  	[sflag:s28] =	ssyncadd.s32 $0xFFFFE000  }
0x96: {  	_ =	swait.ge [sflag:s28], $0x2000  }
0x97: {  	[sflag:s28] =	ssyncset.done $0x0  }
0x98: {  	[sflag:s28] =	ssyncadd.s32 $0xFFFFE000  }
0x99: {  	[bflag:$0x0] =	sbarrier.arrive $0xFFFF  }
0x9a: {  	[tilespmem:s21], [sflag:$0x1] =	stream.linear.gather [spmem:s7], $0x2000, $0x38;
	[tilespmem:$0x19D00] =	vst v63  }
0x9b: {  	_ =	swait.ge [sflag:s28], $0x2000  }
0x9c: {  	[sflag:s28] =	ssyncset.done $0x0  }
0x9d: {  	[sflag:s28] =	ssyncadd.s32 $0xFFFFE000  }
0x9e: {  	[hbm4b:s12+s1] =	stream.strided.scatter [tilespmem:s21], [sflag:$0x2], $0x2000, s23, s1, $0x38;
	[tilespmem:$0x19D00] =	vst v63  }
0x9f: {  	_ = 	snop  }
0xa0: {  	[tilespmem:s24], [sflag:$0x1] =	stream.linear.gather [spmem:s8], $0x2000, $0x38;
	[tilespmem:$0x19D00] =	vst v63  }
0xa1: {  	_ =	swait.ge [sflag:s28], $0x2000  }
0xa2: {  	[sflag:s28] =	ssyncset.done $0x0  }
0xa3: {  	[sflag:s28] =	ssyncadd.s32 $0xFFFFE000  }
0xa4: {  	[hbm4b:s13+s1] =	stream.strided.scatter [tilespmem:s24], [sflag:$0x2], $0x2000, s23, s1, $0x38;
	[tilespmem:$0x19D00] =	vst v63  }
0xa5: {  	_ = 	snop  }
0xa6: {  	[tilespmem:s26], [sflag:$0x1] =	stream.linear.gather [spmem:s9], $0x2000, $0x38;
	[tilespmem:$0x19D00] =	vst v63  }
0xa7: {  	_ =	swait.ge [sflag:s28], $0x2000  }
0xa8: {  	[sflag:s28] =	ssyncset.done $0x0  }
0xa9: {  	[sflag:s28] =	ssyncadd.s32 $0xFFFFE000  }
0xaa: {  	[hbm4b:s14+s1] =	stream.strided.scatter [tilespmem:s26], [sflag:$0x2], $0x2000, s23, s1, $0x38;
	[tilespmem:$0x19D00] =	vst v63  }
0xab: {  	_ =	swait.ge [sflag:s22], $0x2000  }
0xac: {  	[sflag:s22] =	ssyncset.done $0x0  }
0xad: {  	[sflag:s22] =	ssyncadd.s32 $0xFFFFE000  }
0xae: {  	[tilespmem:s21], [sflag:$0x1] =	stream.linear.gather [spmem:s10], $0x2000, $0x38;
	[tilespmem:$0x19D00] =	vst v63  }
0xaf: {  	_ =	swait.ge [sflag:s28], $0x2000  }
0xb0: {  	[sflag:s28] =	ssyncset.done $0x0  }
0xb1: {  	[sflag:s28] =	ssyncadd.s32 $0xFFFFE000  }
0xb2: {  	[hbm4b:s15+s1] =	stream.strided.scatter [tilespmem:s21], [sflag:$0x2], $0x2000, s23, s1, $0x38;
	[tilespmem:$0x19D00] =	vst v63  }
0xb3: {  	_ =	swait.ge [sflag:s22], $0x2000  }
0xb4: {  	[sflag:s22] =	ssyncset.done $0x0  }
0xb5: {  	[sflag:s22] =	ssyncadd.s32 $0xFFFFE000  }
0xb6: {  	[tilespmem:s24], [sflag:$0x1] =	stream.linear.gather [spmem:s11], $0x2000, $0x38;
	[tilespmem:$0x19D00] =	vst v63  }
0xb7: {  	_ =	swait.ge [sflag:s28], $0x2000  }
0xb8: {  	[sflag:s28] =	ssyncset.done $0x0  }
0xb9: {  	[sflag:s28] =	ssyncadd.s32 $0xFFFFE000  }
0xba: {  	[hbm4b:s16+s1] =	stream.strided.scatter [tilespmem:s24], [sflag:$0x2], $0x2000, s23, s1, $0x38;
	[tilespmem:$0x19D00] =	vst v63  }
0xbb: {  	_ =	swait.ge [sflag:s22], $0x2000  }
0xbc: {  	[sflag:s22] =	ssyncset.done $0x0  }
0xbd: {  	[sflag:s22] =	ssyncadd.s32 $0xFFFFE000  }
0xbe: {  	_ =	swait.ge [sflag:s22], $0x2000  }
0xbf: {  	s18 =	sadd.s32 $0x1, s18;
	[sflag:s22] =	ssyncset.done $0x0  }
0xc0: {  	p0 =	sne.s32 s18, s17;
	[sflag:s22] =	ssyncadd.s32 $0xFFFFE000  }
.Ltmp1:
0xc1: {  	_ =	swait.ge [sflag:s22], $0x2000;
	(pc) =	sbr.rel @p0 .LBB2_1-.Ltmp1, $3  }
0xc2: {  	[sflag:s22] =	ssyncset.done $0x0  }
0xc3: {  	[sflag:s22] =	ssyncadd.s32 $0xFFFFE000  }
0xc4: {  	[bflag:$0x0] =	sbarrier.arrive $0xFFFF;
	_ =	sdelay $0x1  }
0xc5: {  	_ =	sfence.sel $0x180000  }
0xc6: {  	[bflag:$0x0] =	sbarrier.arrive $0xFFFF  }
0xc7: {  	_ =	strace $0x9000004A  }
0xc8: {  	s0 =	stileid.u32;
	[bflag:$0x2] =	sbarrier.arrive $0xFFFF  }
0xc9: {  	p0 =	sne.s32 s0, $0x0;
	s0 =	rddreg [dreg:$0x3]  }
0xca: {  	s0 =	sadd.s32 @!p0 $0x100000, s0  }
0xcb: {  	[sflag:s0] =	ssyncadd.tile.s32 @!p0 $0x1;
	_ =	shalt  }
.Lfunc_end2:
_tile_overlayer_lowered:
.L_overlay_start_2:
0xcc: {  	(tag) =	ssettag $0x2  }
0xcd: {  	s0 =	rddreg [dreg:$0x0];
	s2 =	stileid.u32  }
0xce: {  	s1 =	rddreg [dreg:$0x1];
	p0 =	sne.s32 s2, $0x0  }
0xcf: {  	s3 =	rddreg [dreg:$0x2];
	[bflag:$0x3] =	sbarrier.arrive $0xFFFF;
	s2 =	simm.s32 @!p0 $0x1C03  }
0xd0: {  	[timem:s3], [sflag:s2] =	dma.local @!p0 [hbm:s0], s1  }
0xd1: {  	s0 =	simm.s32 @!p0 $0x3  }
0xd2: {  	_ =	swait.ge @!p0 [sflag:s0], s1  }
0xd3: {  	s1 =	ssub.s32 @!p0 $0x0, s1;
	[sflag:s0] =	ssyncset.done @!p0 $0x0  }
0xd4: {  	[sflag:s0] =	ssyncadd.s32 @!p0 s1  }
0xd5: {  	[bflag:$0x3] =	sbarrier.arrive $0xFFFF  }
0xd6: {  	_ =	shalt  }

// kernel: kernel.16.cloned.1.call-start
scs
__scs_entry_jumppad:
0x0: {  	(pc) =	sbr.rel $0x88, $3  }
0x1: {  	(tag) =	ssettag $0x0;
	lr =	simm.s32 $0x1  }
0x2: {  	[smem:$0x3F94] =	sst lr;
	_ =	strace $0xD0000000  }
0x3: {  	_ = 	snop  }
0x4: {  	_ = 	snop  }
0x5: {  	_ = 	snop  }
0x6: {  	_ = 	snop  }
0x7: {  	_ = 	snop  }
__scs_overlays_trampoline_lowered:
0x8: {  	[smem:$0x3FA3] =	sst s0  }
0x9: {  	[smem:$0x3FA4] =	sst s1  }
0xa: {  	[smem:$0x3FA5] =	sst s2  }
0xb: {  	[smem:$0x3FA6] =	sst s3  }
0xc: {  	[smem:$0x3FA7] =	sst s4  }
0xd: {  	[smem:$0x3FA8] =	sst s5  }
0xe: {  	[smem:$0x3FA9] =	sst s6  }
0xf: {  	[smem:$0x3FAA] =	sst s7  }
0x10: {  	[smem:$0x3FAB] =	sst s8  }
0x11: {  	[smem:$0x3FAC] =	sst s9;
	s0 =	simm.s32 @!p0 $0x0  }
0x12: {  	s1 =	sld [smem:$0x3F92];
	s0 =	simm.s32 @p0 $0x1  }
0x13: {  	[smem:$0x3FAD] =	sst s0;
	s0 =	simm.s32 @!p1 $0x0  }
0x14: {  	s2 =	sld [smem:$0x3F91];
	s0 =	simm.s32 @p1 $0x1  }
0x15: {  	[smem:$0x3FAE] =	sst s0;
	s0 =	simm.s32 @!p2 $0x0  }
0x16: {  	s3 =	sld [smem:$0x3FDB];
	s0 =	simm.s32 @p2 $0x1  }
0x17: {  	s4 =	simm.s32 $0x1BF5;
	[smem:$0x3FB0] =	sst s0  }
0x18: {  	s0 =	sld [smem:$0x3F93];
	_ =	swait.ge [sflag:s4], $0x0  }
0x19: {  	s7 =	sld [smem:$0x3F94]  }
0x1a: {  	s8 =	sadd.s32 $0xFFFFE003, lr  }
0x1b: {  	s9 =	sadd.s32 $0xFFFFFEF7, lr;
	s5 =	simm.s32 $0xFFFFFFFF;
	p2 =	slt.u32 s8, $0xFFFFF086  }
0x1c: {  	p1 =	slt.u32 s9, $0xF7A;
	s5 =	simm.s32 @!p2 $0x0  }
0x1d: {  	s5 =	simm.s32 @p1 $0x1;
	p0 =	seq.s32 s7, s2  }
0x1e: {  	s7 =	smul.u32 @!p0 $0xF7A, s2;
	p2 =	seq.s32 @!p0 s5, $0x0  }
0x1f: {  	s9 =	smul.u32 $0xF7A, s1;
	s8 =	simm.s32 @!p0 $0x1BF5;
	p2 =	por !p2, p0  }
0x20: {  	[sflag:s8] =	ssyncset.s32 @!p0 $0xFFFFF086;
	s6 =	sadd.s32 @!p0 s3, s7;
	s7 =	simm.s32 @!p0 $0x108  }
0x21: {  	s3 =	sadd.s32 s3, s9;
	s6 =	sadd.s32 @!p0 $0x88, s6;
	s7 =	simm.s32 @p2 $0x1082  }
0x22: {  	[simem:s7], [sflag:s8] =	dma.local @!p0 [hbm:s6], $0xF7A  }
0x23: {  	s9 =	sor.u32 $0xD0000000, s2;
	s6 =	simm.s32 $0x108;
	_ =	swait.ge @!p0 [sflag:s8], $0x0  }
0x24: {  	s3 =	sadd.s32 $0x88, s3;
	s6 =	simm.s32 @!p1 $0x1082;
	[sflag:s4] =	ssyncset.s32 $0xFFFFF086  }
0x25: {  	[simem:s6], [sflag:s4] =	dma.local [hbm:s3], $0xF7A  }
0x26: {  	[smem:$0x3F94] =	sst s1;
	(tag) =	ssettag s2;
	_ =	strace s9  }
0x27: {  	s1 =	sld [smem:$0x3FA4]  }
0x28: {  	s2 =	sld [smem:$0x3FA5]  }
0x29: {  	s4 =	sld [smem:$0x3FA7]  }
0x2a: {  	p0 =	seq.s32 s5, $0x0;
	s5 =	sld [smem:$0x3FA8]  }
0x2b: {  	s6 =	sld [smem:$0x3FA9]  }
0x2c: {  	s7 =	sld [smem:$0x3FAA]  }
0x2d: {  	s3 =	simm.s32 $0x108;
	s8 =	sld [smem:$0x3FAB]  }
0x2e: {  	s3 =	simm.s32 @!p0 $0x1082;
	s9 =	sld [smem:$0x3FAC]  }
0x2f: {  	lr =	sadd.s32 s0, s3;
	s0 =	sld [smem:$0x3FA3]  }
0x30: {  	s3 =	sld [smem:$0x3FA6]  }
0x31: {  	[smem:$0x3FAF] =	sst s10  }
0x32: {  	s10 =	sld [smem:$0x3FAD];
	_ =	sdelay $0x3  }
0x33: {  	p0 =	seq.s32 s10, $0x1;
	s10 =	sld [smem:$0x3FAF];
	_ =	sdelay $0x3  }
0x34: {  	[smem:$0x3FAF] =	sst s10  }
0x35: {  	s10 =	sld [smem:$0x3FAE];
	_ =	sdelay $0x3  }
0x36: {  	p1 =	seq.s32 s10, $0x1;
	s10 =	sld [smem:$0x3FAF];
	_ =	sdelay $0x3  }
0x37: {  	[smem:$0x3FAF] =	sst s10  }
0x38: {  	s10 =	sld [smem:$0x3FB0]  }
0x39: {  	_ = 	snop;
	(pc) =	sbr.ind lr, $3  }
0x3a: {  	_ = 	snop  }
0x3b: {  	_ = 	snop  }
0x3c: {  	p2 =	seq.s32 s10, $0x1;
	s10 =	sld [smem:$0x3FAF]  }
0x3d: {  	_ =	shalt  }
0x3e: {  	_ =	shalt  }
0x3f: {  	_ =	shalt  }
0x40: {  	_ =	shalt  }
0x41: {  	_ =	shalt  }
0x42: {  	_ =	shalt  }
0x43: {  	_ =	shalt  }
0x44: {  	_ =	shalt  }
0x45: {  	_ =	shalt  }
0x46: {  	_ =	shalt  }
0x47: {  	_ =	shalt  }
0x48: {  	_ =	shalt  }
0x49: {  	_ =	shalt  }
0x4a: {  	_ =	shalt  }
0x4b: {  	_ =	shalt  }
0x4c: {  	_ =	shalt  }
0x4d: {  	_ =	shalt  }
0x4e: {  	_ =	shalt  }
0x4f: {  	_ =	shalt  }
0x50: {  	_ =	shalt  }
0x51: {  	_ =	shalt  }
0x52: {  	_ =	shalt  }
0x53: {  	_ =	shalt  }
0x54: {  	_ =	shalt  }
0x55: {  	_ =	shalt  }
0x56: {  	_ =	shalt  }
0x57: {  	_ =	shalt  }
0x58: {  	_ =	shalt  }
0x59: {  	_ =	shalt  }
0x5a: {  	_ =	shalt  }
0x5b: {  	_ =	shalt  }
0x5c: {  	_ =	shalt  }
0x5d: {  	_ =	shalt  }
0x5e: {  	_ =	shalt  }
0x5f: {  	_ =	shalt  }
0x60: {  	_ =	shalt  }
0x61: {  	_ =	shalt  }
0x62: {  	_ =	shalt  }
0x63: {  	_ =	shalt  }
0x64: {  	_ =	shalt  }
0x65: {  	_ =	shalt  }
0x66: {  	_ =	shalt  }
0x67: {  	_ =	shalt  }
0x68: {  	_ =	shalt  }
0x69: {  	_ =	shalt  }
0x6a: {  	_ =	shalt  }
0x6b: {  	_ =	shalt  }
0x6c: {  	_ =	shalt  }
0x6d: {  	_ =	shalt  }
0x6e: {  	_ =	shalt  }
0x6f: {  	_ =	shalt  }
0x70: {  	_ =	shalt  }
0x71: {  	_ =	shalt  }
0x72: {  	_ =	shalt  }
0x73: {  	_ =	shalt  }
0x74: {  	_ =	shalt  }
0x75: {  	_ =	shalt  }
0x76: {  	_ =	shalt  }
0x77: {  	_ =	shalt  }
0x78: {  	_ =	shalt  }
0x79: {  	_ =	shalt  }
0x7a: {  	_ =	shalt  }
0x7b: {  	_ =	shalt  }
0x7c: {  	_ =	shalt  }
0x7d: {  	_ =	shalt  }
0x7e: {  	_ =	shalt  }
0x7f: {  	_ =	shalt  }
0x80: {  	_ =	shalt  }
0x81: {  	_ =	shalt  }
0x82: {  	_ =	shalt  }
0x83: {  	_ =	shalt  }
0x84: {  	_ =	shalt  }
0x85: {  	_ =	shalt  }
0x86: {  	_ =	shalt  }
0x87: {  	_ =	shalt  }
.Lfunc_end0:
.L_simem_size_0:
called_computation.2_lowered:
.L_overlay_start_0:
0x88: {  	s2 =	sld [smem:$0x3FD9]  }
0x89: {  	s3 =	sld [smem:$0x3FFE];
	_ =	sdelay $0x1  }
0x8a: {  	s1 =	srdreg.scid  }
0x8b: {  	s0 =	sand.u32 $0x1, s1  }
0x8c: {  	s17 =	sshll.u32 s0, $0xA;
	s2 =	sadd.s32 s3, s2  }
0x8d: {  	s2 =	sadd.s32 s2, s17  }
0x8e: {  	[smem:$0x3FBB] =	sst s2  }
0x8f: {  	_ = 	snop  }
0x90: {  	s2 =	sld [smem:$0x3FD0];
	(tm) =	ssettm $0x1  }
0x91: {  	s18 =	sld [smem:$0x3FFB];
	_ =	sdelay $0x3  }
0x92: {  	_ =	strace s18  }
0x93: {  	s3 =	sld [smem:$0x3FFC];
	_ =	sdelay $0x3  }
0x94: {  	_ =	strace s3  }
0x95: {  	s3 =	sld [smem:$0x3FFD];
	_ =	sdelay $0x3  }
0x96: {  	_ =	strace s3  }
0x97: {  	_ =	strace $0x8FFFFFFF  }
0x98: {  	s19 =	sld [smem:$0x3FDB];
	_ =	sdelay $0x1  }
0x99: {  	s4 =	simm.s32 $_scs_section_size  }
0x9a: {  	s5 =	simm.s32 $_size__tile_overlayer_lowered;
	s6 =	simm.s32 $_tile_overlayer_lowered  }
0x9b: {  	s22 =	simm.s32 $0x1BFF;
	s21 =	sshll.u32 s6, $0x1;
	s3 =	sadd.s32 s4, s19  }
0x9c: {  	s7 =	simm.s32 $0x0;
	s20 =	sshll.u32 s5, $0x1;
	s5 =	sadd.s32 s21, s3  }
0x9d: {  	[timem:s7], [sflag:s22] =	dma.local [hbm:s5], s20  }
0x9e: {  	_ =	swait.ge [sflag:s22], s20  }
0x9f: {  	s4 =	ssub.s32 $0x0, s20;
	[sflag:s22] =	ssyncset.done $0x0  }
0xa0: {  	[sflag:s22] =	ssyncadd.s32 s4;
	_ =	sdelay $0x1  }
0xa1: {  	s23 =	simm.s32 $0x1B8B  }
0xa2: {  	_ =	swait.ge [sflag:s23], $0x1  }
0xa3: {  	[sflag:s23] =	ssyncset.done $0x0  }
0xa4: {  	s25 =	simm.s32 $0x1B8E;
	s24 =	sld [smem:$0x3FFE];
	[sflag:s23] =	ssyncadd.s32 $0xFFFFFFFF  }
0xa5: {  	s26 =	simm.s32 $execute0_lowered;
	[smem:$0x3FD2] =	sst s25  }
0xa6: {  	s5 =	sshll.u32 s26, $0x1;
	_ =	strace $0x8000004C;
	[dreg:$0x1] =	wrdreg $0xFFFFFFFF  }
0xa7: {  	s28 =	simm.s32 $_size_execute0_lowered;
	s3 =	sadd.s32 s3, s5;
	[dreg:$0x0] =	wrdreg $0x0  }
0xa8: {  	s5 =	sshll.u32 s28, $0x1;
	[dreg:$0x2] =	wrdreg s3  }
0xa9: {  	[dreg:$0x3] =	wrdreg s5  }
0xaa: {  	[dreg:$0x4] =	wrdreg $0xC0  }
0xab: {  	_ =	task [dreg:s7], $0x5FFFF  }
0xac: {  	[dreg:$0x1] =	wrdreg $0xFFFFFFFF  }
0xad: {  	[dreg:$0x0] =	wrdreg $0x60  }
0xae: {  	[dreg:$0x2] =	wrdreg s24  }
0xaf: {  	[dreg:$0x3] =	wrdreg s2  }
0xb0: {  	[dreg:$0x4] =	wrdreg $0xFD000  }
0xb1: {  	[dreg:$0x5] =	wrdreg $0x9  }
0xb2: {  	_ =	task.clear_ibuf [dreg:s7], $0x6FFFF;
	_ =	strace $0x9000004C  }
0xb3: {  	s29 =	simm.s32 $0x9;
	_ =	strace $0x8000004E  }
0xb4: {  	_ =	swait.ge [sflag:s29], $0x1  }
0xb5: {  	[sflag:s29] =	ssyncadd.s32 $0xFFFFFFFF  }
0xb6: {  	_ =	strace $0x9000004E  }
0xb7: {  	_ =	sfence  }
0xb8: {  	s30 =	sld [smem:$0x0];
	_ =	sdelay $0x2  }
0xb9: {  	s31 =	sshll.u32 s1, $0xD;
	s1 =	sshrl.u32 s1, $0x2  }
0xba: {  	s3 =	sand.u32 $0x4000, s31;
	s1 =	sadd.s32 s1, s30  }
0xbb: {  	s0 =	sor.u32 s3, s0;
	s1 =	sshll.u32 s1, $0x11  }
0xbc: {  	s0 =	sor.u32 s1, s0  }
0xbd: {  	s0 =	sadd.s32 $0x8F2B, s0  }
0xbe: {  	[sflag:s0] =	ssyncadd.remote.s32 $0x1  }
0xbf: {  	_ =	sfence.sel $0xFFFF  }
0xc0: {  	[dreg:$0x0] =	wrdreg $0xFFFFFFFF;
	(pc) =	sbr.abs _section_cstart, $3  }
0xc1: {  	[dreg:$0x1] =	wrdreg $0xFFFFFFFF  }
0xc2: {  	_ =	task.clear_ibuf [dreg:s7], $0x2FFFF;
	_ =	strace $0x9FFFFFFF  }
0xc3: {  	(tm) =	ssettm $0x7FFFFFFF  }
tec
execute0_lowered:
.L_overlay_start_1:
0x0: {  	(tag) =	ssettag $0x1  }
0x1: {  	s0 =	rddreg [dreg:$0x0]  }
0x2: {  	s2 =	rddreg [dreg:$0x2];
	s3 =	simm.s32 $0x0;
	s1 =	srdreg.scid  }
0x3: {  	s7 =	stileid.u32;
	s21 =	simm.s32 $0x9D00;
	s22 =	simm.s32 $0x2  }
0x4: {  	s23 =	simm.s32 $0x80;
	s24 =	simm.s32 $0xBD00;
	s28 =	simm.s32 $0x1  }
0x5: {  	s31 =	simm.s32 $0x9C00;
	[smem:$0x7FF] =	sst s3;
	s18 =	smul.u32 $0x9D0, s7  }
0x6: {  	s1 =	sand.u32 $0x1, s1;
	s5 =	sadd.s32 $0x3DE00, s0;
	s11 =	smul.u32 $0x28000, s7  }
0x7: {  	s4 =	smul.u32 $0x9D00, s1;
	_ =	strace $0x8000004D;
	s6 =	ssub.s32 $0x2, s1  }
0x8: {  	s1 =	sshll.u32 s1, $0x7;
	s26 =	sadd.s32 s18, s0;
	s8 =	sshrl.u32 s6, $0x1  }
0x9: {  	s29 =	sshrl.u32 s11, $0x2;
	s12 =	sadd.s32 $0x8000, s11;
	s14 =	sadd.s32 $0x10000, s11  }
0xa: {  	s15 =	sadd.s32 $0x18000, s11;
	s16 =	sadd.s32 $0x20000, s11;
	s11 =	sor.u32 s1, s11  }
0xb: {  	s4 =	sadd.s32 s4, s0;
	s0 =	sadd.s32 $0x65000, s0;
	s17 =	ssub.s32 s6, s8  }
0xc: {  	s6 =	sadd.s32 $0x2C00, s26;
	s7 =	sadd.s32 s29, s2;
	s30 =	sshrl.u32 s12, $0x2  }
0xd: {  	s9 =	sshrl.u32 s14, $0x2;
	s10 =	sshrl.u32 s15, $0x2;
	s12 =	sor.u32 s1, s12  }
0xe: {  	s13 =	sshrl.u32 s16, $0x2;
	s19 =	sshrl.u32 s11, $0x4;
	s14 =	sor.u32 s1, s14  }
0xf: {  	s15 =	sor.u32 s1, s15;
	s1 =	sor.u32 s1, s16;
	s26 =	simm.s32 $0xDD00  }
0x10: {  	s4 =	sadd.s32 $0x2A400, s4;
	s8 =	sadd.s32 s30, s2;
	s9 =	sadd.s32 s9, s2  }
0x11: {  	s10 =	sadd.s32 s10, s2;
	s20 =	sshrl.u32 s12, $0x4;
	s11 =	sadd.s32 s13, s2  }
0x12: {  	s12 =	sadd.s32 s0, s19;
	s14 =	sshrl.u32 s14, $0x4;
	s15 =	sshrl.u32 s15, $0x4  }
0x13: {  	s1 =	sshrl.u32 s1, $0x4;
	s17 =	smax.u32 s17, $0x1;
	s19 =	simm.s32 $0x3  }
0x14: {  	s13 =	sadd.s32 s0, s20;
	s14 =	sadd.s32 s0, s14;
	s15 =	sadd.s32 s0, s15  }
0x15: {  	s16 =	sadd.s32 s0, s1;
	s20 =	sadd.s32 s18, s4;
	s0 =	simm.s32 $0x4E00  }
0x16: {  	s4 =	simm.s32 $0x9C80;
	s1 =	simm.s32 $0x40;
	s18 =	simm.s32 $0x0  }
.LBB2_1:
0x17: {  	s25 =	simm.s32 $0x4E80  }
0x18: {  	[tilespmem:s25], [sflag:$0x3] =	stream.linear.gather [hbm4b:s6+s3], $0x4E80, $0x38;
	[tilespmem:$0x19D00] =	vst v63  }
0x19: {  	_ =	swait.ge [sflag:s19], $0x4E80  }
0x1a: {  	[sflag:s19] =	ssyncset.done $0x0  }
0x1b: {  	[sflag:s19] =	ssyncadd.s32 $0xFFFFB180  }
0x1c: {  	[tilespmem:s3], [sflag:$0x3] =	stream.linear.gather [hbm4b:s20+s3], $0x4E80, $0x38;
	[tilespmem:$0x19D00] =	vst v63  }
0x1d: {  	_ =	swait.ge [sflag:s19], $0x4E80  }
0x1e: {  	[sflag:s19] =	ssyncset.done $0x0  }
0x1f: {  	[sflag:s19] =	ssyncadd.s32 $0xFFFFB180  }
0x20: {  	s30 =	rddreg [dreg:$0x1]  }
0x21: {  	[tilespmem:s21], [sflag:$0x3] =	stream.linear.gather [hbm4b:s30+s3], $0x2000, $0x38;
	[tilespmem:$0x19D00] =	vst v63  }
0x22: {  	_ =	swait.ge [sflag:s19], $0x2000  }
0x23: {  	[sflag:s19] =	ssyncset.done $0x0  }
0x24: {  	[sflag:s19] =	ssyncadd.s32 $0xFFFFE000  }
0x25: {  	[spmem:s7] =	stream.linear.scatter [tilespmem:s21], [sflag:$0x2], $0x2000, $0x38;
	[tilespmem:$0x19D00] =	vst v63  }
0x26: {  	_ = 	snop  }
0x27: {  	[spmem:s8] =	stream.linear.scatter [tilespmem:s21], [sflag:$0x2], $0x2000, $0x38;
	[tilespmem:$0x19D00] =	vst v63  }
0x28: {  	_ = 	snop  }
0x29: {  	[spmem:s9] =	stream.linear.scatter [tilespmem:s21], [sflag:$0x2], $0x2000, $0x38;
	[tilespmem:$0x19D00] =	vst v63  }
0x2a: {  	_ = 	snop  }
0x2b: {  	[spmem:s10] =	stream.linear.scatter [tilespmem:s21], [sflag:$0x2], $0x2000, $0x38;
	[tilespmem:$0x19D00] =	vst v63  }
0x2c: {  	_ = 	snop  }
0x2d: {  	[spmem:s11] =	stream.linear.scatter [tilespmem:s21], [sflag:$0x2], $0x2000, $0x38;
	[tilespmem:$0x19D00] =	vst v63  }
0x2e: {  	_ =	swait.ge [sflag:s22], $0x2000  }
0x2f: {  	[sflag:s22] =	ssyncset.done $0x0  }
0x30: {  	[sflag:s22] =	ssyncadd.s32 $0xFFFFE000  }
0x31: {  	_ =	swait.ge [sflag:s22], $0x2000  }
0x32: {  	[sflag:s22] =	ssyncset.done $0x0  }
0x33: {  	[sflag:s22] =	ssyncadd.s32 $0xFFFFE000  }
0x34: {  	_ =	swait.ge [sflag:s22], $0x2000  }
0x35: {  	[sflag:s22] =	ssyncset.done $0x0  }
0x36: {  	[sflag:s22] =	ssyncadd.s32 $0xFFFFE000  }
0x37: {  	_ =	swait.ge [sflag:s22], $0x2000  }
0x38: {  	[sflag:s22] =	ssyncset.done $0x0  }
0x39: {  	[sflag:s22] =	ssyncadd.s32 $0xFFFFE000  }
0x3a: {  	_ =	swait.ge [sflag:s22], $0x2000  }
0x3b: {  	[sflag:s22] =	ssyncset.done $0x0  }
0x3c: {  	[sflag:s22] =	ssyncadd.s32 $0xFFFFE000  }
0x3d: {  	[bflag:$0x0] =	sbarrier.arrive $0xFFFF  }
0x3e: {  	[tilespmem:s21], [sflag:$0x1] =	stream.indirect.gather [hbm4b:s5+s23], $0x40, s3, s23, $0xb8;
	[tilespmem:$0x19D00] =	vst v63  }
0x3f: {  	_ = 	snop  }
0x40: {  	[tilespmem:s24], [sflag:$0x1] =	stream.indirect.gather [hbm4b:s5+s23], $0x40, s23, s23, $0xb8;
	[tilespmem:$0x19D00] =	vst v63  }
0x41: {  	s30 =	simm.s32 $0x100  }
0x42: {  	[tilespmem:s26], [sflag:$0x1] =	stream.indirect.gather [hbm4b:s5+s23], $0x40, s30, s23, $0xb8;
	[tilespmem:$0x19D00] =	vst v63  }
0x43: {  	_ =	swait.ge [sflag:s28], $0x2000  }
0x44: {  	[sflag:s28] =	ssyncset.done $0x0  }
0x45: {  	s30 =	simm.s32 $0x4E80;
	[sflag:s28] =	ssyncadd.s32 $0xFFFFE000  }
0x46: {  	[spmem:s2] =	stream.indirect.scatter.add.bf16 [tilespmem:s21], [sflag:$0x2], $0x40, s30, s23, $0xb8;
	[tilespmem:$0x19D00] =	vst v63  }
0x47: {  	_ =	swait.ge [sflag:s28], $0x2000  }
0x48: {  	[sflag:s28] =	ssyncset.done $0x0  }
0x49: {  	s30 =	simm.s32 $0x4F00;
	[sflag:s28] =	ssyncadd.s32 $0xFFFFE000  }
0x4a: {  	[spmem:s2] =	stream.indirect.scatter.add.bf16 [tilespmem:s24], [sflag:$0x2], $0x40, s30, s23, $0xb8;
	[tilespmem:$0x19D00] =	vst v63  }
0x4b: {  	_ =	swait.ge [sflag:s28], $0x2000  }
0x4c: {  	[sflag:s28] =	ssyncset.done $0x0  }
0x4d: {  	s30 =	simm.s32 $0x4F80;
	[sflag:s28] =	ssyncadd.s32 $0xFFFFE000  }
0x4e: {  	[spmem:s2] =	stream.indirect.scatter.add.bf16 [tilespmem:s26], [sflag:$0x2], $0x40, s30, s23, $0xb8;
	[tilespmem:$0x19D00] =	vst v63  }
0x4f: {  	_ =	swait.ge [sflag:s22], $0x2000  }
0x50: {  	[sflag:s22] =	ssyncset.done $0x0  }
0x51: {  	s30 =	simm.s32 $0x180;
	[sflag:s22] =	ssyncadd.s32 $0xFFFFE000  }
0x52: {  	[tilespmem:s21], [sflag:$0x1] =	stream.indirect.gather [hbm4b:s5+s23], $0x40, s30, s23, $0xb8;
	[tilespmem:$0x19D00] =	vst v63  }
0x53: {  	_ =	swait.ge [sflag:s22], $0x2000  }
0x54: {  	[sflag:s22] =	ssyncset.done $0x0  }
0x55: {  	s30 =	simm.s32 $0x200;
	[sflag:s22] =	ssyncadd.s32 $0xFFFFE000  }
0x56: {  	[tilespmem:s24], [sflag:$0x1] =	stream.indirect.gather [hbm4b:s5+s23], $0x40, s30, s23, $0xb8;
	[tilespmem:$0x19D00] =	vst v63  }
0x57: {  	_ =	swait.ge [sflag:s22], $0x2000  }
0x58: {  	[sflag:s22] =	ssyncset.done $0x0  }
0x59: {  	s29 =	simm.s32 $0x280;
	s25 =	simm.s32 $0x600;
	[sflag:s22] =	ssyncadd.s32 $0xFFFFE000  }
.LBB2_2:
0x5a: {  	[tilespmem:s26], [sflag:$0x1] =	stream.indirect.gather [hbm4b:s5+s23], $0x40, s29, s23, $0xb8;
	[tilespmem:$0x19D00] =	vst v63  }
0x5b: {  	s29 =	smov.u32 s25  }
0x5c: {  	p0 =	sne.s32 s25, $0x12C00;
	s25 =	sadd.s32 $0x600, s25;
	_ =	swait.ge [sflag:s28], $0x2000  }
0x5d: {  	s29 =	sshra.s32 s29, $0x2;
	[sflag:s28] =	ssyncset.done $0x0  }
0x5e: {  	s30 =	sadd.s32 $0x4E80, s29;
	[sflag:s28] =	ssyncadd.s32 $0xFFFFE000  }
0x5f: {  	[spmem:s2] =	stream.indirect.scatter.add.bf16 [tilespmem:s21], [sflag:$0x2], $0x40, s30, s23, $0xb8;
	[tilespmem:$0x19D00] =	vst v63  }
0x60: {  	_ =	swait.ge [sflag:s28], $0x2000  }
0x61: {  	[sflag:s28] =	ssyncset.done $0x0  }
0x62: {  	s30 =	sadd.s32 $0x4F00, s29;
	[sflag:s28] =	ssyncadd.s32 $0xFFFFE000  }
0x63: {  	[spmem:s2] =	stream.indirect.scatter.add.bf16 [tilespmem:s24], [sflag:$0x2], $0x40, s30, s23, $0xb8;
	[tilespmem:$0x19D00] =	vst v63  }
0x64: {  	_ =	swait.ge [sflag:s28], $0x2000  }
0x65: {  	[sflag:s28] =	ssyncset.done $0x0  }
0x66: {  	s30 =	sadd.s32 $0x4F80, s29;
	[sflag:s28] =	ssyncadd.s32 $0xFFFFE000  }
0x67: {  	[spmem:s2] =	stream.indirect.scatter.add.bf16 [tilespmem:s26], [sflag:$0x2], $0x40, s30, s23, $0xb8;
	[tilespmem:$0x19D00] =	vst v63  }
0x68: {  	_ =	swait.ge [sflag:s22], $0x2000  }
0x69: {  	[sflag:s22] =	ssyncset.done $0x0  }
0x6a: {  	s30 =	sadd.s32 $0x180, s29;
	[sflag:s22] =	ssyncadd.s32 $0xFFFFE000  }
0x6b: {  	[tilespmem:s21], [sflag:$0x1] =	stream.indirect.gather [hbm4b:s5+s23], $0x40, s30, s23, $0xb8;
	[tilespmem:$0x19D00] =	vst v63  }
0x6c: {  	_ =	swait.ge [sflag:s22], $0x2000  }
0x6d: {  	[sflag:s22] =	ssyncset.done $0x0  }
.Ltmp0:
0x6e: {  	s30 =	sadd.s32 $0x200, s29;
	[sflag:s22] =	ssyncadd.s32 $0xFFFFE000;
	(pc) =	sbr.rel @p0 .LBB2_2-.Ltmp0, $4  }
0x6f: {  	[tilespmem:s24], [sflag:$0x1] =	stream.indirect.gather [hbm4b:s5+s23], $0x40, s30, s23, $0xb8;
	[tilespmem:$0x19D00] =	vst v63  }
0x70: {  	_ =	swait.ge [sflag:s22], $0x2000  }
0x71: {  	[sflag:s22] =	ssyncset.done $0x0  }
0x72: {  	s29 =	sadd.s32 $0x280, s29;
	[sflag:s22] =	ssyncadd.s32 $0xFFFFE000  }
0x73: {  	[tilespmem:s26], [sflag:$0x1] =	stream.indirect.gather [hbm4b:s5+s23], $0x40, s29, s23, $0xb8;
	[tilespmem:$0x19D00] =	vst v63  }
0x74: {  	_ =	swait.ge [sflag:s28], $0x2000  }
0x75: {  	[sflag:s28] =	ssyncset.done $0x0  }
0x76: {  	s25 =	simm.s32 $0x9B00;
	[sflag:s28] =	ssyncadd.s32 $0xFFFFE000  }
0x77: {  	[spmem:s2] =	stream.indirect.scatter.add.bf16 [tilespmem:s21], [sflag:$0x2], $0x40, s25, s23, $0xb8;
	[tilespmem:$0x19D00] =	vst v63  }
0x78: {  	_ =	swait.ge [sflag:s28], $0x2000  }
0x79: {  	[sflag:s28] =	ssyncset.done $0x0  }
0x7a: {  	s30 =	simm.s32 $0x9B80;
	[sflag:s28] =	ssyncadd.s32 $0xFFFFE000  }
0x7b: {  	[spmem:s2] =	stream.indirect.scatter.add.bf16 [tilespmem:s24], [sflag:$0x2], $0x40, s30, s23, $0xb8;
	[tilespmem:$0x19D00] =	vst v63  }
0x7c: {  	_ =	swait.ge [sflag:s28], $0x2000  }
0x7d: {  	[sflag:s28] =	ssyncset.done $0x0  }
0x7e: {  	[sflag:s28] =	ssyncadd.s32 $0xFFFFE000  }
0x7f: {  	[spmem:s2] =	stream.indirect.scatter.add.bf16 [tilespmem:s26], [sflag:$0x2], $0x40, s31, s23, $0xb8;
	[tilespmem:$0x19D00] =	vst v63  }
0x80: {  	_ =	swait.ge [sflag:s22], $0x2000  }
0x81: {  	[sflag:s22] =	ssyncset.done $0x0  }
0x82: {  	[sflag:s22] =	ssyncadd.s32 $0xFFFFE000  }
0x83: {  	[tilespmem:s21], [sflag:$0x1] =	stream.indirect.gather [hbm4b:s5+s23], $0x40, s0, s23, $0xb8;
	[tilespmem:$0x19D00] =	vst v63  }
0x84: {  	_ =	swait.ge [sflag:s22], $0x2000  }
0x85: {  	[sflag:s22] =	ssyncset.done $0x0  }
0x86: {  	[sflag:s22] =	ssyncadd.s32 $0xFFFFE000  }
0x87: {  	[tilespmem:s24], [sflag:$0x1] =	stream.indirect.gather [hbm4b:s5+s23], $0x40, s0, s23, $0xb8;
	[tilespmem:$0x19D00] =	vst v63  }
0x88: {  	_ =	swait.ge [sflag:s22], $0x2000  }
0x89: {  	[sflag:s22] =	ssyncset.done $0x0  }
0x8a: {  	[sflag:s22] =	ssyncadd.s32 $0xFFFFE000  }
0x8b: {  	[tilespmem:s26], [sflag:$0x1] =	stream.indirect.gather [hbm4b:s5+s23], $0x40, s0, s23, $0xb8;
	[tilespmem:$0x19D00] =	vst v63  }
0x8c: {  	_ =	swait.ge [sflag:s28], $0x2000  }
0x8d: {  	[sflag:s28] =	ssyncset.done $0x0  }
0x8e: {  	[sflag:s28] =	ssyncadd.s32 $0xFFFFE000  }
0x8f: {  	[spmem:s2] =	stream.indirect.scatter.add.bf16 [tilespmem:s21], [sflag:$0x2], $0x40, s4, s23, $0xb8;
	[tilespmem:$0x19D00] =	vst v63  }
0x90: {  	_ =	swait.ge [sflag:s22], $0x2000  }
0x91: {  	[sflag:s22] =	ssyncset.done $0x0  }
0x92: {  	[sflag:s22] =	ssyncadd.s32 $0xFFFFE000  }
0x93: {  	_ =	swait.ge [sflag:s28], $0x2000  }
0x94: {  	[sflag:s28] =	ssyncset.done $0x0  }
0x95: {  	[sflag:s28] =	ssyncadd.s32 $0xFFFFE000  }
0x96: {  	_ =	swait.ge [sflag:s28], $0x2000  }
0x97: {  	[sflag:s28] =	ssyncset.done $0x0  }
0x98: {  	[sflag:s28] =	ssyncadd.s32 $0xFFFFE000  }
0x99: {  	[bflag:$0x0] =	sbarrier.arrive $0xFFFF  }
0x9a: {  	[tilespmem:s21], [sflag:$0x1] =	stream.linear.gather [spmem:s7], $0x2000, $0x38;
	[tilespmem:$0x19D00] =	vst v63  }
0x9b: {  	_ =	swait.ge [sflag:s28], $0x2000  }
0x9c: {  	[sflag:s28] =	ssyncset.done $0x0  }
0x9d: {  	[sflag:s28] =	ssyncadd.s32 $0xFFFFE000  }
0x9e: {  	[hbm4b:s12+s1] =	stream.strided.scatter [tilespmem:s21], [sflag:$0x2], $0x2000, s23, s1, $0x38;
	[tilespmem:$0x19D00] =	vst v63  }
0x9f: {  	_ = 	snop  }
0xa0: {  	[tilespmem:s24], [sflag:$0x1] =	stream.linear.gather [spmem:s8], $0x2000, $0x38;
	[tilespmem:$0x19D00] =	vst v63  }
0xa1: {  	_ =	swait.ge [sflag:s28], $0x2000  }
0xa2: {  	[sflag:s28] =	ssyncset.done $0x0  }
0xa3: {  	[sflag:s28] =	ssyncadd.s32 $0xFFFFE000  }
0xa4: {  	[hbm4b:s13+s1] =	stream.strided.scatter [tilespmem:s24], [sflag:$0x2], $0x2000, s23, s1, $0x38;
	[tilespmem:$0x19D00] =	vst v63  }
0xa5: {  	_ = 	snop  }
0xa6: {  	[tilespmem:s26], [sflag:$0x1] =	stream.linear.gather [spmem:s9], $0x2000, $0x38;
	[tilespmem:$0x19D00] =	vst v63  }
0xa7: {  	_ =	swait.ge [sflag:s28], $0x2000  }
0xa8: {  	[sflag:s28] =	ssyncset.done $0x0  }
0xa9: {  	[sflag:s28] =	ssyncadd.s32 $0xFFFFE000  }
0xaa: {  	[hbm4b:s14+s1] =	stream.strided.scatter [tilespmem:s26], [sflag:$0x2], $0x2000, s23, s1, $0x38;
	[tilespmem:$0x19D00] =	vst v63  }
0xab: {  	_ =	swait.ge [sflag:s22], $0x2000  }
0xac: {  	[sflag:s22] =	ssyncset.done $0x0  }
0xad: {  	[sflag:s22] =	ssyncadd.s32 $0xFFFFE000  }
0xae: {  	[tilespmem:s21], [sflag:$0x1] =	stream.linear.gather [spmem:s10], $0x2000, $0x38;
	[tilespmem:$0x19D00] =	vst v63  }
0xaf: {  	_ =	swait.ge [sflag:s28], $0x2000  }
0xb0: {  	[sflag:s28] =	ssyncset.done $0x0  }
0xb1: {  	[sflag:s28] =	ssyncadd.s32 $0xFFFFE000  }
0xb2: {  	[hbm4b:s15+s1] =	stream.strided.scatter [tilespmem:s21], [sflag:$0x2], $0x2000, s23, s1, $0x38;
	[tilespmem:$0x19D00] =	vst v63  }
0xb3: {  	_ =	swait.ge [sflag:s22], $0x2000  }
0xb4: {  	[sflag:s22] =	ssyncset.done $0x0  }
0xb5: {  	[sflag:s22] =	ssyncadd.s32 $0xFFFFE000  }
0xb6: {  	[tilespmem:s24], [sflag:$0x1] =	stream.linear.gather [spmem:s11], $0x2000, $0x38;
	[tilespmem:$0x19D00] =	vst v63  }
0xb7: {  	_ =	swait.ge [sflag:s28], $0x2000  }
0xb8: {  	[sflag:s28] =	ssyncset.done $0x0  }
0xb9: {  	[sflag:s28] =	ssyncadd.s32 $0xFFFFE000  }
0xba: {  	[hbm4b:s16+s1] =	stream.strided.scatter [tilespmem:s24], [sflag:$0x2], $0x2000, s23, s1, $0x38;
	[tilespmem:$0x19D00] =	vst v63  }
0xbb: {  	_ =	swait.ge [sflag:s22], $0x2000  }
0xbc: {  	[sflag:s22] =	ssyncset.done $0x0  }
0xbd: {  	[sflag:s22] =	ssyncadd.s32 $0xFFFFE000  }
0xbe: {  	_ =	swait.ge [sflag:s22], $0x2000  }
0xbf: {  	s18 =	sadd.s32 $0x1, s18;
	[sflag:s22] =	ssyncset.done $0x0  }
0xc0: {  	p0 =	sne.s32 s18, s17;
	[sflag:s22] =	ssyncadd.s32 $0xFFFFE000  }
.Ltmp1:
0xc1: {  	_ =	swait.ge [sflag:s22], $0x2000;
	(pc) =	sbr.rel @p0 .LBB2_1-.Ltmp1, $3  }
0xc2: {  	[sflag:s22] =	ssyncset.done $0x0  }
0xc3: {  	[sflag:s22] =	ssyncadd.s32 $0xFFFFE000  }
0xc4: {  	[bflag:$0x0] =	sbarrier.arrive $0xFFFF;
	_ =	sdelay $0x1  }
0xc5: {  	_ =	sfence.sel $0x180000  }
0xc6: {  	[bflag:$0x0] =	sbarrier.arrive $0xFFFF  }
0xc7: {  	_ =	strace $0x9000004D  }
0xc8: {  	s0 =	stileid.u32;
	[bflag:$0x2] =	sbarrier.arrive $0xFFFF  }
0xc9: {  	p0 =	sne.s32 s0, $0x0;
	s0 =	rddreg [dreg:$0x3]  }
0xca: {  	s0 =	sadd.s32 @!p0 $0x100000, s0  }
0xcb: {  	[sflag:s0] =	ssyncadd.tile.s32 @!p0 $0x1;
	_ =	shalt  }
.Lfunc_end2:
_tile_overlayer_lowered:
.L_overlay_start_2:
0xcc: {  	(tag) =	ssettag $0x2  }
0xcd: {  	s0 =	rddreg [dreg:$0x0];
	s2 =	stileid.u32  }
0xce: {  	s1 =	rddreg [dreg:$0x1];
	p0 =	sne.s32 s2, $0x0  }
0xcf: {  	s3 =	rddreg [dreg:$0x2];
	[bflag:$0x3] =	sbarrier.arrive $0xFFFF;
	s2 =	simm.s32 @!p0 $0x1C03  }
0xd0: {  	[timem:s3], [sflag:s2] =	dma.local @!p0 [hbm:s0], s1  }
0xd1: {  	s0 =	simm.s32 @!p0 $0x3  }
0xd2: {  	_ =	swait.ge @!p0 [sflag:s0], s1  }
0xd3: {  	s1 =	ssub.s32 @!p0 $0x0, s1;
	[sflag:s0] =	ssyncset.done @!p0 $0x0  }
0xd4: {  	[sflag:s0] =	ssyncadd.s32 @!p0 s1  }
0xd5: {  	[bflag:$0x3] =	sbarrier.arrive $0xFFFF  }
0xd6: {  	_ =	shalt  }

// kernel: kernel.19.cloned.1.call-start
scs
__scs_entry_jumppad:
0x0: {  	(pc) =	sbr.rel $0x88, $3  }
0x1: {  	(tag) =	ssettag $0x0;
	lr =	simm.s32 $0x1  }
0x2: {  	[smem:$0x3F94] =	sst lr;
	_ =	strace $0xD0000000  }
0x3: {  	_ = 	snop  }
0x4: {  	_ = 	snop  }
0x5: {  	_ = 	snop  }
0x6: {  	_ = 	snop  }
0x7: {  	_ = 	snop  }
__scs_overlays_trampoline_lowered:
0x8: {  	[smem:$0x3FA3] =	sst s0  }
0x9: {  	[smem:$0x3FA4] =	sst s1  }
0xa: {  	[smem:$0x3FA5] =	sst s2  }
0xb: {  	[smem:$0x3FA6] =	sst s3  }
0xc: {  	[smem:$0x3FA7] =	sst s4  }
0xd: {  	[smem:$0x3FA8] =	sst s5  }
0xe: {  	[smem:$0x3FA9] =	sst s6  }
0xf: {  	[smem:$0x3FAA] =	sst s7  }
0x10: {  	[smem:$0x3FAB] =	sst s8  }
0x11: {  	[smem:$0x3FAC] =	sst s9;
	s0 =	simm.s32 @!p0 $0x0  }
0x12: {  	s1 =	sld [smem:$0x3F92];
	s0 =	simm.s32 @p0 $0x1  }
0x13: {  	[smem:$0x3FAD] =	sst s0;
	s0 =	simm.s32 @!p1 $0x0  }
0x14: {  	s2 =	sld [smem:$0x3F91];
	s0 =	simm.s32 @p1 $0x1  }
0x15: {  	[smem:$0x3FAE] =	sst s0;
	s0 =	simm.s32 @!p2 $0x0  }
0x16: {  	s3 =	sld [smem:$0x3FDB];
	s0 =	simm.s32 @p2 $0x1  }
0x17: {  	s4 =	simm.s32 $0x1BF5;
	[smem:$0x3FB0] =	sst s0  }
0x18: {  	s0 =	sld [smem:$0x3F93];
	_ =	swait.ge [sflag:s4], $0x0  }
0x19: {  	s7 =	sld [smem:$0x3F94]  }
0x1a: {  	s8 =	sadd.s32 $0xFFFFE003, lr  }
0x1b: {  	s9 =	sadd.s32 $0xFFFFFEF7, lr;
	s5 =	simm.s32 $0xFFFFFFFF;
	p2 =	slt.u32 s8, $0xFFFFF086  }
0x1c: {  	p1 =	slt.u32 s9, $0xF7A;
	s5 =	simm.s32 @!p2 $0x0  }
0x1d: {  	s5 =	simm.s32 @p1 $0x1;
	p0 =	seq.s32 s7, s2  }
0x1e: {  	s7 =	smul.u32 @!p0 $0xF7A, s2;
	p2 =	seq.s32 @!p0 s5, $0x0  }
0x1f: {  	s9 =	smul.u32 $0xF7A, s1;
	s8 =	simm.s32 @!p0 $0x1BF5;
	p2 =	por !p2, p0  }
0x20: {  	[sflag:s8] =	ssyncset.s32 @!p0 $0xFFFFF086;
	s6 =	sadd.s32 @!p0 s3, s7;
	s7 =	simm.s32 @!p0 $0x108  }
0x21: {  	s3 =	sadd.s32 s3, s9;
	s6 =	sadd.s32 @!p0 $0x88, s6;
	s7 =	simm.s32 @p2 $0x1082  }
0x22: {  	[simem:s7], [sflag:s8] =	dma.local @!p0 [hbm:s6], $0xF7A  }
0x23: {  	s9 =	sor.u32 $0xD0000000, s2;
	s6 =	simm.s32 $0x108;
	_ =	swait.ge @!p0 [sflag:s8], $0x0  }
0x24: {  	s3 =	sadd.s32 $0x88, s3;
	s6 =	simm.s32 @!p1 $0x1082;
	[sflag:s4] =	ssyncset.s32 $0xFFFFF086  }
0x25: {  	[simem:s6], [sflag:s4] =	dma.local [hbm:s3], $0xF7A  }
0x26: {  	[smem:$0x3F94] =	sst s1;
	(tag) =	ssettag s2;
	_ =	strace s9  }
0x27: {  	s1 =	sld [smem:$0x3FA4]  }
0x28: {  	s2 =	sld [smem:$0x3FA5]  }
0x29: {  	s4 =	sld [smem:$0x3FA7]  }
0x2a: {  	p0 =	seq.s32 s5, $0x0;
	s5 =	sld [smem:$0x3FA8]  }
0x2b: {  	s6 =	sld [smem:$0x3FA9]  }
0x2c: {  	s7 =	sld [smem:$0x3FAA]  }
0x2d: {  	s3 =	simm.s32 $0x108;
	s8 =	sld [smem:$0x3FAB]  }
0x2e: {  	s3 =	simm.s32 @!p0 $0x1082;
	s9 =	sld [smem:$0x3FAC]  }
0x2f: {  	lr =	sadd.s32 s0, s3;
	s0 =	sld [smem:$0x3FA3]  }
0x30: {  	s3 =	sld [smem:$0x3FA6]  }
0x31: {  	[smem:$0x3FAF] =	sst s10  }
0x32: {  	s10 =	sld [smem:$0x3FAD];
	_ =	sdelay $0x3  }
0x33: {  	p0 =	seq.s32 s10, $0x1;
	s10 =	sld [smem:$0x3FAF];
	_ =	sdelay $0x3  }
0x34: {  	[smem:$0x3FAF] =	sst s10  }
0x35: {  	s10 =	sld [smem:$0x3FAE];
	_ =	sdelay $0x3  }
0x36: {  	p1 =	seq.s32 s10, $0x1;
	s10 =	sld [smem:$0x3FAF];
	_ =	sdelay $0x3  }
0x37: {  	[smem:$0x3FAF] =	sst s10  }
0x38: {  	s10 =	sld [smem:$0x3FB0]  }
0x39: {  	_ = 	snop;
	(pc) =	sbr.ind lr, $3  }
0x3a: {  	_ = 	snop  }
0x3b: {  	_ = 	snop  }
0x3c: {  	p2 =	seq.s32 s10, $0x1;
	s10 =	sld [smem:$0x3FAF]  }
0x3d: {  	_ =	shalt  }
0x3e: {  	_ =	shalt  }
0x3f: {  	_ =	shalt  }
0x40: {  	_ =	shalt  }
0x41: {  	_ =	shalt  }
0x42: {  	_ =	shalt  }
0x43: {  	_ =	shalt  }
0x44: {  	_ =	shalt  }
0x45: {  	_ =	shalt  }
0x46: {  	_ =	shalt  }
0x47: {  	_ =	shalt  }
0x48: {  	_ =	shalt  }
0x49: {  	_ =	shalt  }
0x4a: {  	_ =	shalt  }
0x4b: {  	_ =	shalt  }
0x4c: {  	_ =	shalt  }
0x4d: {  	_ =	shalt  }
0x4e: {  	_ =	shalt  }
0x4f: {  	_ =	shalt  }
0x50: {  	_ =	shalt  }
0x51: {  	_ =	shalt  }
0x52: {  	_ =	shalt  }
0x53: {  	_ =	shalt  }
0x54: {  	_ =	shalt  }
0x55: {  	_ =	shalt  }
0x56: {  	_ =	shalt  }
0x57: {  	_ =	shalt  }
0x58: {  	_ =	shalt  }
0x59: {  	_ =	shalt  }
0x5a: {  	_ =	shalt  }
0x5b: {  	_ =	shalt  }
0x5c: {  	_ =	shalt  }
0x5d: {  	_ =	shalt  }
0x5e: {  	_ =	shalt  }
0x5f: {  	_ =	shalt  }
0x60: {  	_ =	shalt  }
0x61: {  	_ =	shalt  }
0x62: {  	_ =	shalt  }
0x63: {  	_ =	shalt  }
0x64: {  	_ =	shalt  }
0x65: {  	_ =	shalt  }
0x66: {  	_ =	shalt  }
0x67: {  	_ =	shalt  }
0x68: {  	_ =	shalt  }
0x69: {  	_ =	shalt  }
0x6a: {  	_ =	shalt  }
0x6b: {  	_ =	shalt  }
0x6c: {  	_ =	shalt  }
0x6d: {  	_ =	shalt  }
0x6e: {  	_ =	shalt  }
0x6f: {  	_ =	shalt  }
0x70: {  	_ =	shalt  }
0x71: {  	_ =	shalt  }
0x72: {  	_ =	shalt  }
0x73: {  	_ =	shalt  }
0x74: {  	_ =	shalt  }
0x75: {  	_ =	shalt  }
0x76: {  	_ =	shalt  }
0x77: {  	_ =	shalt  }
0x78: {  	_ =	shalt  }
0x79: {  	_ =	shalt  }
0x7a: {  	_ =	shalt  }
0x7b: {  	_ =	shalt  }
0x7c: {  	_ =	shalt  }
0x7d: {  	_ =	shalt  }
0x7e: {  	_ =	shalt  }
0x7f: {  	_ =	shalt  }
0x80: {  	_ =	shalt  }
0x81: {  	_ =	shalt  }
0x82: {  	_ =	shalt  }
0x83: {  	_ =	shalt  }
0x84: {  	_ =	shalt  }
0x85: {  	_ =	shalt  }
0x86: {  	_ =	shalt  }
0x87: {  	_ =	shalt  }
.Lfunc_end0:
.L_simem_size_0:
called_computation.3_lowered:
.L_overlay_start_0:
0x88: {  	s2 =	sld [smem:$0x3FD9]  }
0x89: {  	s3 =	sld [smem:$0x3FFE];
	_ =	sdelay $0x1  }
0x8a: {  	s1 =	srdreg.scid  }
0x8b: {  	s0 =	sand.u32 $0x1, s1  }
0x8c: {  	s17 =	sshll.u32 s0, $0xA;
	s2 =	sadd.s32 s3, s2  }
0x8d: {  	s2 =	sadd.s32 s2, s17  }
0x8e: {  	[smem:$0x3FBB] =	sst s2  }
0x8f: {  	_ = 	snop  }
0x90: {  	s2 =	sld [smem:$0x3FD0];
	(tm) =	ssettm $0x1  }
0x91: {  	s18 =	sld [smem:$0x3FFB];
	_ =	sdelay $0x3  }
0x92: {  	_ =	strace s18  }
0x93: {  	s3 =	sld [smem:$0x3FFC];
	_ =	sdelay $0x3  }
0x94: {  	_ =	strace s3  }
0x95: {  	s3 =	sld [smem:$0x3FFD];
	_ =	sdelay $0x3  }
0x96: {  	_ =	strace s3  }
0x97: {  	_ =	strace $0x8FFFFFFF  }
0x98: {  	s19 =	sld [smem:$0x3FDB];
	_ =	sdelay $0x1  }
0x99: {  	s4 =	simm.s32 $_scs_section_size  }
0x9a: {  	s5 =	simm.s32 $_size__tile_overlayer_lowered;
	s6 =	simm.s32 $_tile_overlayer_lowered  }
0x9b: {  	s22 =	simm.s32 $0x1BFF;
	s21 =	sshll.u32 s6, $0x1;
	s3 =	sadd.s32 s4, s19  }
0x9c: {  	s7 =	simm.s32 $0x0;
	s20 =	sshll.u32 s5, $0x1;
	s5 =	sadd.s32 s21, s3  }
0x9d: {  	[timem:s7], [sflag:s22] =	dma.local [hbm:s5], s20  }
0x9e: {  	_ =	swait.ge [sflag:s22], s20  }
0x9f: {  	s4 =	ssub.s32 $0x0, s20;
	[sflag:s22] =	ssyncset.done $0x0  }
0xa0: {  	[sflag:s22] =	ssyncadd.s32 s4;
	_ =	sdelay $0x1  }
0xa1: {  	s23 =	simm.s32 $0x1B8B  }
0xa2: {  	_ =	swait.ge [sflag:s23], $0x1  }
0xa3: {  	[sflag:s23] =	ssyncset.done $0x0  }
0xa4: {  	s25 =	simm.s32 $0x1B8E;
	s24 =	sld [smem:$0x3FFE];
	[sflag:s23] =	ssyncadd.s32 $0xFFFFFFFF  }
0xa5: {  	s26 =	simm.s32 $execute0_lowered;
	[smem:$0x3FD2] =	sst s25  }
0xa6: {  	s5 =	sshll.u32 s26, $0x1;
	_ =	strace $0x8000004F;
	[dreg:$0x1] =	wrdreg $0xFFFFFFFF  }
0xa7: {  	s28 =	simm.s32 $_size_execute0_lowered;
	s3 =	sadd.s32 s3, s5;
	[dreg:$0x0] =	wrdreg $0x0  }
0xa8: {  	s5 =	sshll.u32 s28, $0x1;
	[dreg:$0x2] =	wrdreg s3  }
0xa9: {  	[dreg:$0x3] =	wrdreg s5  }
0xaa: {  	[dreg:$0x4] =	wrdreg $0xC0  }
0xab: {  	_ =	task [dreg:s7], $0x5FFFF  }
0xac: {  	[dreg:$0x1] =	wrdreg $0xFFFFFFFF  }
0xad: {  	[dreg:$0x0] =	wrdreg $0x60  }
0xae: {  	[dreg:$0x2] =	wrdreg s24  }
0xaf: {  	[dreg:$0x3] =	wrdreg s2  }
0xb0: {  	[dreg:$0x4] =	wrdreg $0xFD000  }
0xb1: {  	[dreg:$0x5] =	wrdreg $0x9  }
0xb2: {  	_ =	task.clear_ibuf [dreg:s7], $0x6FFFF;
	_ =	strace $0x9000004F  }
0xb3: {  	s29 =	simm.s32 $0x9;
	_ =	strace $0x80000051  }
0xb4: {  	_ =	swait.ge [sflag:s29], $0x1  }
0xb5: {  	[sflag:s29] =	ssyncadd.s32 $0xFFFFFFFF  }
0xb6: {  	_ =	strace $0x90000051  }
0xb7: {  	_ =	sfence  }
0xb8: {  	s30 =	sld [smem:$0x0];
	_ =	sdelay $0x2  }
0xb9: {  	s31 =	sshll.u32 s1, $0xD;
	s1 =	sshrl.u32 s1, $0x2  }
0xba: {  	s3 =	sand.u32 $0x4000, s31;
	s1 =	sadd.s32 s1, s30  }
0xbb: {  	s0 =	sor.u32 s3, s0;
	s1 =	sshll.u32 s1, $0x11  }
0xbc: {  	s0 =	sor.u32 s1, s0  }
0xbd: {  	s0 =	sadd.s32 $0x8F2B, s0  }
0xbe: {  	[sflag:s0] =	ssyncadd.remote.s32 $0x1  }
0xbf: {  	_ =	sfence.sel $0xFFFF  }
0xc0: {  	[dreg:$0x0] =	wrdreg $0xFFFFFFFF;
	(pc) =	sbr.abs _section_cstart, $3  }
0xc1: {  	[dreg:$0x1] =	wrdreg $0xFFFFFFFF  }
0xc2: {  	_ =	task.clear_ibuf [dreg:s7], $0x2FFFF;
	_ =	strace $0x9FFFFFFF  }
0xc3: {  	(tm) =	ssettm $0x7FFFFFFF  }
tec
execute0_lowered:
.L_overlay_start_1:
0x0: {  	(tag) =	ssettag $0x1  }
0x1: {  	s0 =	rddreg [dreg:$0x0]  }
0x2: {  	s2 =	rddreg [dreg:$0x2];
	s3 =	simm.s32 $0x0;
	s1 =	srdreg.scid  }
0x3: {  	s7 =	stileid.u32;
	s21 =	simm.s32 $0x9D00;
	s22 =	simm.s32 $0x2  }
0x4: {  	s23 =	simm.s32 $0x80;
	s24 =	simm.s32 $0xBD00;
	s28 =	simm.s32 $0x1  }
0x5: {  	s31 =	simm.s32 $0x9C00;
	[smem:$0x7FF] =	sst s3;
	s18 =	smul.u32 $0x9D0, s7  }
0x6: {  	s1 =	sand.u32 $0x1, s1;
	s5 =	sadd.s32 $0x3DE00, s0;
	s11 =	smul.u32 $0x28000, s7  }
0x7: {  	s4 =	smul.u32 $0x9D00, s1;
	_ =	strace $0x80000050;
	s6 =	ssub.s32 $0x2, s1  }
0x8: {  	s1 =	sshll.u32 s1, $0x7;
	s26 =	sadd.s32 s18, s0;
	s8 =	sshrl.u32 s6, $0x1  }
0x9: {  	s29 =	sshrl.u32 s11, $0x2;
	s12 =	sadd.s32 $0x8000, s11;
	s14 =	sadd.s32 $0x10000, s11  }
0xa: {  	s15 =	sadd.s32 $0x18000, s11;
	s16 =	sadd.s32 $0x20000, s11;
	s11 =	sor.u32 s1, s11  }
0xb: {  	s4 =	sadd.s32 s4, s0;
	s0 =	sadd.s32 $0x65000, s0;
	s17 =	ssub.s32 s6, s8  }
0xc: {  	s6 =	sadd.s32 $0x2C00, s26;
	s7 =	sadd.s32 s29, s2;
	s30 =	sshrl.u32 s12, $0x2  }
0xd: {  	s9 =	sshrl.u32 s14, $0x2;
	s10 =	sshrl.u32 s15, $0x2;
	s12 =	sor.u32 s1, s12  }
0xe: {  	s13 =	sshrl.u32 s16, $0x2;
	s19 =	sshrl.u32 s11, $0x4;
	s14 =	sor.u32 s1, s14  }
0xf: {  	s15 =	sor.u32 s1, s15;
	s1 =	sor.u32 s1, s16;
	s26 =	simm.s32 $0xDD00  }
0x10: {  	s4 =	sadd.s32 $0x2A400, s4;
	s8 =	sadd.s32 s30, s2;
	s9 =	sadd.s32 s9, s2  }
0x11: {  	s10 =	sadd.s32 s10, s2;
	s20 =	sshrl.u32 s12, $0x4;
	s11 =	sadd.s32 s13, s2  }
0x12: {  	s12 =	sadd.s32 s0, s19;
	s14 =	sshrl.u32 s14, $0x4;
	s15 =	sshrl.u32 s15, $0x4  }
0x13: {  	s1 =	sshrl.u32 s1, $0x4;
	s17 =	smax.u32 s17, $0x1;
	s19 =	simm.s32 $0x3  }
0x14: {  	s13 =	sadd.s32 s0, s20;
	s14 =	sadd.s32 s0, s14;
	s15 =	sadd.s32 s0, s15  }
0x15: {  	s16 =	sadd.s32 s0, s1;
	s20 =	sadd.s32 s18, s4;
	s0 =	simm.s32 $0x4E00  }
0x16: {  	s4 =	simm.s32 $0x9C80;
	s1 =	simm.s32 $0x40;
	s18 =	simm.s32 $0x0  }
.LBB2_1:
0x17: {  	s25 =	simm.s32 $0x4E80  }
0x18: {  	[tilespmem:s25], [sflag:$0x3] =	stream.linear.gather [hbm4b:s6+s3], $0x4E80, $0x38;
	[tilespmem:$0x19D00] =	vst v63  }
0x19: {  	_ =	swait.ge [sflag:s19], $0x4E80  }
0x1a: {  	[sflag:s19] =	ssyncset.done $0x0  }
0x1b: {  	[sflag:s19] =	ssyncadd.s32 $0xFFFFB180  }
0x1c: {  	[tilespmem:s3], [sflag:$0x3] =	stream.linear.gather [hbm4b:s20+s3], $0x4E80, $0x38;
	[tilespmem:$0x19D00] =	vst v63  }
0x1d: {  	_ =	swait.ge [sflag:s19], $0x4E80  }
0x1e: {  	[sflag:s19] =	ssyncset.done $0x0  }
0x1f: {  	[sflag:s19] =	ssyncadd.s32 $0xFFFFB180  }
0x20: {  	s30 =	rddreg [dreg:$0x1]  }
0x21: {  	[tilespmem:s21], [sflag:$0x3] =	stream.linear.gather [hbm4b:s30+s3], $0x2000, $0x38;
	[tilespmem:$0x19D00] =	vst v63  }
0x22: {  	_ =	swait.ge [sflag:s19], $0x2000  }
0x23: {  	[sflag:s19] =	ssyncset.done $0x0  }
0x24: {  	[sflag:s19] =	ssyncadd.s32 $0xFFFFE000  }
0x25: {  	[spmem:s7] =	stream.linear.scatter [tilespmem:s21], [sflag:$0x2], $0x2000, $0x38;
	[tilespmem:$0x19D00] =	vst v63  }
0x26: {  	_ = 	snop  }
0x27: {  	[spmem:s8] =	stream.linear.scatter [tilespmem:s21], [sflag:$0x2], $0x2000, $0x38;
	[tilespmem:$0x19D00] =	vst v63  }
0x28: {  	_ = 	snop  }
0x29: {  	[spmem:s9] =	stream.linear.scatter [tilespmem:s21], [sflag:$0x2], $0x2000, $0x38;
	[tilespmem:$0x19D00] =	vst v63  }
0x2a: {  	_ = 	snop  }
0x2b: {  	[spmem:s10] =	stream.linear.scatter [tilespmem:s21], [sflag:$0x2], $0x2000, $0x38;
	[tilespmem:$0x19D00] =	vst v63  }
0x2c: {  	_ = 	snop  }
0x2d: {  	[spmem:s11] =	stream.linear.scatter [tilespmem:s21], [sflag:$0x2], $0x2000, $0x38;
	[tilespmem:$0x19D00] =	vst v63  }
0x2e: {  	_ =	swait.ge [sflag:s22], $0x2000  }
0x2f: {  	[sflag:s22] =	ssyncset.done $0x0  }
0x30: {  	[sflag:s22] =	ssyncadd.s32 $0xFFFFE000  }
0x31: {  	_ =	swait.ge [sflag:s22], $0x2000  }
0x32: {  	[sflag:s22] =	ssyncset.done $0x0  }
0x33: {  	[sflag:s22] =	ssyncadd.s32 $0xFFFFE000  }
0x34: {  	_ =	swait.ge [sflag:s22], $0x2000  }
0x35: {  	[sflag:s22] =	ssyncset.done $0x0  }
0x36: {  	[sflag:s22] =	ssyncadd.s32 $0xFFFFE000  }
0x37: {  	_ =	swait.ge [sflag:s22], $0x2000  }
0x38: {  	[sflag:s22] =	ssyncset.done $0x0  }
0x39: {  	[sflag:s22] =	ssyncadd.s32 $0xFFFFE000  }
0x3a: {  	_ =	swait.ge [sflag:s22], $0x2000  }
0x3b: {  	[sflag:s22] =	ssyncset.done $0x0  }
0x3c: {  	[sflag:s22] =	ssyncadd.s32 $0xFFFFE000  }
0x3d: {  	[bflag:$0x0] =	sbarrier.arrive $0xFFFF  }
0x3e: {  	[tilespmem:s21], [sflag:$0x1] =	stream.indirect.gather [hbm4b:s5+s23], $0x40, s3, s23, $0xb8;
	[tilespmem:$0x19D00] =	vst v63  }
0x3f: {  	_ = 	snop  }
0x40: {  	[tilespmem:s24], [sflag:$0x1] =	stream.indirect.gather [hbm4b:s5+s23], $0x40, s23, s23, $0xb8;
	[tilespmem:$0x19D00] =	vst v63  }
0x41: {  	s30 =	simm.s32 $0x100  }
0x42: {  	[tilespmem:s26], [sflag:$0x1] =	stream.indirect.gather [hbm4b:s5+s23], $0x40, s30, s23, $0xb8;
	[tilespmem:$0x19D00] =	vst v63  }
0x43: {  	_ =	swait.ge [sflag:s28], $0x2000  }
0x44: {  	[sflag:s28] =	ssyncset.done $0x0  }
0x45: {  	s30 =	simm.s32 $0x4E80;
	[sflag:s28] =	ssyncadd.s32 $0xFFFFE000  }
0x46: {  	[spmem:s2] =	stream.indirect.scatter.add.bf16 [tilespmem:s21], [sflag:$0x2], $0x40, s30, s23, $0xb8;
	[tilespmem:$0x19D00] =	vst v63  }
0x47: {  	_ =	swait.ge [sflag:s28], $0x2000  }
0x48: {  	[sflag:s28] =	ssyncset.done $0x0  }
0x49: {  	s30 =	simm.s32 $0x4F00;
	[sflag:s28] =	ssyncadd.s32 $0xFFFFE000  }
0x4a: {  	[spmem:s2] =	stream.indirect.scatter.add.bf16 [tilespmem:s24], [sflag:$0x2], $0x40, s30, s23, $0xb8;
	[tilespmem:$0x19D00] =	vst v63  }
0x4b: {  	_ =	swait.ge [sflag:s28], $0x2000  }
0x4c: {  	[sflag:s28] =	ssyncset.done $0x0  }
0x4d: {  	s30 =	simm.s32 $0x4F80;
	[sflag:s28] =	ssyncadd.s32 $0xFFFFE000  }
0x4e: {  	[spmem:s2] =	stream.indirect.scatter.add.bf16 [tilespmem:s26], [sflag:$0x2], $0x40, s30, s23, $0xb8;
	[tilespmem:$0x19D00] =	vst v63  }
0x4f: {  	_ =	swait.ge [sflag:s22], $0x2000  }
0x50: {  	[sflag:s22] =	ssyncset.done $0x0  }
0x51: {  	s30 =	simm.s32 $0x180;
	[sflag:s22] =	ssyncadd.s32 $0xFFFFE000  }
0x52: {  	[tilespmem:s21], [sflag:$0x1] =	stream.indirect.gather [hbm4b:s5+s23], $0x40, s30, s23, $0xb8;
	[tilespmem:$0x19D00] =	vst v63  }
0x53: {  	_ =	swait.ge [sflag:s22], $0x2000  }
0x54: {  	[sflag:s22] =	ssyncset.done $0x0  }
0x55: {  	s30 =	simm.s32 $0x200;
	[sflag:s22] =	ssyncadd.s32 $0xFFFFE000  }
0x56: {  	[tilespmem:s24], [sflag:$0x1] =	stream.indirect.gather [hbm4b:s5+s23], $0x40, s30, s23, $0xb8;
	[tilespmem:$0x19D00] =	vst v63  }
0x57: {  	_ =	swait.ge [sflag:s22], $0x2000  }
0x58: {  	[sflag:s22] =	ssyncset.done $0x0  }
0x59: {  	s29 =	simm.s32 $0x280;
	s25 =	simm.s32 $0x600;
	[sflag:s22] =	ssyncadd.s32 $0xFFFFE000  }
.LBB2_2:
0x5a: {  	[tilespmem:s26], [sflag:$0x1] =	stream.indirect.gather [hbm4b:s5+s23], $0x40, s29, s23, $0xb8;
	[tilespmem:$0x19D00] =	vst v63  }
0x5b: {  	s29 =	smov.u32 s25  }
0x5c: {  	p0 =	sne.s32 s25, $0x12C00;
	s25 =	sadd.s32 $0x600, s25;
	_ =	swait.ge [sflag:s28], $0x2000  }
0x5d: {  	s29 =	sshra.s32 s29, $0x2;
	[sflag:s28] =	ssyncset.done $0x0  }
0x5e: {  	s30 =	sadd.s32 $0x4E80, s29;
	[sflag:s28] =	ssyncadd.s32 $0xFFFFE000  }
0x5f: {  	[spmem:s2] =	stream.indirect.scatter.add.bf16 [tilespmem:s21], [sflag:$0x2], $0x40, s30, s23, $0xb8;
	[tilespmem:$0x19D00] =	vst v63  }
0x60: {  	_ =	swait.ge [sflag:s28], $0x2000  }
0x61: {  	[sflag:s28] =	ssyncset.done $0x0  }
0x62: {  	s30 =	sadd.s32 $0x4F00, s29;
	[sflag:s28] =	ssyncadd.s32 $0xFFFFE000  }
0x63: {  	[spmem:s2] =	stream.indirect.scatter.add.bf16 [tilespmem:s24], [sflag:$0x2], $0x40, s30, s23, $0xb8;
	[tilespmem:$0x19D00] =	vst v63  }
0x64: {  	_ =	swait.ge [sflag:s28], $0x2000  }
0x65: {  	[sflag:s28] =	ssyncset.done $0x0  }
0x66: {  	s30 =	sadd.s32 $0x4F80, s29;
	[sflag:s28] =	ssyncadd.s32 $0xFFFFE000  }
0x67: {  	[spmem:s2] =	stream.indirect.scatter.add.bf16 [tilespmem:s26], [sflag:$0x2], $0x40, s30, s23, $0xb8;
	[tilespmem:$0x19D00] =	vst v63  }
0x68: {  	_ =	swait.ge [sflag:s22], $0x2000  }
0x69: {  	[sflag:s22] =	ssyncset.done $0x0  }
0x6a: {  	s30 =	sadd.s32 $0x180, s29;
	[sflag:s22] =	ssyncadd.s32 $0xFFFFE000  }
0x6b: {  	[tilespmem:s21], [sflag:$0x1] =	stream.indirect.gather [hbm4b:s5+s23], $0x40, s30, s23, $0xb8;
	[tilespmem:$0x19D00] =	vst v63  }
0x6c: {  	_ =	swait.ge [sflag:s22], $0x2000  }
0x6d: {  	[sflag:s22] =	ssyncset.done $0x0  }
.Ltmp0:
0x6e: {  	s30 =	sadd.s32 $0x200, s29;
	[sflag:s22] =	ssyncadd.s32 $0xFFFFE000;
	(pc) =	sbr.rel @p0 .LBB2_2-.Ltmp0, $4  }
0x6f: {  	[tilespmem:s24], [sflag:$0x1] =	stream.indirect.gather [hbm4b:s5+s23], $0x40, s30, s23, $0xb8;
	[tilespmem:$0x19D00] =	vst v63  }
0x70: {  	_ =	swait.ge [sflag:s22], $0x2000  }
0x71: {  	[sflag:s22] =	ssyncset.done $0x0  }
0x72: {  	s29 =	sadd.s32 $0x280, s29;
	[sflag:s22] =	ssyncadd.s32 $0xFFFFE000  }
0x73: {  	[tilespmem:s26], [sflag:$0x1] =	stream.indirect.gather [hbm4b:s5+s23], $0x40, s29, s23, $0xb8;
	[tilespmem:$0x19D00] =	vst v63  }
0x74: {  	_ =	swait.ge [sflag:s28], $0x2000  }
0x75: {  	[sflag:s28] =	ssyncset.done $0x0  }
0x76: {  	s25 =	simm.s32 $0x9B00;
	[sflag:s28] =	ssyncadd.s32 $0xFFFFE000  }
0x77: {  	[spmem:s2] =	stream.indirect.scatter.add.bf16 [tilespmem:s21], [sflag:$0x2], $0x40, s25, s23, $0xb8;
	[tilespmem:$0x19D00] =	vst v63  }
0x78: {  	_ =	swait.ge [sflag:s28], $0x2000  }
0x79: {  	[sflag:s28] =	ssyncset.done $0x0  }
0x7a: {  	s30 =	simm.s32 $0x9B80;
	[sflag:s28] =	ssyncadd.s32 $0xFFFFE000  }
0x7b: {  	[spmem:s2] =	stream.indirect.scatter.add.bf16 [tilespmem:s24], [sflag:$0x2], $0x40, s30, s23, $0xb8;
	[tilespmem:$0x19D00] =	vst v63  }
0x7c: {  	_ =	swait.ge [sflag:s28], $0x2000  }
0x7d: {  	[sflag:s28] =	ssyncset.done $0x0  }
0x7e: {  	[sflag:s28] =	ssyncadd.s32 $0xFFFFE000  }
0x7f: {  	[spmem:s2] =	stream.indirect.scatter.add.bf16 [tilespmem:s26], [sflag:$0x2], $0x40, s31, s23, $0xb8;
	[tilespmem:$0x19D00] =	vst v63  }
0x80: {  	_ =	swait.ge [sflag:s22], $0x2000  }
0x81: {  	[sflag:s22] =	ssyncset.done $0x0  }
0x82: {  	[sflag:s22] =	ssyncadd.s32 $0xFFFFE000  }
0x83: {  	[tilespmem:s21], [sflag:$0x1] =	stream.indirect.gather [hbm4b:s5+s23], $0x40, s0, s23, $0xb8;
	[tilespmem:$0x19D00] =	vst v63  }
0x84: {  	_ =	swait.ge [sflag:s22], $0x2000  }
0x85: {  	[sflag:s22] =	ssyncset.done $0x0  }
0x86: {  	[sflag:s22] =	ssyncadd.s32 $0xFFFFE000  }
0x87: {  	[tilespmem:s24], [sflag:$0x1] =	stream.indirect.gather [hbm4b:s5+s23], $0x40, s0, s23, $0xb8;
	[tilespmem:$0x19D00] =	vst v63  }
0x88: {  	_ =	swait.ge [sflag:s22], $0x2000  }
0x89: {  	[sflag:s22] =	ssyncset.done $0x0  }
0x8a: {  	[sflag:s22] =	ssyncadd.s32 $0xFFFFE000  }
0x8b: {  	[tilespmem:s26], [sflag:$0x1] =	stream.indirect.gather [hbm4b:s5+s23], $0x40, s0, s23, $0xb8;
	[tilespmem:$0x19D00] =	vst v63  }
0x8c: {  	_ =	swait.ge [sflag:s28], $0x2000  }
0x8d: {  	[sflag:s28] =	ssyncset.done $0x0  }
0x8e: {  	[sflag:s28] =	ssyncadd.s32 $0xFFFFE000  }
0x8f: {  	[spmem:s2] =	stream.indirect.scatter.add.bf16 [tilespmem:s21], [sflag:$0x2], $0x40, s4, s23, $0xb8;
	[tilespmem:$0x19D00] =	vst v63  }
0x90: {  	_ =	swait.ge [sflag:s22], $0x2000  }
0x91: {  	[sflag:s22] =	ssyncset.done $0x0  }
0x92: {  	[sflag:s22] =	ssyncadd.s32 $0xFFFFE000  }
0x93: {  	_ =	swait.ge [sflag:s28], $0x2000  }
0x94: {  	[sflag:s28] =	ssyncset.done $0x0  }
0x95: {  	[sflag:s28] =	ssyncadd.s32 $0xFFFFE000  }
0x96: {  	_ =	swait.ge [sflag:s28], $0x2000  }
0x97: {  	[sflag:s28] =	ssyncset.done $0x0  }
0x98: {  	[sflag:s28] =	ssyncadd.s32 $0xFFFFE000  }
0x99: {  	[bflag:$0x0] =	sbarrier.arrive $0xFFFF  }
0x9a: {  	[tilespmem:s21], [sflag:$0x1] =	stream.linear.gather [spmem:s7], $0x2000, $0x38;
	[tilespmem:$0x19D00] =	vst v63  }
0x9b: {  	_ =	swait.ge [sflag:s28], $0x2000  }
0x9c: {  	[sflag:s28] =	ssyncset.done $0x0  }
0x9d: {  	[sflag:s28] =	ssyncadd.s32 $0xFFFFE000  }
0x9e: {  	[hbm4b:s12+s1] =	stream.strided.scatter [tilespmem:s21], [sflag:$0x2], $0x2000, s23, s1, $0x38;
	[tilespmem:$0x19D00] =	vst v63  }
0x9f: {  	_ = 	snop  }
0xa0: {  	[tilespmem:s24], [sflag:$0x1] =	stream.linear.gather [spmem:s8], $0x2000, $0x38;
	[tilespmem:$0x19D00] =	vst v63  }
0xa1: {  	_ =	swait.ge [sflag:s28], $0x2000  }
0xa2: {  	[sflag:s28] =	ssyncset.done $0x0  }
0xa3: {  	[sflag:s28] =	ssyncadd.s32 $0xFFFFE000  }
0xa4: {  	[hbm4b:s13+s1] =	stream.strided.scatter [tilespmem:s24], [sflag:$0x2], $0x2000, s23, s1, $0x38;
	[tilespmem:$0x19D00] =	vst v63  }
0xa5: {  	_ = 	snop  }
0xa6: {  	[tilespmem:s26], [sflag:$0x1] =	stream.linear.gather [spmem:s9], $0x2000, $0x38;
	[tilespmem:$0x19D00] =	vst v63  }
0xa7: {  	_ =	swait.ge [sflag:s28], $0x2000  }
0xa8: {  	[sflag:s28] =	ssyncset.done $0x0  }
0xa9: {  	[sflag:s28] =	ssyncadd.s32 $0xFFFFE000  }
0xaa: {  	[hbm4b:s14+s1] =	stream.strided.scatter [tilespmem:s26], [sflag:$0x2], $0x2000, s23, s1, $0x38;
	[tilespmem:$0x19D00] =	vst v63  }
0xab: {  	_ =	swait.ge [sflag:s22], $0x2000  }
0xac: {  	[sflag:s22] =	ssyncset.done $0x0  }
0xad: {  	[sflag:s22] =	ssyncadd.s32 $0xFFFFE000  }
0xae: {  	[tilespmem:s21], [sflag:$0x1] =	stream.linear.gather [spmem:s10], $0x2000, $0x38;
	[tilespmem:$0x19D00] =	vst v63  }
0xaf: {  	_ =	swait.ge [sflag:s28], $0x2000  }
0xb0: {  	[sflag:s28] =	ssyncset.done $0x0  }
0xb1: {  	[sflag:s28] =	ssyncadd.s32 $0xFFFFE000  }
0xb2: {  	[hbm4b:s15+s1] =	stream.strided.scatter [tilespmem:s21], [sflag:$0x2], $0x2000, s23, s1, $0x38;
	[tilespmem:$0x19D00] =	vst v63  }
0xb3: {  	_ =	swait.ge [sflag:s22], $0x2000  }
0xb4: {  	[sflag:s22] =	ssyncset.done $0x0  }
0xb5: {  	[sflag:s22] =	ssyncadd.s32 $0xFFFFE000  }
0xb6: {  	[tilespmem:s24], [sflag:$0x1] =	stream.linear.gather [spmem:s11], $0x2000, $0x38;
	[tilespmem:$0x19D00] =	vst v63  }
0xb7: {  	_ =	swait.ge [sflag:s28], $0x2000  }
0xb8: {  	[sflag:s28] =	ssyncset.done $0x0  }
0xb9: {  	[sflag:s28] =	ssyncadd.s32 $0xFFFFE000  }
0xba: {  	[hbm4b:s16+s1] =	stream.strided.scatter [tilespmem:s24], [sflag:$0x2], $0x2000, s23, s1, $0x38;
	[tilespmem:$0x19D00] =	vst v63  }
0xbb: {  	_ =	swait.ge [sflag:s22], $0x2000  }
0xbc: {  	[sflag:s22] =	ssyncset.done $0x0  }
0xbd: {  	[sflag:s22] =	ssyncadd.s32 $0xFFFFE000  }
0xbe: {  	_ =	swait.ge [sflag:s22], $0x2000  }
0xbf: {  	s18 =	sadd.s32 $0x1, s18;
	[sflag:s22] =	ssyncset.done $0x0  }
0xc0: {  	p0 =	sne.s32 s18, s17;
	[sflag:s22] =	ssyncadd.s32 $0xFFFFE000  }
.Ltmp1:
0xc1: {  	_ =	swait.ge [sflag:s22], $0x2000;
	(pc) =	sbr.rel @p0 .LBB2_1-.Ltmp1, $3  }
0xc2: {  	[sflag:s22] =	ssyncset.done $0x0  }
0xc3: {  	[sflag:s22] =	ssyncadd.s32 $0xFFFFE000  }
0xc4: {  	[bflag:$0x0] =	sbarrier.arrive $0xFFFF;
	_ =	sdelay $0x1  }
0xc5: {  	_ =	sfence.sel $0x180000  }
0xc6: {  	[bflag:$0x0] =	sbarrier.arrive $0xFFFF  }
0xc7: {  	_ =	strace $0x90000050  }
0xc8: {  	s0 =	stileid.u32;
	[bflag:$0x2] =	sbarrier.arrive $0xFFFF  }
0xc9: {  	p0 =	sne.s32 s0, $0x0;
	s0 =	rddreg [dreg:$0x3]  }
0xca: {  	s0 =	sadd.s32 @!p0 $0x100000, s0  }
0xcb: {  	[sflag:s0] =	ssyncadd.tile.s32 @!p0 $0x1;
	_ =	shalt  }
.Lfunc_end2:
_tile_overlayer_lowered:
.L_overlay_start_2:
0xcc: {  	(tag) =	ssettag $0x2  }
0xcd: {  	s0 =	rddreg [dreg:$0x0];
	s2 =	stileid.u32  }
0xce: {  	s1 =	rddreg [dreg:$0x1];
	p0 =	sne.s32 s2, $0x0  }
0xcf: {  	s3 =	rddreg [dreg:$0x2];
	[bflag:$0x3] =	sbarrier.arrive $0xFFFF;
	s2 =	simm.s32 @!p0 $0x1C03  }
0xd0: {  	[timem:s3], [sflag:s2] =	dma.local @!p0 [hbm:s0], s1  }
0xd1: {  	s0 =	simm.s32 @!p0 $0x3  }
0xd2: {  	_ =	swait.ge @!p0 [sflag:s0], s1  }
0xd3: {  	s1 =	ssub.s32 @!p0 $0x0, s1;
	[sflag:s0] =	ssyncset.done @!p0 $0x0  }
0xd4: {  	[sflag:s0] =	ssyncadd.s32 @!p0 s1  }
0xd5: {  	[bflag:$0x3] =	sbarrier.arrive $0xFFFF  }
0xd6: {  	_ =	shalt  }

</sc_bundles>
